<compile_context>
chip_gen: v7x
topology: tpu7x:2x2x1
jax: 0.10.2.dev20260603
libtpu: 0.0.44.dev20260713+nightly
codegen_flags: <defaults>
</compile_context>

<pallas_src>
import jax
import jax.numpy as jnp
from jax import lax
from jax.experimental import pallas as pl
from jax.experimental.pallas import tpu as pltpu
from jax.experimental.pallas import tpu_sc as plsc

N = 10000
E = 320000
D = 128
H = 32
B = 64

NC = 2
NS = 16
NW = NC * NS
EPW = E // NW
C = 400
NCHUNK = EPW // C
SUB = 50
NSUB = C // SUB
NGRP = C // 16
ZROWS = 640


def _transform_body(x_ref, wl_ref, wr_ref, xl_ref, xr_ref):
    x = x_ref[...]
    xl_ref[...] = jnp.dot(x, wl_ref[...], preferred_element_type=jnp.float32)
    xr_ref[...] = jnp.dot(x, wr_ref[...], preferred_element_type=jnp.float32)


def _edge_body(xl_hbm, xr_hbm, src_hbm, dst_hbm, attb_hbm,
               num_out, den_out,
               src_i, dst_i, xlr, xrr, outr, pbuf, attb, znum, zden,
               sh_num, sh_den, sem, sem2):
    c = lax.axis_index("c")
    s = lax.axis_index("s")
    wid = s * NC + c

    pltpu.sync_copy(attb_hbm, attb)

    z16 = jnp.zeros((16,), jnp.float32)

    def zrow(i, carry):
        znum[i, pl.ds(0, 16)] = z16
        znum[i, pl.ds(16, 16)] = z16
        return carry

    lax.fori_loop(0, ZROWS, zrow, 0)

    def zden_row(i, carry):
        zden[pl.ds(i * 16, 16)] = z16
        return carry

    lax.fori_loop(0, N // 16, zden_row, 0)

    @pl.when(s < NS - 1)
    def _():
        pltpu.sync_copy(znum, sh_num.at[pl.ds(s * ZROWS, ZROWS)])

    @pl.when(s == NS - 1)
    def _():
        pltpu.sync_copy(znum.at[pl.ds(0, N - (NS - 1) * ZROWS)],
                        sh_num.at[pl.ds((NS - 1) * ZROWS,
                                        N - (NS - 1) * ZROWS)])

    @pl.when(s == 0)
    def _():
        pltpu.sync_copy(zden, sh_den)

    plsc.subcore_barrier()

    pltpu.sync_copy(src_hbm.at[wid], src_i)
    pltpu.sync_copy(dst_hbm.at[wid], dst_i)

    def chunk_body(ci, carry):
        d1 = pltpu.async_copy(xl_hbm.at[src_i.at[ci]], xlr, sem)
        d2 = pltpu.async_copy(xr_hbm.at[dst_i.at[ci]], xrr, sem)

        @pl.when(ci > 0)
        def _():
            pltpu.make_async_copy(outr, sh_num.at[dst_i.at[0]], sem2).wait()
            pltpu.make_async_copy(pbuf, sh_den.at[dst_i.at[0]], sem2).wait()

        d1.wait()
        d2.wait()

        slope = jnp.full((16,), 0.2, jnp.float32)
        lanes = lax.iota(jnp.int32, 16)
        hmask = jnp.full((16,), H - 1, jnp.int32)

        @plsc.parallel_loop(0, C, step=16, unroll=2)
        def group_body(e0):
            ev = lanes + jnp.full((16,), e0, jnp.int32)
            acc = jnp.zeros((16,), jnp.float32)
            for k in range(H):
                kv = (lanes + jnp.full((16,), k, jnp.int32)) & hmask
                a = plsc.load_gather(xlr, [ev, kv])
                b = plsc.load_gather(xrr, [ev, kv])
                u = a + b
                lrelu = jnp.maximum(u, slope * u)
                acc = acc + attb[k] * lrelu
            p = jnp.exp(acc)
            pbuf[pl.ds(e0, 16)] = p
            for k in range(H):
                kv = (lanes + jnp.full((16,), k, jnp.int32)) & hmask
                a = plsc.load_gather(xlr, [ev, kv])
                plsc.store_scatter(outr, [ev, kv], p * a)

        pltpu.async_copy(outr, sh_num.at[dst_i.at[ci]], sem2, add=True)
        pltpu.async_copy(pbuf, sh_den.at[dst_i.at[ci]], sem2, add=True)
        return carry

    lax.fori_loop(0, NCHUNK, chunk_body, 0)

    pltpu.make_async_copy(outr, sh_num.at[dst_i.at[0]], sem2).wait()
    pltpu.make_async_copy(pbuf, sh_den.at[dst_i.at[0]], sem2).wait()

    plsc.subcore_barrier()

    @pl.when(s < NS - 1)
    def _():
        pltpu.sync_copy(sh_num.at[pl.ds(s * ZROWS, ZROWS)],
                        num_out.at[c, pl.ds(s * ZROWS, ZROWS)])

    @pl.when(s == NS - 1)
    def _():
        pltpu.sync_copy(
            sh_num.at[pl.ds((NS - 1) * ZROWS, N - (NS - 1) * ZROWS)],
            num_out.at[c, pl.ds((NS - 1) * ZROWS, N - (NS - 1) * ZROWS)])

    @pl.when(s == 0)
    def _():
        pltpu.sync_copy(sh_den, den_out.at[pl.ds(c * N, N)])


def _merge_body(num_ref, den_ref, bias_ref, batch_ref,
                w1_ref, b1_ref, w2_ref, b2_ref, w3_ref, b3_ref, out_ref,
                g_ref):
    num = num_ref[0] + num_ref[1]
    den = den_ref[0] + den_ref[1]
    h = num / (den + 1e-16) + bias_ref[...][None, :]
    batch = batch_ref[...]

    def pool_body(b, carry):
        mask = batch == b
        col = jnp.max(jnp.where(mask, h, -jnp.inf), axis=0)
        g_ref[pl.ds(b, 1), :] = col[None, :]
        return carry

    lax.fori_loop(0, B, pool_body, 0)
    g = g_ref[...]
    g = jnp.where(jnp.isfinite(g), g, 0.0)

    z = jnp.maximum(
        jnp.dot(g, w1_ref[...], preferred_element_type=jnp.float32)
        + b1_ref[...][None, :], 0.0)
    z = jnp.maximum(
        jnp.dot(z, w2_ref[...], preferred_element_type=jnp.float32)
        + b2_ref[...][None, :], 0.0)
    out_ref[...] = (jnp.dot(z, w3_ref[...], preferred_element_type=jnp.float32)
                    + b3_ref[...][None, :])


@jax.jit
def kernel(x, edge_index, batch, Wl, Wr, att, bias, W1, b1, W2, b2, W3, b3):
    xl, xr = pl.pallas_call(
        _transform_body,
        out_shape=[
            jax.ShapeDtypeStruct((N, H), jnp.float32),
            jax.ShapeDtypeStruct((N, H), jnp.float32),
        ],
    )(x, Wl, Wr)

    src = edge_index[0].reshape(NW, NCHUNK, C)
    dst = edge_index[1].reshape(NW, NCHUNK, C)

    mesh = plsc.VectorSubcoreMesh(core_axis_name="c", subcore_axis_name="s")
    edge_fn = pl.kernel(
        _edge_body,
        out_type=[
            jax.ShapeDtypeStruct((NC, N, H), jnp.float32),
            jax.ShapeDtypeStruct((NC * N,), jnp.float32),
        ],
        mesh=mesh,
        scratch_types=[
            pltpu.VMEM((NCHUNK, C), jnp.int32),
            pltpu.VMEM((NCHUNK, C), jnp.int32),
            pltpu.VMEM((C, H), jnp.float32),
            pltpu.VMEM((C, H), jnp.float32),
            pltpu.VMEM((C, H), jnp.float32),
            pltpu.VMEM((C,), jnp.float32),
            pltpu.VMEM((H, 16), jnp.float32),
            pltpu.VMEM((ZROWS, H), jnp.float32),
            pltpu.VMEM((N,), jnp.float32),
            pltpu.VMEM_SHARED((N, H), jnp.float32),
            pltpu.VMEM_SHARED((N,), jnp.float32),
            pltpu.SemaphoreType.DMA,
            pltpu.SemaphoreType.DMA,
        ],
        compiler_params=pltpu.CompilerParams(use_tc_tiling_on_sc=False,
                                             needs_layout_passes=False),
    )
    attb = att[(jnp.arange(H)[:, None] + jnp.arange(16)[None, :]) % H]
    num_part, den_flat = edge_fn(xl, xr, src, dst, attb)
    den_part = den_flat.reshape(NC, N, 1)

    out = pl.pallas_call(
        _merge_body,
        out_shape=jax.ShapeDtypeStruct((B, 4), jnp.float32),
        scratch_shapes=[pltpu.VMEM((B, H), jnp.float32)],
    )(num_part, den_part, bias, batch.reshape(N, 1), W1, b1, W2, b2, W3, b3)
    return out

# --- scband reference (transcript-rebuilt; emitter-appended) ---
"""Pipeline reference for scband-gat1-56478819943006 (READ-ONLY COPY).

The authoritative reference and input builder live on the scoring server;
editing this copy changes nothing except your own understanding.
"""

import jax, jax.numpy as jnp
import numpy as np

N = 10000
E = 320000
D = 128
H = 32
B = 64


def setup_inputs(seed: int = 0) -> dict:
    key = jax.random.key(seed)
    ks = jax.random.split(key, 14)
    x = jax.random.normal(ks[0], (N, D), dtype=jnp.float32)
    edge_index = jax.random.randint(ks[1], (2, E), 0, N, dtype=jnp.int32)
    batch = jnp.sort(jax.random.randint(ks[2], (N,), 0, B, dtype=jnp.int32))
    # GATv2Conv params (heads=1): lin_l (source), lin_r (target), attention vector, bias
    Wl = jax.random.normal(ks[3], (D, H), dtype=jnp.float32) * (1.0 / np.sqrt(D))
    Wr = jax.random.normal(ks[4], (D, H), dtype=jnp.float32) * (1.0 / np.sqrt(D))
    att = jax.random.normal(ks[5], (H,), dtype=jnp.float32) * (1.0 / np.sqrt(H))
    bias = jnp.zeros((H,), dtype=jnp.float32)
    # classification MLP: 32 -> 1024 -> 512 -> 4
    W1 = jax.random.normal(ks[6], (H, 1024), dtype=jnp.float32) * (1.0 / np.sqrt(H))
    b1 = jnp.zeros((1024,), dtype=jnp.float32)
    W2 = jax.random.normal(ks[7], (1024, 512), dtype=jnp.float32) * (1.0 / np.sqrt(1024))
    b2 = jnp.zeros((512,), dtype=jnp.float32)
    W3 = jax.random.normal(ks[8], (512, 4), dtype=jnp.float32) * (1.0 / np.sqrt(512))
    b3 = jnp.zeros((4,), dtype=jnp.float32)
    return {"x": x, "edge_index": edge_index, "batch": batch, "Wl": Wl, "Wr": Wr,
            "att": att, "bias": bias, "W1": W1, "b1": b1, "W2": W2, "b2": b2,
            "W3": W3, "b3": b3}


def reference(x, edge_index, batch, Wl, Wr, att, bias, W1, b1, W2, b2, W3, b3):
    src = edge_index[0]
    dst = edge_index[1]
    # GATv2: transform, gather per edge
    xl = x @ Wl  # source-side transform [N, H]
    xr = x @ Wr  # target-side transform [N, H]
    e = jax.nn.leaky_relu(xl[src] + xr[dst], negative_slope=0.2)  # [E, H]
    logits = e @ att  # [E]
    # softmax over incoming edges of each dst node
    m = jax.ops.segment_max(logits, dst, num_segments=N)
    m = jnp.where(jnp.isfinite(m), m, 0.0)
    p = jnp.exp(logits - m[dst])
    denom = jax.ops.segment_sum(p, dst, num_segments=N)
    alpha = p / (denom[dst] + 1e-16)
    # weighted sum aggregation (aggr='sum')
    h = jax.ops.segment_sum(xl[src] * alpha[:, None], dst, num_segments=N) + bias  # [N, H]
    # global max pool over graphs in the batch
    g = jax.ops.segment_max(h, batch, num_segments=B)  # [B, H]
    g = jnp.where(jnp.isfinite(g), g, 0.0)
    # classification head
    z = jax.nn.relu(g @ W1 + b1)
    z = jax.nn.relu(z @ W2 + b2)
    out = z @ W3 + b3  # [B, 4]
    return out

if __name__ == "__main__":
    import jax
    _d = setup_inputs()
    print(jax.jit(kernel)(*tuple(_d.values())))

</pallas_src>

<mosaic_0001>
#map = affine_map<(d0, d1) -> (0, 0)>
#map1 = affine_map<(d0, d1) -> (0, 0, 0)>
#map2 = affine_map<(d0, d1) -> (0)>
module attributes {stable_mosaic.version = 14 : i64} {
  func.func @_edge_body(%arg0: i32, %arg1: i32, %arg2: memref<10000x32xf32, #tpu.memory_space<hbm>>, %arg3: memref<10000x32xf32, #tpu.memory_space<hbm>>, %arg4: memref<32x25x400xi32, #tpu.memory_space<hbm>>, %arg5: memref<32x25x400xi32, #tpu.memory_space<hbm>>, %arg6: memref<32x16xf32, #tpu.memory_space<hbm>>, %arg7: memref<2x10000x32xf32, #tpu.memory_space<hbm>>, %arg8: memref<20000xf32, #tpu.memory_space<hbm>>, %arg9: memref<25x400xi32, #tpu.memory_space<vmem>>, %arg10: memref<25x400xi32, #tpu.memory_space<vmem>>, %arg11: memref<400x32xf32, #tpu.memory_space<vmem>>, %arg12: memref<400x32xf32, #tpu.memory_space<vmem>>, %arg13: memref<400x32xf32, #tpu.memory_space<vmem>>, %arg14: memref<400xf32, #tpu.memory_space<vmem>>, %arg15: memref<32x16xf32, #tpu.memory_space<vmem>>, %arg16: memref<640x32xf32, #tpu.memory_space<vmem>>, %arg17: memref<10000xf32, #tpu.memory_space<vmem>>, %arg18: memref<10000x32xf32, #tpu.memory_space<vmem_shared>>, %arg19: memref<10000xf32, #tpu.memory_space<vmem_shared>>, %arg20: memref<!tpu.dma_semaphore, #tpu.memory_space<semaphore_mem>>, %arg21: memref<!tpu.dma_semaphore, #tpu.memory_space<semaphore_mem>>) attributes {dimension_semantics = [#tpu.dimension_semantics<core_parallel>, #tpu.dimension_semantics<subcore_parallel>], iteration_bounds = array<i64: 2, 16>, scalar_prefetch = 0 : i64, scratch_operands = 13 : i64, tpu.core_type = #tpu.core_type<sc_vector_subcore>, window_params = [{transform_indices = #map}, {transform_indices = #map}, {transform_indices = #map1}, {transform_indices = #map1}, {transform_indices = #map}, {transform_indices = #map1}, {transform_indices = #map2}]} {
    %mul3A = arith.constant 2 : i32
    %mul3A_0 = arith.muli %arg1, %mul3A : i32
    %add3A = arith.addi %mul3A_0, %arg0 : i32
    "tpu.region"() ({
      %run_scoped3A = tpu.sem_alloc : memref<!tpu.dma_semaphore, #tpu.memory_space<semaphore_mem>>
      tpu.enqueue_dma source(%arg6 : memref<32x16xf32, #tpu.memory_space<hbm>>) target(%arg15 : memref<32x16xf32, #tpu.memory_space<vmem>>) target_semaphore(%run_scoped3A : memref<!tpu.dma_semaphore, #tpu.memory_space<semaphore_mem>>)
      tpu.wait_dma2 semaphore(%run_scoped3A : memref<!tpu.dma_semaphore, #tpu.memory_space<semaphore_mem>>) src(%arg6 : memref<32x16xf32, #tpu.memory_space<hbm>>) dst(%arg15 : memref<32x16xf32, #tpu.memory_space<vmem>>)
      tpu.yield
    }) : () -> ()
    %broadcast_in_dim3A = arith.constant 0.000000e+00 : f32
    %broadcast_in_dim3A_1 = vector.broadcast %broadcast_in_dim3A : f32 to vector<16xf32>
    %scan3A = arith.constant 0 : i32
    %scan3A_2 = arith.constant 0 : i32
    %scan3A_3 = arith.constant 640 : i32
    %scan3A_4 = arith.addi %scan3A_2, %scan3A_3 : i32
    %scan3A_5 = arith.constant 1 : i32
    scf.for %scan3A_58 = %scan3A_2 to %scan3A_4 step %scan3A_5  : i32 {
      %swap3A = arith.index_cast %scan3A_58 : i32 to index
      %swap3A_59 = arith.constant 0 : index
      %swap3A_60 = tpu.vector_load %arg16[%swap3A, %swap3A_59] {strides = array<i32>} : memref<640x32xf32, #tpu.memory_space<vmem>>, vector<16xf32>,
      tpu.vector_store %arg16[%swap3A, %swap3A_59], %broadcast_in_dim3A_1 {strides = array<i32>} : memref<640x32xf32, #tpu.memory_space<vmem>>, vector<16xf32>,
      %swap3A_61 = arith.index_cast %scan3A_58 : i32 to index
      %swap3A_62 = arith.constant 16 : index
      %swap3A_63 = tpu.vector_load %arg16[%swap3A_61, %swap3A_62] {strides = array<i32>} : memref<640x32xf32, #tpu.memory_space<vmem>>, vector<16xf32>,
      tpu.vector_store %arg16[%swap3A_61, %swap3A_62], %broadcast_in_dim3A_1 {strides = array<i32>} : memref<640x32xf32, #tpu.memory_space<vmem>>, vector<16xf32>,
    }
    %scan3A_6 = arith.constant 640 : i32
    %scan3A_7 = arith.constant 0 : i32
    %scan3A_8 = arith.constant 0 : i32
    %scan3A_9 = arith.constant 625 : i32
    %scan3A_10 = arith.addi %scan3A_8, %scan3A_9 : i32
    %scan3A_11 = arith.constant 1 : i32
    scf.for %scan3A_58 = %scan3A_8 to %scan3A_10 step %scan3A_11  : i32 {
      %mul3A_59 = arith.constant 16 : i32
      %mul3A_60 = arith.muli %scan3A_58, %mul3A_59 : i32
      %swap3A = arith.index_cast %mul3A_60 : i32 to index
      %swap3A_61 = tpu.vector_load %arg17[%swap3A] {strides = array<i32>} : memref<10000xf32, #tpu.memory_space<vmem>>, vector<16xf32>,
      tpu.vector_store %arg17[%swap3A], %broadcast_in_dim3A_1 {strides = array<i32>} : memref<10000xf32, #tpu.memory_space<vmem>>, vector<16xf32>,
    }
    %scan3A_12 = arith.constant 625 : i32
    %lt3A = arith.constant 15 : i32
    %lt3A_13 = arith.cmpi slt, %arg1, %lt3A : i32
    %convert_element_type3A = arith.extui %lt3A_13 : i1 to i32
    %cond3A = arith.constant 0 : i32
    %cond3A_14 = arith.cmpi ne, %convert_element_type3A, %cond3A : i32
    scf.if %cond3A_14 {
      %mul3A_58 = arith.constant 640 : i32
      %mul3A_59 = arith.muli %arg1, %mul3A_58 : i32
      "tpu.region"() ({
        %run_scoped3A = tpu.sem_alloc : memref<!tpu.dma_semaphore, #tpu.memory_space<semaphore_mem>>
        %dma_start3A = arith.constant 0 : i32
        %dma_start3A_60 = tpu.memref_slice %arg18[%mul3A_59, %dma_start3A] : memref<10000x32xf32, #tpu.memory_space<vmem_shared>> -> memref<640x32xf32, #tpu.memory_space<vmem_shared>>
        %dma_start3A_61 = arith.constant 0 : i32
        %dma_start3A_62 = tpu.memref_slice %arg18[%mul3A_59, %dma_start3A_61] : memref<10000x32xf32, #tpu.memory_space<vmem_shared>> -> memref<640x32xf32, #tpu.memory_space<vmem_shared>>
        tpu.enqueue_dma source(%arg16 : memref<640x32xf32, #tpu.memory_space<vmem>>) target(%dma_start3A_62 : memref<640x32xf32, #tpu.memory_space<vmem_shared>>) target_semaphore(%run_scoped3A : memref<!tpu.dma_semaphore, #tpu.memory_space<semaphore_mem>>)
        %dma_wait3A_63 = arith.constant 0 : i32
        %dma_wait3A_64 = tpu.memref_slice %arg18[%mul3A_59, %dma_wait3A_63] : memref<10000x32xf32, #tpu.memory_space<vmem_shared>> -> memref<640x32xf32, #tpu.memory_space<vmem_shared>>
        %dma_wait3A_65 = arith.constant 0 : i32
        %dma_wait3A_66 = tpu.memref_slice %arg18[%mul3A_59, %dma_wait3A_65] : memref<10000x32xf32, #tpu.memory_space<vmem_shared>> -> memref<640x32xf32, #tpu.memory_space<vmem_shared>>
        tpu.wait_dma2 semaphore(%run_scoped3A : memref<!tpu.dma_semaphore, #tpu.memory_space<semaphore_mem>>) src(%arg16 : memref<640x32xf32, #tpu.memory_space<vmem>>) dst(%dma_wait3A_66 : memref<640x32xf32, #tpu.memory_space<vmem_shared>>)
        tpu.yield
      }) : () -> ()
    } else {
    }
    %eq3A = arith.constant 15 : i32
    %eq3A_15 = arith.cmpi eq, %arg1, %eq3A : i32
    %convert_element_type3A_16 = arith.extui %eq3A_15 : i1 to i32
    %cond3A_17 = arith.constant 0 : i32
    %cond3A_18 = arith.cmpi ne, %convert_element_type3A_16, %cond3A_17 : i32
    scf.if %cond3A_18 {
      "tpu.region"() ({
        %run_scoped3A = tpu.sem_alloc : memref<!tpu.dma_semaphore, #tpu.memory_space<semaphore_mem>>
        %dma_start3A = arith.constant 0 : i32
        %dma_start3A_58 = arith.constant 0 : i32
        %dma_start3A_59 = tpu.memref_slice %arg16[%dma_start3A, %dma_start3A_58] : memref<640x32xf32, #tpu.memory_space<vmem>> -> memref<400x32xf32, #tpu.memory_space<vmem>>
        %dma_start3A_60 = arith.constant 9600 : i32
        %dma_start3A_61 = arith.constant 0 : i32
        %dma_start3A_62 = tpu.memref_slice %arg18[%dma_start3A_60, %dma_start3A_61] : memref<10000x32xf32, #tpu.memory_space<vmem_shared>> -> memref<400x32xf32, #tpu.memory_space<vmem_shared>>
        %dma_start3A_63 = arith.constant 9600 : i32
        %dma_start3A_64 = arith.constant 0 : i32
        %dma_start3A_65 = tpu.memref_slice %arg18[%dma_start3A_63, %dma_start3A_64] : memref<10000x32xf32, #tpu.memory_space<vmem_shared>> -> memref<400x32xf32, #tpu.memory_space<vmem_shared>>
        %dma_start3A_66 = arith.constant 0 : i32
        %dma_start3A_67 = arith.constant 0 : i32
        %dma_start3A_68 = tpu.memref_slice %arg16[%dma_start3A_66, %dma_start3A_67] : memref<640x32xf32, #tpu.memory_space<vmem>> -> memref<400x32xf32, #tpu.memory_space<vmem>>
        tpu.enqueue_dma source(%dma_start3A_68 : memref<400x32xf32, #tpu.memory_space<vmem>>) target(%dma_start3A_65 : memref<400x32xf32, #tpu.memory_space<vmem_shared>>) target_semaphore(%run_scoped3A : memref<!tpu.dma_semaphore, #tpu.memory_space<semaphore_mem>>)
        %dma_wait3A_69 = arith.constant 0 : i32
        %dma_wait3A_70 = arith.constant 0 : i32
        %dma_wait3A_71 = tpu.memref_slice %arg16[%dma_wait3A_69, %dma_wait3A_70] : memref<640x32xf32, #tpu.memory_space<vmem>> -> memref<400x32xf32, #tpu.memory_space<vmem>>
        %dma_wait3A_72 = arith.constant 9600 : i32
        %dma_wait3A_73 = arith.constant 0 : i32
        %dma_wait3A_74 = tpu.memref_slice %arg18[%dma_wait3A_72, %dma_wait3A_73] : memref<10000x32xf32, #tpu.memory_space<vmem_shared>> -> memref<400x32xf32, #tpu.memory_space<vmem_shared>>
        %dma_wait3A_75 = arith.constant 9600 : i32
        %dma_wait3A_76 = arith.constant 0 : i32
        %dma_wait3A_77 = tpu.memref_slice %arg18[%dma_wait3A_75, %dma_wait3A_76] : memref<10000x32xf32, #tpu.memory_space<vmem_shared>> -> memref<400x32xf32, #tpu.memory_space<vmem_shared>>
        %dma_wait3A_78 = arith.constant 0 : i32
        %dma_wait3A_79 = arith.constant 0 : i32
        %dma_wait3A_80 = tpu.memref_slice %arg16[%dma_wait3A_78, %dma_wait3A_79] : memref<640x32xf32, #tpu.memory_space<vmem>> -> memref<400x32xf32, #tpu.memory_space<vmem>>
        tpu.wait_dma2 semaphore(%run_scoped3A : memref<!tpu.dma_semaphore, #tpu.memory_space<semaphore_mem>>) src(%dma_wait3A_80 : memref<400x32xf32, #tpu.memory_space<vmem>>) dst(%dma_wait3A_77 : memref<400x32xf32, #tpu.memory_space<vmem_shared>>)
        tpu.yield
      }) : () -> ()
    } else {
    }
    %eq3A_19 = arith.constant 0 : i32
    %eq3A_20 = arith.cmpi eq, %arg1, %eq3A_19 : i32
    %convert_element_type3A_21 = arith.extui %eq3A_20 : i1 to i32
    %cond3A_22 = arith.constant 0 : i32
    %cond3A_23 = arith.cmpi ne, %convert_element_type3A_21, %cond3A_22 : i32
    scf.if %cond3A_23 {
      "tpu.region"() ({
        %run_scoped3A = tpu.sem_alloc : memref<!tpu.dma_semaphore, #tpu.memory_space<semaphore_mem>>
        tpu.enqueue_dma source(%arg17 : memref<10000xf32, #tpu.memory_space<vmem>>) target(%arg19 : memref<10000xf32, #tpu.memory_space<vmem_shared>>) target_semaphore(%run_scoped3A : memref<!tpu.dma_semaphore, #tpu.memory_space<semaphore_mem>>)
        tpu.wait_dma2 semaphore(%run_scoped3A : memref<!tpu.dma_semaphore, #tpu.memory_space<semaphore_mem>>) src(%arg17 : memref<10000xf32, #tpu.memory_space<vmem>>) dst(%arg19 : memref<10000xf32, #tpu.memory_space<vmem_shared>>)
        tpu.yield
      }) : () -> ()
    } else {
    }
    %barrier3A = arith.constant 0 : index
    tpu.barrier barrier_id(%barrier3A)
    "tpu.region"() ({
      %run_scoped3A = tpu.sem_alloc : memref<!tpu.dma_semaphore, #tpu.memory_space<semaphore_mem>>
      %dma_start3A = arith.constant 0 : i32
      %dma_start3A_58 = arith.constant 0 : i32
      %dma_start3A_59 = tpu.memref_slice %arg4[%add3A, %dma_start3A, %dma_start3A_58] : memref<32x25x400xi32, #tpu.memory_space<hbm>> -> memref<1x25x400xi32, #tpu.memory_space<hbm>>
      %dma_start3A_60 = tpu.memref_squeeze %dma_start3A_59 : memref<1x25x400xi32, #tpu.memory_space<hbm>> -> memref<25x400xi32, #tpu.memory_space<hbm>>
      %dma_start3A_61 = arith.constant 0 : i32
      %dma_start3A_62 = arith.constant 0 : i32
      %dma_start3A_63 = tpu.memref_slice %arg4[%add3A, %dma_start3A_61, %dma_start3A_62] : memref<32x25x400xi32, #tpu.memory_space<hbm>> -> memref<1x25x400xi32, #tpu.memory_space<hbm>>
      %dma_start3A_64 = tpu.memref_squeeze %dma_start3A_63 : memref<1x25x400xi32, #tpu.memory_space<hbm>> -> memref<25x400xi32, #tpu.memory_space<hbm>>
      tpu.enqueue_dma source(%dma_start3A_64 : memref<25x400xi32, #tpu.memory_space<hbm>>) target(%arg9 : memref<25x400xi32, #tpu.memory_space<vmem>>) target_semaphore(%run_scoped3A : memref<!tpu.dma_semaphore, #tpu.memory_space<semaphore_mem>>)
      %dma_wait3A_65 = arith.constant 0 : i32
      %dma_wait3A_66 = arith.constant 0 : i32
      %dma_wait3A_67 = tpu.memref_slice %arg4[%add3A, %dma_wait3A_65, %dma_wait3A_66] : memref<32x25x400xi32, #tpu.memory_space<hbm>> -> memref<1x25x400xi32, #tpu.memory_space<hbm>>
      %dma_wait3A_68 = tpu.memref_squeeze %dma_wait3A_67 : memref<1x25x400xi32, #tpu.memory_space<hbm>> -> memref<25x400xi32, #tpu.memory_space<hbm>>
      %dma_wait3A_69 = arith.constant 0 : i32
      %dma_wait3A_70 = arith.constant 0 : i32
      %dma_wait3A_71 = tpu.memref_slice %arg4[%add3A, %dma_wait3A_69, %dma_wait3A_70] : memref<32x25x400xi32, #tpu.memory_space<hbm>> -> memref<1x25x400xi32, #tpu.memory_space<hbm>>
      %dma_wait3A_72 = tpu.memref_squeeze %dma_wait3A_71 : memref<1x25x400xi32, #tpu.memory_space<hbm>> -> memref<25x400xi32, #tpu.memory_space<hbm>>
      tpu.wait_dma2 semaphore(%run_scoped3A : memref<!tpu.dma_semaphore, #tpu.memory_space<semaphore_mem>>) src(%dma_wait3A_72 : memref<25x400xi32, #tpu.memory_space<hbm>>) dst(%arg9 : memref<25x400xi32, #tpu.memory_space<vmem>>)
      tpu.yield
    }) : () -> ()
    "tpu.region"() ({
      %run_scoped3A = tpu.sem_alloc : memref<!tpu.dma_semaphore, #tpu.memory_space<semaphore_mem>>
      %dma_start3A = arith.constant 0 : i32
      %dma_start3A_58 = arith.constant 0 : i32
      %dma_start3A_59 = tpu.memref_slice %arg5[%add3A, %dma_start3A, %dma_start3A_58] : memref<32x25x400xi32, #tpu.memory_space<hbm>> -> memref<1x25x400xi32, #tpu.memory_space<hbm>>
      %dma_start3A_60 = tpu.memref_squeeze %dma_start3A_59 : memref<1x25x400xi32, #tpu.memory_space<hbm>> -> memref<25x400xi32, #tpu.memory_space<hbm>>
      %dma_start3A_61 = arith.constant 0 : i32
      %dma_start3A_62 = arith.constant 0 : i32
      %dma_start3A_63 = tpu.memref_slice %arg5[%add3A, %dma_start3A_61, %dma_start3A_62] : memref<32x25x400xi32, #tpu.memory_space<hbm>> -> memref<1x25x400xi32, #tpu.memory_space<hbm>>
      %dma_start3A_64 = tpu.memref_squeeze %dma_start3A_63 : memref<1x25x400xi32, #tpu.memory_space<hbm>> -> memref<25x400xi32, #tpu.memory_space<hbm>>
      tpu.enqueue_dma source(%dma_start3A_64 : memref<25x400xi32, #tpu.memory_space<hbm>>) target(%arg10 : memref<25x400xi32, #tpu.memory_space<vmem>>) target_semaphore(%run_scoped3A : memref<!tpu.dma_semaphore, #tpu.memory_space<semaphore_mem>>)
      %dma_wait3A_65 = arith.constant 0 : i32
      %dma_wait3A_66 = arith.constant 0 : i32
      %dma_wait3A_67 = tpu.memref_slice %arg5[%add3A, %dma_wait3A_65, %dma_wait3A_66] : memref<32x25x400xi32, #tpu.memory_space<hbm>> -> memref<1x25x400xi32, #tpu.memory_space<hbm>>
      %dma_wait3A_68 = tpu.memref_squeeze %dma_wait3A_67 : memref<1x25x400xi32, #tpu.memory_space<hbm>> -> memref<25x400xi32, #tpu.memory_space<hbm>>
      %dma_wait3A_69 = arith.constant 0 : i32
      %dma_wait3A_70 = arith.constant 0 : i32
      %dma_wait3A_71 = tpu.memref_slice %arg5[%add3A, %dma_wait3A_69, %dma_wait3A_70] : memref<32x25x400xi32, #tpu.memory_space<hbm>> -> memref<1x25x400xi32, #tpu.memory_space<hbm>>
      %dma_wait3A_72 = tpu.memref_squeeze %dma_wait3A_71 : memref<1x25x400xi32, #tpu.memory_space<hbm>> -> memref<25x400xi32, #tpu.memory_space<hbm>>
      tpu.wait_dma2 semaphore(%run_scoped3A : memref<!tpu.dma_semaphore, #tpu.memory_space<semaphore_mem>>) src(%dma_wait3A_72 : memref<25x400xi32, #tpu.memory_space<hbm>>) dst(%arg10 : memref<25x400xi32, #tpu.memory_space<vmem>>)
      tpu.yield
    }) : () -> ()
    %scan3A_24 = arith.constant 0 : i32
    %scan3A_25 = arith.constant 0 : i32
    %scan3A_26 = arith.constant 25 : i32
    %scan3A_27 = arith.addi %scan3A_25, %scan3A_26 : i32
    %scan3A_28 = arith.constant 1 : i32
    scf.for %scan3A_58 = %scan3A_25 to %scan3A_27 step %scan3A_28  : i32 {
      %dma_start3A = arith.constant 0 : i32
      %dma_start3A_59 = tpu.memref_slice %arg9[%scan3A_58, %dma_start3A] : memref<25x400xi32, #tpu.memory_space<vmem>> -> memref<1x400xi32, #tpu.memory_space<vmem>>
      %dma_start3A_60 = tpu.memref_squeeze %dma_start3A_59 : memref<1x400xi32, #tpu.memory_space<vmem>> -> memref<400xi32, #tpu.memory_space<vmem>>
      %dma_start3A_61 = arith.constant 0 : i32
      %dma_start3A_62 = arith.constant 0 : i32
      %dma_start3A_63 = tpu.memref_slice %arg2[%dma_start3A_61, %dma_start3A_62] : memref<10000x32xf32, #tpu.memory_space<hbm>> -> memref<10000x32xf32, #tpu.memory_space<hbm>>
      tpu.enqueue_indirect_dma source(%dma_start3A_63 : memref<10000x32xf32, #tpu.memory_space<hbm>>) target(%arg11 : memref<400x32xf32, #tpu.memory_space<vmem>>) offsets(%dma_start3A_60 : memref<400xi32, #tpu.memory_space<vmem>>) semaphore(%arg20 : memref<!tpu.dma_semaphore, #tpu.memory_space<semaphore_mem>>)
      %dma_start3A_64 = arith.constant 0 : i32
      %dma_start3A_65 = tpu.memref_slice %arg10[%scan3A_58, %dma_start3A_64] : memref<25x400xi32, #tpu.memory_space<vmem>> -> memref<1x400xi32, #tpu.memory_space<vmem>>
      %dma_start3A_66 = tpu.memref_squeeze %dma_start3A_65 : memref<1x400xi32, #tpu.memory_space<vmem>> -> memref<400xi32, #tpu.memory_space<vmem>>
      %dma_start3A_67 = arith.constant 0 : i32
      %dma_start3A_68 = arith.constant 0 : i32
      %dma_start3A_69 = tpu.memref_slice %arg3[%dma_start3A_67, %dma_start3A_68] : memref<10000x32xf32, #tpu.memory_space<hbm>> -> memref<10000x32xf32, #tpu.memory_space<hbm>>
      tpu.enqueue_indirect_dma source(%dma_start3A_69 : memref<10000x32xf32, #tpu.memory_space<hbm>>) target(%arg12 : memref<400x32xf32, #tpu.memory_space<vmem>>) offsets(%dma_start3A_66 : memref<400xi32, #tpu.memory_space<vmem>>) semaphore(%arg20 : memref<!tpu.dma_semaphore, #tpu.memory_space<semaphore_mem>>)
      %gt3A = arith.constant 0 : i32
      %gt3A_70 = arith.cmpi sgt, %scan3A_58, %gt3A : i32
      %convert_element_type3A_71 = arith.extui %gt3A_70 : i1 to i32
      %cond3A_72 = arith.constant 0 : i32
      %cond3A_73 = arith.cmpi ne, %convert_element_type3A_71, %cond3A_72 : i32
      scf.if %cond3A_73 {
        %dma_wait3A_103 = arith.constant 0 : i32
        %dma_wait3A_104 = arith.constant 0 : i32
        %dma_wait3A_105 = tpu.memref_slice %arg10[%dma_wait3A_103, %dma_wait3A_104] : memref<25x400xi32, #tpu.memory_space<vmem>> -> memref<1x400xi32, #tpu.memory_space<vmem>>
        %dma_wait3A_106 = tpu.memref_squeeze %dma_wait3A_105 : memref<1x400xi32, #tpu.memory_space<vmem>> -> memref<400xi32, #tpu.memory_space<vmem>>
        %dma_wait3A_107 = arith.constant 0 : i32
        %dma_wait3A_108 = arith.constant 0 : i32
        %dma_wait3A_109 = tpu.memref_slice %arg18[%dma_wait3A_107, %dma_wait3A_108] : memref<10000x32xf32, #tpu.memory_space<vmem_shared>> -> memref<10000x32xf32, #tpu.memory_space<vmem_shared>>
        tpu.wait_indirect_dma semaphore(%arg21 : memref<!tpu.dma_semaphore, #tpu.memory_space<semaphore_mem>>) src(%arg13 : memref<400x32xf32, #tpu.memory_space<vmem>>) dst(%dma_wait3A_109 : memref<10000x32xf32, #tpu.memory_space<vmem_shared>>)
        %dma_wait3A_110 = arith.constant 0 : i32
        %dma_wait3A_111 = arith.constant 0 : i32
        %dma_wait3A_112 = tpu.memref_slice %arg10[%dma_wait3A_110, %dma_wait3A_111] : memref<25x400xi32, #tpu.memory_space<vmem>> -> memref<1x400xi32, #tpu.memory_space<vmem>>
        %dma_wait3A_113 = tpu.memref_squeeze %dma_wait3A_112 : memref<1x400xi32, #tpu.memory_space<vmem>> -> memref<400xi32, #tpu.memory_space<vmem>>
        %dma_wait3A_114 = arith.constant 0 : i32
        %dma_wait3A_115 = tpu.memref_slice %arg19[%dma_wait3A_114] : memref<10000xf32, #tpu.memory_space<vmem_shared>> -> memref<10000xf32, #tpu.memory_space<vmem_shared>>
        tpu.wait_indirect_dma semaphore(%arg21 : memref<!tpu.dma_semaphore, #tpu.memory_space<semaphore_mem>>) src(%arg14 : memref<400xf32, #tpu.memory_space<vmem>>) dst(%dma_wait3A_115 : memref<10000xf32, #tpu.memory_space<vmem_shared>>)
      } else {
      }
      %dma_wait3A_74 = arith.constant 0 : i32
      %dma_wait3A_75 = tpu.memref_slice %arg9[%scan3A_58, %dma_wait3A_74] : memref<25x400xi32, #tpu.memory_space<vmem>> -> memref<1x400xi32, #tpu.memory_space<vmem>>
      %dma_wait3A_76 = tpu.memref_squeeze %dma_wait3A_75 : memref<1x400xi32, #tpu.memory_space<vmem>> -> memref<400xi32, #tpu.memory_space<vmem>>
      %dma_wait3A_77 = arith.constant 0 : i32
      %dma_wait3A_78 = arith.constant 0 : i32
      %dma_wait3A_79 = tpu.memref_slice %arg2[%dma_wait3A_77, %dma_wait3A_78] : memref<10000x32xf32, #tpu.memory_space<hbm>> -> memref<10000x32xf32, #tpu.memory_space<hbm>>
      tpu.wait_indirect_dma semaphore(%arg20 : memref<!tpu.dma_semaphore, #tpu.memory_space<semaphore_mem>>) src(%dma_wait3A_79 : memref<10000x32xf32, #tpu.memory_space<hbm>>) dst(%arg11 : memref<400x32xf32, #tpu.memory_space<vmem>>)
      %dma_wait3A_80 = arith.constant 0 : i32
      %dma_wait3A_81 = tpu.memref_slice %arg10[%scan3A_58, %dma_wait3A_80] : memref<25x400xi32, #tpu.memory_space<vmem>> -> memref<1x400xi32, #tpu.memory_space<vmem>>
      %dma_wait3A_82 = tpu.memref_squeeze %dma_wait3A_81 : memref<1x400xi32, #tpu.memory_space<vmem>> -> memref<400xi32, #tpu.memory_space<vmem>>
      %dma_wait3A_83 = arith.constant 0 : i32
      %dma_wait3A_84 = arith.constant 0 : i32
      %dma_wait3A_85 = tpu.memref_slice %arg3[%dma_wait3A_83, %dma_wait3A_84] : memref<10000x32xf32, #tpu.memory_space<hbm>> -> memref<10000x32xf32, #tpu.memory_space<hbm>>
      tpu.wait_indirect_dma semaphore(%arg20 : memref<!tpu.dma_semaphore, #tpu.memory_space<semaphore_mem>>) src(%dma_wait3A_85 : memref<10000x32xf32, #tpu.memory_space<hbm>>) dst(%arg12 : memref<400x32xf32, #tpu.memory_space<vmem>>)
      %broadcast_in_dim3A_86 = arith.constant 2.000000e-01 : f32
      %broadcast_in_dim3A_87 = vector.broadcast %broadcast_in_dim3A_86 : f32 to vector<16xf32>
      %iota3A = tpu.iota {dimensions = array<i32: 0>} : vector<16xi32>
      %broadcast_in_dim3A_88 = arith.constant 31 : i32
      %broadcast_in_dim3A_89 = vector.broadcast %broadcast_in_dim3A_88 : i32 to vector<16xi32>
      %parallel_loop3A = arith.constant 0 : i32
      %parallel_loop3A_90 = arith.constant 400 : i32
      %parallel_loop3A_91 = arith.constant 16 : i32
      scf.for %parallel_loop3A_103 = %parallel_loop3A to %parallel_loop3A_90 step %parallel_loop3A_91  : i32 {
        %parallel_loop3A_104 = vector.broadcast %parallel_loop3A_103 : i32 to vector<16xi32>
        %parallel_loop3A_105 = arith.addi %iota3A, %parallel_loop3A_104 : vector<16xi32>
        %parallel_loop3A_106 = arith.constant 0.000000e+00 : f32
        %parallel_loop3A_107 = vector.broadcast %parallel_loop3A_106 : f32 to vector<16xf32>
        %parallel_loop3A_108 = arith.constant 0 : i32
        %parallel_loop3A_109 = vector.broadcast %parallel_loop3A_108 : i32 to vector<16xi32>
        %parallel_loop3A_110 = arith.addi %iota3A, %parallel_loop3A_109 : vector<16xi32>
        %parallel_loop3A_111 = arith.andi %parallel_loop3A_110, %broadcast_in_dim3A_89 : vector<16xi32>
        %parallel_loop3A_112 = tpu.vector_load_idx %arg11[%parallel_loop3A_105, %parallel_loop3A_111] : memref<400x32xf32, #tpu.memory_space<vmem>>[vector<16xi32>, vector<16xi32>], vector<16xf32>,
        %parallel_loop3A_113 = tpu.vector_load_idx %arg12[%parallel_loop3A_105, %parallel_loop3A_111] : memref<400x32xf32, #tpu.memory_space<vmem>>[vector<16xi32>, vector<16xi32>], vector<16xf32>,
        %parallel_loop3A_114 = arith.addf %parallel_loop3A_112, %parallel_loop3A_113 : vector<16xf32>
        %parallel_loop3A_115 = arith.mulf %broadcast_in_dim3A_87, %parallel_loop3A_114 : vector<16xf32>
        %parallel_loop3A_116 = arith.maximumf %parallel_loop3A_114, %parallel_loop3A_115 : vector<16xf32>
        %parallel_loop3A_117 = arith.constant 0 : i32
        %parallel_loop3A_118 = arith.index_cast %parallel_loop3A_117 : i32 to index
        %parallel_loop3A_119 = arith.constant 0 : index
        %parallel_loop3A_120 = tpu.vector_load %arg15[%parallel_loop3A_118, %parallel_loop3A_119] {strides = array<i32>} : memref<32x16xf32, #tpu.memory_space<vmem>>, vector<16xf32>,
        %parallel_loop3A_121 = arith.mulf %parallel_loop3A_120, %parallel_loop3A_116 : vector<16xf32>
        %parallel_loop3A_122 = arith.addf %parallel_loop3A_107, %parallel_loop3A_121 : vector<16xf32>
        %parallel_loop3A_123 = arith.constant 1 : i32
        %parallel_loop3A_124 = vector.broadcast %parallel_loop3A_123 : i32 to vector<16xi32>
        %parallel_loop3A_125 = arith.addi %iota3A, %parallel_loop3A_124 : vector<16xi32>
        %parallel_loop3A_126 = arith.andi %parallel_loop3A_125, %broadcast_in_dim3A_89 : vector<16xi32>
        %parallel_loop3A_127 = tpu.vector_load_idx %arg11[%parallel_loop3A_105, %parallel_loop3A_126] : memref<400x32xf32, #tpu.memory_space<vmem>>[vector<16xi32>, vector<16xi32>], vector<16xf32>,
        %parallel_loop3A_128 = tpu.vector_load_idx %arg12[%parallel_loop3A_105, %parallel_loop3A_126] : memref<400x32xf32, #tpu.memory_space<vmem>>[vector<16xi32>, vector<16xi32>], vector<16xf32>,
        %parallel_loop3A_129 = arith.addf %parallel_loop3A_127, %parallel_loop3A_128 : vector<16xf32>
        %parallel_loop3A_130 = arith.mulf %broadcast_in_dim3A_87, %parallel_loop3A_129 : vector<16xf32>
        %parallel_loop3A_131 = arith.maximumf %parallel_loop3A_129, %parallel_loop3A_130 : vector<16xf32>
        %parallel_loop3A_132 = arith.constant 1 : i32
        %parallel_loop3A_133 = arith.index_cast %parallel_loop3A_132 : i32 to index
        %parallel_loop3A_134 = arith.constant 0 : index
        %parallel_loop3A_135 = tpu.vector_load %arg15[%parallel_loop3A_133, %parallel_loop3A_134] {strides = array<i32>} : memref<32x16xf32, #tpu.memory_space<vmem>>, vector<16xf32>,
        %parallel_loop3A_136 = arith.mulf %parallel_loop3A_135, %parallel_loop3A_131 : vector<16xf32>
        %parallel_loop3A_137 = arith.addf %parallel_loop3A_122, %parallel_loop3A_136 : vector<16xf32>
        %parallel_loop3A_138 = arith.constant 2 : i32
        %parallel_loop3A_139 = vector.broadcast %parallel_loop3A_138 : i32 to vector<16xi32>
        %parallel_loop3A_140 = arith.addi %iota3A, %parallel_loop3A_139 : vector<16xi32>
        %parallel_loop3A_141 = arith.andi %parallel_loop3A_140, %broadcast_in_dim3A_89 : vector<16xi32>
        %parallel_loop3A_142 = tpu.vector_load_idx %arg11[%parallel_loop3A_105, %parallel_loop3A_141] : memref<400x32xf32, #tpu.memory_space<vmem>>[vector<16xi32>, vector<16xi32>], vector<16xf32>,
        %parallel_loop3A_143 = tpu.vector_load_idx %arg12[%parallel_loop3A_105, %parallel_loop3A_141] : memref<400x32xf32, #tpu.memory_space<vmem>>[vector<16xi32>, vector<16xi32>], vector<16xf32>,
        %parallel_loop3A_144 = arith.addf %parallel_loop3A_142, %parallel_loop3A_143 : vector<16xf32>
        %parallel_loop3A_145 = arith.mulf %broadcast_in_dim3A_87, %parallel_loop3A_144 : vector<16xf32>
        %parallel_loop3A_146 = arith.maximumf %parallel_loop3A_144, %parallel_loop3A_145 : vector<16xf32>
        %parallel_loop3A_147 = arith.constant 2 : i32
        %parallel_loop3A_148 = arith.index_cast %parallel_loop3A_147 : i32 to index
        %parallel_loop3A_149 = arith.constant 0 : index
        %parallel_loop3A_150 = tpu.vector_load %arg15[%parallel_loop3A_148, %parallel_loop3A_149] {strides = array<i32>} : memref<32x16xf32, #tpu.memory_space<vmem>>, vector<16xf32>,
        %parallel_loop3A_151 = arith.mulf %parallel_loop3A_150, %parallel_loop3A_146 : vector<16xf32>
        %parallel_loop3A_152 = arith.addf %parallel_loop3A_137, %parallel_loop3A_151 : vector<16xf32>
        %parallel_loop3A_153 = arith.constant 3 : i32
        %parallel_loop3A_154 = vector.broadcast %parallel_loop3A_153 : i32 to vector<16xi32>
        %parallel_loop3A_155 = arith.addi %iota3A, %parallel_loop3A_154 : vector<16xi32>
        %parallel_loop3A_156 = arith.andi %parallel_loop3A_155, %broadcast_in_dim3A_89 : vector<16xi32>
        %parallel_loop3A_157 = tpu.vector_load_idx %arg11[%parallel_loop3A_105, %parallel_loop3A_156] : memref<400x32xf32, #tpu.memory_space<vmem>>[vector<16xi32>, vector<16xi32>], vector<16xf32>,
        %parallel_loop3A_158 = tpu.vector_load_idx %arg12[%parallel_loop3A_105, %parallel_loop3A_156] : memref<400x32xf32, #tpu.memory_space<vmem>>[vector<16xi32>, vector<16xi32>], vector<16xf32>,
        %parallel_loop3A_159 = arith.addf %parallel_loop3A_157, %parallel_loop3A_158 : vector<16xf32>
        %parallel_loop3A_160 = arith.mulf %broadcast_in_dim3A_87, %parallel_loop3A_159 : vector<16xf32>
        %parallel_loop3A_161 = arith.maximumf %parallel_loop3A_159, %parallel_loop3A_160 : vector<16xf32>
        %parallel_loop3A_162 = arith.constant 3 : i32
        %parallel_loop3A_163 = arith.index_cast %parallel_loop3A_162 : i32 to index
        %parallel_loop3A_164 = arith.constant 0 : index
        %parallel_loop3A_165 = tpu.vector_load %arg15[%parallel_loop3A_163, %parallel_loop3A_164] {strides = array<i32>} : memref<32x16xf32, #tpu.memory_space<vmem>>, vector<16xf32>,
        %parallel_loop3A_166 = arith.mulf %parallel_loop3A_165, %parallel_loop3A_161 : vector<16xf32>
        %parallel_loop3A_167 = arith.addf %parallel_loop3A_152, %parallel_loop3A_166 : vector<16xf32>
        %parallel_loop3A_168 = arith.constant 4 : i32
        %parallel_loop3A_169 = vector.broadcast %parallel_loop3A_168 : i32 to vector<16xi32>
        %parallel_loop3A_170 = arith.addi %iota3A, %parallel_loop3A_169 : vector<16xi32>
        %parallel_loop3A_171 = arith.andi %parallel_loop3A_170, %broadcast_in_dim3A_89 : vector<16xi32>
        %parallel_loop3A_172 = tpu.vector_load_idx %arg11[%parallel_loop3A_105, %parallel_loop3A_171] : memref<400x32xf32, #tpu.memory_space<vmem>>[vector<16xi32>, vector<16xi32>], vector<16xf32>,
        %parallel_loop3A_173 = tpu.vector_load_idx %arg12[%parallel_loop3A_105, %parallel_loop3A_171] : memref<400x32xf32, #tpu.memory_space<vmem>>[vector<16xi32>, vector<16xi32>], vector<16xf32>,
        %parallel_loop3A_174 = arith.addf %parallel_loop3A_172, %parallel_loop3A_173 : vector<16xf32>
        %parallel_loop3A_175 = arith.mulf %broadcast_in_dim3A_87, %parallel_loop3A_174 : vector<16xf32>
        %parallel_loop3A_176 = arith.maximumf %parallel_loop3A_174, %parallel_loop3A_175 : vector<16xf32>
        %parallel_loop3A_177 = arith.constant 4 : i32
        %parallel_loop3A_178 = arith.index_cast %parallel_loop3A_177 : i32 to index
        %parallel_loop3A_179 = arith.constant 0 : index
        %parallel_loop3A_180 = tpu.vector_load %arg15[%parallel_loop3A_178, %parallel_loop3A_179] {strides = array<i32>} : memref<32x16xf32, #tpu.memory_space<vmem>>, vector<16xf32>,
        %parallel_loop3A_181 = arith.mulf %parallel_loop3A_180, %parallel_loop3A_176 : vector<16xf32>
        %parallel_loop3A_182 = arith.addf %parallel_loop3A_167, %parallel_loop3A_181 : vector<16xf32>
        %parallel_loop3A_183 = arith.constant 5 : i32
        %parallel_loop3A_184 = vector.broadcast %parallel_loop3A_183 : i32 to vector<16xi32>
        %parallel_loop3A_185 = arith.addi %iota3A, %parallel_loop3A_184 : vector<16xi32>
        %parallel_loop3A_186 = arith.andi %parallel_loop3A_185, %broadcast_in_dim3A_89 : vector<16xi32>
        %parallel_loop3A_187 = tpu.vector_load_idx %arg11[%parallel_loop3A_105, %parallel_loop3A_186] : memref<400x32xf32, #tpu.memory_space<vmem>>[vector<16xi32>, vector<16xi32>], vector<16xf32>,
        %parallel_loop3A_188 = tpu.vector_load_idx %arg12[%parallel_loop3A_105, %parallel_loop3A_186] : memref<400x32xf32, #tpu.memory_space<vmem>>[vector<16xi32>, vector<16xi32>], vector<16xf32>,
        %parallel_loop3A_189 = arith.addf %parallel_loop3A_187, %parallel_loop3A_188 : vector<16xf32>
        %parallel_loop3A_190 = arith.mulf %broadcast_in_dim3A_87, %parallel_loop3A_189 : vector<16xf32>
        %parallel_loop3A_191 = arith.maximumf %parallel_loop3A_189, %parallel_loop3A_190 : vector<16xf32>
        %parallel_loop3A_192 = arith.constant 5 : i32
        %parallel_loop3A_193 = arith.index_cast %parallel_loop3A_192 : i32 to index
        %parallel_loop3A_194 = arith.constant 0 : index
        %parallel_loop3A_195 = tpu.vector_load %arg15[%parallel_loop3A_193, %parallel_loop3A_194] {strides = array<i32>} : memref<32x16xf32, #tpu.memory_space<vmem>>, vector<16xf32>,
        %parallel_loop3A_196 = arith.mulf %parallel_loop3A_195, %parallel_loop3A_191 : vector<16xf32>
        %parallel_loop3A_197 = arith.addf %parallel_loop3A_182, %parallel_loop3A_196 : vector<16xf32>
        %parallel_loop3A_198 = arith.constant 6 : i32
        %parallel_loop3A_199 = vector.broadcast %parallel_loop3A_198 : i32 to vector<16xi32>
        %parallel_loop3A_200 = arith.addi %iota3A, %parallel_loop3A_199 : vector<16xi32>
        %parallel_loop3A_201 = arith.andi %parallel_loop3A_200, %broadcast_in_dim3A_89 : vector<16xi32>
        %parallel_loop3A_202 = tpu.vector_load_idx %arg11[%parallel_loop3A_105, %parallel_loop3A_201] : memref<400x32xf32, #tpu.memory_space<vmem>>[vector<16xi32>, vector<16xi32>], vector<16xf32>,
        %parallel_loop3A_203 = tpu.vector_load_idx %arg12[%parallel_loop3A_105, %parallel_loop3A_201] : memref<400x32xf32, #tpu.memory_space<vmem>>[vector<16xi32>, vector<16xi32>], vector<16xf32>,
        %parallel_loop3A_204 = arith.addf %parallel_loop3A_202, %parallel_loop3A_203 : vector<16xf32>
        %parallel_loop3A_205 = arith.mulf %broadcast_in_dim3A_87, %parallel_loop3A_204 : vector<16xf32>
        %parallel_loop3A_206 = arith.maximumf %parallel_loop3A_204, %parallel_loop3A_205 : vector<16xf32>
        %parallel_loop3A_207 = arith.constant 6 : i32
        %parallel_loop3A_208 = arith.index_cast %parallel_loop3A_207 : i32 to index
        %parallel_loop3A_209 = arith.constant 0 : index
        %parallel_loop3A_210 = tpu.vector_load %arg15[%parallel_loop3A_208, %parallel_loop3A_209] {strides = array<i32>} : memref<32x16xf32, #tpu.memory_space<vmem>>, vector<16xf32>,
        %parallel_loop3A_211 = arith.mulf %parallel_loop3A_210, %parallel_loop3A_206 : vector<16xf32>
        %parallel_loop3A_212 = arith.addf %parallel_loop3A_197, %parallel_loop3A_211 : vector<16xf32>
        %parallel_loop3A_213 = arith.constant 7 : i32
        %parallel_loop3A_214 = vector.broadcast %parallel_loop3A_213 : i32 to vector<16xi32>
        %parallel_loop3A_215 = arith.addi %iota3A, %parallel_loop3A_214 : vector<16xi32>
        %parallel_loop3A_216 = arith.andi %parallel_loop3A_215, %broadcast_in_dim3A_89 : vector<16xi32>
        %parallel_loop3A_217 = tpu.vector_load_idx %arg11[%parallel_loop3A_105, %parallel_loop3A_216] : memref<400x32xf32, #tpu.memory_space<vmem>>[vector<16xi32>, vector<16xi32>], vector<16xf32>,
        %parallel_loop3A_218 = tpu.vector_load_idx %arg12[%parallel_loop3A_105, %parallel_loop3A_216] : memref<400x32xf32, #tpu.memory_space<vmem>>[vector<16xi32>, vector<16xi32>], vector<16xf32>,
        %parallel_loop3A_219 = arith.addf %parallel_loop3A_217, %parallel_loop3A_218 : vector<16xf32>
        %parallel_loop3A_220 = arith.mulf %broadcast_in_dim3A_87, %parallel_loop3A_219 : vector<16xf32>
        %parallel_loop3A_221 = arith.maximumf %parallel_loop3A_219, %parallel_loop3A_220 : vector<16xf32>
        %parallel_loop3A_222 = arith.constant 7 : i32
        %parallel_loop3A_223 = arith.index_cast %parallel_loop3A_222 : i32 to index
        %parallel_loop3A_224 = arith.constant 0 : index
        %parallel_loop3A_225 = tpu.vector_load %arg15[%parallel_loop3A_223, %parallel_loop3A_224] {strides = array<i32>} : memref<32x16xf32, #tpu.memory_space<vmem>>, vector<16xf32>,
        %parallel_loop3A_226 = arith.mulf %parallel_loop3A_225, %parallel_loop3A_221 : vector<16xf32>
        %parallel_loop3A_227 = arith.addf %parallel_loop3A_212, %parallel_loop3A_226 : vector<16xf32>
        %parallel_loop3A_228 = arith.constant 8 : i32
        %parallel_loop3A_229 = vector.broadcast %parallel_loop3A_228 : i32 to vector<16xi32>
        %parallel_loop3A_230 = arith.addi %iota3A, %parallel_loop3A_229 : vector<16xi32>
        %parallel_loop3A_231 = arith.andi %parallel_loop3A_230, %broadcast_in_dim3A_89 : vector<16xi32>
        %parallel_loop3A_232 = tpu.vector_load_idx %arg11[%parallel_loop3A_105, %parallel_loop3A_231] : memref<400x32xf32, #tpu.memory_space<vmem>>[vector<16xi32>, vector<16xi32>], vector<16xf32>,
        %parallel_loop3A_233 = tpu.vector_load_idx %arg12[%parallel_loop3A_105, %parallel_loop3A_231] : memref<400x32xf32, #tpu.memory_space<vmem>>[vector<16xi32>, vector<16xi32>], vector<16xf32>,
        %parallel_loop3A_234 = arith.addf %parallel_loop3A_232, %parallel_loop3A_233 : vector<16xf32>
        %parallel_loop3A_235 = arith.mulf %broadcast_in_dim3A_87, %parallel_loop3A_234 : vector<16xf32>
        %parallel_loop3A_236 = arith.maximumf %parallel_loop3A_234, %parallel_loop3A_235 : vector<16xf32>
        %parallel_loop3A_237 = arith.constant 8 : i32
        %parallel_loop3A_238 = arith.index_cast %parallel_loop3A_237 : i32 to index
        %parallel_loop3A_239 = arith.constant 0 : index
        %parallel_loop3A_240 = tpu.vector_load %arg15[%parallel_loop3A_238, %parallel_loop3A_239] {strides = array<i32>} : memref<32x16xf32, #tpu.memory_space<vmem>>, vector<16xf32>,
        %parallel_loop3A_241 = arith.mulf %parallel_loop3A_240, %parallel_loop3A_236 : vector<16xf32>
        %parallel_loop3A_242 = arith.addf %parallel_loop3A_227, %parallel_loop3A_241 : vector<16xf32>
        %parallel_loop3A_243 = arith.constant 9 : i32
        %parallel_loop3A_244 = vector.broadcast %parallel_loop3A_243 : i32 to vector<16xi32>
        %parallel_loop3A_245 = arith.addi %iota3A, %parallel_loop3A_244 : vector<16xi32>
        %parallel_loop3A_246 = arith.andi %parallel_loop3A_245, %broadcast_in_dim3A_89 : vector<16xi32>
        %parallel_loop3A_247 = tpu.vector_load_idx %arg11[%parallel_loop3A_105, %parallel_loop3A_246] : memref<400x32xf32, #tpu.memory_space<vmem>>[vector<16xi32>, vector<16xi32>], vector<16xf32>,
        %parallel_loop3A_248 = tpu.vector_load_idx %arg12[%parallel_loop3A_105, %parallel_loop3A_246] : memref<400x32xf32, #tpu.memory_space<vmem>>[vector<16xi32>, vector<16xi32>], vector<16xf32>,
        %parallel_loop3A_249 = arith.addf %parallel_loop3A_247, %parallel_loop3A_248 : vector<16xf32>
        %parallel_loop3A_250 = arith.mulf %broadcast_in_dim3A_87, %parallel_loop3A_249 : vector<16xf32>
        %parallel_loop3A_251 = arith.maximumf %parallel_loop3A_249, %parallel_loop3A_250 : vector<16xf32>
        %parallel_loop3A_252 = arith.constant 9 : i32
        %parallel_loop3A_253 = arith.index_cast %parallel_loop3A_252 : i32 to index
        %parallel_loop3A_254 = arith.constant 0 : index
        %parallel_loop3A_255 = tpu.vector_load %arg15[%parallel_loop3A_253, %parallel_loop3A_254] {strides = array<i32>} : memref<32x16xf32, #tpu.memory_space<vmem>>, vector<16xf32>,
        %parallel_loop3A_256 = arith.mulf %parallel_loop3A_255, %parallel_loop3A_251 : vector<16xf32>
        %parallel_loop3A_257 = arith.addf %parallel_loop3A_242, %parallel_loop3A_256 : vector<16xf32>
        %parallel_loop3A_258 = arith.constant 10 : i32
        %parallel_loop3A_259 = vector.broadcast %parallel_loop3A_258 : i32 to vector<16xi32>
        %parallel_loop3A_260 = arith.addi %iota3A, %parallel_loop3A_259 : vector<16xi32>
        %parallel_loop3A_261 = arith.andi %parallel_loop3A_260, %broadcast_in_dim3A_89 : vector<16xi32>
        %parallel_loop3A_262 = tpu.vector_load_idx %arg11[%parallel_loop3A_105, %parallel_loop3A_261] : memref<400x32xf32, #tpu.memory_space<vmem>>[vector<16xi32>, vector<16xi32>], vector<16xf32>,
        %parallel_loop3A_263 = tpu.vector_load_idx %arg12[%parallel_loop3A_105, %parallel_loop3A_261] : memref<400x32xf32, #tpu.memory_space<vmem>>[vector<16xi32>, vector<16xi32>], vector<16xf32>,
        %parallel_loop3A_264 = arith.addf %parallel_loop3A_262, %parallel_loop3A_263 : vector<16xf32>
        %parallel_loop3A_265 = arith.mulf %broadcast_in_dim3A_87, %parallel_loop3A_264 : vector<16xf32>
        %parallel_loop3A_266 = arith.maximumf %parallel_loop3A_264, %parallel_loop3A_265 : vector<16xf32>
        %parallel_loop3A_267 = arith.constant 10 : i32
        %parallel_loop3A_268 = arith.index_cast %parallel_loop3A_267 : i32 to index
        %parallel_loop3A_269 = arith.constant 0 : index
        %parallel_loop3A_270 = tpu.vector_load %arg15[%parallel_loop3A_268, %parallel_loop3A_269] {strides = array<i32>} : memref<32x16xf32, #tpu.memory_space<vmem>>, vector<16xf32>,
        %parallel_loop3A_271 = arith.mulf %parallel_loop3A_270, %parallel_loop3A_266 : vector<16xf32>
        %parallel_loop3A_272 = arith.addf %parallel_loop3A_257, %parallel_loop3A_271 : vector<16xf32>
        %parallel_loop3A_273 = arith.constant 11 : i32
        %parallel_loop3A_274 = vector.broadcast %parallel_loop3A_273 : i32 to vector<16xi32>
        %parallel_loop3A_275 = arith.addi %iota3A, %parallel_loop3A_274 : vector<16xi32>
        %parallel_loop3A_276 = arith.andi %parallel_loop3A_275, %broadcast_in_dim3A_89 : vector<16xi32>
        %parallel_loop3A_277 = tpu.vector_load_idx %arg11[%parallel_loop3A_105, %parallel_loop3A_276] : memref<400x32xf32, #tpu.memory_space<vmem>>[vector<16xi32>, vector<16xi32>], vector<16xf32>,
        %parallel_loop3A_278 = tpu.vector_load_idx %arg12[%parallel_loop3A_105, %parallel_loop3A_276] : memref<400x32xf32, #tpu.memory_space<vmem>>[vector<16xi32>, vector<16xi32>], vector<16xf32>,
        %parallel_loop3A_279 = arith.addf %parallel_loop3A_277, %parallel_loop3A_278 : vector<16xf32>
        %parallel_loop3A_280 = arith.mulf %broadcast_in_dim3A_87, %parallel_loop3A_279 : vector<16xf32>
        %parallel_loop3A_281 = arith.maximumf %parallel_loop3A_279, %parallel_loop3A_280 : vector<16xf32>
        %parallel_loop3A_282 = arith.constant 11 : i32
        %parallel_loop3A_283 = arith.index_cast %parallel_loop3A_282 : i32 to index
        %parallel_loop3A_284 = arith.constant 0 : index
        %parallel_loop3A_285 = tpu.vector_load %arg15[%parallel_loop3A_283, %parallel_loop3A_284] {strides = array<i32>} : memref<32x16xf32, #tpu.memory_space<vmem>>, vector<16xf32>,
        %parallel_loop3A_286 = arith.mulf %parallel_loop3A_285, %parallel_loop3A_281 : vector<16xf32>
        %parallel_loop3A_287 = arith.addf %parallel_loop3A_272, %parallel_loop3A_286 : vector<16xf32>
        %parallel_loop3A_288 = arith.constant 12 : i32
        %parallel_loop3A_289 = vector.broadcast %parallel_loop3A_288 : i32 to vector<16xi32>
        %parallel_loop3A_290 = arith.addi %iota3A, %parallel_loop3A_289 : vector<16xi32>
        %parallel_loop3A_291 = arith.andi %parallel_loop3A_290, %broadcast_in_dim3A_89 : vector<16xi32>
        %parallel_loop3A_292 = tpu.vector_load_idx %arg11[%parallel_loop3A_105, %parallel_loop3A_291] : memref<400x32xf32, #tpu.memory_space<vmem>>[vector<16xi32>, vector<16xi32>], vector<16xf32>,
        %parallel_loop3A_293 = tpu.vector_load_idx %arg12[%parallel_loop3A_105, %parallel_loop3A_291] : memref<400x32xf32, #tpu.memory_space<vmem>>[vector<16xi32>, vector<16xi32>], vector<16xf32>,
        %parallel_loop3A_294 = arith.addf %parallel_loop3A_292, %parallel_loop3A_293 : vector<16xf32>
        %parallel_loop3A_295 = arith.mulf %broadcast_in_dim3A_87, %parallel_loop3A_294 : vector<16xf32>
        %parallel_loop3A_296 = arith.maximumf %parallel_loop3A_294, %parallel_loop3A_295 : vector<16xf32>
        %parallel_loop3A_297 = arith.constant 12 : i32
        %parallel_loop3A_298 = arith.index_cast %parallel_loop3A_297 : i32 to index
        %parallel_loop3A_299 = arith.constant 0 : index
        %parallel_loop3A_300 = tpu.vector_load %arg15[%parallel_loop3A_298, %parallel_loop3A_299] {strides = array<i32>} : memref<32x16xf32, #tpu.memory_space<vmem>>, vector<16xf32>,
        %parallel_loop3A_301 = arith.mulf %parallel_loop3A_300, %parallel_loop3A_296 : vector<16xf32>
        %parallel_loop3A_302 = arith.addf %parallel_loop3A_287, %parallel_loop3A_301 : vector<16xf32>
        %parallel_loop3A_303 = arith.constant 13 : i32
        %parallel_loop3A_304 = vector.broadcast %parallel_loop3A_303 : i32 to vector<16xi32>
        %parallel_loop3A_305 = arith.addi %iota3A, %parallel_loop3A_304 : vector<16xi32>
        %parallel_loop3A_306 = arith.andi %parallel_loop3A_305, %broadcast_in_dim3A_89 : vector<16xi32>
        %parallel_loop3A_307 = tpu.vector_load_idx %arg11[%parallel_loop3A_105, %parallel_loop3A_306] : memref<400x32xf32, #tpu.memory_space<vmem>>[vector<16xi32>, vector<16xi32>], vector<16xf32>,
        %parallel_loop3A_308 = tpu.vector_load_idx %arg12[%parallel_loop3A_105, %parallel_loop3A_306] : memref<400x32xf32, #tpu.memory_space<vmem>>[vector<16xi32>, vector<16xi32>], vector<16xf32>,
        %parallel_loop3A_309 = arith.addf %parallel_loop3A_307, %parallel_loop3A_308 : vector<16xf32>
        %parallel_loop3A_310 = arith.mulf %broadcast_in_dim3A_87, %parallel_loop3A_309 : vector<16xf32>
        %parallel_loop3A_311 = arith.maximumf %parallel_loop3A_309, %parallel_loop3A_310 : vector<16xf32>
        %parallel_loop3A_312 = arith.constant 13 : i32
        %parallel_loop3A_313 = arith.index_cast %parallel_loop3A_312 : i32 to index
        %parallel_loop3A_314 = arith.constant 0 : index
        %parallel_loop3A_315 = tpu.vector_load %arg15[%parallel_loop3A_313, %parallel_loop3A_314] {strides = array<i32>} : memref<32x16xf32, #tpu.memory_space<vmem>>, vector<16xf32>,
        %parallel_loop3A_316 = arith.mulf %parallel_loop3A_315, %parallel_loop3A_311 : vector<16xf32>
        %parallel_loop3A_317 = arith.addf %parallel_loop3A_302, %parallel_loop3A_316 : vector<16xf32>
        %parallel_loop3A_318 = arith.constant 14 : i32
        %parallel_loop3A_319 = vector.broadcast %parallel_loop3A_318 : i32 to vector<16xi32>
        %parallel_loop3A_320 = arith.addi %iota3A, %parallel_loop3A_319 : vector<16xi32>
        %parallel_loop3A_321 = arith.andi %parallel_loop3A_320, %broadcast_in_dim3A_89 : vector<16xi32>
        %parallel_loop3A_322 = tpu.vector_load_idx %arg11[%parallel_loop3A_105, %parallel_loop3A_321] : memref<400x32xf32, #tpu.memory_space<vmem>>[vector<16xi32>, vector<16xi32>], vector<16xf32>,
        %parallel_loop3A_323 = tpu.vector_load_idx %arg12[%parallel_loop3A_105, %parallel_loop3A_321] : memref<400x32xf32, #tpu.memory_space<vmem>>[vector<16xi32>, vector<16xi32>], vector<16xf32>,
        %parallel_loop3A_324 = arith.addf %parallel_loop3A_322, %parallel_loop3A_323 : vector<16xf32>
        %parallel_loop3A_325 = arith.mulf %broadcast_in_dim3A_87, %parallel_loop3A_324 : vector<16xf32>
        %parallel_loop3A_326 = arith.maximumf %parallel_loop3A_324, %parallel_loop3A_325 : vector<16xf32>
        %parallel_loop3A_327 = arith.constant 14 : i32
        %parallel_loop3A_328 = arith.index_cast %parallel_loop3A_327 : i32 to index
        %parallel_loop3A_329 = arith.constant 0 : index
        %parallel_loop3A_330 = tpu.vector_load %arg15[%parallel_loop3A_328, %parallel_loop3A_329] {strides = array<i32>} : memref<32x16xf32, #tpu.memory_space<vmem>>, vector<16xf32>,
        %parallel_loop3A_331 = arith.mulf %parallel_loop3A_330, %parallel_loop3A_326 : vector<16xf32>
        %parallel_loop3A_332 = arith.addf %parallel_loop3A_317, %parallel_loop3A_331 : vector<16xf32>
        %parallel_loop3A_333 = arith.constant 15 : i32
        %parallel_loop3A_334 = vector.broadcast %parallel_loop3A_333 : i32 to vector<16xi32>
        %parallel_loop3A_335 = arith.addi %iota3A, %parallel_loop3A_334 : vector<16xi32>
        %parallel_loop3A_336 = arith.andi %parallel_loop3A_335, %broadcast_in_dim3A_89 : vector<16xi32>
        %parallel_loop3A_337 = tpu.vector_load_idx %arg11[%parallel_loop3A_105, %parallel_loop3A_336] : memref<400x32xf32, #tpu.memory_space<vmem>>[vector<16xi32>, vector<16xi32>], vector<16xf32>,
        %parallel_loop3A_338 = tpu.vector_load_idx %arg12[%parallel_loop3A_105, %parallel_loop3A_336] : memref<400x32xf32, #tpu.memory_space<vmem>>[vector<16xi32>, vector<16xi32>], vector<16xf32>,
        %parallel_loop3A_339 = arith.addf %parallel_loop3A_337, %parallel_loop3A_338 : vector<16xf32>
        %parallel_loop3A_340 = arith.mulf %broadcast_in_dim3A_87, %parallel_loop3A_339 : vector<16xf32>
        %parallel_loop3A_341 = arith.maximumf %parallel_loop3A_339, %parallel_loop3A_340 : vector<16xf32>
        %parallel_loop3A_342 = arith.constant 15 : i32
        %parallel_loop3A_343 = arith.index_cast %parallel_loop3A_342 : i32 to index
        %parallel_loop3A_344 = arith.constant 0 : index
        %parallel_loop3A_345 = tpu.vector_load %arg15[%parallel_loop3A_343, %parallel_loop3A_344] {strides = array<i32>} : memref<32x16xf32, #tpu.memory_space<vmem>>, vector<16xf32>,
        %parallel_loop3A_346 = arith.mulf %parallel_loop3A_345, %parallel_loop3A_341 : vector<16xf32>
        %parallel_loop3A_347 = arith.addf %parallel_loop3A_332, %parallel_loop3A_346 : vector<16xf32>
        %parallel_loop3A_348 = arith.constant 16 : i32
        %parallel_loop3A_349 = vector.broadcast %parallel_loop3A_348 : i32 to vector<16xi32>
        %parallel_loop3A_350 = arith.addi %iota3A, %parallel_loop3A_349 : vector<16xi32>
        %parallel_loop3A_351 = arith.andi %parallel_loop3A_350, %broadcast_in_dim3A_89 : vector<16xi32>
        %parallel_loop3A_352 = tpu.vector_load_idx %arg11[%parallel_loop3A_105, %parallel_loop3A_351] : memref<400x32xf32, #tpu.memory_space<vmem>>[vector<16xi32>, vector<16xi32>], vector<16xf32>,
        %parallel_loop3A_353 = tpu.vector_load_idx %arg12[%parallel_loop3A_105, %parallel_loop3A_351] : memref<400x32xf32, #tpu.memory_space<vmem>>[vector<16xi32>, vector<16xi32>], vector<16xf32>,
        %parallel_loop3A_354 = arith.addf %parallel_loop3A_352, %parallel_loop3A_353 : vector<16xf32>
        %parallel_loop3A_355 = arith.mulf %broadcast_in_dim3A_87, %parallel_loop3A_354 : vector<16xf32>
        %parallel_loop3A_356 = arith.maximumf %parallel_loop3A_354, %parallel_loop3A_355 : vector<16xf32>
        %parallel_loop3A_357 = arith.constant 16 : i32
        %parallel_loop3A_358 = arith.index_cast %parallel_loop3A_357 : i32 to index
        %parallel_loop3A_359 = arith.constant 0 : index
        %parallel_loop3A_360 = tpu.vector_load %arg15[%parallel_loop3A_358, %parallel_loop3A_359] {strides = array<i32>} : memref<32x16xf32, #tpu.memory_space<vmem>>, vector<16xf32>,
        %parallel_loop3A_361 = arith.mulf %parallel_loop3A_360, %parallel_loop3A_356 : vector<16xf32>
        %parallel_loop3A_362 = arith.addf %parallel_loop3A_347, %parallel_loop3A_361 : vector<16xf32>
        %parallel_loop3A_363 = arith.constant 17 : i32
        %parallel_loop3A_364 = vector.broadcast %parallel_loop3A_363 : i32 to vector<16xi32>
        %parallel_loop3A_365 = arith.addi %iota3A, %parallel_loop3A_364 : vector<16xi32>
        %parallel_loop3A_366 = arith.andi %parallel_loop3A_365, %broadcast_in_dim3A_89 : vector<16xi32>
        %parallel_loop3A_367 = tpu.vector_load_idx %arg11[%parallel_loop3A_105, %parallel_loop3A_366] : memref<400x32xf32, #tpu.memory_space<vmem>>[vector<16xi32>, vector<16xi32>], vector<16xf32>,
        %parallel_loop3A_368 = tpu.vector_load_idx %arg12[%parallel_loop3A_105, %parallel_loop3A_366] : memref<400x32xf32, #tpu.memory_space<vmem>>[vector<16xi32>, vector<16xi32>], vector<16xf32>,
        %parallel_loop3A_369 = arith.addf %parallel_loop3A_367, %parallel_loop3A_368 : vector<16xf32>
        %parallel_loop3A_370 = arith.mulf %broadcast_in_dim3A_87, %parallel_loop3A_369 : vector<16xf32>
        %parallel_loop3A_371 = arith.maximumf %parallel_loop3A_369, %parallel_loop3A_370 : vector<16xf32>
        %parallel_loop3A_372 = arith.constant 17 : i32
        %parallel_loop3A_373 = arith.index_cast %parallel_loop3A_372 : i32 to index
        %parallel_loop3A_374 = arith.constant 0 : index
        %parallel_loop3A_375 = tpu.vector_load %arg15[%parallel_loop3A_373, %parallel_loop3A_374] {strides = array<i32>} : memref<32x16xf32, #tpu.memory_space<vmem>>, vector<16xf32>,
        %parallel_loop3A_376 = arith.mulf %parallel_loop3A_375, %parallel_loop3A_371 : vector<16xf32>
        %parallel_loop3A_377 = arith.addf %parallel_loop3A_362, %parallel_loop3A_376 : vector<16xf32>
        %parallel_loop3A_378 = arith.constant 18 : i32
        %parallel_loop3A_379 = vector.broadcast %parallel_loop3A_378 : i32 to vector<16xi32>
        %parallel_loop3A_380 = arith.addi %iota3A, %parallel_loop3A_379 : vector<16xi32>
        %parallel_loop3A_381 = arith.andi %parallel_loop3A_380, %broadcast_in_dim3A_89 : vector<16xi32>
        %parallel_loop3A_382 = tpu.vector_load_idx %arg11[%parallel_loop3A_105, %parallel_loop3A_381] : memref<400x32xf32, #tpu.memory_space<vmem>>[vector<16xi32>, vector<16xi32>], vector<16xf32>,
        %parallel_loop3A_383 = tpu.vector_load_idx %arg12[%parallel_loop3A_105, %parallel_loop3A_381] : memref<400x32xf32, #tpu.memory_space<vmem>>[vector<16xi32>, vector<16xi32>], vector<16xf32>,
        %parallel_loop3A_384 = arith.addf %parallel_loop3A_382, %parallel_loop3A_383 : vector<16xf32>
        %parallel_loop3A_385 = arith.mulf %broadcast_in_dim3A_87, %parallel_loop3A_384 : vector<16xf32>
        %parallel_loop3A_386 = arith.maximumf %parallel_loop3A_384, %parallel_loop3A_385 : vector<16xf32>
        %parallel_loop3A_387 = arith.constant 18 : i32
        %parallel_loop3A_388 = arith.index_cast %parallel_loop3A_387 : i32 to index
        %parallel_loop3A_389 = arith.constant 0 : index
        %parallel_loop3A_390 = tpu.vector_load %arg15[%parallel_loop3A_388, %parallel_loop3A_389] {strides = array<i32>} : memref<32x16xf32, #tpu.memory_space<vmem>>, vector<16xf32>,
        %parallel_loop3A_391 = arith.mulf %parallel_loop3A_390, %parallel_loop3A_386 : vector<16xf32>
        %parallel_loop3A_392 = arith.addf %parallel_loop3A_377, %parallel_loop3A_391 : vector<16xf32>
        %parallel_loop3A_393 = arith.constant 19 : i32
        %parallel_loop3A_394 = vector.broadcast %parallel_loop3A_393 : i32 to vector<16xi32>
        %parallel_loop3A_395 = arith.addi %iota3A, %parallel_loop3A_394 : vector<16xi32>
        %parallel_loop3A_396 = arith.andi %parallel_loop3A_395, %broadcast_in_dim3A_89 : vector<16xi32>
        %parallel_loop3A_397 = tpu.vector_load_idx %arg11[%parallel_loop3A_105, %parallel_loop3A_396] : memref<400x32xf32, #tpu.memory_space<vmem>>[vector<16xi32>, vector<16xi32>], vector<16xf32>,
        %parallel_loop3A_398 = tpu.vector_load_idx %arg12[%parallel_loop3A_105, %parallel_loop3A_396] : memref<400x32xf32, #tpu.memory_space<vmem>>[vector<16xi32>, vector<16xi32>], vector<16xf32>,
        %parallel_loop3A_399 = arith.addf %parallel_loop3A_397, %parallel_loop3A_398 : vector<16xf32>
        %parallel_loop3A_400 = arith.mulf %broadcast_in_dim3A_87, %parallel_loop3A_399 : vector<16xf32>
        %parallel_loop3A_401 = arith.maximumf %parallel_loop3A_399, %parallel_loop3A_400 : vector<16xf32>
        %parallel_loop3A_402 = arith.constant 19 : i32
        %parallel_loop3A_403 = arith.index_cast %parallel_loop3A_402 : i32 to index
        %parallel_loop3A_404 = arith.constant 0 : index
        %parallel_loop3A_405 = tpu.vector_load %arg15[%parallel_loop3A_403, %parallel_loop3A_404] {strides = array<i32>} : memref<32x16xf32, #tpu.memory_space<vmem>>, vector<16xf32>,
        %parallel_loop3A_406 = arith.mulf %parallel_loop3A_405, %parallel_loop3A_401 : vector<16xf32>
        %parallel_loop3A_407 = arith.addf %parallel_loop3A_392, %parallel_loop3A_406 : vector<16xf32>
        %parallel_loop3A_408 = arith.constant 20 : i32
        %parallel_loop3A_409 = vector.broadcast %parallel_loop3A_408 : i32 to vector<16xi32>
        %parallel_loop3A_410 = arith.addi %iota3A, %parallel_loop3A_409 : vector<16xi32>
        %parallel_loop3A_411 = arith.andi %parallel_loop3A_410, %broadcast_in_dim3A_89 : vector<16xi32>
        %parallel_loop3A_412 = tpu.vector_load_idx %arg11[%parallel_loop3A_105, %parallel_loop3A_411] : memref<400x32xf32, #tpu.memory_space<vmem>>[vector<16xi32>, vector<16xi32>], vector<16xf32>,
        %parallel_loop3A_413 = tpu.vector_load_idx %arg12[%parallel_loop3A_105, %parallel_loop3A_411] : memref<400x32xf32, #tpu.memory_space<vmem>>[vector<16xi32>, vector<16xi32>], vector<16xf32>,
        %parallel_loop3A_414 = arith.addf %parallel_loop3A_412, %parallel_loop3A_413 : vector<16xf32>
        %parallel_loop3A_415 = arith.mulf %broadcast_in_dim3A_87, %parallel_loop3A_414 : vector<16xf32>
        %parallel_loop3A_416 = arith.maximumf %parallel_loop3A_414, %parallel_loop3A_415 : vector<16xf32>
        %parallel_loop3A_417 = arith.constant 20 : i32
        %parallel_loop3A_418 = arith.index_cast %parallel_loop3A_417 : i32 to index
        %parallel_loop3A_419 = arith.constant 0 : index
        %parallel_loop3A_420 = tpu.vector_load %arg15[%parallel_loop3A_418, %parallel_loop3A_419] {strides = array<i32>} : memref<32x16xf32, #tpu.memory_space<vmem>>, vector<16xf32>,
        %parallel_loop3A_421 = arith.mulf %parallel_loop3A_420, %parallel_loop3A_416 : vector<16xf32>
        %parallel_loop3A_422 = arith.addf %parallel_loop3A_407, %parallel_loop3A_421 : vector<16xf32>
        %parallel_loop3A_423 = arith.constant 21 : i32
        %parallel_loop3A_424 = vector.broadcast %parallel_loop3A_423 : i32 to vector<16xi32>
        %parallel_loop3A_425 = arith.addi %iota3A, %parallel_loop3A_424 : vector<16xi32>
        %parallel_loop3A_426 = arith.andi %parallel_loop3A_425, %broadcast_in_dim3A_89 : vector<16xi32>
        %parallel_loop3A_427 = tpu.vector_load_idx %arg11[%parallel_loop3A_105, %parallel_loop3A_426] : memref<400x32xf32, #tpu.memory_space<vmem>>[vector<16xi32>, vector<16xi32>], vector<16xf32>,
        %parallel_loop3A_428 = tpu.vector_load_idx %arg12[%parallel_loop3A_105, %parallel_loop3A_426] : memref<400x32xf32, #tpu.memory_space<vmem>>[vector<16xi32>, vector<16xi32>], vector<16xf32>,
        %parallel_loop3A_429 = arith.addf %parallel_loop3A_427, %parallel_loop3A_428 : vector<16xf32>
        %parallel_loop3A_430 = arith.mulf %broadcast_in_dim3A_87, %parallel_loop3A_429 : vector<16xf32>
        %parallel_loop3A_431 = arith.maximumf %parallel_loop3A_429, %parallel_loop3A_430 : vector<16xf32>
        %parallel_loop3A_432 = arith.constant 21 : i32
        %parallel_loop3A_433 = arith.index_cast %parallel_loop3A_432 : i32 to index
        %parallel_loop3A_434 = arith.constant 0 : index
        %parallel_loop3A_435 = tpu.vector_load %arg15[%parallel_loop3A_433, %parallel_loop3A_434] {strides = array<i32>} : memref<32x16xf32, #tpu.memory_space<vmem>>, vector<16xf32>,
        %parallel_loop3A_436 = arith.mulf %parallel_loop3A_435, %parallel_loop3A_431 : vector<16xf32>
        %parallel_loop3A_437 = arith.addf %parallel_loop3A_422, %parallel_loop3A_436 : vector<16xf32>
        %parallel_loop3A_438 = arith.constant 22 : i32
        %parallel_loop3A_439 = vector.broadcast %parallel_loop3A_438 : i32 to vector<16xi32>
        %parallel_loop3A_440 = arith.addi %iota3A, %parallel_loop3A_439 : vector<16xi32>
        %parallel_loop3A_441 = arith.andi %parallel_loop3A_440, %broadcast_in_dim3A_89 : vector<16xi32>
        %parallel_loop3A_442 = tpu.vector_load_idx %arg11[%parallel_loop3A_105, %parallel_loop3A_441] : memref<400x32xf32, #tpu.memory_space<vmem>>[vector<16xi32>, vector<16xi32>], vector<16xf32>,
        %parallel_loop3A_443 = tpu.vector_load_idx %arg12[%parallel_loop3A_105, %parallel_loop3A_441] : memref<400x32xf32, #tpu.memory_space<vmem>>[vector<16xi32>, vector<16xi32>], vector<16xf32>,
        %parallel_loop3A_444 = arith.addf %parallel_loop3A_442, %parallel_loop3A_443 : vector<16xf32>
        %parallel_loop3A_445 = arith.mulf %broadcast_in_dim3A_87, %parallel_loop3A_444 : vector<16xf32>
        %parallel_loop3A_446 = arith.maximumf %parallel_loop3A_444, %parallel_loop3A_445 : vector<16xf32>
        %parallel_loop3A_447 = arith.constant 22 : i32
        %parallel_loop3A_448 = arith.index_cast %parallel_loop3A_447 : i32 to index
        %parallel_loop3A_449 = arith.constant 0 : index
        %parallel_loop3A_450 = tpu.vector_load %arg15[%parallel_loop3A_448, %parallel_loop3A_449] {strides = array<i32>} : memref<32x16xf32, #tpu.memory_space<vmem>>, vector<16xf32>,
        %parallel_loop3A_451 = arith.mulf %parallel_loop3A_450, %parallel_loop3A_446 : vector<16xf32>
        %parallel_loop3A_452 = arith.addf %parallel_loop3A_437, %parallel_loop3A_451 : vector<16xf32>
        %parallel_loop3A_453 = arith.constant 23 : i32
        %parallel_loop3A_454 = vector.broadcast %parallel_loop3A_453 : i32 to vector<16xi32>
        %parallel_loop3A_455 = arith.addi %iota3A, %parallel_loop3A_454 : vector<16xi32>
        %parallel_loop3A_456 = arith.andi %parallel_loop3A_455, %broadcast_in_dim3A_89 : vector<16xi32>
        %parallel_loop3A_457 = tpu.vector_load_idx %arg11[%parallel_loop3A_105, %parallel_loop3A_456] : memref<400x32xf32, #tpu.memory_space<vmem>>[vector<16xi32>, vector<16xi32>], vector<16xf32>,
        %parallel_loop3A_458 = tpu.vector_load_idx %arg12[%parallel_loop3A_105, %parallel_loop3A_456] : memref<400x32xf32, #tpu.memory_space<vmem>>[vector<16xi32>, vector<16xi32>], vector<16xf32>,
        %parallel_loop3A_459 = arith.addf %parallel_loop3A_457, %parallel_loop3A_458 : vector<16xf32>
        %parallel_loop3A_460 = arith.mulf %broadcast_in_dim3A_87, %parallel_loop3A_459 : vector<16xf32>
        %parallel_loop3A_461 = arith.maximumf %parallel_loop3A_459, %parallel_loop3A_460 : vector<16xf32>
        %parallel_loop3A_462 = arith.constant 23 : i32
        %parallel_loop3A_463 = arith.index_cast %parallel_loop3A_462 : i32 to index
        %parallel_loop3A_464 = arith.constant 0 : index
        %parallel_loop3A_465 = tpu.vector_load %arg15[%parallel_loop3A_463, %parallel_loop3A_464] {strides = array<i32>} : memref<32x16xf32, #tpu.memory_space<vmem>>, vector<16xf32>,
        %parallel_loop3A_466 = arith.mulf %parallel_loop3A_465, %parallel_loop3A_461 : vector<16xf32>
        %parallel_loop3A_467 = arith.addf %parallel_loop3A_452, %parallel_loop3A_466 : vector<16xf32>
        %parallel_loop3A_468 = arith.constant 24 : i32
        %parallel_loop3A_469 = vector.broadcast %parallel_loop3A_468 : i32 to vector<16xi32>
        %parallel_loop3A_470 = arith.addi %iota3A, %parallel_loop3A_469 : vector<16xi32>
        %parallel_loop3A_471 = arith.andi %parallel_loop3A_470, %broadcast_in_dim3A_89 : vector<16xi32>
        %parallel_loop3A_472 = tpu.vector_load_idx %arg11[%parallel_loop3A_105, %parallel_loop3A_471] : memref<400x32xf32, #tpu.memory_space<vmem>>[vector<16xi32>, vector<16xi32>], vector<16xf32>,
        %parallel_loop3A_473 = tpu.vector_load_idx %arg12[%parallel_loop3A_105, %parallel_loop3A_471] : memref<400x32xf32, #tpu.memory_space<vmem>>[vector<16xi32>, vector<16xi32>], vector<16xf32>,
        %parallel_loop3A_474 = arith.addf %parallel_loop3A_472, %parallel_loop3A_473 : vector<16xf32>
        %parallel_loop3A_475 = arith.mulf %broadcast_in_dim3A_87, %parallel_loop3A_474 : vector<16xf32>
        %parallel_loop3A_476 = arith.maximumf %parallel_loop3A_474, %parallel_loop3A_475 : vector<16xf32>
        %parallel_loop3A_477 = arith.constant 24 : i32
        %parallel_loop3A_478 = arith.index_cast %parallel_loop3A_477 : i32 to index
        %parallel_loop3A_479 = arith.constant 0 : index
        %parallel_loop3A_480 = tpu.vector_load %arg15[%parallel_loop3A_478, %parallel_loop3A_479] {strides = array<i32>} : memref<32x16xf32, #tpu.memory_space<vmem>>, vector<16xf32>,
        %parallel_loop3A_481 = arith.mulf %parallel_loop3A_480, %parallel_loop3A_476 : vector<16xf32>
        %parallel_loop3A_482 = arith.addf %parallel_loop3A_467, %parallel_loop3A_481 : vector<16xf32>
        %parallel_loop3A_483 = arith.constant 25 : i32
        %parallel_loop3A_484 = vector.broadcast %parallel_loop3A_483 : i32 to vector<16xi32>
        %parallel_loop3A_485 = arith.addi %iota3A, %parallel_loop3A_484 : vector<16xi32>
        %parallel_loop3A_486 = arith.andi %parallel_loop3A_485, %broadcast_in_dim3A_89 : vector<16xi32>
        %parallel_loop3A_487 = tpu.vector_load_idx %arg11[%parallel_loop3A_105, %parallel_loop3A_486] : memref<400x32xf32, #tpu.memory_space<vmem>>[vector<16xi32>, vector<16xi32>], vector<16xf32>,
        %parallel_loop3A_488 = tpu.vector_load_idx %arg12[%parallel_loop3A_105, %parallel_loop3A_486] : memref<400x32xf32, #tpu.memory_space<vmem>>[vector<16xi32>, vector<16xi32>], vector<16xf32>,
        %parallel_loop3A_489 = arith.addf %parallel_loop3A_487, %parallel_loop3A_488 : vector<16xf32>
        %parallel_loop3A_490 = arith.mulf %broadcast_in_dim3A_87, %parallel_loop3A_489 : vector<16xf32>
        %parallel_loop3A_491 = arith.maximumf %parallel_loop3A_489, %parallel_loop3A_490 : vector<16xf32>
        %parallel_loop3A_492 = arith.constant 25 : i32
        %parallel_loop3A_493 = arith.index_cast %parallel_loop3A_492 : i32 to index
        %parallel_loop3A_494 = arith.constant 0 : index
        %parallel_loop3A_495 = tpu.vector_load %arg15[%parallel_loop3A_493, %parallel_loop3A_494] {strides = array<i32>} : memref<32x16xf32, #tpu.memory_space<vmem>>, vector<16xf32>,
        %parallel_loop3A_496 = arith.mulf %parallel_loop3A_495, %parallel_loop3A_491 : vector<16xf32>
        %parallel_loop3A_497 = arith.addf %parallel_loop3A_482, %parallel_loop3A_496 : vector<16xf32>
        %parallel_loop3A_498 = arith.constant 26 : i32
        %parallel_loop3A_499 = vector.broadcast %parallel_loop3A_498 : i32 to vector<16xi32>
        %parallel_loop3A_500 = arith.addi %iota3A, %parallel_loop3A_499 : vector<16xi32>
        %parallel_loop3A_501 = arith.andi %parallel_loop3A_500, %broadcast_in_dim3A_89 : vector<16xi32>
        %parallel_loop3A_502 = tpu.vector_load_idx %arg11[%parallel_loop3A_105, %parallel_loop3A_501] : memref<400x32xf32, #tpu.memory_space<vmem>>[vector<16xi32>, vector<16xi32>], vector<16xf32>,
        %parallel_loop3A_503 = tpu.vector_load_idx %arg12[%parallel_loop3A_105, %parallel_loop3A_501] : memref<400x32xf32, #tpu.memory_space<vmem>>[vector<16xi32>, vector<16xi32>], vector<16xf32>,
        %parallel_loop3A_504 = arith.addf %parallel_loop3A_502, %parallel_loop3A_503 : vector<16xf32>
        %parallel_loop3A_505 = arith.mulf %broadcast_in_dim3A_87, %parallel_loop3A_504 : vector<16xf32>
        %parallel_loop3A_506 = arith.maximumf %parallel_loop3A_504, %parallel_loop3A_505 : vector<16xf32>
        %parallel_loop3A_507 = arith.constant 26 : i32
        %parallel_loop3A_508 = arith.index_cast %parallel_loop3A_507 : i32 to index
        %parallel_loop3A_509 = arith.constant 0 : index
        %parallel_loop3A_510 = tpu.vector_load %arg15[%parallel_loop3A_508, %parallel_loop3A_509] {strides = array<i32>} : memref<32x16xf32, #tpu.memory_space<vmem>>, vector<16xf32>,
        %parallel_loop3A_511 = arith.mulf %parallel_loop3A_510, %parallel_loop3A_506 : vector<16xf32>
        %parallel_loop3A_512 = arith.addf %parallel_loop3A_497, %parallel_loop3A_511 : vector<16xf32>
        %parallel_loop3A_513 = arith.constant 27 : i32
        %parallel_loop3A_514 = vector.broadcast %parallel_loop3A_513 : i32 to vector<16xi32>
        %parallel_loop3A_515 = arith.addi %iota3A, %parallel_loop3A_514 : vector<16xi32>
        %parallel_loop3A_516 = arith.andi %parallel_loop3A_515, %broadcast_in_dim3A_89 : vector<16xi32>
        %parallel_loop3A_517 = tpu.vector_load_idx %arg11[%parallel_loop3A_105, %parallel_loop3A_516] : memref<400x32xf32, #tpu.memory_space<vmem>>[vector<16xi32>, vector<16xi32>], vector<16xf32>,
        %parallel_loop3A_518 = tpu.vector_load_idx %arg12[%parallel_loop3A_105, %parallel_loop3A_516] : memref<400x32xf32, #tpu.memory_space<vmem>>[vector<16xi32>, vector<16xi32>], vector<16xf32>,
        %parallel_loop3A_519 = arith.addf %parallel_loop3A_517, %parallel_loop3A_518 : vector<16xf32>
        %parallel_loop3A_520 = arith.mulf %broadcast_in_dim3A_87, %parallel_loop3A_519 : vector<16xf32>
        %parallel_loop3A_521 = arith.maximumf %parallel_loop3A_519, %parallel_loop3A_520 : vector<16xf32>
        %parallel_loop3A_522 = arith.constant 27 : i32
        %parallel_loop3A_523 = arith.index_cast %parallel_loop3A_522 : i32 to index
        %parallel_loop3A_524 = arith.constant 0 : index
        %parallel_loop3A_525 = tpu.vector_load %arg15[%parallel_loop3A_523, %parallel_loop3A_524] {strides = array<i32>} : memref<32x16xf32, #tpu.memory_space<vmem>>, vector<16xf32>,
        %parallel_loop3A_526 = arith.mulf %parallel_loop3A_525, %parallel_loop3A_521 : vector<16xf32>
        %parallel_loop3A_527 = arith.addf %parallel_loop3A_512, %parallel_loop3A_526 : vector<16xf32>
        %parallel_loop3A_528 = arith.constant 28 : i32
        %parallel_loop3A_529 = vector.broadcast %parallel_loop3A_528 : i32 to vector<16xi32>
        %parallel_loop3A_530 = arith.addi %iota3A, %parallel_loop3A_529 : vector<16xi32>
        %parallel_loop3A_531 = arith.andi %parallel_loop3A_530, %broadcast_in_dim3A_89 : vector<16xi32>
        %parallel_loop3A_532 = tpu.vector_load_idx %arg11[%parallel_loop3A_105, %parallel_loop3A_531] : memref<400x32xf32, #tpu.memory_space<vmem>>[vector<16xi32>, vector<16xi32>], vector<16xf32>,
        %parallel_loop3A_533 = tpu.vector_load_idx %arg12[%parallel_loop3A_105, %parallel_loop3A_531] : memref<400x32xf32, #tpu.memory_space<vmem>>[vector<16xi32>, vector<16xi32>], vector<16xf32>,
        %parallel_loop3A_534 = arith.addf %parallel_loop3A_532, %parallel_loop3A_533 : vector<16xf32>
        %parallel_loop3A_535 = arith.mulf %broadcast_in_dim3A_87, %parallel_loop3A_534 : vector<16xf32>
        %parallel_loop3A_536 = arith.maximumf %parallel_loop3A_534, %parallel_loop3A_535 : vector<16xf32>
        %parallel_loop3A_537 = arith.constant 28 : i32
        %parallel_loop3A_538 = arith.index_cast %parallel_loop3A_537 : i32 to index
        %parallel_loop3A_539 = arith.constant 0 : index
        %parallel_loop3A_540 = tpu.vector_load %arg15[%parallel_loop3A_538, %parallel_loop3A_539] {strides = array<i32>} : memref<32x16xf32, #tpu.memory_space<vmem>>, vector<16xf32>,
        %parallel_loop3A_541 = arith.mulf %parallel_loop3A_540, %parallel_loop3A_536 : vector<16xf32>
        %parallel_loop3A_542 = arith.addf %parallel_loop3A_527, %parallel_loop3A_541 : vector<16xf32>
        %parallel_loop3A_543 = arith.constant 29 : i32
        %parallel_loop3A_544 = vector.broadcast %parallel_loop3A_543 : i32 to vector<16xi32>
        %parallel_loop3A_545 = arith.addi %iota3A, %parallel_loop3A_544 : vector<16xi32>
        %parallel_loop3A_546 = arith.andi %parallel_loop3A_545, %broadcast_in_dim3A_89 : vector<16xi32>
        %parallel_loop3A_547 = tpu.vector_load_idx %arg11[%parallel_loop3A_105, %parallel_loop3A_546] : memref<400x32xf32, #tpu.memory_space<vmem>>[vector<16xi32>, vector<16xi32>], vector<16xf32>,
        %parallel_loop3A_548 = tpu.vector_load_idx %arg12[%parallel_loop3A_105, %parallel_loop3A_546] : memref<400x32xf32, #tpu.memory_space<vmem>>[vector<16xi32>, vector<16xi32>], vector<16xf32>,
        %parallel_loop3A_549 = arith.addf %parallel_loop3A_547, %parallel_loop3A_548 : vector<16xf32>
        %parallel_loop3A_550 = arith.mulf %broadcast_in_dim3A_87, %parallel_loop3A_549 : vector<16xf32>
        %parallel_loop3A_551 = arith.maximumf %parallel_loop3A_549, %parallel_loop3A_550 : vector<16xf32>
        %parallel_loop3A_552 = arith.constant 29 : i32
        %parallel_loop3A_553 = arith.index_cast %parallel_loop3A_552 : i32 to index
        %parallel_loop3A_554 = arith.constant 0 : index
        %parallel_loop3A_555 = tpu.vector_load %arg15[%parallel_loop3A_553, %parallel_loop3A_554] {strides = array<i32>} : memref<32x16xf32, #tpu.memory_space<vmem>>, vector<16xf32>,
        %parallel_loop3A_556 = arith.mulf %parallel_loop3A_555, %parallel_loop3A_551 : vector<16xf32>
        %parallel_loop3A_557 = arith.addf %parallel_loop3A_542, %parallel_loop3A_556 : vector<16xf32>
        %parallel_loop3A_558 = arith.constant 30 : i32
        %parallel_loop3A_559 = vector.broadcast %parallel_loop3A_558 : i32 to vector<16xi32>
        %parallel_loop3A_560 = arith.addi %iota3A, %parallel_loop3A_559 : vector<16xi32>
        %parallel_loop3A_561 = arith.andi %parallel_loop3A_560, %broadcast_in_dim3A_89 : vector<16xi32>
        %parallel_loop3A_562 = tpu.vector_load_idx %arg11[%parallel_loop3A_105, %parallel_loop3A_561] : memref<400x32xf32, #tpu.memory_space<vmem>>[vector<16xi32>, vector<16xi32>], vector<16xf32>,
        %parallel_loop3A_563 = tpu.vector_load_idx %arg12[%parallel_loop3A_105, %parallel_loop3A_561] : memref<400x32xf32, #tpu.memory_space<vmem>>[vector<16xi32>, vector<16xi32>], vector<16xf32>,
        %parallel_loop3A_564 = arith.addf %parallel_loop3A_562, %parallel_loop3A_563 : vector<16xf32>
        %parallel_loop3A_565 = arith.mulf %broadcast_in_dim3A_87, %parallel_loop3A_564 : vector<16xf32>
        %parallel_loop3A_566 = arith.maximumf %parallel_loop3A_564, %parallel_loop3A_565 : vector<16xf32>
        %parallel_loop3A_567 = arith.constant 30 : i32
        %parallel_loop3A_568 = arith.index_cast %parallel_loop3A_567 : i32 to index
        %parallel_loop3A_569 = arith.constant 0 : index
        %parallel_loop3A_570 = tpu.vector_load %arg15[%parallel_loop3A_568, %parallel_loop3A_569] {strides = array<i32>} : memref<32x16xf32, #tpu.memory_space<vmem>>, vector<16xf32>,
        %parallel_loop3A_571 = arith.mulf %parallel_loop3A_570, %parallel_loop3A_566 : vector<16xf32>
        %parallel_loop3A_572 = arith.addf %parallel_loop3A_557, %parallel_loop3A_571 : vector<16xf32>
        %parallel_loop3A_573 = arith.constant 31 : i32
        %parallel_loop3A_574 = vector.broadcast %parallel_loop3A_573 : i32 to vector<16xi32>
        %parallel_loop3A_575 = arith.addi %iota3A, %parallel_loop3A_574 : vector<16xi32>
        %parallel_loop3A_576 = arith.andi %parallel_loop3A_575, %broadcast_in_dim3A_89 : vector<16xi32>
        %parallel_loop3A_577 = tpu.vector_load_idx %arg11[%parallel_loop3A_105, %parallel_loop3A_576] : memref<400x32xf32, #tpu.memory_space<vmem>>[vector<16xi32>, vector<16xi32>], vector<16xf32>,
        %parallel_loop3A_578 = tpu.vector_load_idx %arg12[%parallel_loop3A_105, %parallel_loop3A_576] : memref<400x32xf32, #tpu.memory_space<vmem>>[vector<16xi32>, vector<16xi32>], vector<16xf32>,
        %parallel_loop3A_579 = arith.addf %parallel_loop3A_577, %parallel_loop3A_578 : vector<16xf32>
        %parallel_loop3A_580 = arith.mulf %broadcast_in_dim3A_87, %parallel_loop3A_579 : vector<16xf32>
        %parallel_loop3A_581 = arith.maximumf %parallel_loop3A_579, %parallel_loop3A_580 : vector<16xf32>
        %parallel_loop3A_582 = arith.constant 31 : i32
        %parallel_loop3A_583 = arith.index_cast %parallel_loop3A_582 : i32 to index
        %parallel_loop3A_584 = arith.constant 0 : index
        %parallel_loop3A_585 = tpu.vector_load %arg15[%parallel_loop3A_583, %parallel_loop3A_584] {strides = array<i32>} : memref<32x16xf32, #tpu.memory_space<vmem>>, vector<16xf32>,
        %parallel_loop3A_586 = arith.mulf %parallel_loop3A_585, %parallel_loop3A_581 : vector<16xf32>
        %parallel_loop3A_587 = arith.addf %parallel_loop3A_572, %parallel_loop3A_586 : vector<16xf32>
        %parallel_loop3A_588 = math.exp %parallel_loop3A_587 : vector<16xf32>
        %parallel_loop3A_589 = arith.index_cast %parallel_loop3A_103 : i32 to index
        %parallel_loop3A_590 = tpu.vector_load %arg14[%parallel_loop3A_589] {strides = array<i32>} : memref<400xf32, #tpu.memory_space<vmem>>, vector<16xf32>,
        tpu.vector_store %arg14[%parallel_loop3A_589], %parallel_loop3A_588 {strides = array<i32>} : memref<400xf32, #tpu.memory_space<vmem>>, vector<16xf32>,
        %parallel_loop3A_591 = arith.constant 0 : i32
        %parallel_loop3A_592 = vector.broadcast %parallel_loop3A_591 : i32 to vector<16xi32>
        %parallel_loop3A_593 = arith.addi %iota3A, %parallel_loop3A_592 : vector<16xi32>
        %parallel_loop3A_594 = arith.andi %parallel_loop3A_593, %broadcast_in_dim3A_89 : vector<16xi32>
        %parallel_loop3A_595 = tpu.vector_load_idx %arg11[%parallel_loop3A_105, %parallel_loop3A_594] : memref<400x32xf32, #tpu.memory_space<vmem>>[vector<16xi32>, vector<16xi32>], vector<16xf32>,
        %parallel_loop3A_596 = arith.mulf %parallel_loop3A_588, %parallel_loop3A_595 : vector<16xf32>
        tpu.vector_store_idx %arg13[%parallel_loop3A_105, %parallel_loop3A_594], %parallel_loop3A_596 : memref<400x32xf32, #tpu.memory_space<vmem>>[vector<16xi32>, vector<16xi32>], vector<16xf32>,
        %parallel_loop3A_597 = arith.constant 1 : i32
        %parallel_loop3A_598 = vector.broadcast %parallel_loop3A_597 : i32 to vector<16xi32>
        %parallel_loop3A_599 = arith.addi %iota3A, %parallel_loop3A_598 : vector<16xi32>
        %parallel_loop3A_600 = arith.andi %parallel_loop3A_599, %broadcast_in_dim3A_89 : vector<16xi32>
        %parallel_loop3A_601 = tpu.vector_load_idx %arg11[%parallel_loop3A_105, %parallel_loop3A_600] : memref<400x32xf32, #tpu.memory_space<vmem>>[vector<16xi32>, vector<16xi32>], vector<16xf32>,
        %parallel_loop3A_602 = arith.mulf %parallel_loop3A_588, %parallel_loop3A_601 : vector<16xf32>
        tpu.vector_store_idx %arg13[%parallel_loop3A_105, %parallel_loop3A_600], %parallel_loop3A_602 : memref<400x32xf32, #tpu.memory_space<vmem>>[vector<16xi32>, vector<16xi32>], vector<16xf32>,
        %parallel_loop3A_603 = arith.constant 2 : i32
        %parallel_loop3A_604 = vector.broadcast %parallel_loop3A_603 : i32 to vector<16xi32>
        %parallel_loop3A_605 = arith.addi %iota3A, %parallel_loop3A_604 : vector<16xi32>
        %parallel_loop3A_606 = arith.andi %parallel_loop3A_605, %broadcast_in_dim3A_89 : vector<16xi32>
        %parallel_loop3A_607 = tpu.vector_load_idx %arg11[%parallel_loop3A_105, %parallel_loop3A_606] : memref<400x32xf32, #tpu.memory_space<vmem>>[vector<16xi32>, vector<16xi32>], vector<16xf32>,
        %parallel_loop3A_608 = arith.mulf %parallel_loop3A_588, %parallel_loop3A_607 : vector<16xf32>
        tpu.vector_store_idx %arg13[%parallel_loop3A_105, %parallel_loop3A_606], %parallel_loop3A_608 : memref<400x32xf32, #tpu.memory_space<vmem>>[vector<16xi32>, vector<16xi32>], vector<16xf32>,
        %parallel_loop3A_609 = arith.constant 3 : i32
        %parallel_loop3A_610 = vector.broadcast %parallel_loop3A_609 : i32 to vector<16xi32>
        %parallel_loop3A_611 = arith.addi %iota3A, %parallel_loop3A_610 : vector<16xi32>
        %parallel_loop3A_612 = arith.andi %parallel_loop3A_611, %broadcast_in_dim3A_89 : vector<16xi32>
        %parallel_loop3A_613 = tpu.vector_load_idx %arg11[%parallel_loop3A_105, %parallel_loop3A_612] : memref<400x32xf32, #tpu.memory_space<vmem>>[vector<16xi32>, vector<16xi32>], vector<16xf32>,
        %parallel_loop3A_614 = arith.mulf %parallel_loop3A_588, %parallel_loop3A_613 : vector<16xf32>
        tpu.vector_store_idx %arg13[%parallel_loop3A_105, %parallel_loop3A_612], %parallel_loop3A_614 : memref<400x32xf32, #tpu.memory_space<vmem>>[vector<16xi32>, vector<16xi32>], vector<16xf32>,
        %parallel_loop3A_615 = arith.constant 4 : i32
        %parallel_loop3A_616 = vector.broadcast %parallel_loop3A_615 : i32 to vector<16xi32>
        %parallel_loop3A_617 = arith.addi %iota3A, %parallel_loop3A_616 : vector<16xi32>
        %parallel_loop3A_618 = arith.andi %parallel_loop3A_617, %broadcast_in_dim3A_89 : vector<16xi32>
        %parallel_loop3A_619 = tpu.vector_load_idx %arg11[%parallel_loop3A_105, %parallel_loop3A_618] : memref<400x32xf32, #tpu.memory_space<vmem>>[vector<16xi32>, vector<16xi32>], vector<16xf32>,
        %parallel_loop3A_620 = arith.mulf %parallel_loop3A_588, %parallel_loop3A_619 : vector<16xf32>
        tpu.vector_store_idx %arg13[%parallel_loop3A_105, %parallel_loop3A_618], %parallel_loop3A_620 : memref<400x32xf32, #tpu.memory_space<vmem>>[vector<16xi32>, vector<16xi32>], vector<16xf32>,
        %parallel_loop3A_621 = arith.constant 5 : i32
        %parallel_loop3A_622 = vector.broadcast %parallel_loop3A_621 : i32 to vector<16xi32>
        %parallel_loop3A_623 = arith.addi %iota3A, %parallel_loop3A_622 : vector<16xi32>
        %parallel_loop3A_624 = arith.andi %parallel_loop3A_623, %broadcast_in_dim3A_89 : vector<16xi32>
        %parallel_loop3A_625 = tpu.vector_load_idx %arg11[%parallel_loop3A_105, %parallel_loop3A_624] : memref<400x32xf32, #tpu.memory_space<vmem>>[vector<16xi32>, vector<16xi32>], vector<16xf32>,
        %parallel_loop3A_626 = arith.mulf %parallel_loop3A_588, %parallel_loop3A_625 : vector<16xf32>
        tpu.vector_store_idx %arg13[%parallel_loop3A_105, %parallel_loop3A_624], %parallel_loop3A_626 : memref<400x32xf32, #tpu.memory_space<vmem>>[vector<16xi32>, vector<16xi32>], vector<16xf32>,
        %parallel_loop3A_627 = arith.constant 6 : i32
        %parallel_loop3A_628 = vector.broadcast %parallel_loop3A_627 : i32 to vector<16xi32>
        %parallel_loop3A_629 = arith.addi %iota3A, %parallel_loop3A_628 : vector<16xi32>
        %parallel_loop3A_630 = arith.andi %parallel_loop3A_629, %broadcast_in_dim3A_89 : vector<16xi32>
        %parallel_loop3A_631 = tpu.vector_load_idx %arg11[%parallel_loop3A_105, %parallel_loop3A_630] : memref<400x32xf32, #tpu.memory_space<vmem>>[vector<16xi32>, vector<16xi32>], vector<16xf32>,
        %parallel_loop3A_632 = arith.mulf %parallel_loop3A_588, %parallel_loop3A_631 : vector<16xf32>
        tpu.vector_store_idx %arg13[%parallel_loop3A_105, %parallel_loop3A_630], %parallel_loop3A_632 : memref<400x32xf32, #tpu.memory_space<vmem>>[vector<16xi32>, vector<16xi32>], vector<16xf32>,
        %parallel_loop3A_633 = arith.constant 7 : i32
        %parallel_loop3A_634 = vector.broadcast %parallel_loop3A_633 : i32 to vector<16xi32>
        %parallel_loop3A_635 = arith.addi %iota3A, %parallel_loop3A_634 : vector<16xi32>
        %parallel_loop3A_636 = arith.andi %parallel_loop3A_635, %broadcast_in_dim3A_89 : vector<16xi32>
        %parallel_loop3A_637 = tpu.vector_load_idx %arg11[%parallel_loop3A_105, %parallel_loop3A_636] : memref<400x32xf32, #tpu.memory_space<vmem>>[vector<16xi32>, vector<16xi32>], vector<16xf32>,
        %parallel_loop3A_638 = arith.mulf %parallel_loop3A_588, %parallel_loop3A_637 : vector<16xf32>
        tpu.vector_store_idx %arg13[%parallel_loop3A_105, %parallel_loop3A_636], %parallel_loop3A_638 : memref<400x32xf32, #tpu.memory_space<vmem>>[vector<16xi32>, vector<16xi32>], vector<16xf32>,
        %parallel_loop3A_639 = arith.constant 8 : i32
        %parallel_loop3A_640 = vector.broadcast %parallel_loop3A_639 : i32 to vector<16xi32>
        %parallel_loop3A_641 = arith.addi %iota3A, %parallel_loop3A_640 : vector<16xi32>
        %parallel_loop3A_642 = arith.andi %parallel_loop3A_641, %broadcast_in_dim3A_89 : vector<16xi32>
        %parallel_loop3A_643 = tpu.vector_load_idx %arg11[%parallel_loop3A_105, %parallel_loop3A_642] : memref<400x32xf32, #tpu.memory_space<vmem>>[vector<16xi32>, vector<16xi32>], vector<16xf32>,
        %parallel_loop3A_644 = arith.mulf %parallel_loop3A_588, %parallel_loop3A_643 : vector<16xf32>
        tpu.vector_store_idx %arg13[%parallel_loop3A_105, %parallel_loop3A_642], %parallel_loop3A_644 : memref<400x32xf32, #tpu.memory_space<vmem>>[vector<16xi32>, vector<16xi32>], vector<16xf32>,
        %parallel_loop3A_645 = arith.constant 9 : i32
        %parallel_loop3A_646 = vector.broadcast %parallel_loop3A_645 : i32 to vector<16xi32>
        %parallel_loop3A_647 = arith.addi %iota3A, %parallel_loop3A_646 : vector<16xi32>
        %parallel_loop3A_648 = arith.andi %parallel_loop3A_647, %broadcast_in_dim3A_89 : vector<16xi32>
        %parallel_loop3A_649 = tpu.vector_load_idx %arg11[%parallel_loop3A_105, %parallel_loop3A_648] : memref<400x32xf32, #tpu.memory_space<vmem>>[vector<16xi32>, vector<16xi32>], vector<16xf32>,
        %parallel_loop3A_650 = arith.mulf %parallel_loop3A_588, %parallel_loop3A_649 : vector<16xf32>
        tpu.vector_store_idx %arg13[%parallel_loop3A_105, %parallel_loop3A_648], %parallel_loop3A_650 : memref<400x32xf32, #tpu.memory_space<vmem>>[vector<16xi32>, vector<16xi32>], vector<16xf32>,
        %parallel_loop3A_651 = arith.constant 10 : i32
        %parallel_loop3A_652 = vector.broadcast %parallel_loop3A_651 : i32 to vector<16xi32>
        %parallel_loop3A_653 = arith.addi %iota3A, %parallel_loop3A_652 : vector<16xi32>
        %parallel_loop3A_654 = arith.andi %parallel_loop3A_653, %broadcast_in_dim3A_89 : vector<16xi32>
        %parallel_loop3A_655 = tpu.vector_load_idx %arg11[%parallel_loop3A_105, %parallel_loop3A_654] : memref<400x32xf32, #tpu.memory_space<vmem>>[vector<16xi32>, vector<16xi32>], vector<16xf32>,
        %parallel_loop3A_656 = arith.mulf %parallel_loop3A_588, %parallel_loop3A_655 : vector<16xf32>
        tpu.vector_store_idx %arg13[%parallel_loop3A_105, %parallel_loop3A_654], %parallel_loop3A_656 : memref<400x32xf32, #tpu.memory_space<vmem>>[vector<16xi32>, vector<16xi32>], vector<16xf32>,
        %parallel_loop3A_657 = arith.constant 11 : i32
        %parallel_loop3A_658 = vector.broadcast %parallel_loop3A_657 : i32 to vector<16xi32>
        %parallel_loop3A_659 = arith.addi %iota3A, %parallel_loop3A_658 : vector<16xi32>
        %parallel_loop3A_660 = arith.andi %parallel_loop3A_659, %broadcast_in_dim3A_89 : vector<16xi32>
        %parallel_loop3A_661 = tpu.vector_load_idx %arg11[%parallel_loop3A_105, %parallel_loop3A_660] : memref<400x32xf32, #tpu.memory_space<vmem>>[vector<16xi32>, vector<16xi32>], vector<16xf32>,
        %parallel_loop3A_662 = arith.mulf %parallel_loop3A_588, %parallel_loop3A_661 : vector<16xf32>
        tpu.vector_store_idx %arg13[%parallel_loop3A_105, %parallel_loop3A_660], %parallel_loop3A_662 : memref<400x32xf32, #tpu.memory_space<vmem>>[vector<16xi32>, vector<16xi32>], vector<16xf32>,
        %parallel_loop3A_663 = arith.constant 12 : i32
        %parallel_loop3A_664 = vector.broadcast %parallel_loop3A_663 : i32 to vector<16xi32>
        %parallel_loop3A_665 = arith.addi %iota3A, %parallel_loop3A_664 : vector<16xi32>
        %parallel_loop3A_666 = arith.andi %parallel_loop3A_665, %broadcast_in_dim3A_89 : vector<16xi32>
        %parallel_loop3A_667 = tpu.vector_load_idx %arg11[%parallel_loop3A_105, %parallel_loop3A_666] : memref<400x32xf32, #tpu.memory_space<vmem>>[vector<16xi32>, vector<16xi32>], vector<16xf32>,
        %parallel_loop3A_668 = arith.mulf %parallel_loop3A_588, %parallel_loop3A_667 : vector<16xf32>
        tpu.vector_store_idx %arg13[%parallel_loop3A_105, %parallel_loop3A_666], %parallel_loop3A_668 : memref<400x32xf32, #tpu.memory_space<vmem>>[vector<16xi32>, vector<16xi32>], vector<16xf32>,
        %parallel_loop3A_669 = arith.constant 13 : i32
        %parallel_loop3A_670 = vector.broadcast %parallel_loop3A_669 : i32 to vector<16xi32>
        %parallel_loop3A_671 = arith.addi %iota3A, %parallel_loop3A_670 : vector<16xi32>
        %parallel_loop3A_672 = arith.andi %parallel_loop3A_671, %broadcast_in_dim3A_89 : vector<16xi32>
        %parallel_loop3A_673 = tpu.vector_load_idx %arg11[%parallel_loop3A_105, %parallel_loop3A_672] : memref<400x32xf32, #tpu.memory_space<vmem>>[vector<16xi32>, vector<16xi32>], vector<16xf32>,
        %parallel_loop3A_674 = arith.mulf %parallel_loop3A_588, %parallel_loop3A_673 : vector<16xf32>
        tpu.vector_store_idx %arg13[%parallel_loop3A_105, %parallel_loop3A_672], %parallel_loop3A_674 : memref<400x32xf32, #tpu.memory_space<vmem>>[vector<16xi32>, vector<16xi32>], vector<16xf32>,
        %parallel_loop3A_675 = arith.constant 14 : i32
        %parallel_loop3A_676 = vector.broadcast %parallel_loop3A_675 : i32 to vector<16xi32>
        %parallel_loop3A_677 = arith.addi %iota3A, %parallel_loop3A_676 : vector<16xi32>
        %parallel_loop3A_678 = arith.andi %parallel_loop3A_677, %broadcast_in_dim3A_89 : vector<16xi32>
        %parallel_loop3A_679 = tpu.vector_load_idx %arg11[%parallel_loop3A_105, %parallel_loop3A_678] : memref<400x32xf32, #tpu.memory_space<vmem>>[vector<16xi32>, vector<16xi32>], vector<16xf32>,
        %parallel_loop3A_680 = arith.mulf %parallel_loop3A_588, %parallel_loop3A_679 : vector<16xf32>
        tpu.vector_store_idx %arg13[%parallel_loop3A_105, %parallel_loop3A_678], %parallel_loop3A_680 : memref<400x32xf32, #tpu.memory_space<vmem>>[vector<16xi32>, vector<16xi32>], vector<16xf32>,
        %parallel_loop3A_681 = arith.constant 15 : i32
        %parallel_loop3A_682 = vector.broadcast %parallel_loop3A_681 : i32 to vector<16xi32>
        %parallel_loop3A_683 = arith.addi %iota3A, %parallel_loop3A_682 : vector<16xi32>
        %parallel_loop3A_684 = arith.andi %parallel_loop3A_683, %broadcast_in_dim3A_89 : vector<16xi32>
        %parallel_loop3A_685 = tpu.vector_load_idx %arg11[%parallel_loop3A_105, %parallel_loop3A_684] : memref<400x32xf32, #tpu.memory_space<vmem>>[vector<16xi32>, vector<16xi32>], vector<16xf32>,
        %parallel_loop3A_686 = arith.mulf %parallel_loop3A_588, %parallel_loop3A_685 : vector<16xf32>
        tpu.vector_store_idx %arg13[%parallel_loop3A_105, %parallel_loop3A_684], %parallel_loop3A_686 : memref<400x32xf32, #tpu.memory_space<vmem>>[vector<16xi32>, vector<16xi32>], vector<16xf32>,
        %parallel_loop3A_687 = arith.constant 16 : i32
        %parallel_loop3A_688 = vector.broadcast %parallel_loop3A_687 : i32 to vector<16xi32>
        %parallel_loop3A_689 = arith.addi %iota3A, %parallel_loop3A_688 : vector<16xi32>
        %parallel_loop3A_690 = arith.andi %parallel_loop3A_689, %broadcast_in_dim3A_89 : vector<16xi32>
        %parallel_loop3A_691 = tpu.vector_load_idx %arg11[%parallel_loop3A_105, %parallel_loop3A_690] : memref<400x32xf32, #tpu.memory_space<vmem>>[vector<16xi32>, vector<16xi32>], vector<16xf32>,
        %parallel_loop3A_692 = arith.mulf %parallel_loop3A_588, %parallel_loop3A_691 : vector<16xf32>
        tpu.vector_store_idx %arg13[%parallel_loop3A_105, %parallel_loop3A_690], %parallel_loop3A_692 : memref<400x32xf32, #tpu.memory_space<vmem>>[vector<16xi32>, vector<16xi32>], vector<16xf32>,
        %parallel_loop3A_693 = arith.constant 17 : i32
        %parallel_loop3A_694 = vector.broadcast %parallel_loop3A_693 : i32 to vector<16xi32>
        %parallel_loop3A_695 = arith.addi %iota3A, %parallel_loop3A_694 : vector<16xi32>
        %parallel_loop3A_696 = arith.andi %parallel_loop3A_695, %broadcast_in_dim3A_89 : vector<16xi32>
        %parallel_loop3A_697 = tpu.vector_load_idx %arg11[%parallel_loop3A_105, %parallel_loop3A_696] : memref<400x32xf32, #tpu.memory_space<vmem>>[vector<16xi32>, vector<16xi32>], vector<16xf32>,
        %parallel_loop3A_698 = arith.mulf %parallel_loop3A_588, %parallel_loop3A_697 : vector<16xf32>
        tpu.vector_store_idx %arg13[%parallel_loop3A_105, %parallel_loop3A_696], %parallel_loop3A_698 : memref<400x32xf32, #tpu.memory_space<vmem>>[vector<16xi32>, vector<16xi32>], vector<16xf32>,
        %parallel_loop3A_699 = arith.constant 18 : i32
        %parallel_loop3A_700 = vector.broadcast %parallel_loop3A_699 : i32 to vector<16xi32>
        %parallel_loop3A_701 = arith.addi %iota3A, %parallel_loop3A_700 : vector<16xi32>
        %parallel_loop3A_702 = arith.andi %parallel_loop3A_701, %broadcast_in_dim3A_89 : vector<16xi32>
        %parallel_loop3A_703 = tpu.vector_load_idx %arg11[%parallel_loop3A_105, %parallel_loop3A_702] : memref<400x32xf32, #tpu.memory_space<vmem>>[vector<16xi32>, vector<16xi32>], vector<16xf32>,
        %parallel_loop3A_704 = arith.mulf %parallel_loop3A_588, %parallel_loop3A_703 : vector<16xf32>
        tpu.vector_store_idx %arg13[%parallel_loop3A_105, %parallel_loop3A_702], %parallel_loop3A_704 : memref<400x32xf32, #tpu.memory_space<vmem>>[vector<16xi32>, vector<16xi32>], vector<16xf32>,
        %parallel_loop3A_705 = arith.constant 19 : i32
        %parallel_loop3A_706 = vector.broadcast %parallel_loop3A_705 : i32 to vector<16xi32>
        %parallel_loop3A_707 = arith.addi %iota3A, %parallel_loop3A_706 : vector<16xi32>
        %parallel_loop3A_708 = arith.andi %parallel_loop3A_707, %broadcast_in_dim3A_89 : vector<16xi32>
        %parallel_loop3A_709 = tpu.vector_load_idx %arg11[%parallel_loop3A_105, %parallel_loop3A_708] : memref<400x32xf32, #tpu.memory_space<vmem>>[vector<16xi32>, vector<16xi32>], vector<16xf32>,
        %parallel_loop3A_710 = arith.mulf %parallel_loop3A_588, %parallel_loop3A_709 : vector<16xf32>
        tpu.vector_store_idx %arg13[%parallel_loop3A_105, %parallel_loop3A_708], %parallel_loop3A_710 : memref<400x32xf32, #tpu.memory_space<vmem>>[vector<16xi32>, vector<16xi32>], vector<16xf32>,
        %parallel_loop3A_711 = arith.constant 20 : i32
        %parallel_loop3A_712 = vector.broadcast %parallel_loop3A_711 : i32 to vector<16xi32>
        %parallel_loop3A_713 = arith.addi %iota3A, %parallel_loop3A_712 : vector<16xi32>
        %parallel_loop3A_714 = arith.andi %parallel_loop3A_713, %broadcast_in_dim3A_89 : vector<16xi32>
        %parallel_loop3A_715 = tpu.vector_load_idx %arg11[%parallel_loop3A_105, %parallel_loop3A_714] : memref<400x32xf32, #tpu.memory_space<vmem>>[vector<16xi32>, vector<16xi32>], vector<16xf32>,
        %parallel_loop3A_716 = arith.mulf %parallel_loop3A_588, %parallel_loop3A_715 : vector<16xf32>
        tpu.vector_store_idx %arg13[%parallel_loop3A_105, %parallel_loop3A_714], %parallel_loop3A_716 : memref<400x32xf32, #tpu.memory_space<vmem>>[vector<16xi32>, vector<16xi32>], vector<16xf32>,
        %parallel_loop3A_717 = arith.constant 21 : i32
        %parallel_loop3A_718 = vector.broadcast %parallel_loop3A_717 : i32 to vector<16xi32>
        %parallel_loop3A_719 = arith.addi %iota3A, %parallel_loop3A_718 : vector<16xi32>
        %parallel_loop3A_720 = arith.andi %parallel_loop3A_719, %broadcast_in_dim3A_89 : vector<16xi32>
        %parallel_loop3A_721 = tpu.vector_load_idx %arg11[%parallel_loop3A_105, %parallel_loop3A_720] : memref<400x32xf32, #tpu.memory_space<vmem>>[vector<16xi32>, vector<16xi32>], vector<16xf32>,
        %parallel_loop3A_722 = arith.mulf %parallel_loop3A_588, %parallel_loop3A_721 : vector<16xf32>
        tpu.vector_store_idx %arg13[%parallel_loop3A_105, %parallel_loop3A_720], %parallel_loop3A_722 : memref<400x32xf32, #tpu.memory_space<vmem>>[vector<16xi32>, vector<16xi32>], vector<16xf32>,
        %parallel_loop3A_723 = arith.constant 22 : i32
        %parallel_loop3A_724 = vector.broadcast %parallel_loop3A_723 : i32 to vector<16xi32>
        %parallel_loop3A_725 = arith.addi %iota3A, %parallel_loop3A_724 : vector<16xi32>
        %parallel_loop3A_726 = arith.andi %parallel_loop3A_725, %broadcast_in_dim3A_89 : vector<16xi32>
        %parallel_loop3A_727 = tpu.vector_load_idx %arg11[%parallel_loop3A_105, %parallel_loop3A_726] : memref<400x32xf32, #tpu.memory_space<vmem>>[vector<16xi32>, vector<16xi32>], vector<16xf32>,
        %parallel_loop3A_728 = arith.mulf %parallel_loop3A_588, %parallel_loop3A_727 : vector<16xf32>
        tpu.vector_store_idx %arg13[%parallel_loop3A_105, %parallel_loop3A_726], %parallel_loop3A_728 : memref<400x32xf32, #tpu.memory_space<vmem>>[vector<16xi32>, vector<16xi32>], vector<16xf32>,
        %parallel_loop3A_729 = arith.constant 23 : i32
        %parallel_loop3A_730 = vector.broadcast %parallel_loop3A_729 : i32 to vector<16xi32>
        %parallel_loop3A_731 = arith.addi %iota3A, %parallel_loop3A_730 : vector<16xi32>
        %parallel_loop3A_732 = arith.andi %parallel_loop3A_731, %broadcast_in_dim3A_89 : vector<16xi32>
        %parallel_loop3A_733 = tpu.vector_load_idx %arg11[%parallel_loop3A_105, %parallel_loop3A_732] : memref<400x32xf32, #tpu.memory_space<vmem>>[vector<16xi32>, vector<16xi32>], vector<16xf32>,
        %parallel_loop3A_734 = arith.mulf %parallel_loop3A_588, %parallel_loop3A_733 : vector<16xf32>
        tpu.vector_store_idx %arg13[%parallel_loop3A_105, %parallel_loop3A_732], %parallel_loop3A_734 : memref<400x32xf32, #tpu.memory_space<vmem>>[vector<16xi32>, vector<16xi32>], vector<16xf32>,
        %parallel_loop3A_735 = arith.constant 24 : i32
        %parallel_loop3A_736 = vector.broadcast %parallel_loop3A_735 : i32 to vector<16xi32>
        %parallel_loop3A_737 = arith.addi %iota3A, %parallel_loop3A_736 : vector<16xi32>
        %parallel_loop3A_738 = arith.andi %parallel_loop3A_737, %broadcast_in_dim3A_89 : vector<16xi32>
        %parallel_loop3A_739 = tpu.vector_load_idx %arg11[%parallel_loop3A_105, %parallel_loop3A_738] : memref<400x32xf32, #tpu.memory_space<vmem>>[vector<16xi32>, vector<16xi32>], vector<16xf32>,
        %parallel_loop3A_740 = arith.mulf %parallel_loop3A_588, %parallel_loop3A_739 : vector<16xf32>
        tpu.vector_store_idx %arg13[%parallel_loop3A_105, %parallel_loop3A_738], %parallel_loop3A_740 : memref<400x32xf32, #tpu.memory_space<vmem>>[vector<16xi32>, vector<16xi32>], vector<16xf32>,
        %parallel_loop3A_741 = arith.constant 25 : i32
        %parallel_loop3A_742 = vector.broadcast %parallel_loop3A_741 : i32 to vector<16xi32>
        %parallel_loop3A_743 = arith.addi %iota3A, %parallel_loop3A_742 : vector<16xi32>
        %parallel_loop3A_744 = arith.andi %parallel_loop3A_743, %broadcast_in_dim3A_89 : vector<16xi32>
        %parallel_loop3A_745 = tpu.vector_load_idx %arg11[%parallel_loop3A_105, %parallel_loop3A_744] : memref<400x32xf32, #tpu.memory_space<vmem>>[vector<16xi32>, vector<16xi32>], vector<16xf32>,
        %parallel_loop3A_746 = arith.mulf %parallel_loop3A_588, %parallel_loop3A_745 : vector<16xf32>
        tpu.vector_store_idx %arg13[%parallel_loop3A_105, %parallel_loop3A_744], %parallel_loop3A_746 : memref<400x32xf32, #tpu.memory_space<vmem>>[vector<16xi32>, vector<16xi32>], vector<16xf32>,
        %parallel_loop3A_747 = arith.constant 26 : i32
        %parallel_loop3A_748 = vector.broadcast %parallel_loop3A_747 : i32 to vector<16xi32>
        %parallel_loop3A_749 = arith.addi %iota3A, %parallel_loop3A_748 : vector<16xi32>
        %parallel_loop3A_750 = arith.andi %parallel_loop3A_749, %broadcast_in_dim3A_89 : vector<16xi32>
        %parallel_loop3A_751 = tpu.vector_load_idx %arg11[%parallel_loop3A_105, %parallel_loop3A_750] : memref<400x32xf32, #tpu.memory_space<vmem>>[vector<16xi32>, vector<16xi32>], vector<16xf32>,
        %parallel_loop3A_752 = arith.mulf %parallel_loop3A_588, %parallel_loop3A_751 : vector<16xf32>
        tpu.vector_store_idx %arg13[%parallel_loop3A_105, %parallel_loop3A_750], %parallel_loop3A_752 : memref<400x32xf32, #tpu.memory_space<vmem>>[vector<16xi32>, vector<16xi32>], vector<16xf32>,
        %parallel_loop3A_753 = arith.constant 27 : i32
        %parallel_loop3A_754 = vector.broadcast %parallel_loop3A_753 : i32 to vector<16xi32>
        %parallel_loop3A_755 = arith.addi %iota3A, %parallel_loop3A_754 : vector<16xi32>
        %parallel_loop3A_756 = arith.andi %parallel_loop3A_755, %broadcast_in_dim3A_89 : vector<16xi32>
        %parallel_loop3A_757 = tpu.vector_load_idx %arg11[%parallel_loop3A_105, %parallel_loop3A_756] : memref<400x32xf32, #tpu.memory_space<vmem>>[vector<16xi32>, vector<16xi32>], vector<16xf32>,
        %parallel_loop3A_758 = arith.mulf %parallel_loop3A_588, %parallel_loop3A_757 : vector<16xf32>
        tpu.vector_store_idx %arg13[%parallel_loop3A_105, %parallel_loop3A_756], %parallel_loop3A_758 : memref<400x32xf32, #tpu.memory_space<vmem>>[vector<16xi32>, vector<16xi32>], vector<16xf32>,
        %parallel_loop3A_759 = arith.constant 28 : i32
        %parallel_loop3A_760 = vector.broadcast %parallel_loop3A_759 : i32 to vector<16xi32>
        %parallel_loop3A_761 = arith.addi %iota3A, %parallel_loop3A_760 : vector<16xi32>
        %parallel_loop3A_762 = arith.andi %parallel_loop3A_761, %broadcast_in_dim3A_89 : vector<16xi32>
        %parallel_loop3A_763 = tpu.vector_load_idx %arg11[%parallel_loop3A_105, %parallel_loop3A_762] : memref<400x32xf32, #tpu.memory_space<vmem>>[vector<16xi32>, vector<16xi32>], vector<16xf32>,
        %parallel_loop3A_764 = arith.mulf %parallel_loop3A_588, %parallel_loop3A_763 : vector<16xf32>
        tpu.vector_store_idx %arg13[%parallel_loop3A_105, %parallel_loop3A_762], %parallel_loop3A_764 : memref<400x32xf32, #tpu.memory_space<vmem>>[vector<16xi32>, vector<16xi32>], vector<16xf32>,
        %parallel_loop3A_765 = arith.constant 29 : i32
        %parallel_loop3A_766 = vector.broadcast %parallel_loop3A_765 : i32 to vector<16xi32>
        %parallel_loop3A_767 = arith.addi %iota3A, %parallel_loop3A_766 : vector<16xi32>
        %parallel_loop3A_768 = arith.andi %parallel_loop3A_767, %broadcast_in_dim3A_89 : vector<16xi32>
        %parallel_loop3A_769 = tpu.vector_load_idx %arg11[%parallel_loop3A_105, %parallel_loop3A_768] : memref<400x32xf32, #tpu.memory_space<vmem>>[vector<16xi32>, vector<16xi32>], vector<16xf32>,
        %parallel_loop3A_770 = arith.mulf %parallel_loop3A_588, %parallel_loop3A_769 : vector<16xf32>
        tpu.vector_store_idx %arg13[%parallel_loop3A_105, %parallel_loop3A_768], %parallel_loop3A_770 : memref<400x32xf32, #tpu.memory_space<vmem>>[vector<16xi32>, vector<16xi32>], vector<16xf32>,
        %parallel_loop3A_771 = arith.constant 30 : i32
        %parallel_loop3A_772 = vector.broadcast %parallel_loop3A_771 : i32 to vector<16xi32>
        %parallel_loop3A_773 = arith.addi %iota3A, %parallel_loop3A_772 : vector<16xi32>
        %parallel_loop3A_774 = arith.andi %parallel_loop3A_773, %broadcast_in_dim3A_89 : vector<16xi32>
        %parallel_loop3A_775 = tpu.vector_load_idx %arg11[%parallel_loop3A_105, %parallel_loop3A_774] : memref<400x32xf32, #tpu.memory_space<vmem>>[vector<16xi32>, vector<16xi32>], vector<16xf32>,
        %parallel_loop3A_776 = arith.mulf %parallel_loop3A_588, %parallel_loop3A_775 : vector<16xf32>
        tpu.vector_store_idx %arg13[%parallel_loop3A_105, %parallel_loop3A_774], %parallel_loop3A_776 : memref<400x32xf32, #tpu.memory_space<vmem>>[vector<16xi32>, vector<16xi32>], vector<16xf32>,
        %parallel_loop3A_777 = arith.constant 31 : i32
        %parallel_loop3A_778 = vector.broadcast %parallel_loop3A_777 : i32 to vector<16xi32>
        %parallel_loop3A_779 = arith.addi %iota3A, %parallel_loop3A_778 : vector<16xi32>
        %parallel_loop3A_780 = arith.andi %parallel_loop3A_779, %broadcast_in_dim3A_89 : vector<16xi32>
        %parallel_loop3A_781 = tpu.vector_load_idx %arg11[%parallel_loop3A_105, %parallel_loop3A_780] : memref<400x32xf32, #tpu.memory_space<vmem>>[vector<16xi32>, vector<16xi32>], vector<16xf32>,
        %parallel_loop3A_782 = arith.mulf %parallel_loop3A_588, %parallel_loop3A_781 : vector<16xf32>
        tpu.vector_store_idx %arg13[%parallel_loop3A_105, %parallel_loop3A_780], %parallel_loop3A_782 : memref<400x32xf32, #tpu.memory_space<vmem>>[vector<16xi32>, vector<16xi32>], vector<16xf32>,
      } {sc.loop_unroll_factor = 2 : i64, sc.parallel_access}
      %dma_start3A_92 = arith.constant 0 : i32
      %dma_start3A_93 = tpu.memref_slice %arg10[%scan3A_58, %dma_start3A_92] : memref<25x400xi32, #tpu.memory_space<vmem>> -> memref<1x400xi32, #tpu.memory_space<vmem>>
      %dma_start3A_94 = tpu.memref_squeeze %dma_start3A_93 : memref<1x400xi32, #tpu.memory_space<vmem>> -> memref<400xi32, #tpu.memory_space<vmem>>
      %dma_start3A_95 = arith.constant 0 : i32
      %dma_start3A_96 = arith.constant 0 : i32
      %dma_start3A_97 = tpu.memref_slice %arg18[%dma_start3A_95, %dma_start3A_96] : memref<10000x32xf32, #tpu.memory_space<vmem_shared>> -> memref<10000x32xf32, #tpu.memory_space<vmem_shared>>
      tpu.enqueue_indirect_dma source(%arg13 : memref<400x32xf32, #tpu.memory_space<vmem>>) target(%dma_start3A_97 : memref<10000x32xf32, #tpu.memory_space<vmem_shared>>) offsets(%dma_start3A_94 : memref<400xi32, #tpu.memory_space<vmem>>) semaphore(%arg21 : memref<!tpu.dma_semaphore, #tpu.memory_space<semaphore_mem>>) {add = true}
      %dma_start3A_98 = arith.constant 0 : i32
      %dma_start3A_99 = tpu.memref_slice %arg10[%scan3A_58, %dma_start3A_98] : memref<25x400xi32, #tpu.memory_space<vmem>> -> memref<1x400xi32, #tpu.memory_space<vmem>>
      %dma_start3A_100 = tpu.memref_squeeze %dma_start3A_99 : memref<1x400xi32, #tpu.memory_space<vmem>> -> memref<400xi32, #tpu.memory_space<vmem>>
      %dma_start3A_101 = arith.constant 0 : i32
      %dma_start3A_102 = tpu.memref_slice %arg19[%dma_start3A_101] : memref<10000xf32, #tpu.memory_space<vmem_shared>> -> memref<10000xf32, #tpu.memory_space<vmem_shared>>
      tpu.enqueue_indirect_dma source(%arg14 : memref<400xf32, #tpu.memory_space<vmem>>) target(%dma_start3A_102 : memref<10000xf32, #tpu.memory_space<vmem_shared>>) offsets(%dma_start3A_100 : memref<400xi32, #tpu.memory_space<vmem>>) semaphore(%arg21 : memref<!tpu.dma_semaphore, #tpu.memory_space<semaphore_mem>>) {add = true}
    }
    %scan3A_29 = arith.constant 25 : i32
    %dma_wait3A = arith.constant 0 : i32
    %dma_wait3A_30 = arith.constant 0 : i32
    %dma_wait3A_31 = tpu.memref_slice %arg10[%dma_wait3A, %dma_wait3A_30] : memref<25x400xi32, #tpu.memory_space<vmem>> -> memref<1x400xi32, #tpu.memory_space<vmem>>
    %dma_wait3A_32 = tpu.memref_squeeze %dma_wait3A_31 : memref<1x400xi32, #tpu.memory_space<vmem>> -> memref<400xi32, #tpu.memory_space<vmem>>
    %dma_wait3A_33 = arith.constant 0 : i32
    %dma_wait3A_34 = arith.constant 0 : i32
    %dma_wait3A_35 = tpu.memref_slice %arg18[%dma_wait3A_33, %dma_wait3A_34] : memref<10000x32xf32, #tpu.memory_space<vmem_shared>> -> memref<10000x32xf32, #tpu.memory_space<vmem_shared>>
    tpu.wait_indirect_dma semaphore(%arg21 : memref<!tpu.dma_semaphore, #tpu.memory_space<semaphore_mem>>) src(%arg13 : memref<400x32xf32, #tpu.memory_space<vmem>>) dst(%dma_wait3A_35 : memref<10000x32xf32, #tpu.memory_space<vmem_shared>>)
    %dma_wait3A_36 = arith.constant 0 : i32
    %dma_wait3A_37 = arith.constant 0 : i32
    %dma_wait3A_38 = tpu.memref_slice %arg10[%dma_wait3A_36, %dma_wait3A_37] : memref<25x400xi32, #tpu.memory_space<vmem>> -> memref<1x400xi32, #tpu.memory_space<vmem>>
    %dma_wait3A_39 = tpu.memref_squeeze %dma_wait3A_38 : memref<1x400xi32, #tpu.memory_space<vmem>> -> memref<400xi32, #tpu.memory_space<vmem>>
    %dma_wait3A_40 = arith.constant 0 : i32
    %dma_wait3A_41 = tpu.memref_slice %arg19[%dma_wait3A_40] : memref<10000xf32, #tpu.memory_space<vmem_shared>> -> memref<10000xf32, #tpu.memory_space<vmem_shared>>
    tpu.wait_indirect_dma semaphore(%arg21 : memref<!tpu.dma_semaphore, #tpu.memory_space<semaphore_mem>>) src(%arg14 : memref<400xf32, #tpu.memory_space<vmem>>) dst(%dma_wait3A_41 : memref<10000xf32, #tpu.memory_space<vmem_shared>>)
    %barrier3A_42 = arith.constant 0 : index
    tpu.barrier barrier_id(%barrier3A_42)
    %lt3A_43 = arith.constant 15 : i32
    %lt3A_44 = arith.cmpi slt, %arg1, %lt3A_43 : i32
    %convert_element_type3A_45 = arith.extui %lt3A_44 : i1 to i32
    %cond3A_46 = arith.constant 0 : i32
    %cond3A_47 = arith.cmpi ne, %convert_element_type3A_45, %cond3A_46 : i32
    scf.if %cond3A_47 {
      %mul3A_58 = arith.constant 640 : i32
      %mul3A_59 = arith.muli %arg1, %mul3A_58 : i32
      %mul3A_60 = arith.constant 640 : i32
      %mul3A_61 = arith.muli %arg1, %mul3A_60 : i32
      "tpu.region"() ({
        %run_scoped3A = tpu.sem_alloc : memref<!tpu.dma_semaphore, #tpu.memory_space<semaphore_mem>>
        %dma_start3A = arith.constant 0 : i32
        %dma_start3A_62 = tpu.memref_slice %arg7[%arg0, %mul3A_61, %dma_start3A] : memref<2x10000x32xf32, #tpu.memory_space<hbm>> -> memref<1x640x32xf32, #tpu.memory_space<hbm>>
        %dma_start3A_63 = tpu.memref_squeeze %dma_start3A_62 : memref<1x640x32xf32, #tpu.memory_space<hbm>> -> memref<640x32xf32, #tpu.memory_space<hbm>>
        %dma_start3A_64 = arith.constant 0 : i32
        %dma_start3A_65 = tpu.memref_slice %arg18[%mul3A_59, %dma_start3A_64] : memref<10000x32xf32, #tpu.memory_space<vmem_shared>> -> memref<640x32xf32, #tpu.memory_space<vmem_shared>>
        tpu.enqueue_dma source(%dma_start3A_65 : memref<640x32xf32, #tpu.memory_space<vmem_shared>>) target(%dma_start3A_63 : memref<640x32xf32, #tpu.memory_space<hbm>>) target_semaphore(%run_scoped3A : memref<!tpu.dma_semaphore, #tpu.memory_space<semaphore_mem>>)
        %dma_wait3A_66 = arith.constant 0 : i32
        %dma_wait3A_67 = tpu.memref_slice %arg7[%arg0, %mul3A_61, %dma_wait3A_66] : memref<2x10000x32xf32, #tpu.memory_space<hbm>> -> memref<1x640x32xf32, #tpu.memory_space<hbm>>
        %dma_wait3A_68 = tpu.memref_squeeze %dma_wait3A_67 : memref<1x640x32xf32, #tpu.memory_space<hbm>> -> memref<640x32xf32, #tpu.memory_space<hbm>>
        %dma_wait3A_69 = arith.constant 0 : i32
        %dma_wait3A_70 = tpu.memref_slice %arg18[%mul3A_59, %dma_wait3A_69] : memref<10000x32xf32, #tpu.memory_space<vmem_shared>> -> memref<640x32xf32, #tpu.memory_space<vmem_shared>>
        tpu.wait_dma2 semaphore(%run_scoped3A : memref<!tpu.dma_semaphore, #tpu.memory_space<semaphore_mem>>) src(%dma_wait3A_70 : memref<640x32xf32, #tpu.memory_space<vmem_shared>>) dst(%dma_wait3A_68 : memref<640x32xf32, #tpu.memory_space<hbm>>)
        tpu.yield
      }) : () -> ()
    } else {
    }
    %eq3A_48 = arith.constant 15 : i32
    %eq3A_49 = arith.cmpi eq, %arg1, %eq3A_48 : i32
    %convert_element_type3A_50 = arith.extui %eq3A_49 : i1 to i32
    %cond3A_51 = arith.constant 0 : i32
    %cond3A_52 = arith.cmpi ne, %convert_element_type3A_50, %cond3A_51 : i32
    scf.if %cond3A_52 {
      "tpu.region"() ({
        %run_scoped3A = tpu.sem_alloc : memref<!tpu.dma_semaphore, #tpu.memory_space<semaphore_mem>>
        %dma_start3A = arith.constant 9600 : i32
        %dma_start3A_58 = arith.constant 0 : i32
        %dma_start3A_59 = tpu.memref_slice %arg7[%arg0, %dma_start3A, %dma_start3A_58] : memref<2x10000x32xf32, #tpu.memory_space<hbm>> -> memref<1x400x32xf32, #tpu.memory_space<hbm>>
        %dma_start3A_60 = tpu.memref_squeeze %dma_start3A_59 : memref<1x400x32xf32, #tpu.memory_space<hbm>> -> memref<400x32xf32, #tpu.memory_space<hbm>>
        %dma_start3A_61 = arith.constant 9600 : i32
        %dma_start3A_62 = arith.constant 0 : i32
        %dma_start3A_63 = tpu.memref_slice %arg18[%dma_start3A_61, %dma_start3A_62] : memref<10000x32xf32, #tpu.memory_space<vmem_shared>> -> memref<400x32xf32, #tpu.memory_space<vmem_shared>>
        tpu.enqueue_dma source(%dma_start3A_63 : memref<400x32xf32, #tpu.memory_space<vmem_shared>>) target(%dma_start3A_60 : memref<400x32xf32, #tpu.memory_space<hbm>>) target_semaphore(%run_scoped3A : memref<!tpu.dma_semaphore, #tpu.memory_space<semaphore_mem>>)
        %dma_wait3A_64 = arith.constant 9600 : i32
        %dma_wait3A_65 = arith.constant 0 : i32
        %dma_wait3A_66 = tpu.memref_slice %arg7[%arg0, %dma_wait3A_64, %dma_wait3A_65] : memref<2x10000x32xf32, #tpu.memory_space<hbm>> -> memref<1x400x32xf32, #tpu.memory_space<hbm>>
        %dma_wait3A_67 = tpu.memref_squeeze %dma_wait3A_66 : memref<1x400x32xf32, #tpu.memory_space<hbm>> -> memref<400x32xf32, #tpu.memory_space<hbm>>
        %dma_wait3A_68 = arith.constant 9600 : i32
        %dma_wait3A_69 = arith.constant 0 : i32
        %dma_wait3A_70 = tpu.memref_slice %arg18[%dma_wait3A_68, %dma_wait3A_69] : memref<10000x32xf32, #tpu.memory_space<vmem_shared>> -> memref<400x32xf32, #tpu.memory_space<vmem_shared>>
        tpu.wait_dma2 semaphore(%run_scoped3A : memref<!tpu.dma_semaphore, #tpu.memory_space<semaphore_mem>>) src(%dma_wait3A_70 : memref<400x32xf32, #tpu.memory_space<vmem_shared>>) dst(%dma_wait3A_67 : memref<400x32xf32, #tpu.memory_space<hbm>>)
        tpu.yield
      }) : () -> ()
    } else {
    }
    %eq3A_53 = arith.constant 0 : i32
    %eq3A_54 = arith.cmpi eq, %arg1, %eq3A_53 : i32
    %convert_element_type3A_55 = arith.extui %eq3A_54 : i1 to i32
    %cond3A_56 = arith.constant 0 : i32
    %cond3A_57 = arith.cmpi ne, %convert_element_type3A_55, %cond3A_56 : i32
    scf.if %cond3A_57 {
      %mul3A_58 = arith.constant 10000 : i32
      %mul3A_59 = arith.muli %arg0, %mul3A_58 : i32
      "tpu.region"() ({
        %run_scoped3A = tpu.sem_alloc : memref<!tpu.dma_semaphore, #tpu.memory_space<semaphore_mem>>
        %dma_start3A = tpu.memref_slice %arg8[%mul3A_59] : memref<20000xf32, #tpu.memory_space<hbm>> -> memref<10000xf32, #tpu.memory_space<hbm>>
        tpu.enqueue_dma source(%arg19 : memref<10000xf32, #tpu.memory_space<vmem_shared>>) target(%dma_start3A : memref<10000xf32, #tpu.memory_space<hbm>>) target_semaphore(%run_scoped3A : memref<!tpu.dma_semaphore, #tpu.memory_space<semaphore_mem>>)
        %dma_wait3A_60 = tpu.memref_slice %arg8[%mul3A_59] : memref<20000xf32, #tpu.memory_space<hbm>> -> memref<10000xf32, #tpu.memory_space<hbm>>
        tpu.wait_dma2 semaphore(%run_scoped3A : memref<!tpu.dma_semaphore, #tpu.memory_space<semaphore_mem>>) src(%arg19 : memref<10000xf32, #tpu.memory_space<vmem_shared>>) dst(%dma_wait3A_60 : memref<10000xf32, #tpu.memory_space<hbm>>)
        tpu.yield
      }) : () -> ()
    } else {
    }
    return
  }
}

module attributes {stable_mosaic.version = 14 : i64} {
  func.func @_transform_body(%arg0: memref<10000x128xf32, #tpu.memory_space<vmem>>, %arg1: memref<128x32xf32, #tpu.memory_space<vmem>>, %arg2: memref<128x32xf32, #tpu.memory_space<vmem>>, %arg3: memref<10000x32xf32, #tpu.memory_space<vmem>>, %arg4: memref<10000x32xf32, #tpu.memory_space<vmem>>) attributes {dimension_semantics = [], scalar_prefetch = 0 : i64, scratch_operands = 0 : i64, tpu.core_type = #tpu.core_type<tc>} {
    %get3A = arith.constant 0 : index
    %get3A_0 = arith.constant 0 : index
    %get3A_1 = vector.load %arg0[%get3A, %get3A_0] : memref<10000x128xf32, #tpu.memory_space<vmem>>, vector<10000x128xf32>
    %get3A_2 = arith.constant 0 : index
    %get3A_3 = arith.constant 0 : index
    %get3A_4 = vector.load %arg1[%get3A_2, %get3A_3] : memref<128x32xf32, #tpu.memory_space<vmem>>, vector<128x32xf32>
    %dot_general3A = arith.constant dense<0.000000e+00> : vector<10000x32xf32>
    %dot_general3A_5 = tpu.matmul %get3A_1, %get3A_4, %dot_general3A {dimension_numbers = #tpu.dot_dimension_numbers<[1], [0], [0], [1], [0, 0, 1, 1], [], []>, transpose_lhs_hint = false} : vector<10000x128xf32>, vector<128x32xf32>, vector<10000x32xf32> -> vector<10000x32xf32>
    %swap3A = arith.constant 0 : index
    %swap3A_6 = arith.constant 0 : index
    %swap3A_7 = vector.load %arg3[%swap3A, %swap3A_6] : memref<10000x32xf32, #tpu.memory_space<vmem>>, vector<10000x32xf32>
    tpu.vector_store %arg3[%swap3A, %swap3A_6], %dot_general3A_5 {strides = array<i32>} : memref<10000x32xf32, #tpu.memory_space<vmem>>, vector<10000x32xf32>,
    %get3A_8 = arith.constant 0 : index
    %get3A_9 = arith.constant 0 : index
    %get3A_10 = vector.load %arg2[%get3A_8, %get3A_9] : memref<128x32xf32, #tpu.memory_space<vmem>>, vector<128x32xf32>
    %dot_general3A_11 = arith.constant dense<0.000000e+00> : vector<10000x32xf32>
    %dot_general3A_12 = tpu.matmul %get3A_1, %get3A_10, %dot_general3A_11 {dimension_numbers = #tpu.dot_dimension_numbers<[1], [0], [0], [1], [0, 0, 1, 1], [], []>, transpose_lhs_hint = false} : vector<10000x128xf32>, vector<128x32xf32>, vector<10000x32xf32> -> vector<10000x32xf32>
    %swap3A_13 = arith.constant 0 : index
    %swap3A_14 = arith.constant 0 : index
    %swap3A_15 = vector.load %arg4[%swap3A_13, %swap3A_14] : memref<10000x32xf32, #tpu.memory_space<vmem>>, vector<10000x32xf32>
    tpu.vector_store %arg4[%swap3A_13, %swap3A_14], %dot_general3A_12 {strides = array<i32>} : memref<10000x32xf32, #tpu.memory_space<vmem>>, vector<10000x32xf32>,
    return
  }
}

module attributes {stable_mosaic.version = 14 : i64} {
  func.func @_merge_body(%arg0: memref<2x10000x32xf32, #tpu.memory_space<vmem>>, %arg1: memref<2x10000x1xf32, #tpu.memory_space<vmem>>, %arg2: memref<32xf32, #tpu.memory_space<vmem>>, %arg3: memref<10000x1xi32, #tpu.memory_space<vmem>>, %arg4: memref<32x1024xf32, #tpu.memory_space<vmem>>, %arg5: memref<1024xf32, #tpu.memory_space<vmem>>, %arg6: memref<1024x512xf32, #tpu.memory_space<vmem>>, %arg7: memref<512xf32, #tpu.memory_space<vmem>>, %arg8: memref<512x4xf32, #tpu.memory_space<vmem>>, %arg9: memref<4xf32, #tpu.memory_space<vmem>>, %arg10: memref<64x4xf32, #tpu.memory_space<vmem>>, %arg11: memref<64x32xf32, #tpu.memory_space<vmem>>) attributes {dimension_semantics = [], scalar_prefetch = 0 : i64, scratch_operands = 1 : i64, tpu.core_type = #tpu.core_type<tc>} {
    %get3A = arith.constant 0 : index
    %get3A_0 = arith.constant 0 : index
    %get3A_1 = arith.constant 0 : index
    %get3A_2 = vector.load %arg0[%get3A, %get3A_0, %get3A_1] : memref<2x10000x32xf32, #tpu.memory_space<vmem>>, vector<1x10000x32xf32>
    %get3A_3 = vector.shape_cast %get3A_2 : vector<1x10000x32xf32> to vector<10000x32xf32>
    %get3A_4 = arith.constant 1 : index
    %get3A_5 = arith.constant 0 : index
    %get3A_6 = arith.constant 0 : index
    %get3A_7 = vector.load %arg0[%get3A_4, %get3A_5, %get3A_6] : memref<2x10000x32xf32, #tpu.memory_space<vmem>>, vector<1x10000x32xf32>
    %get3A_8 = vector.shape_cast %get3A_7 : vector<1x10000x32xf32> to vector<10000x32xf32>
    %add3A = arith.addf %get3A_3, %get3A_8 : vector<10000x32xf32>
    %get3A_9 = arith.constant 0 : index
    %get3A_10 = arith.constant 0 : index
    %get3A_11 = arith.constant 0 : index
    %get3A_12 = vector.load %arg1[%get3A_9, %get3A_10, %get3A_11] : memref<2x10000x1xf32, #tpu.memory_space<vmem>>, vector<1x10000x1xf32>
    %get3A_13 = vector.shape_cast %get3A_12 : vector<1x10000x1xf32> to vector<10000x1xf32>
    %get3A_14 = arith.constant 1 : index
    %get3A_15 = arith.constant 0 : index
    %get3A_16 = arith.constant 0 : index
    %get3A_17 = vector.load %arg1[%get3A_14, %get3A_15, %get3A_16] : memref<2x10000x1xf32, #tpu.memory_space<vmem>>, vector<1x10000x1xf32>
    %get3A_18 = vector.shape_cast %get3A_17 : vector<1x10000x1xf32> to vector<10000x1xf32>
    %add3A_19 = arith.addf %get3A_13, %get3A_18 : vector<10000x1xf32>
    %add3A_20 = arith.constant 1.000000e-16 : f32
    %add3A_21 = vector.broadcast %add3A_20 : f32 to vector<10000x1xf32>
    %add3A_22 = arith.addf %add3A_19, %add3A_21 : vector<10000x1xf32>
    %div3A = vector.broadcast %add3A_22 : vector<10000x1xf32> to vector<10000x32xf32>
    %div3A_23 = arith.divf %add3A, %div3A : vector<10000x32xf32>
    %get3A_24 = arith.constant 0 : index
    %get3A_25 = vector.load %arg2[%get3A_24] : memref<32xf32, #tpu.memory_space<vmem>>, vector<32xf32>
    %broadcast_in_dim3A = vector.shape_cast %get3A_25 : vector<32xf32> to vector<1x32xf32>
    %add3A_26 = vector.broadcast %broadcast_in_dim3A : vector<1x32xf32> to vector<10000x32xf32>
    %add3A_27 = arith.addf %div3A_23, %add3A_26 : vector<10000x32xf32>
    %get3A_28 = arith.constant 0 : index
    %get3A_29 = arith.constant 0 : index
    %get3A_30 = vector.load %arg3[%get3A_28, %get3A_29] : memref<10000x1xi32, #tpu.memory_space<vmem>>, vector<10000x1xi32>
    %scan3A = arith.constant 0 : i32
    %scan3A_31 = arith.constant 64 : i32
    %scan3A_32 = arith.addi %scan3A, %scan3A_31 : i32
    %scan3A_33 = arith.constant 1 : i32
    scf.for %scan3A_77 = %scan3A to %scan3A_32 step %scan3A_33  : i32 {
      %eq3A = vector.broadcast %scan3A_77 : i32 to vector<10000x1xi32>
      %eq3A_78 = arith.cmpi eq, %get3A_30, %eq3A : vector<10000x1xi32>
      %jit3A_79 = arith.constant 0xFF800000 : f32
      %broadcast_in_dim3A_80 = vector.shape_cast %eq3A_78 : vector<10000x1xi1> to vector<10000x1xi1>
      %broadcast_in_dim3A_81 = vector.broadcast %broadcast_in_dim3A_80 : vector<10000x1xi1> to vector<10000x32xi1>
      %broadcast_in_dim3A_82 = vector.broadcast %jit3A_79 : f32 to vector<10000x32xf32>
      %select_n3A_83 = arith.select %broadcast_in_dim3A_81, %add3A_27, %broadcast_in_dim3A_82 : vector<10000x32xi1>, vector<10000x32xf32>
      %reduce_max3A = arith.constant dense<0xFF800000> : vector<32xf32>
      %reduce_max3A_84 = vector.multi_reduction <maximumf>, %select_n3A_83, %reduce_max3A [0] : vector<10000x32xf32> to vector<32xf32>
      %broadcast_in_dim3A_85 = vector.shape_cast %reduce_max3A_84 : vector<32xf32> to vector<1x32xf32>
      %swap3A_86 = arith.index_cast %scan3A_77 : i32 to index
      %swap3A_87 = arith.constant 0 : index
      %swap3A_88 = vector.load %arg11[%swap3A_86, %swap3A_87] : memref<64x32xf32, #tpu.memory_space<vmem>>, vector<1x32xf32>
      tpu.vector_store %arg11[%swap3A_86, %swap3A_87], %broadcast_in_dim3A_85 {strides = array<i32>} : memref<64x32xf32, #tpu.memory_space<vmem>>, vector<1x32xf32>,
    }
    %scan3A_34 = arith.constant 64 : i32
    %get3A_35 = arith.constant 0 : index
    %get3A_36 = arith.constant 0 : index
    %get3A_37 = vector.load %arg11[%get3A_35, %get3A_36] : memref<64x32xf32, #tpu.memory_space<vmem>>, vector<64x32xf32>
    %is_finite3A = tpu.weird %get3A_37 : vector<64x32xf32> -> vector<64x32xi1>
    %is_finite3A_38 = arith.constant dense<true> : vector<64x32xi1>
    %is_finite3A_39 = arith.xori %is_finite3A, %is_finite3A_38 : vector<64x32xi1>
    %jit3A = arith.constant 0.000000e+00 : f32
    %broadcast_in_dim3A_40 = vector.broadcast %jit3A : f32 to vector<64x32xf32>
    %select_n3A = arith.select %is_finite3A_39, %get3A_37, %broadcast_in_dim3A_40 : vector<64x32xi1>, vector<64x32xf32>
    %get3A_41 = arith.constant 0 : index
    %get3A_42 = arith.constant 0 : index
    %get3A_43 = vector.load %arg4[%get3A_41, %get3A_42] : memref<32x1024xf32, #tpu.memory_space<vmem>>, vector<32x1024xf32>
    %dot_general3A = arith.constant dense<0.000000e+00> : vector<64x1024xf32>
    %dot_general3A_44 = tpu.matmul %select_n3A, %get3A_43, %dot_general3A {dimension_numbers = #tpu.dot_dimension_numbers<[1], [0], [0], [1], [0, 0, 1, 1], [], []>, transpose_lhs_hint = false} : vector<64x32xf32>, vector<32x1024xf32>, vector<64x1024xf32> -> vector<64x1024xf32>
    %get3A_45 = arith.constant 0 : index
    %get3A_46 = vector.load %arg5[%get3A_45] : memref<1024xf32, #tpu.memory_space<vmem>>, vector<1024xf32>
    %broadcast_in_dim3A_47 = vector.shape_cast %get3A_46 : vector<1024xf32> to vector<1x1024xf32>
    %add3A_48 = vector.broadcast %broadcast_in_dim3A_47 : vector<1x1024xf32> to vector<64x1024xf32>
    %add3A_49 = arith.addf %dot_general3A_44, %add3A_48 : vector<64x1024xf32>
    %max3A = arith.constant 0.000000e+00 : f32
    %max3A_50 = vector.broadcast %max3A : f32 to vector<64x1024xf32>
    %max3A_51 = arith.maximumf %add3A_49, %max3A_50 : vector<64x1024xf32>
    %get3A_52 = arith.constant 0 : index
    %get3A_53 = arith.constant 0 : index
    %get3A_54 = vector.load %arg6[%get3A_52, %get3A_53] : memref<1024x512xf32, #tpu.memory_space<vmem>>, vector<1024x512xf32>
    %dot_general3A_55 = arith.constant dense<0.000000e+00> : vector<64x512xf32>
    %dot_general3A_56 = tpu.matmul %max3A_51, %get3A_54, %dot_general3A_55 {dimension_numbers = #tpu.dot_dimension_numbers<[1], [0], [0], [1], [0, 0, 1, 1], [], []>, transpose_lhs_hint = false} : vector<64x1024xf32>, vector<1024x512xf32>, vector<64x512xf32> -> vector<64x512xf32>
    %get3A_57 = arith.constant 0 : index
    %get3A_58 = vector.load %arg7[%get3A_57] : memref<512xf32, #tpu.memory_space<vmem>>, vector<512xf32>
    %broadcast_in_dim3A_59 = vector.shape_cast %get3A_58 : vector<512xf32> to vector<1x512xf32>
    %add3A_60 = vector.broadcast %broadcast_in_dim3A_59 : vector<1x512xf32> to vector<64x512xf32>
    %add3A_61 = arith.addf %dot_general3A_56, %add3A_60 : vector<64x512xf32>
    %max3A_62 = arith.constant 0.000000e+00 : f32
    %max3A_63 = vector.broadcast %max3A_62 : f32 to vector<64x512xf32>
    %max3A_64 = arith.maximumf %add3A_61, %max3A_63 : vector<64x512xf32>
    %get3A_65 = arith.constant 0 : index
    %get3A_66 = arith.constant 0 : index
    %get3A_67 = vector.load %arg8[%get3A_65, %get3A_66] : memref<512x4xf32, #tpu.memory_space<vmem>>, vector<512x4xf32>
    %dot_general3A_68 = arith.constant dense<0.000000e+00> : vector<64x4xf32>
    %dot_general3A_69 = tpu.matmul %max3A_64, %get3A_67, %dot_general3A_68 {dimension_numbers = #tpu.dot_dimension_numbers<[1], [0], [0], [1], [0, 0, 1, 1], [], []>, transpose_lhs_hint = false} : vector<64x512xf32>, vector<512x4xf32>, vector<64x4xf32> -> vector<64x4xf32>
    %get3A_70 = arith.constant 0 : index
    %get3A_71 = vector.load %arg9[%get3A_70] : memref<4xf32, #tpu.memory_space<vmem>>, vector<4xf32>
    %broadcast_in_dim3A_72 = vector.shape_cast %get3A_71 : vector<4xf32> to vector<1x4xf32>
    %add3A_73 = vector.broadcast %broadcast_in_dim3A_72 : vector<1x4xf32> to vector<64x4xf32>
    %add3A_74 = arith.addf %dot_general3A_69, %add3A_73 : vector<64x4xf32>
    %swap3A = arith.constant 0 : index
    %swap3A_75 = arith.constant 0 : index
    %swap3A_76 = vector.load %arg10[%swap3A, %swap3A_75] : memref<64x4xf32, #tpu.memory_space<vmem>>, vector<64x4xf32>
    tpu.vector_store %arg10[%swap3A, %swap3A_75], %add3A_74 {strides = array<i32>} : memref<64x4xf32, #tpu.memory_space<vmem>>, vector<64x4xf32>,
    return
  }
}

</mosaic_0001>

<sc_bundles>
// kernel: kernel.5.cloned.1.call-start
scs
__scs_entry_jumppad:
0x0: {  	(pc) =	sbr.rel $0x88, $3  }
0x1: {  	(tag) =	ssettag $0x0;
	lr =	simm.s32 $0x1  }
0x2: {  	[smem:$0x3F94] =	sst lr;
	_ =	strace $0xD0000000  }
0x3: {  	_ = 	snop  }
0x4: {  	_ = 	snop  }
0x5: {  	_ = 	snop  }
0x6: {  	_ = 	snop  }
0x7: {  	_ = 	snop  }
__scs_overlays_trampoline_lowered:
0x8: {  	[smem:$0x3FA3] =	sst s0  }
0x9: {  	[smem:$0x3FA4] =	sst s1  }
0xa: {  	[smem:$0x3FA5] =	sst s2  }
0xb: {  	[smem:$0x3FA6] =	sst s3  }
0xc: {  	[smem:$0x3FA7] =	sst s4  }
0xd: {  	[smem:$0x3FA8] =	sst s5  }
0xe: {  	[smem:$0x3FA9] =	sst s6  }
0xf: {  	[smem:$0x3FAA] =	sst s7  }
0x10: {  	[smem:$0x3FAB] =	sst s8  }
0x11: {  	[smem:$0x3FAC] =	sst s9;
	s0 =	simm.s32 @!p0 $0x0  }
0x12: {  	s1 =	sld [smem:$0x3F92];
	s0 =	simm.s32 @p0 $0x1  }
0x13: {  	[smem:$0x3FAD] =	sst s0;
	s0 =	simm.s32 @!p1 $0x0  }
0x14: {  	s2 =	sld [smem:$0x3F91];
	s0 =	simm.s32 @p1 $0x1  }
0x15: {  	[smem:$0x3FAE] =	sst s0;
	s0 =	simm.s32 @!p2 $0x0  }
0x16: {  	s3 =	sld [smem:$0x3FDB];
	s0 =	simm.s32 @p2 $0x1  }
0x17: {  	s4 =	simm.s32 $0x1BF5;
	[smem:$0x3FB0] =	sst s0  }
0x18: {  	s0 =	sld [smem:$0x3F93];
	_ =	swait.ge [sflag:s4], $0x0  }
0x19: {  	s7 =	sld [smem:$0x3F94]  }
0x1a: {  	s8 =	sadd.s32 $0xFFFFE003, lr  }
0x1b: {  	s9 =	sadd.s32 $0xFFFFFEF7, lr;
	s5 =	simm.s32 $0xFFFFFFFF;
	p2 =	slt.u32 s8, $0xFFFFF086  }
0x1c: {  	p1 =	slt.u32 s9, $0xF7A;
	s5 =	simm.s32 @!p2 $0x0  }
0x1d: {  	s5 =	simm.s32 @p1 $0x1;
	p0 =	seq.s32 s7, s2  }
0x1e: {  	s7 =	smul.u32 @!p0 $0xF7A, s2;
	p2 =	seq.s32 @!p0 s5, $0x0  }
0x1f: {  	s9 =	smul.u32 $0xF7A, s1;
	s8 =	simm.s32 @!p0 $0x1BF5;
	p2 =	por !p2, p0  }
0x20: {  	[sflag:s8] =	ssyncset.s32 @!p0 $0xFFFFF086;
	s6 =	sadd.s32 @!p0 s3, s7;
	s7 =	simm.s32 @!p0 $0x108  }
0x21: {  	s3 =	sadd.s32 s3, s9;
	s6 =	sadd.s32 @!p0 $0x88, s6;
	s7 =	simm.s32 @p2 $0x1082  }
0x22: {  	[simem:s7], [sflag:s8] =	dma.local @!p0 [hbm:s6], $0xF7A  }
0x23: {  	s9 =	sor.u32 $0xD0000000, s2;
	s6 =	simm.s32 $0x108;
	_ =	swait.ge @!p0 [sflag:s8], $0x0  }
0x24: {  	s3 =	sadd.s32 $0x88, s3;
	s6 =	simm.s32 @!p1 $0x1082;
	[sflag:s4] =	ssyncset.s32 $0xFFFFF086  }
0x25: {  	[simem:s6], [sflag:s4] =	dma.local [hbm:s3], $0xF7A  }
0x26: {  	[smem:$0x3F94] =	sst s1;
	(tag) =	ssettag s2;
	_ =	strace s9  }
0x27: {  	s1 =	sld [smem:$0x3FA4]  }
0x28: {  	s2 =	sld [smem:$0x3FA5]  }
0x29: {  	s4 =	sld [smem:$0x3FA7]  }
0x2a: {  	p0 =	seq.s32 s5, $0x0;
	s5 =	sld [smem:$0x3FA8]  }
0x2b: {  	s6 =	sld [smem:$0x3FA9]  }
0x2c: {  	s7 =	sld [smem:$0x3FAA]  }
0x2d: {  	s3 =	simm.s32 $0x108;
	s8 =	sld [smem:$0x3FAB]  }
0x2e: {  	s3 =	simm.s32 @!p0 $0x1082;
	s9 =	sld [smem:$0x3FAC]  }
0x2f: {  	lr =	sadd.s32 s0, s3;
	s0 =	sld [smem:$0x3FA3]  }
0x30: {  	s3 =	sld [smem:$0x3FA6]  }
0x31: {  	[smem:$0x3FAF] =	sst s10  }
0x32: {  	s10 =	sld [smem:$0x3FAD];
	_ =	sdelay $0x3  }
0x33: {  	p0 =	seq.s32 s10, $0x1;
	s10 =	sld [smem:$0x3FAF];
	_ =	sdelay $0x3  }
0x34: {  	[smem:$0x3FAF] =	sst s10  }
0x35: {  	s10 =	sld [smem:$0x3FAE];
	_ =	sdelay $0x3  }
0x36: {  	p1 =	seq.s32 s10, $0x1;
	s10 =	sld [smem:$0x3FAF];
	_ =	sdelay $0x3  }
0x37: {  	[smem:$0x3FAF] =	sst s10  }
0x38: {  	s10 =	sld [smem:$0x3FB0]  }
0x39: {  	_ = 	snop;
	(pc) =	sbr.ind lr, $3  }
0x3a: {  	_ = 	snop  }
0x3b: {  	_ = 	snop  }
0x3c: {  	p2 =	seq.s32 s10, $0x1;
	s10 =	sld [smem:$0x3FAF]  }
0x3d: {  	_ =	shalt  }
0x3e: {  	_ =	shalt  }
0x3f: {  	_ =	shalt  }
0x40: {  	_ =	shalt  }
0x41: {  	_ =	shalt  }
0x42: {  	_ =	shalt  }
0x43: {  	_ =	shalt  }
0x44: {  	_ =	shalt  }
0x45: {  	_ =	shalt  }
0x46: {  	_ =	shalt  }
0x47: {  	_ =	shalt  }
0x48: {  	_ =	shalt  }
0x49: {  	_ =	shalt  }
0x4a: {  	_ =	shalt  }
0x4b: {  	_ =	shalt  }
0x4c: {  	_ =	shalt  }
0x4d: {  	_ =	shalt  }
0x4e: {  	_ =	shalt  }
0x4f: {  	_ =	shalt  }
0x50: {  	_ =	shalt  }
0x51: {  	_ =	shalt  }
0x52: {  	_ =	shalt  }
0x53: {  	_ =	shalt  }
0x54: {  	_ =	shalt  }
0x55: {  	_ =	shalt  }
0x56: {  	_ =	shalt  }
0x57: {  	_ =	shalt  }
0x58: {  	_ =	shalt  }
0x59: {  	_ =	shalt  }
0x5a: {  	_ =	shalt  }
0x5b: {  	_ =	shalt  }
0x5c: {  	_ =	shalt  }
0x5d: {  	_ =	shalt  }
0x5e: {  	_ =	shalt  }
0x5f: {  	_ =	shalt  }
0x60: {  	_ =	shalt  }
0x61: {  	_ =	shalt  }
0x62: {  	_ =	shalt  }
0x63: {  	_ =	shalt  }
0x64: {  	_ =	shalt  }
0x65: {  	_ =	shalt  }
0x66: {  	_ =	shalt  }
0x67: {  	_ =	shalt  }
0x68: {  	_ =	shalt  }
0x69: {  	_ =	shalt  }
0x6a: {  	_ =	shalt  }
0x6b: {  	_ =	shalt  }
0x6c: {  	_ =	shalt  }
0x6d: {  	_ =	shalt  }
0x6e: {  	_ =	shalt  }
0x6f: {  	_ =	shalt  }
0x70: {  	_ =	shalt  }
0x71: {  	_ =	shalt  }
0x72: {  	_ =	shalt  }
0x73: {  	_ =	shalt  }
0x74: {  	_ =	shalt  }
0x75: {  	_ =	shalt  }
0x76: {  	_ =	shalt  }
0x77: {  	_ =	shalt  }
0x78: {  	_ =	shalt  }
0x79: {  	_ =	shalt  }
0x7a: {  	_ =	shalt  }
0x7b: {  	_ =	shalt  }
0x7c: {  	_ =	shalt  }
0x7d: {  	_ =	shalt  }
0x7e: {  	_ =	shalt  }
0x7f: {  	_ =	shalt  }
0x80: {  	_ =	shalt  }
0x81: {  	_ =	shalt  }
0x82: {  	_ =	shalt  }
0x83: {  	_ =	shalt  }
0x84: {  	_ =	shalt  }
0x85: {  	_ =	shalt  }
0x86: {  	_ =	shalt  }
0x87: {  	_ =	shalt  }
.Lfunc_end0:
.L_simem_size_0:
called_computation_lowered:
.L_overlay_start_0:
0x88: {  	s2 =	sld [smem:$0x3FD9]  }
0x89: {  	s3 =	sld [smem:$0x3FFE];
	_ =	sdelay $0x1  }
0x8a: {  	s1 =	srdreg.scid  }
0x8b: {  	s0 =	sand.u32 $0x1, s1  }
0x8c: {  	s17 =	sshll.u32 s0, $0xA;
	s2 =	sadd.s32 s3, s2  }
0x8d: {  	s2 =	sadd.s32 s2, s17  }
0x8e: {  	[smem:$0x3FBB] =	sst s2  }
0x8f: {  	_ = 	snop  }
0x90: {  	s2 =	sld [smem:$0x3FD0];
	(tm) =	ssettm $0x1  }
0x91: {  	s18 =	sld [smem:$0x3FFB];
	_ =	sdelay $0x3  }
0x92: {  	_ =	strace s18  }
0x93: {  	s3 =	sld [smem:$0x3FFC];
	_ =	sdelay $0x3  }
0x94: {  	_ =	strace s3  }
0x95: {  	s3 =	sld [smem:$0x3FFD];
	_ =	sdelay $0x3  }
0x96: {  	_ =	strace s3  }
0x97: {  	_ =	strace $0x8FFFFFFF  }
0x98: {  	s19 =	sld [smem:$0x3FDB];
	_ =	sdelay $0x1  }
0x99: {  	s4 =	simm.s32 $_scs_section_size  }
0x9a: {  	s5 =	simm.s32 $_size__tile_overlayer_lowered;
	s6 =	simm.s32 $_tile_overlayer_lowered  }
0x9b: {  	s22 =	simm.s32 $0x1BFF;
	s21 =	sshll.u32 s6, $0x1;
	s3 =	sadd.s32 s4, s19  }
0x9c: {  	s7 =	simm.s32 $0x0;
	s20 =	sshll.u32 s5, $0x1;
	s5 =	sadd.s32 s21, s3  }
0x9d: {  	[timem:s7], [sflag:s22] =	dma.local [hbm:s5], s20  }
0x9e: {  	_ =	swait.ge [sflag:s22], s20  }
0x9f: {  	s4 =	ssub.s32 $0x0, s20;
	[sflag:s22] =	ssyncset.done $0x0  }
0xa0: {  	[sflag:s22] =	ssyncadd.s32 s4;
	_ =	sdelay $0x1  }
0xa1: {  	s23 =	simm.s32 $0x1B8B  }
0xa2: {  	_ =	swait.ge [sflag:s23], $0x1  }
0xa3: {  	[sflag:s23] =	ssyncset.done $0x0  }
0xa4: {  	s25 =	simm.s32 $0x1B8E;
	s24 =	sld [smem:$0x3FFE];
	[sflag:s23] =	ssyncadd.s32 $0xFFFFFFFF  }
0xa5: {  	s26 =	simm.s32 $execute0_lowered;
	[smem:$0x3FD2] =	sst s25  }
0xa6: {  	s5 =	sshll.u32 s26, $0x1;
	_ =	strace $0x80000046;
	[dreg:$0x1] =	wrdreg $0xFFFFFFFF  }
0xa7: {  	s28 =	simm.s32 $_size_execute0_lowered;
	s3 =	sadd.s32 s3, s5;
	[dreg:$0x0] =	wrdreg $0x0  }
0xa8: {  	s5 =	sshll.u32 s28, $0x1;
	[dreg:$0x2] =	wrdreg s3  }
0xa9: {  	[dreg:$0x3] =	wrdreg s5  }
0xaa: {  	[dreg:$0x4] =	wrdreg $0xC0  }
0xab: {  	_ =	task [dreg:s7], $0x5FFFF  }
0xac: {  	[dreg:$0x1] =	wrdreg $0xFFFFFFFF  }
0xad: {  	[dreg:$0x0] =	wrdreg $0x60  }
0xae: {  	[dreg:$0x2] =	wrdreg s24  }
0xaf: {  	[dreg:$0x3] =	wrdreg s2  }
0xb0: {  	[dreg:$0x4] =	wrdreg $0x15EC00  }
0xb1: {  	[dreg:$0x5] =	wrdreg $0x1ACE00  }
0xb2: {  	[dreg:$0x6] =	wrdreg $0x9  }
0xb3: {  	_ =	task.clear_ibuf [dreg:s7], $0x7FFFF;
	_ =	strace $0x90000046  }
0xb4: {  	s29 =	simm.s32 $0x9;
	_ =	strace $0x80000048  }
0xb5: {  	_ =	swait.ge [sflag:s29], $0x1  }
0xb6: {  	[sflag:s29] =	ssyncadd.s32 $0xFFFFFFFF  }
0xb7: {  	_ =	strace $0x90000048  }
0xb8: {  	_ =	sfence  }
0xb9: {  	s30 =	sld [smem:$0x0];
	_ =	sdelay $0x2  }
0xba: {  	s31 =	sshll.u32 s1, $0xD;
	s1 =	sshrl.u32 s1, $0x2  }
0xbb: {  	s3 =	sand.u32 $0x4000, s31;
	s1 =	sadd.s32 s1, s30  }
0xbc: {  	s0 =	sor.u32 s3, s0;
	s1 =	sshll.u32 s1, $0x11  }
0xbd: {  	s0 =	sor.u32 s1, s0  }
0xbe: {  	s0 =	sadd.s32 $0x8F2B, s0  }
0xbf: {  	[sflag:s0] =	ssyncadd.remote.s32 $0x1  }
0xc0: {  	_ =	sfence.sel $0xFFFF  }
0xc1: {  	[dreg:$0x0] =	wrdreg $0xFFFFFFFF;
	(pc) =	sbr.abs _section_cstart, $3  }
0xc2: {  	[dreg:$0x1] =	wrdreg $0xFFFFFFFF  }
0xc3: {  	_ =	task.clear_ibuf [dreg:s7], $0x2FFFF;
	_ =	strace $0x9FFFFFFF  }
0xc4: {  	(tm) =	ssettm $0x7FFFFFFF  }
0xc5: {  	_ =	shalt  }
tec
execute0_lowered:
.L_overlay_start_1:
0x0: {  	(tag) =	ssettag $0x1  }
0x1: {  	v0 =	vimm.s32 $0x14131211;
	v1 =	vimm.s32 $0x18171615;
	vm0 =	vcmask $0x1F10  }
0x2: {  	v2 =	vimm.s32 $0x1C1B1A19;
	v3 =	vimm.s32 $0x1F1E1D;
	v4 =	vimm.s32 $0x15141312  }
0x3: {  	v5 =	vimm.s32 $0x19181716;
	v6 =	vimm.s32 $0x1D1C1B1A;
	v7 =	vimm.s32 $0x1001F1E  }
0x4: {  	v9 =	vimm.s32 $0x16151413;
	v11 =	vimm.s32 $0x1A191817;
	v12 =	vimm.s32 $0x1E1D1C1B  }
0x5: {  	v13 =	vimm.s32 $0x201001F;
	v14 =	vimm.s32 $0x17161514;
	v15 =	vimm.s32 $0x1B1A1918  }
0x6: {  	v16 =	vimm.s32 $0x4030201;
	v17 =	vimm.s32 $0x5040302;
	v18 =	vimm.s32 $0x6050403  }
0x7: {  	v53 =	vimm.s32 $0x98765432;
	v60 =	vimm.s32 $0x43218765;
	v35 =	vimm.s32 $0x54329876  }
0x8: {  	vm7 =	vcmask $0x2F10;
	vm1 =	vcmask $0x3F30;
	vm14 =	vcmask $0x300  }
0x9: {  	vm13 =	vcmask $0x704;
	vm12 =	vcmask $0xB08;
	vm11 =	vcmask $0xF0C  }
0xa: {  	vm10 =	vcmask $0x1310;
	vm9 =	vcmask $0x1714;
	vm6 =	vcmask $0x1B18  }
0xb: {  	vm15 =	vcmask $0x2320;
	vm2 =	vcmask $0x2724;
	vm3 =	vcmask $0x2B28  }
0xc: {  	vm4 =	vcmask $0x2F2C;
	vm5 =	vcmask $0x3330;
	vm8 =	vcmask $0x3B38  }
0xd: {  	v0 =	vunpack.c.0.s8.s32 v0;
	v1 =	vunpack.c.0.s8.s32 v1;
	v2 =	vunpack.c.0.s8.s32 v2  }
0xe: {  	v3 =	vunpack.c.0.s8.s32 v3;
	v4 =	vunpack.c.0.s8.s32 v4;
	v5 =	vunpack.c.0.s8.s32 v5  }
0xf: {  	v6 =	vunpack.c.0.s8.s32 v6;
	v7 =	vunpack.c.0.s8.s32 v7;
	v9 =	vunpack.c.0.s8.s32 v9  }
0x10: {  	v11 =	vunpack.c.0.s8.s32 v11;
	v12 =	vunpack.c.0.s8.s32 v12;
	v13 =	vunpack.c.0.s8.s32 v13  }
0x11: {  	v14 =	vunpack.c.0.s8.s32 v14;
	v15 =	vunpack.c.0.s8.s32 v15;
	v16 =	vunpack.c.0.s8.s32 v16  }
0x12: {  	v17 =	vunpack.c.0.s8.s32 v17;
	v46 =	vunpack.c.0.s8.s32 v18;
	v0 =	vsel vm0, v1, v0  }
0x13: {  	v8 =	vsel vm0, v3, v2;
	v4 =	vsel vm0, v5, v4;
	v10 =	vsel vm0, v7, v6  }
0x14: {  	v43 =	vsel vm0, v11, v9;
	v9 =	vimm.s32 $0x3020100;
	v14 =	vsel vm0, v15, v14  }
0x15: {  	v16 =	vsel vm0, v16, v3;
	v1 =	vsel vm0, v2, v1;
	v47 =	vsel vm0, v17, v7  }
0x16: {  	v48 =	vsel vm0, v6, v5;
	v2 =	vsel vm0, v46, v13;
	v5 =	vimm.s32 $0x87654321  }
0x17: {  	v6 =	vsel vm0, v12, v11;
	v11 =	vimm.s32 $0x76543210;
	v28 =	vcombine.low v0, v8  }
0x18: {  	v25 =	vcombine.low v4, v10;
	v4 =	vsel vm0, v13, v12;
	v44 =	vunpack.c.0.s8.s32 v9  }
0x19: {  	v9 =	vimm.s32 $0x1F1E1D1C;
	v36 =	vcombine.low v1, v16;
	v5 =	vunpack.c.l.s4.s8 v5  }
0x1a: {  	v37 =	vcombine.low v48, v47;
	v49 =	vunpack.c.l.s4.s8 v11;
	v11 =	vimm.s32 $0x32107654  }
0x1b: {  	v47 =	vimm.s32 $0x31E1;
	v48 =	vimm.s32 $0x31E2;
	v40 =	vcombine.low v43, v4  }
0x1c: {  	v9 =	vunpack.c.0.s8.s32 v9;
	v43 =	vcombine.low v6, v2;
	v2 =	vunpack.c.l.s4.s8 v53  }
0x1d: {  	v11 =	vunpack.c.l.s4.s8 v11;
	v52 =	vunpack.c.0.s8.s32 v5;
	v5 =	vimm.s32 $0xA9876543  }
0x1e: {  	v0 =	vsel vm0, v44, v9;
	v6 =	vsel vm0, v9, v15;
	v5 =	vunpack.c.l.s4.s8 v5  }
0x1f: {  	v2 =	vunpack.c.0.s8.s32 v2;
	v59 =	vunpack.c.0.s8.s32 v11;
	v44 =	vimm.s32 $0xD0C0B0A  }
0x20: {  	vm0 =	vcmask $0x1F1C;
	v34 =	vcombine.low v14, v0;
	v1 =	vand.u32 $0xF, v52  }
0x21: {  	v0 =	vunpack.c.0.s8.s32 v49;
	v5 =	vunpack.c.0.s8.s32 v5;
	v56 =	vcombine.low v8, v1  }
0x22: {  	v54 =	vand.u32 $0xF, v2;
	v62 =	vand.u32 $0xF, v59;
	v2 =	vunpack.c.l.s4.s8 v35  }
0x23: {  	v59 =	vimm.s32 $0x31E5;
	v35 =	vimm.s32 $0x31E6;
	v52 =	vcombine.low v6, v0  }
0x24: {  	v8 =	vcombine.low v10, v54;
	v0 =	vunpack.c.l.s4.s8 v60;
	v1 =	vsel vm7, v62, v9  }
0x25: {  	v55 =	vand.u32 $0xF, v5;
	v5 =	vimm.s32 $0xC0B0A09;
	v2 =	vunpack.c.0.s8.s32 v2  }
0x26: {  	v63 =	vcombine.low v4, v55;
	v4 =	vimm.s32 $0xB0A0908;
	v0 =	vunpack.c.0.s8.s32 v0  }
0x27: {  	v54 =	vimm.s32 $0x31E3;
	v38 =	vunpack.c.0.s8.s32 v5;
	v4 =	vunpack.c.0.s8.s32 v4  }
0x28: {  	v55 =	vimm.s32 $0x31E4;
	v2 =	vand.u32 $0xF, v2;
	v0 =	vand.u32 $0xF, v0  }
0x29: {  	v41 =	vsel vm7, v2, v7;
	v2 =	vunpack.c.0.s8.s32 v44;
	v6 =	vsel vm1, v4, v1  }
0x2a: {  	v0 =	vsel vm7, v0, v3;
	v3 =	vimm.s32 $0x6543A987;
	v4 =	vimm.s32 $0xE0D0C0B  }
0x2b: {  	v5 =	vsel vm1, v38, v0;
	v42 =	vunpack.c.l.s4.s8 v3;
	v3 =	vimm.s32 $0x31E0  }
0x2c: {  	v4 =	vunpack.c.0.s8.s32 v4;
	v7 =	vsel vm1, v2, v41;
	v2 =	vsel vm14, $0x3013, v48  }
0x2d: {  	v38 =	vimm.s32 $0x31E7;
	v41 =	vimm.s32 $0x31E8;
	v3 =	vsel vm14, $0x3011, v3  }
0x2e: {  	v2 =	vsel vm13, $0x3034, v2;
	v1 =	vunpack.c.0.s8.s32 v42;
	v3 =	vsel vm13, $0x3032, v3  }
0x2f: {  	v48 =	vimm.s32 $0x31EB;
	v2 =	vsel vm12, $0x3055, v2;
	v3 =	vsel vm12, $0x3053, v3  }
0x30: {  	v2 =	vsel vm11, $0x3076, v2;
	v1 =	vand.u32 $0xF, v1;
	v3 =	vsel vm11, $0x3074, v3  }
0x31: {  	v2 =	vsel vm10, $0x3097, v2;
	v3 =	vsel vm10, $0x3095, v3;
	v1 =	vsel vm7, v1, v13  }
0x32: {  	v2 =	vsel vm9, $0x30B8, v2;
	vm7 =	vcmask $0x3734;
	v3 =	vsel vm9, $0x30B6, v3  }
0x33: {  	v4 =	vsel vm1, v4, v1;
	v1 =	vsel vm14, $0x3012, v47;
	v2 =	vsel vm6, $0x30D9, v2  }
0x34: {  	v47 =	vimm.s32 $0x31EA;
	v46 =	vsel vm6, $0x30D7, v3;
	v1 =	vsel vm13, $0x3033, v1  }
0x35: {  	v2 =	vsel vm0, $0x30FA, v2;
	v0 =	vsel vm0, $0x30F8, v46;
	v1 =	vsel vm12, $0x3054, v1  }
0x36: {  	v2 =	vsel vm15, $0x311B, v2;
	v46 =	vimm.s32 $0x31E9;
	v1 =	vsel vm11, $0x3075, v1  }
0x37: {  	v0 =	vsel vm15, $0x3119, v0;
	v2 =	vsel vm2, $0x313C, v2;
	v1 =	vsel vm10, $0x3096, v1  }
0x38: {  	v0 =	vsel vm2, $0x313A, v0;
	v2 =	vsel vm3, $0x315D, v2;
	v1 =	vsel vm9, $0x30B7, v1  }
0x39: {  	v0 =	vsel vm3, $0x315B, v0;
	v2 =	vsel vm4, $0x317E, v2;
	v1 =	vsel vm6, $0x30D8, v1  }
0x3a: {  	v0 =	vsel vm4, $0x317C, v0;
	v2 =	vsel vm5, $0x319F, v2;
	v1 =	vsel vm0, $0x30F9, v1  }
0x3b: {  	v0 =	vsel vm5, $0x319D, v0;
	v2 =	vsel vm7, $0x31A0, v2;
	v1 =	vsel vm15, $0x311A, v1  }
0x3c: {  	v0 =	vsel vm7, $0x31BE, v0;
	v53 =	vsel vm8, $0x31C1, v2;
	v2 =	vsel vm14, $0x3016, v59  }
0x3d: {  	v1 =	vsel vm2, $0x313B, v1;
	v0 =	vsel vm8, $0x31DF, v0;
	v2 =	vsel vm13, $0x3037, v2  }
0x3e: {  	v1 =	vsel vm3, $0x315C, v1;
	[tilespmem:$0x1FD10] =	vst v0;
	v0 =	vsel vm14, $0x3014, v54;
	v2 =	vsel vm12, $0x3058, v2  }
0x3f: {  	v1 =	vsel vm4, $0x317D, v1;
	v0 =	vsel vm13, $0x3035, v0;
	v2 =	vsel vm11, $0x3079, v2  }
0x40: {  	v1 =	vsel vm5, $0x319E, v1;
	v0 =	vsel vm12, $0x3056, v0;
	v2 =	vsel vm10, $0x309A, v2  }
0x41: {  	v1 =	vsel vm7, $0x31BF, v1;
	v0 =	vsel vm11, $0x3077, v0;
	v2 =	vsel vm9, $0x30BB, v2  }
0x42: {  	v49 =	vsel vm8, $0x31C0, v1;
	v1 =	vsel vm14, $0x3015, v55;
	v0 =	vsel vm10, $0x3098, v0  }
0x43: {  	v2 =	vsel vm6, $0x30DC, v2;
	v1 =	vsel vm13, $0x3036, v1;
	v0 =	vsel vm9, $0x30B9, v0  }
0x44: {  	v2 =	vsel vm0, $0x30FD, v2;
	v1 =	vsel vm12, $0x3057, v1;
	v0 =	vsel vm6, $0x30DA, v0  }
0x45: {  	v2 =	vsel vm15, $0x311E, v2;
	v1 =	vsel vm11, $0x3078, v1;
	v0 =	vsel vm0, $0x30FB, v0  }
0x46: {  	v2 =	vsel vm2, $0x313F, v2;
	v1 =	vsel vm10, $0x3099, v1;
	v0 =	vsel vm15, $0x311C, v0  }
0x47: {  	v2 =	vsel vm3, $0x3140, v2;
	v1 =	vsel vm9, $0x30BA, v1;
	v0 =	vsel vm2, $0x313D, v0  }
0x48: {  	v2 =	vsel vm4, $0x3161, v2;
	v1 =	vsel vm6, $0x30DB, v1;
	v0 =	vsel vm3, $0x315E, v0  }
0x49: {  	v2 =	vsel vm5, $0x3182, v2;
	v1 =	vsel vm0, $0x30FC, v1;
	v0 =	vsel vm4, $0x317F, v0  }
0x4a: {  	v2 =	vsel vm7, $0x31A3, v2;
	v1 =	vsel vm15, $0x311D, v1;
	v0 =	vsel vm5, $0x3180, v0  }
0x4b: {  	v62 =	vsel vm8, $0x31C4, v2;
	v2 =	vsel vm14, $0x3019, v41;
	v1 =	vsel vm2, $0x313E, v1  }
0x4c: {  	v0 =	vsel vm7, $0x31A1, v0;
	v2 =	vsel vm13, $0x303A, v2;
	v1 =	vsel vm3, $0x315F, v1  }
0x4d: {  	v0 =	vsel vm8, $0x31C2, v0;
	v2 =	vsel vm12, $0x305B, v2;
	v1 =	vsel vm4, $0x3160, v1  }
0x4e: {  	[tilespmem:$0x1FD40] =	vst v0;
	v0 =	vsel vm14, $0x3017, v35;
	v2 =	vsel vm11, $0x307C, v2;
	v1 =	vsel vm5, $0x3181, v1  }
0x4f: {  	v0 =	vsel vm13, $0x3038, v0;
	v2 =	vsel vm10, $0x309D, v2;
	v1 =	vsel vm7, $0x31A2, v1  }
0x50: {  	v0 =	vsel vm12, $0x3059, v0;
	v60 =	vsel vm8, $0x31C3, v1;
	v1 =	vsel vm14, $0x3018, v38  }
0x51: {  	v2 =	vsel vm9, $0x30BE, v2;
	v0 =	vsel vm11, $0x307A, v0;
	v1 =	vsel vm13, $0x3039, v1  }
0x52: {  	v2 =	vsel vm6, $0x30DF, v2;
	v0 =	vsel vm10, $0x309B, v0;
	v1 =	vsel vm12, $0x305A, v1  }
0x53: {  	v2 =	vsel vm0, $0x30E0, v2;
	v0 =	vsel vm9, $0x30BC, v0;
	v1 =	vsel vm11, $0x307B, v1  }
0x54: {  	v2 =	vsel vm15, $0x3101, v2;
	v0 =	vsel vm6, $0x30DD, v0;
	v1 =	vsel vm10, $0x309C, v1  }
0x55: {  	v2 =	vsel vm2, $0x3122, v2;
	v0 =	vsel vm0, $0x30FE, v0;
	v1 =	vsel vm9, $0x30BD, v1  }
0x56: {  	v2 =	vsel vm3, $0x3143, v2;
	v0 =	vsel vm15, $0x311F, v0;
	v1 =	vsel vm6, $0x30DE, v1  }
0x57: {  	v2 =	vsel vm4, $0x3164, v2;
	v0 =	vsel vm2, $0x3120, v0;
	v1 =	vsel vm0, $0x30FF, v1  }
0x58: {  	v2 =	vsel vm5, $0x3185, v2;
	v0 =	vsel vm3, $0x3141, v0;
	v1 =	vsel vm15, $0x3100, v1  }
0x59: {  	v2 =	vsel vm7, $0x31A6, v2;
	v0 =	vsel vm4, $0x3162, v0;
	v1 =	vsel vm2, $0x3121, v1  }
0x5a: {  	v44 =	vsel vm8, $0x31C7, v2;
	v0 =	vsel vm5, $0x3183, v0;
	v1 =	vsel vm3, $0x3142, v1  }
0x5b: {  	v2 =	vsel vm14, $0x301C, v48;
	v0 =	vsel vm7, $0x31A4, v0;
	v1 =	vsel vm4, $0x3163, v1  }
0x5c: {  	v2 =	vsel vm13, $0x303D, v2;
	v0 =	vsel vm8, $0x31C5, v0;
	v1 =	vsel vm5, $0x3184, v1  }
0x5d: {  	v2 =	vsel vm12, $0x305E, v2;
	[tilespmem:$0x1FD70] =	vst v0;
	v0 =	vsel vm14, $0x301A, v46;
	v1 =	vsel vm7, $0x31A5, v1  }
0x5e: {  	v0 =	vsel vm13, $0x303B, v0;
	v42 =	vsel vm8, $0x31C6, v1;
	v1 =	vsel vm14, $0x301B, v47  }
0x5f: {  	v2 =	vsel vm11, $0x307F, v2;
	v0 =	vsel vm12, $0x305C, v0;
	v1 =	vsel vm13, $0x303C, v1  }
0x60: {  	v2 =	vsel vm10, $0x3080, v2;
	v0 =	vsel vm11, $0x307D, v0;
	v1 =	vsel vm12, $0x305D, v1  }
0x61: {  	v2 =	vsel vm9, $0x30A1, v2;
	v0 =	vsel vm10, $0x309E, v0;
	v1 =	vsel vm11, $0x307E, v1  }
0x62: {  	v2 =	vsel vm6, $0x30C2, v2;
	v0 =	vsel vm9, $0x30BF, v0;
	v1 =	vsel vm10, $0x309F, v1  }
0x63: {  	v2 =	vsel vm0, $0x30E3, v2;
	v0 =	vsel vm6, $0x30C0, v0;
	v1 =	vsel vm9, $0x30A0, v1  }
0x64: {  	v2 =	vsel vm15, $0x3104, v2;
	v0 =	vsel vm0, $0x30E1, v0;
	v1 =	vsel vm6, $0x30C1, v1  }
0x65: {  	[tilespmem:$0x1FD30] =	vst v53;
	v2 =	vsel vm2, $0x3125, v2;
	v0 =	vsel vm15, $0x3102, v0;
	v1 =	vsel vm0, $0x30E2, v1  }
0x66: {  	[tilespmem:$0x1FD20] =	vst v49;
	v2 =	vsel vm3, $0x3146, v2;
	v0 =	vsel vm2, $0x3123, v0;
	v1 =	vsel vm15, $0x3103, v1  }
0x67: {  	[tilespmem:$0x1FD60] =	vst v62;
	v2 =	vsel vm4, $0x3167, v2;
	v0 =	vsel vm3, $0x3144, v0;
	v1 =	vsel vm2, $0x3124, v1  }
0x68: {  	[tilespmem:$0x1FD50] =	vst v60;
	v2 =	vsel vm5, $0x3188, v2;
	v0 =	vsel vm4, $0x3165, v0;
	v1 =	vsel vm3, $0x3145, v1  }
0x69: {  	[tilespmem:$0x1FD90] =	vst v44;
	v2 =	vsel vm7, $0x31A9, v2;
	v0 =	vsel vm5, $0x3186, v0;
	v1 =	vsel vm4, $0x3166, v1  }
0x6a: {  	[tilespmem:$0x1FD80] =	vst v42;
	v53 =	vsel vm8, $0x31CA, v2;
	v0 =	vsel vm7, $0x31A7, v0;
	v1 =	vsel vm5, $0x3187, v1  }
0x6b: {  	v45 =	vlaneseq.u32;
	s0 =	rddreg [dreg:$0x0];
	[tilespmem:$0x1FDC0] =	vst v53;
	v0 =	vsel vm8, $0x31C8, v0;
	v1 =	vsel vm7, $0x31A8, v1  }
0x6c: {  	s1 =	rddreg [dreg:$0x2];
	s5 =	simm.s32 $0x0;
	v51 =	vmul.u32 $0x20, v45;
	[tilespmem:$0x1FDA0] =	vst v0;
	v49 =	vsel vm8, $0x31C9, v1  }
0x6d: {  	[smem:$0x7FF] =	sst s5;
	[tilespmem:$0x1FDB0] =	vst v49  }
0x6e: {  	s4 =	rddreg [dreg:$0x3];
	_ =	strace $0x80000047;
	[tilespmem:$0x1FE00] =	vst v51  }
0x6f: {  	v21 =	vadd.s32 $0x2, v45;
	[tilespmem:$0x1FE10] =	vst v63  }
0x70: {  	v20 =	vadd.s32 $0x1, v45;
	[tilespmem:$0x1FE20] =	vst v21  }
0x71: {  	v23 =	vadd.s32 $0x3, v45;
	[tilespmem:$0x1FE30] =	vst v20  }
0x72: {  	[tilespmem:$0x1FE40] =	vst v23  }
0x73: {  	[tilespmem:$0x1FE50] =	vst v6  }
0x74: {  	[tilespmem:$0x1FE60] =	vst v43  }
0x75: {  	v29 =	vadd.s32 $0xE, v45;
	[tilespmem:$0x1FE70] =	vst v40  }
0x76: {  	v26 =	vadd.s32 $0x9, v45;
	[tilespmem:$0x1FE80] =	vst v29  }
0x77: {  	v22 =	vadd.s32 $0xA, v45;
	[tilespmem:$0x1FE90] =	vst v26  }
0x78: {  	[tilespmem:$0x1FEA0] =	vst v22  }
0x79: {  	v15 =	vor.u32 $0x10, v45;
	[tilespmem:$0x1FEB0] =	vst v7  }
0x7a: {  	[tilespmem:$0x1FEC0] =	vst v15  }
0x7b: {  	[tilespmem:$0x1FED0] =	vst v5  }
0x7c: {  	v39 =	vadd.s32 $0x4, v45;
	v50 =	vadd.s32 $0x5, v45;
	v58 =	vadd.s32 $0x6, v45;
	[tilespmem:$0x1FEE0] =	vst v4  }
0x7d: {  	v61 =	vadd.s32 $0x7, v45;
	v57 =	vadd.s32 $0x8, v45;
	v30 =	vadd.s32 $0xB, v45;
	[tilespmem:$0x1FEF0] =	vst v8  }
0x7e: {  	v31 =	vadd.s32 $0xC, v45;
	v32 =	vadd.s32 $0xD, v45;
	v59 =	vimm.s32 $0x31EE;
	[tilespmem:$0x1FF00] =	vst v34  }
0x7f: {  	v33 =	vadd.s32 $0xF, v45;
	v54 =	vimm.s32 $0x31EC;
	v2 =	vsel vm14, $0x301F, v59;
	[tilespmem:$0x1FF10] =	vst v36  }
0x80: {  	s3 =	srdreg.scid;
	v55 =	vimm.s32 $0x31ED;
	v2 =	vsel vm13, $0x3020, v2;
	v0 =	vsel vm14, $0x301D, v54;
	[tilespmem:$0x1FF20] =	vst v37  }
0x81: {  	s2 =	stileid.u32;
	s18 =	simm.s32 $0x2710;
	s19 =	simm.s32 $0x190;
	v2 =	vsel vm12, $0x3041, v2;
	v1 =	vsel vm14, $0x301E, v55;
	v0 =	vsel vm13, $0x303E, v0;
	[tilespmem:$0x1FF30] =	vst v33  }
0x82: {  	s17 =	simm.s32 $0x3;
	s20 =	simm.s32 $0x4E20;
	s21 =	simm.s32 $0x8020;
	v2 =	vsel vm11, $0x3062, v2;
	v1 =	vsel vm13, $0x303F, v1;
	v0 =	vsel vm12, $0x305F, v0;
	[tilespmem:$0x1FF40] =	vst v28  }
0x83: {  	s22 =	simm.s32 $0x1;
	s23 =	simm.s32 $0xB220;
	s24 =	simm.s32 $0xE420;
	v2 =	vsel vm10, $0x3083, v2;
	v1 =	vsel vm12, $0x3040, v1;
	v0 =	vsel vm11, $0x3060, v0;
	[tilespmem:$0x1FF50] =	vst v30  }
0x84: {  	s28 =	simm.s32 $0x0;
	s29 =	simm.s32 $0x0;
	s7 =	sadd.s32 $0x1A00, s0;
	v2 =	vsel vm9, $0x30A4, v2;
	[tilespmem:$0x1FF60] =	vst v32;
	v1 =	vsel vm11, $0x3061, v1;
	v0 =	vsel vm10, $0x3081, v0  }
0x85: {  	s3 =	sand.u32 $0x1, s3;
	s10 =	smul.u32 $0x14000, s2;
	s13 =	sadd.s32 $0x29200, s0;
	v2 =	vsel vm6, $0x30C5, v2;
	[tilespmem:$0x1FF70] =	vst v31;
	v1 =	vsel vm10, $0x3082, v1;
	v0 =	vsel vm9, $0x30A2, v0  }
0x86: {  	s6 =	sshll.u32 s2, $0x1;
	s14 =	smul.u32 $0x5000, s2;
	p0 =	sne.s32 s2, $0xF;
	v2 =	vsel vm0, $0x30E6, v2;
	[tilespmem:$0x1FF80] =	vst v39;
	v1 =	vsel vm9, $0x30A3, v1;
	v0 =	vsel vm6, $0x30C3, v0  }
0x87: {  	p3 =	seq.s32 s2, $0xF;
	s6 =	sor.u32 s3, s6;
	s9 =	smul.u32 $0x4E2, s3;
	v2 =	vsel vm15, $0x3107, v2;
	[tilespmem:$0x1FF90] =	vst v25;
	v1 =	vsel vm6, $0x30C4, v1;
	v0 =	vsel vm0, $0x30E4, v0  }
0x88: {  	s26 =	ssub.s32 $0x2, s3;
	s3 =	smul.u32 $0x4E200, s3;
	p2 =	sne.s32 @p0 s2, $0x0;
	[tilespmem:$0x1FFA0] =	vst v52;
	v2 =	vsel vm2, $0x3128, v2;
	v1 =	vsel vm0, $0x30E5, v1;
	v0 =	vsel vm15, $0x3105, v0  }
0x89: {  	s8 =	smul.u32 $0x4E2, s6;
	s6 =	sadd.s32 $0xB800, s0;
	s12 =	sshrl.u32 s26, $0x1;
	[tilespmem:$0x1FFB0] =	vst v56;
	v2 =	vsel vm3, $0x3149, v2;
	v1 =	vsel vm15, $0x3106, v1;
	v0 =	vsel vm2, $0x3126, v0  }
0x8a: {  	s30 =	sshrl.u32 s10, $0x2;
	s25 =	sadd.s32 s14, s1;
	p1 =	por p2, !p0;
	[tilespmem:$0x1FFC0] =	vst v50;
	v2 =	vsel vm4, $0x316A, v2;
	v1 =	vsel vm2, $0x3127, v1;
	v0 =	vsel vm3, $0x3147, v0  }
0x8b: {  	p2 =	por !p2, !p0;
	s15 =	ssub.s32 s26, s12;
	s31 =	sadd.s32 s14, s3;
	[tilespmem:$0x1FFD0] =	vst v57;
	v2 =	vsel vm5, $0x318B, v2;
	v1 =	vsel vm3, $0x3148, v1;
	v0 =	vsel vm4, $0x3168, v0  }
0x8c: {  	s3 =	sshrl.u32 s3, $0x3;
	s25 =	sshrl.u32 @!p3 s25, $0x3;
	s26 =	simm.s32 $0x2;
	[tilespmem:$0x1FFE0] =	vst v61;
	v2 =	vsel vm7, $0x31AC, v2;
	v1 =	vsel vm4, $0x3169, v1;
	v0 =	vsel vm5, $0x3189, v0  }
0x8d: {  	s11 =	sadd.s32 s8, s0;
	s0 =	sadd.s32 s9, s0;
	s8 =	sadd.s32 s30, s1;
	[tilespmem:$0x1FFF0] =	vst v58;
	v62 =	vsel vm8, $0x31CD, v2;
	v1 =	vsel vm5, $0x318A, v1;
	v0 =	vsel vm7, $0x31AA, v0  }
0x8e: {  	s9 =	sadd.s32 $0x4B000, s1;
	s12 =	sshrl.u32 s31, $0x3;
	s3 =	sadd.s32 s13, s3;
	[tilespmem:$0x1FDF0] =	vst v62;
	v1 =	vsel vm7, $0x31AB, v1;
	v0 =	vsel vm8, $0x31CB, v0  }
0x8f: {  	s15 =	smax.u32 s15, $0x1;
	s10 =	sadd.s32 $0x1F400, s11;
	s11 =	sadd.s32 $0x15600, s11;
	[tilespmem:$0x1FDD0] =	vst v0;
	v60 =	vsel vm8, $0x31CC, v1  }
0x90: {  	v19 =	vimm.f32 $0.0e+00;
	s12 =	sadd.s32 s13, s12;
	s13 =	sadd.s32 $0x9600, s3;
	s14 =	sadd.s32 $0x3CC00, s0;
	[tilespmem:$0x1FDE0] =	vst v60  }
.LBB2_1:
0x91: {  	s0 =	rddreg [dreg:$0x1];
	s3 =	simm.s32 $0xE5B0  }
0x92: {  	[tilespmem:s3], [sflag:$0x3] =	stream.linear.gather [hbm4b:s0+s5], $0x200, $0x38;
	[tilespmem:$0x1AF58] =	vst v63  }
0x93: {  	_ =	swait.ge [sflag:s17], $0x200  }
0x94: {  	[sflag:s17] =	ssyncset.done $0x0  }
0x95: {  	s0 =	simm.s32 $0x0;
	[sflag:s17] =	ssyncadd.s32 $0xFFFFFE00  }
.LBB2_2:
0x96: {  	p4 =	sne.s32 s0, $0x13F80  }
.Ltmp0:
0x97: {  	_ = 	snop;
	(pc) =	sbr.rel @p4 .LBB2_2-.Ltmp0, $4  }
0x98: {  	_ = 	snop  }
0x99: {  	s3 =	sshra.s32 s0, $0x2  }
0x9a: {  	[tilespmem:s3+$0xE7B0] =	vst v19  }
0x9b: {  	s0 =	sadd.s32 $0x80, s0;
	[tilespmem:s3+$0xE7C0] =	vst v19  }
0x9c: {  	s0 =	simm.s32 $0x40;
	s3 =	simm.s32 $0x0  }
.LBB2_4:
0x9d: {  	p4 =	sne.s32 s0, $0x9C00;
	[tilespmem:s3+$0x137B0] =	vst v19;
	s3 =	smov.u32 s0;
	s0 =	sadd.s32 $0x40, s0  }
.Ltmp1:
0x9e: {  	(pc) =	sbr.rel @p4 .LBB2_4-.Ltmp1, $2  }
0x9f: {  	_ =	sdelay $0x2  }
0xa0: {  	s3 =	sshra.s32 s3, $0x2  }
0xa1: {  	[tilespmem:s3+$0x137B0] =	vst v19;
	s0 =	simm.s32 @p0 $0xE7B0  }
0xa2: {  	[spmem:s8] =	stream.linear.scatter @p0 [tilespmem:s0], [sflag:$0x3], $0x5000, $0x38;
	[tilespmem:$0x1AF58] =	vst v63  }
0xa3: {  	s0 =	simm.s32 @p0 $0x3  }
0xa4: {  	_ =	swait.ge @p0 [sflag:s0], $0x5000  }
0xa5: {  	[sflag:s0] =	ssyncset.done @p0 $0x0  }
0xa6: {  	[sflag:s0] =	ssyncadd.s32 @p0 $0xFFFFB000;
	s0 =	simm.s32 @!p1 $0x137B0  }
0xa7: {  	[spmem:s4] =	stream.linear.scatter @!p1 [tilespmem:s0], [sflag:$0x3], $0x2710, $0x38;
	[tilespmem:$0x1AF58] =	vst v63  }
0xa8: {  	s0 =	simm.s32 @!p1 $0x3  }
0xa9: {  	_ =	swait.ge @!p1 [sflag:s0], $0x2710  }
0xaa: {  	[sflag:s0] =	ssyncset.done @!p1 $0x0  }
0xab: {  	[sflag:s0] =	ssyncadd.s32 @!p1 $0xFFFFD8F0;
	s0 =	simm.s32 @!p0 $0xE7B0  }
0xac: {  	[spmem:s9] =	stream.linear.scatter @!p0 [tilespmem:s0], [sflag:$0x3], $0x3200, $0x38;
	[tilespmem:$0x1AF58] =	vst v63  }
0xad: {  	s0 =	simm.s32 @!p0 $0x3  }
0xae: {  	_ =	swait.ge @!p0 [sflag:s0], $0x3200  }
0xaf: {  	[sflag:s0] =	ssyncset.done @!p0 $0x0  }
0xb0: {  	[sflag:s0] =	ssyncadd.s32 @!p0 $0xFFFFCE00  }
0xb1: {  	[bflag:$0x0] =	sbarrier.arrive $0xFFFF  }
0xb2: {  	[tilespmem:s29], [sflag:$0x3] =	stream.linear.gather [hbm4b:s10+s29], $0x2710, $0x38;
	[tilespmem:$0x1AF58] =	vst v63  }
0xb3: {  	_ =	swait.ge [sflag:s17], $0x2710  }
0xb4: {  	[sflag:s17] =	ssyncset.done $0x0  }
0xb5: {  	[sflag:s17] =	ssyncadd.s32 $0xFFFFD8F0  }
0xb6: {  	[tilespmem:s18], [sflag:$0x3] =	stream.linear.gather [hbm4b:s11+s29], $0x2710, $0x38;
	[tilespmem:$0x1AF58] =	vst v63  }
0xb7: {  	p5 =	por @p0 $0x0, $0x0;
	p4 =	por @!p1 $0x1, $0x1;
	_ =	swait.ge [sflag:s17], $0x2710  }
0xb8: {  	p4 =	por @!p2 p5, p5;
	p5 =	por @!p0 $0x0, $0x0;
	[sflag:s17] =	ssyncset.done $0x0  }
0xb9: {  	s30 =	simm.s32 $0x0;
	p4 =	por @!p0 p5, p5;
	[sflag:s17] =	ssyncadd.s32 $0xFFFFD8F0  }
.LBB2_6:
0xba: {  	s0 =	smul.u32 $0x190, s30  }
0xbb: {  	p5 =	seq.s32 s30, $0x0  }
0xbc: {  	[tilespmem:s20], [sflag:$0x1] =	stream.indirect.gather [hbm4b:s6+s19], $0x20, s0, s19, $0xb8;
	[tilespmem:$0x1AF58] =	vst v63  }
0xbd: {  	s31 =	sadd.s32 $0x2710, s0;
	s0 =	simm.s32 @!p5 $0x2  }
0xbe: {  	[tilespmem:s21], [sflag:$0x1] =	stream.indirect.gather [hbm4b:s7+s19], $0x20, s31, s19, $0xb8;
	[tilespmem:$0x1AF58] =	vst v63  }
0xbf: {  	_ =	swait.ge @!p5 [sflag:s0], $0x3200  }
0xc0: {  	[sflag:s0] =	ssyncset.done @!p5 $0x0  }
0xc1: {  	[sflag:s0] =	ssyncadd.s32 @!p5 $0xFFFFCE00  }
0xc2: {  	_ =	swait.ge @!p5 [sflag:s0], $0x190  }
0xc3: {  	v0 =	vmov s29;
	[sflag:s0] =	ssyncset.done @!p5 $0x0  }
0xc4: {  	v0 =	vshll.u32 v0, $0x5;
	[sflag:s0] =	ssyncadd.s32 @!p5 $0xFFFFFE70  }
0xc5: {  	v0 =	vor.u32 v51, v0;
	_ =	swait.ge [sflag:s22], $0x3200  }
0xc6: {  	v1 =	vor.u32 v4, v0;
	[sflag:s22] =	ssyncset.done $0x0  }
0xc7: {  	[sflag:s22] =	ssyncadd.s32 $0xFFFFCE00  }
0xc8: {  	_ =	swait.ge [sflag:s22], $0x3200  }
0xc9: {  	[sflag:s22] =	ssyncset.done $0x0  }
0xca: {  	[sflag:s22] =	ssyncadd.s32 $0xFFFFCE00  }
0xcb: {  	v9 =	vld.idx.msk [tilespmem:v1+s20+$0x0], $0xffff;
	_ =	sdelay $0x3  }
0xcc: {  	[tilespmem:$0x1E8D0] =	vst v1  }
0xcd: {  	[tilespmem:$0x1EE60] =	vst v9  }
0xce: {  	v1 =	vld.idx.msk [tilespmem:v1+s21+$0x0], $0xffff  }
0xcf: {  	v2 =	vor.u32 v7, v0;
	_ =	sdelay $0x3  }
0xd0: {  	[tilespmem:$0x1EE70] =	vst v1  }
0xd1: {  	v1 =	vld.idx.msk [tilespmem:v2+s20+$0x0], $0xffff;
	_ =	sdelay $0x3  }
0xd2: {  	[tilespmem:$0x1E8E0] =	vst v2  }
0xd3: {  	[tilespmem:$0x1EE40] =	vst v1  }
0xd4: {  	v2 =	vld.idx.msk [tilespmem:v2+s21+$0x0], $0xffff  }
0xd5: {  	v3 =	vor.u32 v5, v0;
	_ =	sdelay $0x3  }
0xd6: {  	[tilespmem:$0x1EE50] =	vst v2  }
0xd7: {  	v2 =	vld.idx.msk [tilespmem:v3+s20+$0x0], $0xffff;
	_ =	sdelay $0x3  }
0xd8: {  	[tilespmem:$0x1E8F0] =	vst v3  }
0xd9: {  	[tilespmem:$0x1EE20] =	vst v2  }
0xda: {  	v2 =	vld.idx.msk [tilespmem:v3+s21+$0x0], $0xffff  }
0xdb: {  	v9 =	vor.u32 v6, v0;
	_ =	sdelay $0x3  }
0xdc: {  	[tilespmem:$0x1EE30] =	vst v2  }
0xdd: {  	v3 =	vld.idx.msk [tilespmem:v9+s20+$0x0], $0xffff;
	_ =	sdelay $0x3  }
0xde: {  	[tilespmem:$0x1E900] =	vst v9  }
0xdf: {  	[tilespmem:$0x1EE00] =	vst v3  }
0xe0: {  	v3 =	vld.idx.msk [tilespmem:v9+s21+$0x0], $0xffff  }
0xe1: {  	v1 =	vor.u32 v63, v0;
	_ =	sdelay $0x3  }
0xe2: {  	[tilespmem:$0x1EE10] =	vst v3  }
0xe3: {  	v9 =	vld.idx.msk [tilespmem:v1+s20+$0x0], $0xffff;
	_ =	sdelay $0x3  }
0xe4: {  	[tilespmem:$0x1E910] =	vst v1  }
0xe5: {  	[tilespmem:$0x1EDE0] =	vst v9  }
0xe6: {  	v1 =	vld.idx.msk [tilespmem:v1+s21+$0x0], $0xffff  }
0xe7: {  	v2 =	vor.u32 v8, v0;
	_ =	sdelay $0x3  }
0xe8: {  	[tilespmem:$0x1EDF0] =	vst v1  }
0xe9: {  	v9 =	vld.idx.msk [tilespmem:v2+s20+$0x0], $0xffff;
	_ =	sdelay $0x3  }
0xea: {  	[tilespmem:$0x1E920] =	vst v2  }
0xeb: {  	[tilespmem:$0x1EDC0] =	vst v9  }
0xec: {  	v2 =	vld.idx.msk [tilespmem:v2+s21+$0x0], $0xffff  }
0xed: {  	v3 =	vor.u32 v56, v0;
	_ =	sdelay $0x3  }
0xee: {  	[tilespmem:$0x1EDD0] =	vst v2  }
0xef: {  	v9 =	vld.idx.msk [tilespmem:v3+s20+$0x0], $0xffff;
	_ =	sdelay $0x3  }
0xf0: {  	[tilespmem:$0x1E930] =	vst v3  }
0xf1: {  	[tilespmem:$0x1EDA0] =	vst v9  }
0xf2: {  	v3 =	vld.idx.msk [tilespmem:v3+s21+$0x0], $0xffff  }
0xf3: {  	v1 =	vor.u32 v52, v0;
	_ =	sdelay $0x3  }
0xf4: {  	[tilespmem:$0x1EDB0] =	vst v3  }
0xf5: {  	v9 =	vld.idx.msk [tilespmem:v1+s20+$0x0], $0xffff;
	_ =	sdelay $0x3  }
0xf6: {  	[tilespmem:$0x1E940] =	vst v1  }
0xf7: {  	[tilespmem:$0x1ED80] =	vst v9  }
0xf8: {  	v1 =	vld.idx.msk [tilespmem:v1+s21+$0x0], $0xffff  }
0xf9: {  	v2 =	vor.u32 v43, v0;
	_ =	sdelay $0x3  }
0xfa: {  	[tilespmem:$0x1ED90] =	vst v1  }
0xfb: {  	v9 =	vld.idx.msk [tilespmem:v2+s20+$0x0], $0xffff;
	_ =	sdelay $0x3  }
0xfc: {  	[tilespmem:$0x1E950] =	vst v2  }
0xfd: {  	[tilespmem:$0x1ED60] =	vst v9  }
0xfe: {  	v2 =	vld.idx.msk [tilespmem:v2+s21+$0x0], $0xffff  }
0xff: {  	v3 =	vor.u32 v37, v0;
	_ =	sdelay $0x3  }
0x100: {  	[tilespmem:$0x1ED70] =	vst v2  }
0x101: {  	v9 =	vld.idx.msk [tilespmem:v3+s20+$0x0], $0xffff;
	_ =	sdelay $0x3  }
0x102: {  	[tilespmem:$0x1E960] =	vst v3  }
0x103: {  	[tilespmem:$0x1ED40] =	vst v9  }
0x104: {  	v3 =	vld.idx.msk [tilespmem:v3+s21+$0x0], $0xffff  }
0x105: {  	v1 =	vor.u32 v36, v0;
	_ =	sdelay $0x3  }
0x106: {  	[tilespmem:$0x1ED50] =	vst v3  }
0x107: {  	v9 =	vld.idx.msk [tilespmem:v1+s20+$0x0], $0xffff;
	_ =	sdelay $0x3  }
0x108: {  	[tilespmem:$0x1E970] =	vst v1  }
0x109: {  	[tilespmem:$0x1ED20] =	vst v9  }
0x10a: {  	v1 =	vld.idx.msk [tilespmem:v1+s21+$0x0], $0xffff  }
0x10b: {  	v2 =	vor.u32 v34, v0;
	_ =	sdelay $0x3  }
0x10c: {  	[tilespmem:$0x1ED30] =	vst v1  }
0x10d: {  	v9 =	vld.idx.msk [tilespmem:v2+s20+$0x0], $0xffff;
	_ =	sdelay $0x3  }
0x10e: {  	[tilespmem:$0x1E980] =	vst v2  }
0x10f: {  	[tilespmem:$0x1ED00] =	vst v9  }
0x110: {  	v2 =	vld.idx.msk [tilespmem:v2+s21+$0x0], $0xffff  }
0x111: {  	v3 =	vor.u32 v40, v0;
	_ =	sdelay $0x2  }
0x112: {  	[tilespmem:$0x1FAA0] =	vst v3  }
0x113: {  	[tilespmem:$0x1ED10] =	vst v2  }
0x114: {  	v9 =	vld.idx.msk [tilespmem:v3+s20+$0x0], $0xffff;
	_ =	sdelay $0x4  }
0x115: {  	[tilespmem:$0x1ECE0] =	vst v9  }
0x116: {  	v3 =	vld.idx.msk [tilespmem:v3+s21+$0x0], $0xffff  }
0x117: {  	v1 =	vor.u32 v25, v0;
	_ =	sdelay $0x2  }
0x118: {  	[tilespmem:$0x1FA40] =	vst v1  }
0x119: {  	[tilespmem:$0x1ECF0] =	vst v3  }
0x11a: {  	v9 =	vld.idx.msk [tilespmem:v1+s20+$0x0], $0xffff;
	_ =	sdelay $0x4  }
0x11b: {  	[tilespmem:$0x1ECC0] =	vst v9  }
0x11c: {  	v1 =	vld.idx.msk [tilespmem:v1+s21+$0x0], $0xffff  }
0x11d: {  	v2 =	vor.u32 v28, v0;
	_ =	sdelay $0x2  }
0x11e: {  	[tilespmem:$0x1F9E0] =	vst v2  }
0x11f: {  	[tilespmem:$0x1ECD0] =	vst v1  }
0x120: {  	v9 =	vld.idx.msk [tilespmem:v2+s20+$0x0], $0xffff;
	_ =	sdelay $0x4  }
0x121: {  	[tilespmem:$0x1ECA0] =	vst v9  }
0x122: {  	v2 =	vld.idx.msk [tilespmem:v2+s21+$0x0], $0xffff  }
0x123: {  	v3 =	vor.u32 v15, v0;
	_ =	sdelay $0x2  }
0x124: {  	[tilespmem:$0x1F970] =	vst v3  }
0x125: {  	[tilespmem:$0x1ECB0] =	vst v2  }
0x126: {  	v9 =	vld.idx.msk [tilespmem:v3+s20+$0x0], $0xffff;
	_ =	sdelay $0x4  }
0x127: {  	[tilespmem:$0x1EC80] =	vst v9  }
0x128: {  	v3 =	vld.idx.msk [tilespmem:v3+s21+$0x0], $0xffff  }
0x129: {  	v1 =	vor.u32 v33, v0;
	_ =	sdelay $0x2  }
0x12a: {  	[tilespmem:$0x1F910] =	vst v1  }
0x12b: {  	[tilespmem:$0x1EC90] =	vst v3  }
0x12c: {  	v9 =	vld.idx.msk [tilespmem:v1+s20+$0x0], $0xffff;
	_ =	sdelay $0x4  }
0x12d: {  	[tilespmem:$0x1EC60] =	vst v9  }
0x12e: {  	v1 =	vld.idx.msk [tilespmem:v1+s21+$0x0], $0xffff  }
0x12f: {  	v2 =	vor.u32 v29, v0;
	_ =	sdelay $0x2  }
0x130: {  	[tilespmem:$0x1F8B0] =	vst v2  }
0x131: {  	[tilespmem:$0x1EC70] =	vst v1  }
0x132: {  	v9 =	vld.idx.msk [tilespmem:v2+s20+$0x0], $0xffff;
	_ =	sdelay $0x4  }
0x133: {  	[tilespmem:$0x1EC40] =	vst v9  }
0x134: {  	v2 =	vld.idx.msk [tilespmem:v2+s21+$0x0], $0xffff  }
0x135: {  	v3 =	vor.u32 v32, v0;
	_ =	sdelay $0x2  }
0x136: {  	[tilespmem:$0x1F840] =	vst v3  }
0x137: {  	[tilespmem:$0x1EC50] =	vst v2  }
0x138: {  	v9 =	vld.idx.msk [tilespmem:v3+s20+$0x0], $0xffff;
	_ =	sdelay $0x4  }
0x139: {  	[tilespmem:$0x1EC10] =	vst v9  }
0x13a: {  	v3 =	vld.idx.msk [tilespmem:v3+s21+$0x0], $0xffff  }
0x13b: {  	v1 =	vor.u32 v31, v0;
	_ =	sdelay $0x2  }
0x13c: {  	[tilespmem:$0x1F7E0] =	vst v1  }
0x13d: {  	[tilespmem:$0x1EC20] =	vst v3  }
0x13e: {  	v9 =	vld.idx.msk [tilespmem:v1+s20+$0x0], $0xffff;
	_ =	sdelay $0x4  }
0x13f: {  	[tilespmem:$0x1EBF0] =	vst v9  }
0x140: {  	v1 =	vld.idx.msk [tilespmem:v1+s21+$0x0], $0xffff  }
0x141: {  	v2 =	vor.u32 v30, v0;
	_ =	sdelay $0x2  }
0x142: {  	[tilespmem:$0x1F780] =	vst v2  }
0x143: {  	[tilespmem:$0x1EC00] =	vst v1  }
0x144: {  	v9 =	vld.idx.msk [tilespmem:v2+s20+$0x0], $0xffff;
	_ =	sdelay $0x4  }
0x145: {  	[tilespmem:$0x1EBC0] =	vst v9  }
0x146: {  	v2 =	vld.idx.msk [tilespmem:v2+s21+$0x0], $0xffff  }
0x147: {  	v3 =	vor.u32 v22, v0;
	_ =	sdelay $0x2  }
0x148: {  	[tilespmem:$0x1F6C0] =	vst v3  }
0x149: {  	[tilespmem:$0x1EBD0] =	vst v2  }
0x14a: {  	v9 =	vld.idx.msk [tilespmem:v3+s20+$0x0], $0xffff;
	_ =	sdelay $0x4  }
0x14b: {  	[tilespmem:$0x1EB90] =	vst v9  }
0x14c: {  	v3 =	vld.idx.msk [tilespmem:v3+s21+$0x0], $0xffff  }
0x14d: {  	v1 =	vor.u32 v26, v0;
	_ =	sdelay $0x2  }
0x14e: {  	[tilespmem:$0x1F5B0] =	vst v1  }
0x14f: {  	[tilespmem:$0x1EBA0] =	vst v3  }
0x150: {  	v9 =	vld.idx.msk [tilespmem:v1+s20+$0x0], $0xffff;
	_ =	sdelay $0x4  }
0x151: {  	[tilespmem:$0x1EB60] =	vst v9  }
0x152: {  	v1 =	vld.idx.msk [tilespmem:v1+s21+$0x0], $0xffff  }
0x153: {  	v2 =	vor.u32 v57, v0;
	_ =	sdelay $0x2  }
0x154: {  	[tilespmem:$0x1F2C0] =	vst v2  }
0x155: {  	[tilespmem:$0x1EB70] =	vst v1  }
0x156: {  	v9 =	vld.idx.msk [tilespmem:v2+s20+$0x0], $0xffff;
	_ =	sdelay $0x4  }
0x157: {  	[tilespmem:$0x1EB40] =	vst v9  }
0x158: {  	v2 =	vld.idx.msk [tilespmem:v2+s21+$0x0], $0xffff  }
0x159: {  	v3 =	vor.u32 v61, v0;
	_ =	sdelay $0x2  }
0x15a: {  	[tilespmem:$0x1F1A0] =	vst v3  }
0x15b: {  	[tilespmem:$0x1EB50] =	vst v2  }
0x15c: {  	v9 =	vld.idx.msk [tilespmem:v3+s20+$0x0], $0xffff;
	_ =	sdelay $0x4  }
0x15d: {  	[tilespmem:$0x1EB00] =	vst v9  }
0x15e: {  	v3 =	vld.idx.msk [tilespmem:v3+s21+$0x0], $0xffff  }
0x15f: {  	v1 =	vor.u32 v58, v0;
	_ =	sdelay $0x2  }
0x160: {  	[tilespmem:$0x1EFB0] =	vst v1  }
0x161: {  	[tilespmem:$0x1EB10] =	vst v3  }
0x162: {  	v3 =	vld.idx.msk [tilespmem:v1+s20+$0x0], $0xffff;
	_ =	sdelay $0x4  }
0x163: {  	[tilespmem:$0x1EAE0] =	vst v3  }
0x164: {  	v1 =	vld.idx.msk [tilespmem:v1+s21+$0x0], $0xffff  }
0x165: {  	v2 =	vor.u32 v50, v0;
	_ =	sdelay $0x2  }
0x166: {  	[tilespmem:$0x1EFA0] =	vst v2  }
0x167: {  	[tilespmem:$0x1EAF0] =	vst v1  }
0x168: {  	v1 =	vld.idx.msk [tilespmem:v2+s20+$0x0], $0xffff;
	_ =	sdelay $0x3  }
0x169: {  	v3 =	vld [tilespmem:$0x1FE40]  }
0x16a: {  	v38 =	vld [tilespmem:$0x1FE20];
	[tilespmem:$0x1EAB0] =	vst v1  }
0x16b: {  	v1 =	vld.idx.msk [tilespmem:v2+s21+$0x0], $0xffff  }
0x16c: {  	v9 =	vor.u32 v39, v0  }
0x16d: {  	v12 =	vld [tilespmem:$0x1FE30]  }
0x16e: {  	v10 =	vor.u32 v3, v0  }
0x16f: {  	[tilespmem:$0x1EF70] =	vst v9  }
0x170: {  	v2 =	vor.u32 v38, v0;
	[tilespmem:$0x1EAC0] =	vst v1  }
0x171: {  	v8 =	vld.idx.msk [tilespmem:v9+s20+$0x0], $0xffff  }
0x172: {  	v17 =	vor.u32 v12, v0;
	v55 =	vld.idx.msk [tilespmem:v9+s21+$0x0], $0xffff;
	[tilespmem:$0x1EF40] =	vst v10  }
0x173: {  	v16 =	vld.idx.msk [tilespmem:v10+s20+$0x0], $0xffff  }
0x174: {  	v19 =	vld.idx.msk [tilespmem:v10+s21+$0x0], $0xffff;
	[tilespmem:$0x1EEF0] =	vst v2  }
0x175: {  	v44 =	vld.idx.msk [tilespmem:v2+s20+$0x0], $0xffff  }
0x176: {  	v21 =	vld.idx.msk [tilespmem:v2+s21+$0x0], $0xffff;
	[tilespmem:$0x1EEB0] =	vst v17  }
0x177: {  	v1 =	vld.idx.msk [tilespmem:v17+s20+$0x0], $0xffff;
	_ =	sdelay $0x4  }
0x178: {  	[tilespmem:$0x1E9B0] =	vst v1  }
0x179: {  	v1 =	vld.idx.msk [tilespmem:v17+s21+$0x0], $0xffff  }
0x17a: {  	v0 =	vor.u32 v45, v0;
	_ =	sdelay $0x2  }
0x17b: {  	[tilespmem:$0x1EE90] =	vst v0  }
0x17c: {  	[tilespmem:$0x1E9C0] =	vst v1  }
0x17d: {  	v1 =	vld.idx.msk [tilespmem:v0+s20+$0x0], $0xffff;
	_ =	sdelay $0x4  }
0x17e: {  	[tilespmem:$0x1EA20] =	vst v1  }
0x17f: {  	v0 =	vld.idx.msk [tilespmem:v0+s21+$0x0], $0xffff;
	_ =	sdelay $0x4  }
0x180: {  	[tilespmem:$0x1EA30] =	vst v0  }
0x181: {  	v0 =	vld [tilespmem:$0xE770];
	_ =	sdelay $0x4  }
0x182: {  	[tilespmem:$0x1EA80] =	vst v0  }
0x183: {  	v0 =	vld [tilespmem:$0xE760];
	_ =	sdelay $0x4  }
0x184: {  	[tilespmem:$0x1EA70] =	vst v0  }
0x185: {  	v0 =	vld [tilespmem:$0xE750];
	_ =	sdelay $0x4  }
0x186: {  	[tilespmem:$0x1EA60] =	vst v0  }
0x187: {  	v0 =	vld [tilespmem:$0xE740];
	_ =	sdelay $0x4  }
0x188: {  	[tilespmem:$0x1EA50] =	vst v0  }
0x189: {  	v0 =	vld [tilespmem:$0xE720];
	_ =	sdelay $0x4  }
0x18a: {  	[tilespmem:$0x1EA10] =	vst v0  }
0x18b: {  	v0 =	vld [tilespmem:$0xE710];
	_ =	sdelay $0x4  }
0x18c: {  	[tilespmem:$0x1EA00] =	vst v0  }
0x18d: {  	v0 =	vld [tilespmem:$0xE700];
	_ =	sdelay $0x4  }
0x18e: {  	[tilespmem:$0x1E9F0] =	vst v0  }
0x18f: {  	v0 =	vld [tilespmem:$0xE6F0];
	_ =	sdelay $0x4  }
0x190: {  	[tilespmem:$0x1E9E0] =	vst v0  }
0x191: {  	v0 =	vld [tilespmem:$0xE6E0];
	_ =	sdelay $0x4  }
0x192: {  	[tilespmem:$0x1E9D0] =	vst v0  }
0x193: {  	v0 =	vld [tilespmem:$0xE6D0];
	_ =	sdelay $0x4  }
0x194: {  	[tilespmem:$0x1E9A0] =	vst v0  }
0x195: {  	v0 =	vld [tilespmem:$0xE6C0];
	_ =	sdelay $0x4  }
0x196: {  	[tilespmem:$0x1E990] =	vst v0  }
0x197: {  	v23 =	vld [tilespmem:$0xE660];
	_ =	sdelay $0x1  }
0x198: {  	v42 =	vld [tilespmem:$0xE6B0]  }
0x199: {  	v35 =	vld [tilespmem:$0xE690]  }
0x19a: {  	v27 =	vld [tilespmem:$0xE680]  }
0x19b: {  	v24 =	vld [tilespmem:$0xE670];
	[tilespmem:$0x1EC30] =	vst v23  }
0x19c: {  	v18 =	vld [tilespmem:$0xE640];
	_ =	sdelay $0x4  }
0x19d: {  	v41 =	vld [tilespmem:$0xE650];
	[tilespmem:$0x1EBE0] =	vst v18  }
0x19e: {  	v17 =	vld [tilespmem:$0xE630];
	_ =	sdelay $0x4  }
0x19f: {  	[tilespmem:$0x1EBB0] =	vst v17  }
0x1a0: {  	v10 =	vld [tilespmem:$0xE620];
	_ =	sdelay $0x4  }
0x1a1: {  	[tilespmem:$0x1EB80] =	vst v10  }
0x1a2: {  	v9 =	vld [tilespmem:$0xE600];
	_ =	sdelay $0x4  }
0x1a3: {  	[tilespmem:$0x1EB30] =	vst v9  }
0x1a4: {  	v7 =	vld [tilespmem:$0xE5F0];
	_ =	sdelay $0x4  }
0x1a5: {  	[tilespmem:$0x1EB20] =	vst v7  }
0x1a6: {  	v6 =	vld [tilespmem:$0xE5E0];
	_ =	sdelay $0x4  }
0x1a7: {  	[tilespmem:$0x1EAD0] =	vst v6  }
0x1a8: {  	v2 =	vld [tilespmem:$0xE5D0];
	_ =	sdelay $0x1  }
0x1a9: {  	v1 =	vld [tilespmem:$0x1FE10]  }
0x1aa: {  	s16 =	simm.s32 $0x10  }
0x1ab: {  	v0 =	vmov s16  }
0x1ac: {  	v0 =	vshll.u32 v0, $0x5;
	[tilespmem:$0x1EAA0] =	vst v2  }
0x1ad: {  	v0 =	vor.u32 v51, v0;
	v59 =	vld [tilespmem:$0xE5C0]  }
0x1ae: {  	v4 =	vor.u32 v1, v0;
	_ =	sdelay $0x3  }
0x1af: {  	[tilespmem:$0x1EA90] =	vst v59  }
0x1b0: {  	v11 =	vld.idx.msk [tilespmem:v4+s20+$0x0], $0xffff  }
0x1b1: {  	v1 =	vor.u32 v25, v0  }
0x1b2: {  	v5 =	vor.u32 v26, v0  }
0x1b3: {  	v26 =	vor.u32 v45, v0  }
0x1b4: {  	v63 =	vld [tilespmem:$0xE5B0];
	[tilespmem:$0x1F7A0] =	vst v4  }
0x1b5: {  	v45 =	vor.u32 v12, v0;
	[tilespmem:$0x1EA40] =	vst v11  }
0x1b6: {  	v49 =	vld.idx.msk [tilespmem:v1+s20+$0x0], $0xffff;
	[tilespmem:$0x1EFC0] =	vst v1  }
0x1b7: {  	v38 =	vor.u32 v38, v0;
	v46 =	vld.idx.msk [tilespmem:v5+s20+$0x0], $0xffff;
	[tilespmem:$0x1EED0] =	vst v5  }
0x1b8: {  	v11 =	vld.idx.msk [tilespmem:v26+s20+$0x0], $0xffff  }
0x1b9: {  	v47 =	vor.u32 v3, v0;
	v13 =	vld.idx.msk [tilespmem:v26+s21+$0x0], $0xffff  }
0x1ba: {  	v53 =	vor.u32 v39, v0;
	v14 =	vld.idx.msk [tilespmem:v45+s20+$0x0], $0xffff  }
0x1bb: {  	v20 =	vmov v15;
	v15 =	vld.idx.msk [tilespmem:v45+s21+$0x0], $0xffff  }
0x1bc: {  	v48 =	vld.idx.msk [tilespmem:v38+s20+$0x0], $0xffff  }
0x1bd: {  	v60 =	vor.u32 v50, v0;
	v50 =	vld.idx.msk [tilespmem:v38+s21+$0x0], $0xffff  }
0x1be: {  	v54 =	vld.idx.msk [tilespmem:v47+s20+$0x0], $0xffff  }
0x1bf: {  	v58 =	vor.u32 v58, v0;
	v12 =	vmov v1;
	v1 =	vmov v61;
	v61 =	vld.idx.msk [tilespmem:v53+s21+$0x0], $0xffff  }
0x1c0: {  	v1 =	vor.u32 v1, v0;
	v39 =	vadd.f32 v13, v11;
	v13 =	vmov v56;
	v56 =	vld.idx.msk [tilespmem:v47+s21+$0x0], $0xffff  }
0x1c1: {  	v3 =	vmov v57;
	v57 =	vadd.f32 v15, v14;
	v15 =	vld.idx.msk [tilespmem:v53+s20+$0x0], $0xffff;
	[tilespmem:$0x1EE80] =	vst v1  }
0x1c2: {  	v25 =	vmovc v4;
	v4 =	vor.u32 v3, v0;
	v48 =	vadd.f32 v50, v48;
	v50 =	vld.idx.msk [tilespmem:v60+s20+$0x0], $0xffff;
	v14 =	vmul.f32 $2.000000030e-01, v39  }
0x1c3: {  	v62 =	vld.idx.msk [tilespmem:v60+s21+$0x0], $0xffff;
	[tilespmem:$0x1EEA0] =	vst v4  }
0x1c4: {  	v11 =	vmovc v52;
	v52 =	vadd.f32 v19, v16;
	v19 =	vld.idx.msk [tilespmem:v58+s21+$0x0], $0xffff;
	v14 =	vmax.f32 v39, v14;
	v39 =	vmul.f32 $2.000000030e-01, v57  }
0x1c5: {  	v55 =	vadd.f32 v55, v8;
	v8 =	vmul.f32 v14, v63;
	v54 =	vadd.f32 v56, v54;
	v56 =	vld.idx.msk [tilespmem:v58+s20+$0x0], $0xffff  }
0x1c6: {  	v51 =	vmax.f32 v57, v39;
	v39 =	vmul.f32 $2.000000030e-01, v48;
	v57 =	vld.idx.msk [tilespmem:v1+s20+$0x0], $0xffff  }
0x1c7: {  	v3 =	vor.u32 v22, v0;
	v1 =	vld.idx.msk [tilespmem:v1+s21+$0x0], $0xffff;
	v8 =	vadd.f32 $0.0e+00, v8;
	v16 =	vmul.f32 v51, v59  }
0x1c8: {  	v59 =	vld.idx.msk [tilespmem:v4+s20+$0x0], $0xffff;
	v48 =	vmax.f32 v48, v39;
	v39 =	vadd.f32 v61, v15;
	v61 =	vmul.f32 $2.000000030e-01, v54  }
0x1c9: {  	v50 =	vadd.f32 v62, v50;
	v15 =	vld [tilespmem:$0x1E990];
	v8 =	vadd.f32 v16, v8;
	v48 =	vmul.f32 v48, v2  }
0x1ca: {  	v62 =	vor.u32 v30, v0;
	v2 =	vld.idx.msk [tilespmem:v4+s21+$0x0], $0xffff;
	v54 =	vmax.f32 v54, v61;
	v61 =	vmul.f32 $2.000000030e-01, v39  }
0x1cb: {  	v16 =	vld [tilespmem:$0x1E9C0];
	v48 =	vadd.f32 v48, v8;
	v54 =	vmul.f32 v54, v6  }
0x1cc: {  	v19 =	vadd.f32 v19, v56;
	v56 =	vmul.f32 $2.000000030e-01, v50;
	v51 =	vmax.f32 v39, v61;
	v39 =	vld [tilespmem:$0xE610]  }
0x1cd: {  	v61 =	vor.u32 v31, v0;
	v48 =	vadd.f32 v54, v48;
	v54 =	vld.idx.msk [tilespmem:v5+s21+$0x0], $0xffff;
	[tilespmem:$0x1EF20] =	vst v3  }
0x1ce: {  	v50 =	vmax.f32 v50, v56;
	v56 =	vor.u32 v32, v0;
	v6 =	vld.idx.msk [tilespmem:v3+s20+$0x0], $0xffff  }
0x1cf: {  	v51 =	vmul.f32 v51, v7;
	v2 =	vadd.f32 v2, v59;
	v59 =	vld.idx.msk [tilespmem:v62+s20+$0x0], $0xffff  }
0x1d0: {  	v1 =	vadd.f32 v1, v57;
	v57 =	vmul.f32 $2.000000030e-01, v19;
	v4 =	vld.idx.msk [tilespmem:v62+s21+$0x0], $0xffff  }
0x1d1: {  	v50 =	vmul.f32 v50, v9;
	v48 =	vadd.f32 v51, v48;
	v51 =	vld.idx.msk [tilespmem:v3+s21+$0x0], $0xffff  }
0x1d2: {  	v31 =	vor.u32 v29, v0;
	v19 =	vmax.f32 v19, v57;
	v57 =	vmul.f32 $2.000000030e-01, v1;
	v5 =	vld.idx.msk [tilespmem:v61+s21+$0x0], $0xffff  }
0x1d3: {  	v3 =	vmul.f32 $2.000000030e-01, v2;
	v48 =	vadd.f32 v50, v48;
	v50 =	vmul.f32 v19, v39;
	v7 =	vld.idx.msk [tilespmem:v56+s20+$0x0], $0xffff  }
0x1d4: {  	v1 =	vmax.f32 v1, v57;
	v57 =	vor.u32 v33, v0;
	v46 =	vadd.f32 v54, v46;
	v54 =	vld.idx.msk [tilespmem:v61+s20+$0x0], $0xffff  }
0x1d5: {  	v2 =	vmax.f32 v2, v3;
	v48 =	vadd.f32 v50, v48;
	v50 =	vor.u32 v20, v0;
	v20 =	vld [tilespmem:$0x1FE50]  }
0x1d6: {  	v1 =	vmul.f32 v1, v10;
	v2 =	vmul.f32 v2, v17;
	v17 =	vld [tilespmem:$0x1FEB0]  }
0x1d7: {  	v3 =	vadd.f32 v51, v6;
	v33 =	vmul.f32 $2.000000030e-01, v46;
	v6 =	vld.idx.msk [tilespmem:v56+s21+$0x0], $0xffff  }
0x1d8: {  	v51 =	vld.idx.msk [tilespmem:v31+s20+$0x0], $0xffff;
	v1 =	vadd.f32 v1, v48  }
0x1d9: {  	v4 =	vadd.f32 v4, v59;
	v9 =	vld.idx.msk [tilespmem:v57+s20+$0x0], $0xffff;
	v46 =	vmax.f32 v46, v33;
	v32 =	vmul.f32 $2.000000030e-01, v3  }
0x1da: {  	v48 =	vor.u32 v28, v0;
	v2 =	vadd.f32 v2, v1;
	v46 =	vmul.f32 v46, v18;
	v1 =	vld.idx.msk [tilespmem:v31+s21+$0x0], $0xffff  }
0x1db: {  	v5 =	vadd.f32 v5, v54;
	v54 =	vmul.f32 $2.000000030e-01, v4;
	v59 =	vmax.f32 v3, v32;
	v10 =	vld.idx.msk [tilespmem:v50+s20+$0x0], $0xffff  }
0x1dc: {  	v32 =	vadd.f32 v21, v44;
	v2 =	vadd.f32 v46, v2;
	v21 =	vmul.f32 v59, v41;
	v46 =	vld.idx.msk [tilespmem:v57+s21+$0x0], $0xffff  }
0x1dd: {  	v4 =	vmax.f32 v4, v54;
	v6 =	vadd.f32 v6, v7;
	v33 =	vmul.f32 $2.000000030e-01, v5;
	v7 =	vld.idx.msk [tilespmem:v12+s21+$0x0], $0xffff  }
0x1de: {  	v59 =	vor.u32 v40, v0;
	v4 =	vmul.f32 v4, v23;
	v2 =	vadd.f32 v21, v2;
	v21 =	vld.idx.msk [tilespmem:v50+s21+$0x0], $0xffff  }
0x1df: {  	v8 =	vld.idx.msk [tilespmem:v48+s20+$0x0], $0xffff;
	v5 =	vmax.f32 v5, v33;
	v44 =	vmul.f32 $2.000000030e-01, v6;
	v1 =	vadd.f32 v1, v51  }
0x1e0: {  	v14 =	vor.u32 v34, v0;
	v3 =	vld.idx.msk [tilespmem:v48+s21+$0x0], $0xffff;
	v5 =	vmul.f32 v5, v24;
	v4 =	vadd.f32 v4, v2  }
0x1e1: {  	v51 =	vmax.f32 v6, v44;
	v6 =	vadd.f32 v46, v9;
	v9 =	vld [tilespmem:$0xE6A0];
	v2 =	vmul.f32 $2.000000030e-01, v1  }
0x1e2: {  	v12 =	vor.u32 v36, v0;
	v36 =	vld [tilespmem:$0x1FEE0];
	v4 =	vadd.f32 v5, v4;
	v5 =	vmul.f32 v51, v27  }
0x1e3: {  	v1 =	vmax.f32 v1, v2;
	v2 =	vadd.f32 v21, v10;
	v10 =	vld.idx.msk [tilespmem:v59+s20+$0x0], $0xffff;
	v21 =	vmul.f32 $2.000000030e-01, v6  }
0x1e4: {  	v4 =	vadd.f32 v5, v4;
	v1 =	vmul.f32 v1, v35;
	v5 =	vld.idx.msk [tilespmem:v59+s21+$0x0], $0xffff;
	[tilespmem:$0x1EFD0] =	vst v14  }
0x1e5: {  	v3 =	vadd.f32 v3, v8;
	v6 =	vmax.f32 v6, v21;
	v8 =	vld.idx.msk [tilespmem:v14+s20+$0x0], $0xffff  }
0x1e6: {  	v21 =	vmul.f32 $2.000000030e-01, v2;
	v1 =	vadd.f32 v1, v4;
	v4 =	vmul.f32 v6, v9;
	v6 =	vld.idx.msk [tilespmem:v14+s21+$0x0], $0xffff;
	v14 =	vmovc v12  }
0x1e7: {  	v33 =	vld [tilespmem:$0x1FEF0];
	[tilespmem:$0x1EFE0] =	vst v12  }
0x1e8: {  	v28 =	vor.u32 v37, v0;
	v2 =	vmax.f32 v2, v21;
	v21 =	vld.idx.msk [tilespmem:v12+s20+$0x0], $0xffff  }
0x1e9: {  	v51 =	vmov v13;
	v12 =	vor.u32 v11, v0;
	v11 =	vor.u32 v13, v0;
	v13 =	vld [tilespmem:$0x1E9B0]  }
0x1ea: {  	v40 =	vmov v27;
	v27 =	vld [tilespmem:$0x1E9E0];
	[tilespmem:$0x1F370] =	vst v12  }
0x1eb: {  	v18 =	vor.u32 v43, v0;
	v23 =	vmul.f32 $2.000000030e-01, v3;
	v1 =	vadd.f32 v4, v1;
	v4 =	vld.idx.msk [tilespmem:v14+s21+$0x0], $0xffff  }
0x1ec: {  	v7 =	vadd.f32 v7, v49;
	v2 =	vmul.f32 v2, v42;
	[tilespmem:$0x1F100] =	vst v28;
	v14 =	vld [tilespmem:$0x1E9A0]  }
0x1ed: {  	v3 =	vmax.f32 v3, v23;
	v5 =	vadd.f32 v5, v10;
	v10 =	vld.idx.msk [tilespmem:v28+s20+$0x0], $0xffff  }
0x1ee: {  	v23 =	vmul.f32 $2.000000030e-01, v7;
	v1 =	vadd.f32 v2, v1;
	[tilespmem:$0x1F600] =	vst v11;
	v29 =	vadd.f32 v16, v13;
	v13 =	vld [tilespmem:$0x1E9D0]  }
0x1ef: {  	v2 =	vmul.f32 v3, v15;
	v3 =	vld.idx.msk [tilespmem:v28+s21+$0x0], $0xffff;
	[tilespmem:$0x1F260] =	vst v18;
	v28 =	vor.u32 v33, v0  }
0x1f0: {  	v7 =	vmax.f32 v7, v23;
	v6 =	vadd.f32 v6, v8;
	v23 =	vmul.f32 $2.000000030e-01, v5;
	v8 =	vld.idx.msk [tilespmem:v18+s20+$0x0], $0xffff;
	[tilespmem:$0x1F700] =	vst v28  }
0x1f1: {  	v1 =	vadd.f32 v2, v1;
	v2 =	vmul.f32 v7, v14;
	v7 =	vld.idx.msk [tilespmem:v18+s21+$0x0], $0xffff  }
0x1f2: {  	v5 =	vmax.f32 v5, v23;
	v23 =	vmul.f32 $2.000000030e-01, v6;
	v4 =	vadd.f32 v4, v21;
	v21 =	vld.idx.msk [tilespmem:v12+s20+$0x0], $0xffff  }
0x1f3: {  	v18 =	vor.u32 v20, v0;
	v1 =	vadd.f32 v2, v1;
	v2 =	vmul.f32 v5, v13;
	v5 =	vld.idx.msk [tilespmem:v12+s21+$0x0], $0xffff  }
0x1f4: {  	v6 =	vmax.f32 v6, v23;
	v3 =	vadd.f32 v3, v10;
	v10 =	vld.idx.msk [tilespmem:v11+s20+$0x0], $0xffff;
	[tilespmem:$0x1F800] =	vst v18  }
0x1f5: {  	v1 =	vadd.f32 v2, v1;
	v2 =	vmul.f32 v6, v27;
	v6 =	vld.idx.msk [tilespmem:v11+s21+$0x0], $0xffff  }
0x1f6: {  	v11 =	vld [tilespmem:$0x1E9F0]  }
0x1f7: {  	v54 =	vmov v35;
	v35 =	vld [tilespmem:$0x1EA00]  }
0x1f8: {  	v16 =	vld [tilespmem:$0x1FED0];
	v23 =	vmul.f32 $2.000000030e-01, v4  }
0x1f9: {  	v19 =	vld [tilespmem:$0xE730];
	v7 =	vadd.f32 v7, v8  }
0x1fa: {  	v4 =	vmax.f32 v4, v23;
	v23 =	vmul.f32 $2.000000030e-01, v3;
	v8 =	vld.idx.msk [tilespmem:v28+s20+$0x0], $0xffff;
	v1 =	vadd.f32 v2, v1  }
0x1fb: {  	v5 =	vadd.f32 v5, v21;
	v21 =	vmul.f32 $2.000000030e-01, v7;
	v2 =	vmul.f32 v4, v11;
	v4 =	vld.idx.msk [tilespmem:v28+s21+$0x0], $0xffff  }
0x1fc: {  	v6 =	vadd.f32 v6, v10;
	v10 =	vld.idx.msk [tilespmem:v18+s20+$0x0], $0xffff  }
0x1fd: {  	v3 =	vmax.f32 v3, v23;
	v7 =	vmax.f32 v7, v21;
	v21 =	vmul.f32 $2.000000030e-01, v5;
	v28 =	vld [tilespmem:$0x1EA10]  }
0x1fe: {  	v12 =	vor.u32 v16, v0;
	v1 =	vadd.f32 v2, v1;
	v2 =	vmul.f32 v3, v35;
	v3 =	vld.idx.msk [tilespmem:v25+s21+$0x0], $0xffff  }
0x1ff: {  	v5 =	vmax.f32 v5, v21;
	v21 =	vld [tilespmem:$0x1EA30]  }
0x200: {  	v25 =	vld [tilespmem:$0x1EA50]  }
0x201: {  	v1 =	vadd.f32 v2, v1;
	v2 =	vld.idx.msk [tilespmem:v18+s21+$0x0], $0xffff  }
0x202: {  	[tilespmem:$0x1F880] =	vst v12;
	v18 =	vld [tilespmem:$0x1EA20];
	v4 =	vadd.f32 v4, v8;
	v8 =	vmul.f32 $2.000000030e-01, v6  }
0x203: {  	v30 =	vor.u32 v36, v0;
	v23 =	vor.u32 v17, v0;
	v0 =	vmul.f32 v7, v28;
	v7 =	vld.idx.msk [tilespmem:v12+s20+$0x0], $0xffff  }
0x204: {  	v6 =	vmax.f32 v6, v8;
	v8 =	vld [tilespmem:$0x1EA40]  }
0x205: {  	v0 =	vadd.f32 v0, v1;
	v1 =	vmul.f32 v5, v19;
	v5 =	vld.idx.msk [tilespmem:v12+s21+$0x0], $0xffff;
	v12 =	vmov v23;
	_ =	sdelay $0x1  }
0x206: {  	v22 =	vld [tilespmem:$0x1EA60]  }
0x207: {  	[tilespmem:$0x1F8E0] =	vst v23;
	v21 =	vadd.f32 v21, v18;
	v18 =	vld [tilespmem:$0x1EA70]  }
0x208: {  	v3 =	vadd.f32 v3, v8;
	v8 =	vld.idx.msk [tilespmem:v23+s20+$0x0], $0xffff;
	v23 =	vmul.f32 $2.000000030e-01, v4  }
0x209: {  	v0 =	vadd.f32 v1, v0;
	v1 =	vmul.f32 v6, v25;
	v49 =	vld.idx.msk [tilespmem:v12+s21+$0x0], $0xffff  }
0x20a: {  	v2 =	vadd.f32 v2, v10;
	v12 =	vld [tilespmem:$0x1EA80];
	v4 =	vmax.f32 v4, v23;
	v23 =	vmul.f32 $2.000000030e-01, v3  }
0x20b: {  	v6 =	vmul.f32 $2.000000030e-01, v29;
	v1 =	vadd.f32 v1, v0;
	[tilespmem:$0x1F940] =	vst v30;
	v4 =	vmul.f32 v4, v22  }
0x20c: {  	v5 =	vadd.f32 v5, v7;
	v7 =	vmul.f32 $2.000000030e-01, v2;
	v0 =	vld [tilespmem:$0xE780];
	v3 =	vmax.f32 v3, v23  }
0x20d: {  	v6 =	vmax.f32 v29, v6;
	v1 =	vadd.f32 v4, v1;
	v3 =	vmul.f32 v3, v18  }
0x20e: {  	v29 =	vld [tilespmem:$0xE790];
	v2 =	vmax.f32 v2, v7;
	v7 =	vadd.f32 v49, v8;
	v8 =	vmul.f32 $2.000000030e-01, v5  }
0x20f: {  	v10 =	vld.idx.msk [tilespmem:v30+s20+$0x0], $0xffff;
	v2 =	vmul.f32 v2, v12;
	v1 =	vadd.f32 v3, v1  }
0x210: {  	v37 =	vld.idx.msk [tilespmem:v30+s21+$0x0], $0xffff;
	v3 =	vmax.f32 v5, v8;
	v8 =	vmul.f32 $2.000000030e-01, v7  }
0x211: {  	v1 =	vadd.f32 v2, v1;
	v2 =	vmul.f32 v3, v0  }
0x212: {  	v7 =	vmax.f32 v7, v8  }
0x213: {  	v4 =	vmul.f32 $2.000000030e-01, v21;
	v1 =	vadd.f32 v2, v1;
	v2 =	vmul.f32 v7, v29;
	v7 =	vld [tilespmem:$0x1EA90];
	_ =	sdelay $0x1  }
0x214: {  	v49 =	vld [tilespmem:$0xE7A0];
	v4 =	vmax.f32 v21, v4;
	v5 =	vadd.f32 v37, v10  }
0x215: {  	v4 =	vmul.f32 v4, v63  }
0x216: {  	v8 =	vmul.f32 $2.000000030e-01, v5  }
0x217: {  	v4 =	vadd.f32 $0.0e+00, v4;
	v6 =	vmul.f32 v6, v7;
	v7 =	vld [tilespmem:$0x1EAA0]  }
0x218: {  	v3 =	vmul.f32 $2.000000030e-01, v32;
	v5 =	vmax.f32 v5, v8;
	v1 =	vadd.f32 v2, v1  }
0x219: {  	v2 =	vmul.f32 v5, v49;
	v4 =	vadd.f32 v6, v4;
	v6 =	vmul.f32 $2.000000030e-01, v55  }
0x21a: {  	v8 =	vld [tilespmem:$0x1EAC0]  }
0x21b: {  	v3 =	vmax.f32 v32, v3;
	v1 =	vadd.f32 v2, v1;
	v2 =	vmax.f32 v55, v6;
	v6 =	vld [tilespmem:$0x1EAD0]  }
0x21c: {  	v3 =	vmul.f32 v3, v7;
	v7 =	vld [tilespmem:$0x1EAB0]  }
0x21d: {  	v5 =	vmul.f32 $2.000000030e-01, v52  }
0x21e: {  	v10 =	vld [tilespmem:$0x1EB10]  }
0x21f: {  	v5 =	vmax.f32 v52, v5;
	v3 =	vadd.f32 v3, v4;
	v4 =	vld [tilespmem:$0x1EAE0]  }
0x220: {  	v5 =	vmul.f32 v5, v6;
	v6 =	vld [tilespmem:$0x1EAF0]  }
0x221: {  	v7 =	vadd.f32 v8, v7;
	v8 =	vld [tilespmem:$0x1EB00];
	_ =	sdelay $0x4  }
0x222: {  	v4 =	vadd.f32 v6, v4;
	v6 =	vmul.f32 $2.000000030e-01, v7;
	v8 =	vadd.f32 v10, v8;
	v10 =	vld [tilespmem:$0x1EB20];
	_ =	sdelay $0x1  }
0x223: {  	v1 =	vmul.f32 $1.442695020e+00, v1;
	v3 =	vadd.f32 v5, v3;
	v5 =	vmax.f32 v7, v6;
	v6 =	vld [tilespmem:$0x1EB30];
	_ =	sdelay $0x1  }
0x224: {  	(erf) = vpow2.f32 v1;
	v1 =	vmul.f32 $2.000000030e-01, v4  }
0x225: {  	v7 =	vld [tilespmem:$0x1EB80];
	v2 =	vmul.f32 v2, v10  }
0x226: {  	v1 =	vmax.f32 v4, v1  }
0x227: {  	v4 =	vmul.f32 $2.000000030e-01, v8;
	v5 =	vmul.f32 v5, v6;
	v6 =	vld [tilespmem:$0x1EB50];
	v2 =	vadd.f32 v2, v3  }
0x228: {  	v3 =	vld [tilespmem:$0x1EB40]  }
0x229: {  	v1 =	vmul.f32 v1, v39;
	v4 =	vmax.f32 v8, v4;
	v2 =	vadd.f32 v5, v2  }
0x22a: {  	v4 =	vmul.f32 v4, v7;
	v7 =	vld [tilespmem:$0x1EBA0]  }
0x22b: {  	v1 =	vadd.f32 v1, v2;
	v2 =	vld [tilespmem:$0x1EB90]  }
0x22c: {  	v5 =	vld [tilespmem:$0x1EB60]  }
0x22d: {  	v3 =	vadd.f32 v6, v3;
	v6 =	vld [tilespmem:$0x1EB70];
	_ =	sdelay $0x2  }
0x22e: {  	v2 =	vadd.f32 v7, v2;
	v7 =	vld [tilespmem:$0x1EBB0];
	_ =	sdelay $0x1  }
0x22f: {  	v5 =	vadd.f32 v6, v5;
	v6 =	vmul.f32 $2.000000030e-01, v3;
	_ =	sdelay $0x1  }
0x230: {  	v1 =	vadd.f32 v4, v1;
	v4 =	vld [tilespmem:$0x1EBC0];
	v3 =	vmax.f32 v3, v6  }
0x231: {  	v3 =	vmul.f32 v3, v7;
	v7 =	vld [tilespmem:$0x1EBD0];
	_ =	sdelay $0x4  }
0x232: {  	v4 =	vadd.f32 v7, v4;
	v7 =	vld [tilespmem:$0x1EBE0];
	_ =	sdelay $0x1  }
0x233: {  	v6 =	vmul.f32 $2.000000030e-01, v5;
	_ =	sdelay $0x1  }
0x234: {  	v5 =	vmax.f32 v5, v6;
	v1 =	vadd.f32 v3, v1;
	v3 =	vld [tilespmem:$0x1EBF0]  }
0x235: {  	v5 =	vmul.f32 v5, v7;
	v7 =	vld [tilespmem:$0x1EC00];
	_ =	sdelay $0x1  }
0x236: {  	s3 =	simm.s32 $0xE430;
	v44 =	vpop (erf)  }
0x237: {  	[tilespmem:s3+$0x0] =	vst v44  }
0x238: {  	v8 =	vld [tilespmem:$0x1EC20]  }
0x239: {  	v3 =	vadd.f32 v7, v3;
	v7 =	vld [tilespmem:$0x1EC10];
	_ =	sdelay $0x3  }
0x23a: {  	v1 =	vadd.f32 v5, v1;
	v5 =	vld.idx.msk [tilespmem:v26+s20+$0x0], $0xffff  }
0x23b: {  	v6 =	vmul.f32 $2.000000030e-01, v2;
	v7 =	vadd.f32 v8, v7;
	v8 =	vld [tilespmem:$0x1EC30];
	_ =	sdelay $0x1  }
0x23c: {  	v2 =	vmax.f32 v2, v6;
	v6 =	vmul.f32 $2.000000030e-01, v4  }
0x23d: {  	v2 =	vmul.f32 v2, v41  }
0x23e: {  	v4 =	vmax.f32 v4, v6;
	v10 =	vld [tilespmem:$0x1EC50];
	v6 =	vmul.f32 $2.000000030e-01, v3  }
0x23f: {  	v1 =	vadd.f32 v2, v1;
	v5 =	vmul.f32 v44, v5;
	v4 =	vmul.f32 v4, v8;
	v8 =	vld [tilespmem:$0x1EC40]  }
0x240: {  	v3 =	vmax.f32 v3, v6;
	v6 =	vld [tilespmem:$0x1EC70]  }
0x241: {  	v3 =	vmul.f32 v3, v24;
	v1 =	vadd.f32 v4, v1;
	v4 =	vld [tilespmem:$0x1EC60];
	[tilespmem:v26+s23+$0x0] =	vst.idx.msk $0xffff, v5  }
0x242: {  	v5 =	vld [tilespmem:$0x1EC90]  }
0x243: {  	v1 =	vadd.f32 v3, v1;
	v3 =	vld [tilespmem:$0x1EC80]  }
0x244: {  	v8 =	vadd.f32 v10, v8  }
0x245: {  	v2 =	vmul.f32 $2.000000030e-01, v7  }
0x246: {  	v4 =	vadd.f32 v6, v4;
	v6 =	vmul.f32 $2.000000030e-01, v8  }
0x247: {  	v2 =	vmax.f32 v7, v2;
	v7 =	vld [tilespmem:$0x1ECA0]  }
0x248: {  	v2 =	vmul.f32 v2, v40;
	v3 =	vadd.f32 v5, v3;
	v5 =	vmax.f32 v8, v6;
	v8 =	vld [tilespmem:$0x1ECB0];
	_ =	sdelay $0x1  }
0x249: {  	v1 =	vadd.f32 v2, v1;
	v5 =	vmul.f32 v5, v54  }
0x24a: {  	v2 =	vld.idx.msk [tilespmem:v45+s20+$0x0], $0xffff  }
0x24b: {  	v6 =	vmul.f32 $2.000000030e-01, v4;
	v1 =	vadd.f32 v5, v1;
	v5 =	vld [tilespmem:$0x1ECC0]  }
0x24c: {  	v7 =	vadd.f32 v8, v7;
	v8 =	vld [tilespmem:$0x1ECD0]  }
0x24d: {  	v4 =	vmax.f32 v4, v6;
	v6 =	vmul.f32 $2.000000030e-01, v3;
	_ =	sdelay $0x1  }
0x24e: {  	v63 =	vld [tilespmem:$0x1FE10];
	v2 =	vmul.f32 v44, v2;
	v4 =	vmul.f32 v4, v9;
	v3 =	vmax.f32 v3, v6  }
0x24f: {  	v9 =	vld [tilespmem:$0x1ECF0];
	v3 =	vmul.f32 v3, v42  }
0x250: {  	v1 =	vadd.f32 v4, v1;
	v5 =	vadd.f32 v8, v5;
	v8 =	vld [tilespmem:$0x1ECE0];
	[tilespmem:v45+s23+$0x0] =	vst.idx.msk $0xffff, v2  }
0x251: {  	v2 =	vld [tilespmem:$0x1ED00]  }
0x252: {  	v1 =	vadd.f32 v3, v1;
	v3 =	vld [tilespmem:$0x1ED10]  }
0x253: {  	v6 =	vmul.f32 $2.000000030e-01, v7;
	_ =	sdelay $0x1  }
0x254: {  	v4 =	vmax.f32 v7, v6;
	v6 =	vmul.f32 $2.000000030e-01, v5  }
0x255: {  	v4 =	vmul.f32 v4, v15  }
0x256: {  	v7 =	vld [tilespmem:$0x1ED30];
	v8 =	vadd.f32 v9, v8;
	v2 =	vadd.f32 v3, v2;
	v3 =	vmax.f32 v5, v6  }
0x257: {  	v1 =	vadd.f32 v4, v1;
	v4 =	vld.idx.msk [tilespmem:v38+s20+$0x0], $0xffff;
	v3 =	vmul.f32 v3, v14  }
0x258: {  	v6 =	vld [tilespmem:$0x1ED20];
	v5 =	vmul.f32 $2.000000030e-01, v8  }
0x259: {  	v1 =	vadd.f32 v3, v1;
	v3 =	vld [tilespmem:$0x1ED40]  }
0x25a: {  	v5 =	vmax.f32 v8, v5;
	v8 =	vld [tilespmem:$0x1ED50];
	_ =	sdelay $0x2  }
0x25b: {  	v6 =	vadd.f32 v7, v6;
	v7 =	vmul.f32 $2.000000030e-01, v2  }
0x25c: {  	v4 =	vmul.f32 v44, v4;
	v5 =	vmul.f32 v5, v13  }
0x25d: {  	v2 =	vmax.f32 v2, v7;
	v7 =	vmul.f32 $2.000000030e-01, v6;
	v3 =	vadd.f32 v8, v3  }
0x25e: {  	v9 =	vld [tilespmem:$0x1ED70];
	v1 =	vadd.f32 v5, v1  }
0x25f: {  	v8 =	vld [tilespmem:$0x1ED60];
	v2 =	vmul.f32 v2, v27;
	[tilespmem:v38+s23+$0x0] =	vst.idx.msk $0xffff, v4;
	v5 =	vmax.f32 v6, v7;
	v6 =	vmul.f32 $2.000000030e-01, v3  }
0x260: {  	v4 =	vld [tilespmem:$0x1ED90]  }
0x261: {  	v1 =	vadd.f32 v2, v1;
	v2 =	vmax.f32 v3, v6;
	v3 =	vld [tilespmem:$0x1ED80];
	_ =	sdelay $0x1  }
0x262: {  	v7 =	vld [tilespmem:$0x1EDB0];
	v5 =	vmul.f32 v5, v11  }
0x263: {  	v6 =	vld [tilespmem:$0x1EDA0];
	v8 =	vadd.f32 v9, v8  }
0x264: {  	v1 =	vadd.f32 v5, v1;
	v2 =	vmul.f32 v2, v35  }
0x265: {  	v5 =	vld.idx.msk [tilespmem:v47+s20+$0x0], $0xffff;
	v3 =	vadd.f32 v4, v3;
	v4 =	vmul.f32 $2.000000030e-01, v8  }
0x266: {  	v1 =	vadd.f32 v2, v1;
	v2 =	vld [tilespmem:$0x1EDC0]  }
0x267: {  	v4 =	vmax.f32 v8, v4;
	v8 =	vld [tilespmem:$0x1EDD0]  }
0x268: {  	v6 =	vadd.f32 v7, v6;
	v7 =	vmul.f32 $2.000000030e-01, v3  }
0x269: {  	v4 =	vmul.f32 v4, v28  }
0x26a: {  	v5 =	vmul.f32 v5, v44;
	v3 =	vmax.f32 v3, v7  }
0x26b: {  	v9 =	vld [tilespmem:$0x1EDF0];
	v3 =	vmul.f32 v3, v19;
	v1 =	vadd.f32 v4, v1  }
0x26c: {  	v7 =	vmul.f32 $2.000000030e-01, v6;
	v2 =	vadd.f32 v8, v2;
	v8 =	vld [tilespmem:$0x1EDE0];
	[tilespmem:v47+s23+$0x0] =	vst.idx.msk $0xffff, v5  }
0x26d: {  	v1 =	vadd.f32 v3, v1;
	v3 =	vld [tilespmem:$0x1EE00]  }
0x26e: {  	v4 =	vmax.f32 v6, v7;
	v5 =	vld [tilespmem:$0x1EE10];
	v6 =	vmul.f32 $2.000000030e-01, v2  }
0x26f: {  	v7 =	vld [tilespmem:$0x1EE30]  }
0x270: {  	v2 =	vmax.f32 v2, v6;
	v6 =	vld [tilespmem:$0x1EE20];
	_ =	sdelay $0x1  }
0x271: {  	v4 =	vmul.f32 v4, v25  }
0x272: {  	v3 =	vadd.f32 v5, v3  }
0x273: {  	v1 =	vadd.f32 v4, v1  }
0x274: {  	v2 =	vmul.f32 v2, v22;
	v6 =	vadd.f32 v7, v6;
	v7 =	vmul.f32 $2.000000030e-01, v3  }
0x275: {  	v4 =	vld.idx.msk [tilespmem:v53+s20+$0x0], $0xffff;
	v8 =	vadd.f32 v9, v8  }
0x276: {  	v1 =	vadd.f32 v2, v1;
	v2 =	vmax.f32 v3, v7;
	v3 =	vld [tilespmem:$0x1EE40]  }
0x277: {  	v5 =	vmul.f32 $2.000000030e-01, v8;
	v7 =	vld [tilespmem:$0x1EE50]  }
0x278: {  	v9 =	vld [tilespmem:$0x1EE70]  }
0x279: {  	v5 =	vmax.f32 v8, v5;
	v8 =	vld [tilespmem:$0x1EE60];
	_ =	sdelay $0x1  }
0x27a: {  	v5 =	vmul.f32 v5, v18  }
0x27b: {  	v3 =	vadd.f32 v7, v3;
	v7 =	vmul.f32 $2.000000030e-01, v6  }
0x27c: {  	v4 =	vmul.f32 v4, v44;
	v2 =	vmul.f32 v2, v12;
	v1 =	vadd.f32 v5, v1  }
0x27d: {  	v8 =	vadd.f32 v9, v8;
	v5 =	vmax.f32 v6, v7;
	v6 =	vmul.f32 $2.000000030e-01, v3  }
0x27e: {  	v1 =	vadd.f32 v2, v1;
	v0 =	vmul.f32 v5, v0  }
0x27f: {  	[tilespmem:v53+s23+$0x0] =	vst.idx.msk $0xffff, v4;
	v2 =	vmax.f32 v3, v6;
	v3 =	vmul.f32 $2.000000030e-01, v8  }
0x280: {  	v2 =	vmul.f32 v2, v29;
	v0 =	vadd.f32 v0, v1;
	v1 =	vld.idx.msk [tilespmem:v60+s20+$0x0], $0xffff  }
0x281: {  	v3 =	vmax.f32 v8, v3  }
0x282: {  	v3 =	vmul.f32 v3, v49;
	v0 =	vadd.f32 v2, v0;
	_ =	sdelay $0x1  }
0x283: {  	v0 =	vadd.f32 v3, v0  }
0x284: {  	v1 =	vmul.f32 v1, v44  }
0x285: {  	v0 =	vmul.f32 $1.442695020e+00, v0  }
0x286: {  	[tilespmem:v60+s23+$0x0] =	vst.idx.msk $0xffff, v1  }
0x287: {  	(erf) = vpow2.f32 v0;
	v0 =	vld.idx.msk [tilespmem:v58+s20+$0x0], $0xffff;
	_ =	sdelay $0x4  }
0x288: {  	v0 =	vmul.f32 v0, v44;
	_ =	sdelay $0x1  }
0x289: {  	[tilespmem:v58+s23+$0x0] =	vst.idx.msk $0xffff, v0  }
0x28a: {  	v4 =	vld [tilespmem:$0x1EE80];
	_ =	sdelay $0x4  }
0x28b: {  	v15 =	vpop (erf)  }
0x28c: {  	[tilespmem:s3+$0xFFFFFFF0] =	vst v15  }
0x28d: {  	v3 =	vld [tilespmem:$0x1EE90]  }
0x28e: {  	v0 =	vld.idx.msk [tilespmem:v4+s20+$0x0], $0xffff;
	_ =	sdelay $0x4  }
0x28f: {  	v0 =	vmul.f32 v0, v44;
	_ =	sdelay $0x1  }
0x290: {  	v1 =	vld.idx.msk [tilespmem:v3+s20+$0x0], $0xffff;
	[tilespmem:v4+s23+$0x0] =	vst.idx.msk $0xffff, v0  }
0x291: {  	v0 =	vld [tilespmem:$0x1FE00];
	_ =	sdelay $0x1  }
0x292: {  	s16 =	simm.s32 $0x20;
	v5 =	vld [tilespmem:$0x1EEA0]  }
0x293: {  	v2 =	vmov s16  }
0x294: {  	v2 =	vshll.u32 v2, $0x5  }
0x295: {  	v55 =	vor.u32 v0, v2;
	v0 =	vmul.f32 v15, v1  }
0x296: {  	v2 =	vor.u32 v36, v55  }
0x297: {  	[tilespmem:v3+s23+$0x0] =	vst.idx.msk $0xffff, v0  }
0x298: {  	v6 =	vld [tilespmem:$0x1EEB0];
	_ =	sdelay $0x1  }
0x299: {  	v1 =	vld.idx.msk [tilespmem:v5+s20+$0x0], $0xffff  }
0x29a: {  	v4 =	vld.idx.msk [tilespmem:v2+s20+$0x0], $0xffff;
	_ =	sdelay $0x3  }
0x29b: {  	v1 =	vmul.f32 v1, v44  }
0x29c: {  	v0 =	vld.idx.msk [tilespmem:v6+s20+$0x0], $0xffff;
	[tilespmem:$0x1F740] =	vst v4  }
0x29d: {  	[tilespmem:v5+s23+$0x0] =	vst.idx.msk $0xffff, v1  }
0x29e: {  	[tilespmem:$0x1EEC0] =	vst v2  }
0x29f: {  	v1 =	vld.idx.msk [tilespmem:v2+s21+$0x0], $0xffff  }
0x2a0: {  	v3 =	vor.u32 v17, v55;
	_ =	sdelay $0x1  }
0x2a1: {  	v7 =	vld [tilespmem:$0x1EED0];
	_ =	sdelay $0x1  }
0x2a2: {  	[tilespmem:$0x1F750] =	vst v1  }
0x2a3: {  	v5 =	vld.idx.msk [tilespmem:v3+s20+$0x0], $0xffff;
	_ =	sdelay $0x3  }
0x2a4: {  	v0 =	vmul.f32 v15, v0  }
0x2a5: {  	v1 =	vld.idx.msk [tilespmem:v7+s20+$0x0], $0xffff;
	[tilespmem:$0x1F710] =	vst v5  }
0x2a6: {  	[tilespmem:v6+s23+$0x0] =	vst.idx.msk $0xffff, v0  }
0x2a7: {  	[tilespmem:$0x1EEE0] =	vst v3  }
0x2a8: {  	v0 =	vld.idx.msk [tilespmem:v3+s21+$0x0], $0xffff  }
0x2a9: {  	v4 =	vor.u32 v16, v55  }
0x2aa: {  	v6 =	vld [tilespmem:$0x1EEF0];
	_ =	sdelay $0x2  }
0x2ab: {  	[tilespmem:$0x1F720] =	vst v0  }
0x2ac: {  	v5 =	vld.idx.msk [tilespmem:v4+s20+$0x0], $0xffff;
	_ =	sdelay $0x3  }
0x2ad: {  	v0 =	vld.idx.msk [tilespmem:v6+s20+$0x0], $0xffff;
	[tilespmem:$0x1EF00] =	vst v4  }
0x2ae: {  	[tilespmem:$0x1F6E0] =	vst v5  }
0x2af: {  	v4 =	vld.idx.msk [tilespmem:v4+s21+$0x0], $0xffff  }
0x2b0: {  	v2 =	vor.u32 v20, v55;
	_ =	sdelay $0x3  }
0x2b1: {  	[tilespmem:$0x1F6F0] =	vst v4  }
0x2b2: {  	v4 =	vld.idx.msk [tilespmem:v2+s20+$0x0], $0xffff;
	_ =	sdelay $0x3  }
0x2b3: {  	v1 =	vmul.f32 v1, v44  }
0x2b4: {  	v3 =	vor.u32 v63, v55;
	[tilespmem:$0x1EFF0] =	vst v4  }
0x2b5: {  	[tilespmem:v7+s23+$0x0] =	vst.idx.msk $0xffff, v1  }
0x2b6: {  	v5 =	vld [tilespmem:$0x1EF20]  }
0x2b7: {  	[tilespmem:$0x1EF10] =	vst v2  }
0x2b8: {  	v8 =	vmov v20;
	v20 =	vld.idx.msk [tilespmem:v2+s21+$0x0], $0xffff  }
0x2b9: {  	v2 =	vld.idx.msk [tilespmem:v3+s20+$0x0], $0xffff;
	_ =	sdelay $0x3  }
0x2ba: {  	v0 =	vmul.f32 v0, v15  }
0x2bb: {  	v1 =	vld.idx.msk [tilespmem:v5+s20+$0x0], $0xffff;
	[tilespmem:$0x1F620] =	vst v2  }
0x2bc: {  	[tilespmem:v6+s23+$0x0] =	vst.idx.msk $0xffff, v0  }
0x2bd: {  	[tilespmem:$0x1EF30] =	vst v3  }
0x2be: {  	v0 =	vld.idx.msk [tilespmem:v3+s21+$0x0], $0xffff  }
0x2bf: {  	v4 =	vor.u32 v33, v55  }
0x2c0: {  	v7 =	vld [tilespmem:$0x1EF40];
	_ =	sdelay $0x2  }
0x2c1: {  	[tilespmem:$0x1F630] =	vst v0  }
0x2c2: {  	v2 =	vld.idx.msk [tilespmem:v4+s20+$0x0], $0xffff;
	_ =	sdelay $0x3  }
0x2c3: {  	v0 =	vld.idx.msk [tilespmem:v7+s20+$0x0], $0xffff;
	[tilespmem:$0x1EF50] =	vst v4  }
0x2c4: {  	[tilespmem:$0x1F090] =	vst v2  }
0x2c5: {  	v2 =	vmul.f32 v1, v44;
	v1 =	vld.idx.msk [tilespmem:v4+s21+$0x0], $0xffff  }
0x2c6: {  	v43 =	vor.u32 v51, v55  }
0x2c7: {  	v14 =	vld [tilespmem:$0x1FE80];
	_ =	sdelay $0x2  }
0x2c8: {  	[tilespmem:$0x1F0A0] =	vst v1  }
0x2c9: {  	v4 =	vld.idx.msk [tilespmem:v43+s20+$0x0], $0xffff  }
0x2ca: {  	v3 =	vor.u32 v14, v55;
	_ =	sdelay $0x3  }
0x2cb: {  	v32 =	vld [tilespmem:$0x1FF60];
	[tilespmem:$0x1F590] =	vst v4  }
0x2cc: {  	[tilespmem:v5+s23+$0x0] =	vst.idx.msk $0xffff, v2;
	v2 =	vld.idx.msk [tilespmem:v3+s20+$0x0], $0xffff;
	_ =	sdelay $0x4  }
0x2cd: {  	[tilespmem:$0x1F0C0] =	vst v2  }
0x2ce: {  	v5 =	vld.idx.msk [tilespmem:v62+s20+$0x0], $0xffff;
	[tilespmem:$0x1EF60] =	vst v3  }
0x2cf: {  	v3 =	vld.idx.msk [tilespmem:v3+s21+$0x0], $0xffff;
	_ =	sdelay $0x3  }
0x2d0: {  	v0 =	vmul.f32 v0, v15;
	v1 =	vor.u32 v32, v55  }
0x2d1: {  	[tilespmem:$0x1F0D0] =	vst v3  }
0x2d2: {  	v11 =	vld [tilespmem:$0x1FF70];
	[tilespmem:v7+s23+$0x0] =	vst.idx.msk $0xffff, v0  }
0x2d3: {  	v13 =	vld [tilespmem:$0x1EF70];
	_ =	sdelay $0x1  }
0x2d4: {  	v0 =	vld.idx.msk [tilespmem:v1+s20+$0x0], $0xffff;
	_ =	sdelay $0x4  }
0x2d5: {  	[tilespmem:$0x1F130] =	vst v0  }
0x2d6: {  	v0 =	vld.idx.msk [tilespmem:v13+s20+$0x0], $0xffff;
	[tilespmem:$0x1EF80] =	vst v1  }
0x2d7: {  	v1 =	vld.idx.msk [tilespmem:v1+s21+$0x0], $0xffff  }
0x2d8: {  	v2 =	vor.u32 v11, v55;
	_ =	sdelay $0x3  }
0x2d9: {  	[tilespmem:$0x1F140] =	vst v1  }
0x2da: {  	v1 =	vld.idx.msk [tilespmem:v2+s20+$0x0], $0xffff;
	_ =	sdelay $0x3  }
0x2db: {  	v12 =	vld [tilespmem:$0x1FF80];
	[tilespmem:$0x1EF90] =	vst v2  }
0x2dc: {  	[tilespmem:$0x1F110] =	vst v1  }
0x2dd: {  	v1 =	vld.idx.msk [tilespmem:v2+s21+$0x0], $0xffff;
	_ =	sdelay $0x2  }
0x2de: {  	v3 =	vor.u32 v12, v55  }
0x2df: {  	v7 =	vmul.f32 v5, v44  }
0x2e0: {  	[tilespmem:$0x1F120] =	vst v1  }
0x2e1: {  	v18 =	vld [tilespmem:$0x1FE40];
	[tilespmem:v62+s23+$0x0] =	vst.idx.msk $0xffff, v7  }
0x2e2: {  	[tilespmem:$0x1FA00] =	vst v3  }
0x2e3: {  	v2 =	vld.idx.msk [tilespmem:v3+s20+$0x0], $0xffff  }
0x2e4: {  	v1 =	vmov v3;
	_ =	sdelay $0x3  }
0x2e5: {  	[tilespmem:$0x1F180] =	vst v2  }
0x2e6: {  	v1 =	vld.idx.msk [tilespmem:v1+s21+$0x0], $0xffff;
	_ =	sdelay $0x2  }
0x2e7: {  	v4 =	vor.u32 v18, v55  }
0x2e8: {  	v0 =	vmul.f32 v0, v15  }
0x2e9: {  	v7 =	vld.idx.msk [tilespmem:v61+s20+$0x0], $0xffff;
	[tilespmem:$0x1F190] =	vst v1  }
0x2ea: {  	v3 =	vld [tilespmem:$0x1FE20];
	[tilespmem:v13+s23+$0x0] =	vst.idx.msk $0xffff, v0  }
0x2eb: {  	[tilespmem:$0x1F990] =	vst v4  }
0x2ec: {  	v0 =	vld.idx.msk [tilespmem:v4+s20+$0x0], $0xffff;
	_ =	sdelay $0x1  }
0x2ed: {  	v16 =	vld [tilespmem:$0x1EFA0];
	_ =	sdelay $0x2  }
0x2ee: {  	[tilespmem:$0x1F1B0] =	vst v0  }
0x2ef: {  	v4 =	vld.idx.msk [tilespmem:v4+s21+$0x0], $0xffff  }
0x2f0: {  	v10 =	vor.u32 v3, v55;
	_ =	sdelay $0x2  }
0x2f1: {  	v0 =	vld.idx.msk [tilespmem:v16+s20+$0x0], $0xffff;
	[tilespmem:$0x1F930] =	vst v10  }
0x2f2: {  	[tilespmem:$0x1F1C0] =	vst v4  }
0x2f3: {  	v5 =	vld.idx.msk [tilespmem:v10+s20+$0x0], $0xffff;
	_ =	sdelay $0x3  }
0x2f4: {  	v2 =	vld [tilespmem:$0x1FE30]  }
0x2f5: {  	[tilespmem:$0x1F1E0] =	vst v5  }
0x2f6: {  	v5 =	vld.idx.msk [tilespmem:v10+s21+$0x0], $0xffff;
	_ =	sdelay $0x2  }
0x2f7: {  	v1 =	vor.u32 v2, v55  }
0x2f8: {  	v7 =	vmul.f32 v7, v44  }
0x2f9: {  	[tilespmem:$0x1F1F0] =	vst v5  }
0x2fa: {  	[tilespmem:v61+s23+$0x0] =	vst.idx.msk $0xffff, v7  }
0x2fb: {  	[tilespmem:$0x1F8D0] =	vst v1  }
0x2fc: {  	v5 =	vld.idx.msk [tilespmem:v1+s20+$0x0], $0xffff;
	_ =	sdelay $0x4  }
0x2fd: {  	[tilespmem:$0x1F240] =	vst v5  }
0x2fe: {  	v1 =	vld.idx.msk [tilespmem:v1+s21+$0x0], $0xffff;
	_ =	sdelay $0x1  }
0x2ff: {  	v4 =	vlaneseq.u32  }
0x300: {  	v13 =	vor.u32 v4, v55  }
0x301: {  	v0 =	vmul.f32 v0, v15  }
0x302: {  	v7 =	vld.idx.msk [tilespmem:v56+s20+$0x0], $0xffff;
	[tilespmem:$0x1F250] =	vst v1  }
0x303: {  	[tilespmem:v16+s23+$0x0] =	vst.idx.msk $0xffff, v0  }
0x304: {  	[tilespmem:$0x1F870] =	vst v13  }
0x305: {  	v1 =	vld.idx.msk [tilespmem:v13+s20+$0x0], $0xffff  }
0x306: {  	v0 =	vmov v13;
	_ =	sdelay $0x1  }
0x307: {  	v13 =	vld [tilespmem:$0x1EFB0];
	_ =	sdelay $0x1  }
0x308: {  	[tilespmem:$0x1F270] =	vst v1  }
0x309: {  	v0 =	vld.idx.msk [tilespmem:v0+s21+$0x0], $0xffff;
	_ =	sdelay $0x4  }
0x30a: {  	v22 =	vld.idx.msk [tilespmem:v13+s20+$0x0], $0xffff;
	[tilespmem:$0x1F280] =	vst v0  }
0x30b: {  	v1 =	vld [tilespmem:$0xE770];
	_ =	sdelay $0x4  }
0x30c: {  	[tilespmem:$0x1F2A0] =	vst v1  }
0x30d: {  	v1 =	vld [tilespmem:$0xE750];
	_ =	sdelay $0x4  }
0x30e: {  	[tilespmem:$0x1F220] =	vst v1  }
0x30f: {  	v62 =	vld [tilespmem:$0xE740];
	_ =	sdelay $0x1  }
0x310: {  	v0 =	vmul.f32 v7, v44;
	_ =	sdelay $0x1  }
0x311: {  	[tilespmem:v56+s23+$0x0] =	vst.idx.msk $0xffff, v0  }
0x312: {  	[tilespmem:$0x1F6A0] =	vst v62  }
0x313: {  	v45 =	vld [tilespmem:$0xE720];
	_ =	sdelay $0x4  }
0x314: {  	v0 =	vld.idx.msk [tilespmem:v31+s20+$0x0], $0xffff;
	[tilespmem:$0x1F640] =	vst v45  }
0x315: {  	v41 =	vld [tilespmem:$0xE710];
	_ =	sdelay $0x4  }
0x316: {  	[tilespmem:$0x1F5F0] =	vst v41  }
0x317: {  	v39 =	vld [tilespmem:$0xE700];
	_ =	sdelay $0x4  }
0x318: {  	[tilespmem:$0x1F5D0] =	vst v39  }
0x319: {  	v35 =	vld [tilespmem:$0xE6F0];
	_ =	sdelay $0x4  }
0x31a: {  	[tilespmem:$0x1F5A0] =	vst v35  }
0x31b: {  	v47 =	vmov v33;
	v33 =	vld [tilespmem:$0xE6E0];
	_ =	sdelay $0x4  }
0x31c: {  	[tilespmem:$0x1F570] =	vst v33  }
0x31d: {  	v30 =	vld [tilespmem:$0xE6D0];
	_ =	sdelay $0x4  }
0x31e: {  	[tilespmem:$0x1F540] =	vst v30  }
0x31f: {  	v28 =	vld [tilespmem:$0xE6C0];
	_ =	sdelay $0x1  }
0x320: {  	v0 =	vmul.f32 v0, v44;
	_ =	sdelay $0x1  }
0x321: {  	[tilespmem:v31+s23+$0x0] =	vst.idx.msk $0xffff, v0  }
0x322: {  	[tilespmem:$0x1F500] =	vst v28  }
0x323: {  	v25 =	vld [tilespmem:$0xE6B0];
	_ =	sdelay $0x4  }
0x324: {  	v0 =	vld.idx.msk [tilespmem:v57+s20+$0x0], $0xffff;
	[tilespmem:$0x1F4C0] =	vst v25  }
0x325: {  	v24 =	vld [tilespmem:$0xE690];
	_ =	sdelay $0x4  }
0x326: {  	[tilespmem:$0x1F480] =	vst v24  }
0x327: {  	v23 =	vld [tilespmem:$0xE680];
	_ =	sdelay $0x4  }
0x328: {  	[tilespmem:$0x1F460] =	vst v23  }
0x329: {  	v60 =	vld [tilespmem:$0xE670];
	_ =	sdelay $0x4  }
0x32a: {  	[tilespmem:$0x1F440] =	vst v60  }
0x32b: {  	v16 =	vld [tilespmem:$0xE660];
	_ =	sdelay $0x4  }
0x32c: {  	[tilespmem:$0x1F420] =	vst v16  }
0x32d: {  	v10 =	vld [tilespmem:$0xE650];
	_ =	sdelay $0x4  }
0x32e: {  	[tilespmem:$0x1F400] =	vst v10  }
0x32f: {  	v53 =	vld [tilespmem:$0xE640];
	_ =	sdelay $0x1  }
0x330: {  	v0 =	vmul.f32 v0, v44;
	_ =	sdelay $0x1  }
0x331: {  	[tilespmem:v57+s23+$0x0] =	vst.idx.msk $0xffff, v0  }
0x332: {  	[tilespmem:$0x1F3E0] =	vst v53  }
0x333: {  	v52 =	vld [tilespmem:$0xE630];
	_ =	sdelay $0x4  }
0x334: {  	v0 =	vld.idx.msk [tilespmem:v50+s20+$0x0], $0xffff;
	[tilespmem:$0x1F3D0] =	vst v52  }
0x335: {  	v19 =	vld [tilespmem:$0xE620];
	_ =	sdelay $0x4  }
0x336: {  	[tilespmem:$0x1F3B0] =	vst v19  }
0x337: {  	v46 =	vld [tilespmem:$0xE600];
	_ =	sdelay $0x4  }
0x338: {  	[tilespmem:$0x1F360] =	vst v46  }
0x339: {  	v54 =	vld [tilespmem:$0xE5F0];
	_ =	sdelay $0x4  }
0x33a: {  	[tilespmem:$0x1F340] =	vst v54  }
0x33b: {  	v56 =	vld [tilespmem:$0xE5E0];
	_ =	sdelay $0x4  }
0x33c: {  	[tilespmem:$0x1F320] =	vst v56  }
0x33d: {  	v9 =	vld [tilespmem:$0xE5D0];
	_ =	sdelay $0x2  }
0x33e: {  	v1 =	vld [tilespmem:$0x1FE00];
	_ =	sdelay $0x1  }
0x33f: {  	s3 =	simm.s32 $0x30;
	[tilespmem:$0x1F2E0] =	vst v9  }
0x340: {  	v7 =	vmov s3;
	v6 =	vld [tilespmem:$0xE5C0]  }
0x341: {  	v7 =	vshll.u32 v7, $0x5;
	v0 =	vmul.f32 v0, v44  }
0x342: {  	v37 =	vor.u32 v1, v7  }
0x343: {  	v57 =	vor.u32 v8, v37;
	v8 =	vor.u32 v2, v37;
	[tilespmem:v50+s23+$0x0] =	vst.idx.msk $0xffff, v0  }
0x344: {  	[tilespmem:$0x1F610] =	vst v8  }
0x345: {  	v0 =	vld [tilespmem:$0x1FEA0];
	[tilespmem:$0x1F2F0] =	vst v6  }
0x346: {  	v5 =	vld [tilespmem:$0xE5B0];
	_ =	sdelay $0x4  }
0x347: {  	v27 =	vor.u32 v0, v37;
	v0 =	vld.idx.msk [tilespmem:v48+s20+$0x0], $0xffff;
	[tilespmem:$0x1F2D0] =	vst v5  }
0x348: {  	v2 =	vld.idx.msk [tilespmem:v57+s20+$0x0], $0xffff  }
0x349: {  	v17 =	vor.u32 v63, v37;
	_ =	sdelay $0x3  }
0x34a: {  	[tilespmem:$0x1F200] =	vst v2  }
0x34b: {  	v2 =	vld.idx.msk [tilespmem:v17+s20+$0x0], $0xffff;
	_ =	sdelay $0x4  }
0x34c: {  	[tilespmem:$0x1F1D0] =	vst v2  }
0x34d: {  	v0 =	vmul.f32 v0, v44;
	v2 =	vor.u32 v3, v37;
	v50 =	vld.idx.msk [tilespmem:v27+s20+$0x0], $0xffff;
	[tilespmem:$0x1FA80] =	vst v27  }
0x34e: {  	v7 =	vld.idx.msk [tilespmem:v8+s20+$0x0], $0xffff;
	[tilespmem:$0x1F760] =	vst v2  }
0x34f: {  	[tilespmem:v48+s23+$0x0] =	vst.idx.msk $0xffff, v0  }
0x350: {  	v1 =	vld [tilespmem:$0x1EFC0]  }
0x351: {  	v58 =	vor.u32 v4, v37;
	_ =	sdelay $0x4  }
0x352: {  	v3 =	vor.u32 v18, v37;
	v21 =	vld.idx.msk [tilespmem:v58+s20+$0x0], $0xffff  }
0x353: {  	v0 =	vld.idx.msk [tilespmem:v58+s21+$0x0], $0xffff;
	[tilespmem:$0x1F7C0] =	vst v3  }
0x354: {  	v31 =	vld.idx.msk [tilespmem:v1+s20+$0x0], $0xffff  }
0x355: {  	v26 =	vld [tilespmem:$0x1FE90];
	_ =	sdelay $0x1  }
0x356: {  	v4 =	vor.u32 v12, v37;
	v61 =	vld.idx.msk [tilespmem:v8+s21+$0x0], $0xffff  }
0x357: {  	v29 =	vld [tilespmem:$0x1FFC0];
	[tilespmem:$0x1F810] =	vst v4  }
0x358: {  	v40 =	vld.idx.msk [tilespmem:v2+s20+$0x0], $0xffff;
	v31 =	vmul.f32 v31, v44  }
0x359: {  	v18 =	vor.u32 v26, v37;
	v42 =	vld.idx.msk [tilespmem:v2+s21+$0x0], $0xffff  }
0x35a: {  	v49 =	vld.idx.msk [tilespmem:v3+s20+$0x0], $0xffff;
	[tilespmem:v1+s23+$0x0] =	vst.idx.msk $0xffff, v31  }
0x35b: {  	v7 =	vadd.f32 v61, v7;
	v61 =	vld [tilespmem:$0x1FFF0]  }
0x35c: {  	v3 =	vld.idx.msk [tilespmem:v3+s21+$0x0], $0xffff  }
0x35d: {  	v48 =	vld.idx.msk [tilespmem:v4+s20+$0x0], $0xffff  }
0x35e: {  	v21 =	vadd.f32 v0, v21;
	v2 =	vor.u32 v29, v37;
	v40 =	vadd.f32 v42, v40;
	v42 =	vld.idx.msk [tilespmem:v18+s20+$0x0], $0xffff  }
0x35f: {  	v12 =	vld [tilespmem:$0x1FFE0]  }
0x360: {  	v36 =	vmul.f32 $2.000000030e-01, v21;
	v1 =	vld.idx.msk [tilespmem:v59+s20+$0x0], $0xffff;
	v38 =	vor.u32 v61, v37  }
0x361: {  	v31 =	vld.idx.msk [tilespmem:v4+s21+$0x0], $0xffff;
	[tilespmem:$0x1FA20] =	vst v18  }
0x362: {  	v21 =	vmax.f32 v21, v36;
	[tilespmem:$0x1F890] =	vst v2;
	v36 =	vld [tilespmem:$0x1FFD0]  }
0x363: {  	v34 =	vmul.f32 $2.000000030e-01, v7;
	v4 =	vld.idx.msk [tilespmem:v2+s20+$0x0], $0xffff  }
0x364: {  	v3 =	vadd.f32 v3, v49;
	v2 =	vld.idx.msk [tilespmem:v2+s21+$0x0], $0xffff;
	v8 =	vor.u32 v12, v37;
	[tilespmem:$0x1F8F0] =	vst v38  }
0x365: {  	v21 =	vmul.f32 v21, v5;
	v7 =	vmax.f32 v7, v34;
	v1 =	vmul.f32 v1, v44;
	v49 =	vld.idx.msk [tilespmem:v38+s20+$0x0], $0xffff  }
0x366: {  	v0 =	vmul.f32 $2.000000030e-01, v40;
	v5 =	vadd.f32 v31, v48;
	v31 =	vld.idx.msk [tilespmem:v38+s21+$0x0], $0xffff;
	[tilespmem:$0x1F950] =	vst v8;
	v38 =	vmul.f32 $2.000000030e-01, v3  }
0x367: {  	v21 =	vadd.f32 $0.0e+00, v21;
	v7 =	vmul.f32 v7, v6;
	[tilespmem:v59+s23+$0x0] =	vst.idx.msk $0xffff, v1  }
0x368: {  	v0 =	vmax.f32 v40, v0;
	v3 =	vmax.f32 v3, v38;
	v38 =	vld [tilespmem:$0x1EFD0]  }
0x369: {  	v7 =	vadd.f32 v7, v21;
	v0 =	vmul.f32 v0, v9;
	v34 =	vor.u32 v36, v37;
	v21 =	vld.idx.msk [tilespmem:v8+s20+$0x0], $0xffff  }
0x36a: {  	v1 =	vld.idx.msk [tilespmem:v8+s21+$0x0], $0xffff  }
0x36b: {  	v0 =	vadd.f32 v0, v7;
	v48 =	vmul.f32 $2.000000030e-01, v5;
	v7 =	vld [tilespmem:$0x1FF90]  }
0x36c: {  	[tilespmem:$0x1F9B0] =	vst v34;
	v3 =	vmul.f32 v3, v56;
	v56 =	vld [tilespmem:$0x1FF50]  }
0x36d: {  	v5 =	vmax.f32 v5, v48;
	v48 =	vld [tilespmem:$0xE610]  }
0x36e: {  	v2 =	vadd.f32 v2, v4;
	v4 =	vld.idx.msk [tilespmem:v34+s20+$0x0], $0xffff  }
0x36f: {  	v31 =	vadd.f32 v31, v49;
	v49 =	vld.idx.msk [tilespmem:v34+s21+$0x0], $0xffff  }
0x370: {  	v8 =	vor.u32 v7, v37;
	v40 =	vld.idx.msk [tilespmem:v38+s20+$0x0], $0xffff  }
0x371: {  	v5 =	vmul.f32 v5, v54;
	v34 =	vmul.f32 $2.000000030e-01, v2;
	v7 =	vor.u32 v56, v37  }
0x372: {  	v3 =	vadd.f32 v3, v0;
	v1 =	vadd.f32 v1, v21;
	v0 =	vmul.f32 $2.000000030e-01, v31;
	v21 =	vmovc v7;
	[tilespmem:$0x1F390] =	vst v48  }
0x373: {  	v2 =	vmax.f32 v2, v34;
	v34 =	vor.u32 v14, v37;
	v54 =	vld.idx.msk [tilespmem:v18+s21+$0x0], $0xffff  }
0x374: {  	v5 =	vadd.f32 v5, v3;
	v2 =	vmul.f32 v2, v46;
	v3 =	vmax.f32 v31, v0;
	v6 =	vld.idx.msk [tilespmem:v27+s21+$0x0], $0xffff  }
0x375: {  	v0 =	vmul.f32 $2.000000030e-01, v1;
	v4 =	vadd.f32 v49, v4;
	v31 =	vmul.f32 v40, v44;
	v40 =	vld.idx.msk [tilespmem:v8+s20+$0x0], $0xffff;
	[tilespmem:$0x1FAE0] =	vst v7  }
0x376: {  	v2 =	vadd.f32 v2, v5;
	v3 =	vmul.f32 v3, v48;
	v18 =	vor.u32 v11, v37;
	v7 =	vld.idx.msk [tilespmem:v7+s20+$0x0], $0xffff  }
0x377: {  	v0 =	vmax.f32 v1, v0;
	v48 =	vmul.f32 $2.000000030e-01, v4;
	v5 =	vld.idx.msk [tilespmem:v21+s21+$0x0], $0xffff  }
0x378: {  	v2 =	vadd.f32 v3, v2;
	v0 =	vmul.f32 v0, v19;
	[tilespmem:v38+s23+$0x0] =	vst.idx.msk $0xffff, v31;
	v31 =	vld.idx.msk [tilespmem:v34+s20+$0x0], $0xffff  }
0x379: {  	v9 =	vor.u32 v32, v37;
	v4 =	vmax.f32 v4, v48;
	[tilespmem:$0x1F9D0] =	vst v34;
	v27 =	vld [tilespmem:$0x1FF30]  }
0x37a: {  	v0 =	vadd.f32 v0, v2;
	v2 =	vmul.f32 v4, v52;
	[tilespmem:$0x1FAF0] =	vst v18;
	v52 =	vld [tilespmem:$0x1FEC0]  }
0x37b: {  	v1 =	vadd.f32 v54, v42;
	v3 =	vadd.f32 v6, v50;
	v6 =	vld.idx.msk [tilespmem:v18+s20+$0x0], $0xffff  }
0x37c: {  	v21 =	vld.idx.msk [tilespmem:v18+s21+$0x0], $0xffff  }
0x37d: {  	v49 =	vmul.f32 $2.000000030e-01, v1;
	[tilespmem:$0x1FC00] =	vst v9;
	v18 =	vld [tilespmem:$0x1EFE0]  }
0x37e: {  	v22 =	vmul.f32 v22, v15;
	v4 =	vld.idx.msk [tilespmem:v9+s20+$0x0], $0xffff  }
0x37f: {  	v1 =	vmax.f32 v1, v49;
	v5 =	vadd.f32 v5, v7;
	v7 =	vld.idx.msk [tilespmem:v9+s21+$0x0], $0xffff  }
0x380: {  	v1 =	vmul.f32 v1, v53;
	v53 =	vld [tilespmem:$0x1FF40];
	[tilespmem:v13+s23+$0x0] =	vst.idx.msk $0xffff, v22  }
0x381: {  	v9 =	vld [tilespmem:$0x1EFF0]  }
0x382: {  	v50 =	vmul.f32 $2.000000030e-01, v3;
	v19 =	vor.u32 v27, v37;
	_ =	sdelay $0x1  }
0x383: {  	v0 =	vadd.f32 v2, v0;
	v2 =	vmax.f32 v3, v50;
	v3 =	vld.idx.msk [tilespmem:v34+s21+$0x0], $0xffff  }
0x384: {  	v48 =	vld [tilespmem:$0x1FE70];
	v32 =	vor.u32 v52, v37  }
0x385: {  	v0 =	vadd.f32 v1, v0;
	v38 =	vld.idx.msk [tilespmem:v18+s20+$0x0], $0xffff;
	v9 =	vadd.f32 v20, v9  }
0x386: {  	v34 =	vmul.f32 $2.000000030e-01, v5;
	v1 =	vmul.f32 v2, v10;
	v49 =	vor.u32 v53, v37;
	v2 =	vld.idx.msk [tilespmem:v19+s20+$0x0], $0xffff;
	[tilespmem:$0x1F000] =	vst v19  }
0x387: {  	v50 =	vld [tilespmem:$0x1FF00];
	v6 =	vadd.f32 v21, v6;
	[tilespmem:$0x1F6B0] =	vst v9  }
0x388: {  	v5 =	vmax.f32 v5, v34;
	v19 =	vld.idx.msk [tilespmem:v19+s21+$0x0], $0xffff  }
0x389: {  	v0 =	vadd.f32 v1, v0;
	v4 =	vadd.f32 v7, v4;
	v7 =	vmul.f32 $2.000000030e-01, v6;
	v1 =	vld.idx.msk [tilespmem:v32+s20+$0x0], $0xffff;
	[tilespmem:$0x1F010] =	vst v32  }
0x38a: {  	v3 =	vadd.f32 v3, v31;
	v5 =	vmul.f32 v5, v16;
	v20 =	vld.idx.msk [tilespmem:v32+s21+$0x0], $0xffff  }
0x38b: {  	v6 =	vmax.f32 v6, v7;
	v31 =	vld.idx.msk [tilespmem:v49+s20+$0x0], $0xffff;
	[tilespmem:$0x1F020] =	vst v49;
	v7 =	vmul.f32 v38, v44  }
0x38c: {  	v22 =	vmul.f32 $2.000000030e-01, v4;
	v0 =	vadd.f32 v5, v0;
	v5 =	vmul.f32 v6, v60;
	v6 =	vld.idx.msk [tilespmem:v49+s21+$0x0], $0xffff  }
0x38d: {  	v60 =	vld [tilespmem:$0xE6A0];
	[tilespmem:v18+s23+$0x0] =	vst.idx.msk $0xffff, v7  }
0x38e: {  	v4 =	vmax.f32 v4, v22;
	v22 =	vld [tilespmem:$0x1FF10]  }
0x38f: {  	v32 =	vld [tilespmem:$0x1FF20]  }
0x390: {  	v46 =	vor.u32 v48, v37;
	v18 =	vld [tilespmem:$0x1FE60]  }
0x391: {  	v13 =	vld [tilespmem:$0x1FFA0]  }
0x392: {  	v11 =	vor.u32 v50, v37;
	v9 =	vld [tilespmem:$0x1F090]  }
0x393: {  	v7 =	vmul.f32 $2.000000030e-01, v3;
	v2 =	vadd.f32 v19, v2;
	[tilespmem:$0x1F030] =	vst v8;
	v10 =	vld [tilespmem:$0x1F0A0]  }
0x394: {  	v0 =	vadd.f32 v5, v0;
	v4 =	vmul.f32 v4, v23;
	v5 =	vld.idx.msk [tilespmem:v8+s21+$0x0], $0xffff  }
0x395: {  	v3 =	vmax.f32 v3, v7;
	v7 =	vld.idx.msk [tilespmem:v46+s20+$0x0], $0xffff;
	[tilespmem:$0x1F040] =	vst v46;
	v19 =	vmul.f32 $2.000000030e-01, v2;
	v8 =	vor.u32 v22, v37  }
0x396: {  	v0 =	vadd.f32 v4, v0;
	v1 =	vadd.f32 v20, v1;
	v3 =	vmul.f32 v3, v24;
	v4 =	vld.idx.msk [tilespmem:v46+s21+$0x0], $0xffff  }
0x397: {  	v2 =	vmax.f32 v2, v19;
	v19 =	vld.idx.msk [tilespmem:v11+s20+$0x0], $0xffff;
	[tilespmem:$0x1F050] =	vst v11;
	v54 =	vor.u32 v32, v37  }
0x398: {  	v6 =	vadd.f32 v6, v31;
	v20 =	vmul.f32 $2.000000030e-01, v1;
	v0 =	vadd.f32 v3, v0;
	v3 =	vld.idx.msk [tilespmem:v11+s21+$0x0], $0xffff  }
0x399: {  	v2 =	vmul.f32 v2, v60;
	v59 =	vor.u32 v18, v37;
	v9 =	vadd.f32 v10, v9;
	v10 =	vld [tilespmem:$0x1F0D0]  }
0x39a: {  	v31 =	vmul.f32 $2.000000030e-01, v6;
	v1 =	vmax.f32 v1, v20;
	v5 =	vadd.f32 v5, v40;
	v20 =	vld.idx.msk [tilespmem:v8+s20+$0x0], $0xffff;
	[tilespmem:$0x1F060] =	vst v8  }
0x39b: {  	v34 =	vor.u32 v13, v37;
	v1 =	vmul.f32 v1, v25;
	v0 =	vadd.f32 v2, v0;
	v2 =	vld.idx.msk [tilespmem:v8+s21+$0x0], $0xffff  }
0x39c: {  	v6 =	vmax.f32 v6, v31;
	v4 =	vadd.f32 v4, v7;
	v31 =	vmul.f32 $2.000000030e-01, v5;
	v7 =	vld.idx.msk [tilespmem:v54+s20+$0x0], $0xffff;
	[tilespmem:$0x1F070] =	vst v54  }
0x39d: {  	v0 =	vadd.f32 v1, v0;
	v1 =	vmul.f32 v6, v28;
	v6 =	vld.idx.msk [tilespmem:v54+s21+$0x0], $0xffff  }
0x39e: {  	v5 =	vmax.f32 v5, v31;
	v3 =	vadd.f32 v3, v19;
	v31 =	vmul.f32 $2.000000030e-01, v4;
	v19 =	vld.idx.msk [tilespmem:v59+s20+$0x0], $0xffff;
	[tilespmem:$0x1F080] =	vst v59  }
0x39f: {  	v11 =	vor.u32 v51, v37;
	v0 =	vadd.f32 v1, v0;
	v1 =	vmul.f32 v5, v30;
	v5 =	vld.idx.msk [tilespmem:v59+s21+$0x0], $0xffff  }
0x3a0: {  	v4 =	vmax.f32 v4, v31;
	v31 =	vld.idx.msk [tilespmem:v34+s20+$0x0], $0xffff;
	[tilespmem:$0x1F650] =	vst v9  }
0x3a1: {  	v8 =	vor.u32 v47, v37;
	[tilespmem:$0x1F0B0] =	vst v34;
	v9 =	vld [tilespmem:$0x1F0C0]  }
0x3a2: {  	v38 =	vmul.f32 $2.000000030e-01, v3;
	v0 =	vadd.f32 v1, v0;
	v1 =	vmul.f32 v4, v33;
	v4 =	vld.idx.msk [tilespmem:v34+s21+$0x0], $0xffff  }
0x3a3: {  	v34 =	vld [tilespmem:$0x1FED0]  }
0x3a4: {  	v3 =	vmax.f32 v3, v38;
	v6 =	vadd.f32 v6, v7;
	v7 =	vld.idx.msk [tilespmem:v11+s20+$0x0], $0xffff;
	[tilespmem:$0x1F0E0] =	vst v11  }
0x3a5: {  	v0 =	vadd.f32 v1, v0;
	v1 =	vmul.f32 v3, v35;
	v2 =	vadd.f32 v2, v20;
	v3 =	vld.idx.msk [tilespmem:v11+s21+$0x0], $0xffff  }
0x3a6: {  	v14 =	vld.idx.msk [tilespmem:v8+s20+$0x0], $0xffff  }
0x3a7: {  	v25 =	vmul.f32 $2.000000030e-01, v2;
	v42 =	vadd.f32 v10, v9;
	v9 =	vld [tilespmem:$0x1F100]  }
0x3a8: {  	[tilespmem:$0x1F0F0] =	vst v8;
	v10 =	vld [tilespmem:$0x1F120]  }
0x3a9: {  	v2 =	vmax.f32 v2, v25;
	v25 =	vld.idx.msk [tilespmem:v8+s21+$0x0], $0xffff  }
0x3aa: {  	v8 =	vld [tilespmem:$0x1F110];
	_ =	sdelay $0x2  }
0x3ab: {  	v0 =	vadd.f32 v1, v0;
	v5 =	vadd.f32 v5, v19;
	v19 =	vmul.f32 $2.000000030e-01, v6  }
0x3ac: {  	v11 =	vor.u32 v34, v37;
	v4 =	vadd.f32 v4, v31;
	v49 =	vld [tilespmem:$0xE730];
	v1 =	vmul.f32 v2, v39  }
0x3ad: {  	v2 =	vmax.f32 v6, v19;
	v6 =	vmul.f32 $2.000000030e-01, v5;
	v35 =	vadd.f32 v10, v8;
	v10 =	vld [tilespmem:$0x1F180]  }
0x3ae: {  	v0 =	vadd.f32 v1, v0;
	v1 =	vmul.f32 v2, v41;
	v19 =	vld.idx.msk [tilespmem:v9+s20+$0x0], $0xffff;
	[tilespmem:$0x1F150] =	vst v17  }
0x3af: {  	v5 =	vmax.f32 v5, v6;
	v6 =	vld.idx.msk [tilespmem:v17+s21+$0x0], $0xffff;
	[tilespmem:$0x1F160] =	vst v57  }
0x3b0: {  	v28 =	vmul.f32 $2.000000030e-01, v4;
	v0 =	vadd.f32 v1, v0;
	v1 =	vld.idx.msk [tilespmem:v57+s21+$0x0], $0xffff  }
0x3b1: {  	v3 =	vadd.f32 v3, v7;
	v7 =	vadd.f32 v25, v14;
	v14 =	vld.idx.msk [tilespmem:v11+s20+$0x0], $0xffff;
	[tilespmem:$0x1F170] =	vst v11  }
0x3b2: {  	v4 =	vmax.f32 v4, v28;
	v28 =	vld.idx.msk [tilespmem:v11+s21+$0x0], $0xffff  }
0x3b3: {  	v11 =	vld [tilespmem:$0x1F190]  }
0x3b4: {  	v21 =	vld [tilespmem:$0x1FEB0]  }
0x3b5: {  	v20 =	vld [tilespmem:$0x1FEE0]  }
0x3b6: {  	v2 =	vld [tilespmem:$0x1F130];
	v19 =	vmul.f32 v19, v44  }
0x3b7: {  	v8 =	vld [tilespmem:$0x1F140]  }
0x3b8: {  	v25 =	vmul.f32 $2.000000030e-01, v3;
	v30 =	vadd.f32 v11, v10;
	v10 =	vld [tilespmem:$0x1F1A0];
	[tilespmem:v9+s23+$0x0] =	vst.idx.msk $0xffff, v19  }
0x3b9: {  	v9 =	vld [tilespmem:$0x1F1B0]  }
0x3ba: {  	v25 =	vmax.f32 v3, v25;
	v3 =	vld [tilespmem:$0x1F1D0]  }
0x3bb: {  	v11 =	vld [tilespmem:$0x1F1C0];
	_ =	sdelay $0x2  }
0x3bc: {  	v41 =	vor.u32 v21, v37  }
0x3bd: {  	v6 =	vadd.f32 v6, v3;
	v3 =	vld [tilespmem:$0x1F1E0]  }
0x3be: {  	v19 =	vadd.f32 v11, v9;
	v9 =	vld [tilespmem:$0x1F1F0]  }
0x3bf: {  	v5 =	vmul.f32 v5, v45  }
0x3c0: {  	v57 =	vld [tilespmem:$0xE760];
	v2 =	vadd.f32 v8, v2;
	v8 =	vor.u32 v20, v37  }
0x3c1: {  	v4 =	vmul.f32 v4, v49;
	v0 =	vadd.f32 v5, v0;
	v11 =	vld.idx.msk [tilespmem:v41+s20+$0x0], $0xffff  }
0x3c2: {  	v31 =	vmul.f32 $2.000000030e-01, v7;
	v5 =	vld.idx.msk [tilespmem:v10+s20+$0x0], $0xffff  }
0x3c3: {  	v0 =	vadd.f32 v4, v0;
	v4 =	vmul.f32 v25, v62;
	[tilespmem:$0x1F210] =	vst v41;
	v25 =	vadd.f32 v9, v3;
	v3 =	vld [tilespmem:$0x1F200]  }
0x3c4: {  	v23 =	vld.idx.msk [tilespmem:v41+s21+$0x0], $0xffff  }
0x3c5: {  	v7 =	vmax.f32 v7, v31;
	v31 =	vld.idx.msk [tilespmem:v8+s20+$0x0], $0xffff;
	[tilespmem:$0x1F230] =	vst v8  }
0x3c6: {  	v37 =	vld.idx.msk [tilespmem:v8+s21+$0x0], $0xffff  }
0x3c7: {  	v8 =	vld [tilespmem:$0x1F250]  }
0x3c8: {  	v1 =	vadd.f32 v1, v3;
	v3 =	vld [tilespmem:$0x1F240];
	_ =	sdelay $0x4  }
0x3c9: {  	v46 =	vadd.f32 v8, v3;
	v3 =	vld [tilespmem:$0x1F260];
	_ =	sdelay $0x3  }
0x3ca: {  	v38 =	vld [tilespmem:$0x1F220];
	_ =	sdelay $0x1  }
0x3cb: {  	v0 =	vadd.f32 v4, v0;
	v4 =	vmul.f32 $2.000000030e-01, v6;
	v5 =	vmul.f32 v5, v15  }
0x3cc: {  	v40 =	vld [tilespmem:$0xE780]  }
0x3cd: {  	v4 =	vmax.f32 v6, v4;
	v9 =	vor.u32 v56, v55;
	[tilespmem:v10+s23+$0x0] =	vst.idx.msk $0xffff, v5;
	v45 =	vld.idx.msk [tilespmem:v3+s20+$0x0], $0xffff  }
0x3ce: {  	v14 =	vadd.f32 v28, v14;
	v7 =	vmul.f32 v7, v38;
	v5 =	vmul.f32 v4, v57;
	v4 =	vld [tilespmem:$0x1F270]  }
0x3cf: {  	v6 =	vmul.f32 $2.000000030e-01, v1;
	v8 =	vld [tilespmem:$0x1F280];
	[tilespmem:$0x1F290] =	vst v43  }
0x3d0: {  	v0 =	vadd.f32 v7, v0;
	v7 =	vmul.f32 $2.000000030e-01, v14;
	v28 =	vld.idx.msk [tilespmem:v43+s21+$0x0], $0xffff  }
0x3d1: {  	v1 =	vmax.f32 v1, v6;
	v6 =	vld [tilespmem:$0xE790]  }
0x3d2: {  	v0 =	vadd.f32 v5, v0;
	v5 =	vmax.f32 v14, v7;
	v7 =	vld.idx.msk [tilespmem:v9+s20+$0x0], $0xffff;
	v62 =	vmul.f32 v45, v44  }
0x3d3: {  	v47 =	vadd.f32 v23, v11;
	v23 =	vld [tilespmem:$0xE7A0];
	[tilespmem:$0x1F2B0] =	vst v9  }
0x3d4: {  	v54 =	vadd.f32 v8, v4;
	v4 =	vld [tilespmem:$0x1F2A0];
	[tilespmem:v3+s23+$0x0] =	vst.idx.msk $0xffff, v62  }
0x3d5: {  	v3 =	vld [tilespmem:$0x1F2C0];
	_ =	sdelay $0x1  }
0x3d6: {  	v56 =	vor.u32 v29, v55;
	_ =	sdelay $0x2  }
0x3d7: {  	v11 =	vor.u32 v61, v55;
	v8 =	vor.u32 v12, v55;
	v51 =	vld.idx.msk [tilespmem:v9+s21+$0x0], $0xffff;
	v1 =	vmul.f32 v1, v4  }
0x3d8: {  	v61 =	vmul.f32 $2.000000030e-01, v25;
	v31 =	vadd.f32 v37, v31;
	v14 =	vmul.f32 $2.000000030e-01, v47;
	v12 =	vld [tilespmem:$0x1F2E0]  }
0x3d9: {  	v10 =	vor.u32 v26, v55;
	v5 =	vmul.f32 v5, v40;
	v17 =	vld.idx.msk [tilespmem:v56+s21+$0x0], $0xffff;
	v0 =	vadd.f32 v1, v0  }
0x3da: {  	v41 =	vmul.f32 $2.000000030e-01, v31;
	v33 =	vmul.f32 $2.000000030e-01, v46;
	v14 =	vmax.f32 v47, v14;
	v43 =	vld.idx.msk [tilespmem:v3+s20+$0x0], $0xffff  }
0x3db: {  	v25 =	vmax.f32 v25, v61;
	v1 =	vadd.f32 v5, v0;
	v5 =	vmul.f32 v14, v6;
	v9 =	vld [tilespmem:$0x1F2D0]  }
0x3dc: {  	v31 =	vmax.f32 v31, v41;
	v37 =	vmax.f32 v46, v33;
	v46 =	vld.idx.msk [tilespmem:v8+s20+$0x0], $0xffff;
	v0 =	vmul.f32 $2.000000030e-01, v54  }
0x3dd: {  	v1 =	vadd.f32 v5, v1;
	v5 =	vmul.f32 v31, v23;
	v25 =	vmul.f32 v25, v12;
	v12 =	vld [tilespmem:$0x1F2F0]  }
0x3de: {  	v14 =	vld.idx.msk [tilespmem:v10+s20+$0x0], $0xffff  }
0x3df: {  	v61 =	vld [tilespmem:$0x1FEA0];
	v0 =	vmax.f32 v54, v0;
	v1 =	vadd.f32 v5, v1;
	v5 =	vmul.f32 v43, v15  }
0x3e0: {  	v31 =	vld.idx.msk [tilespmem:v56+s20+$0x0], $0xffff;
	v0 =	vmul.f32 v0, v9;
	[tilespmem:$0x1FAC0] =	vst v11  }
0x3e1: {  	v33 =	vld.idx.msk [tilespmem:v11+s20+$0x0], $0xffff;
	[tilespmem:v3+s23+$0x0] =	vst.idx.msk $0xffff, v5  }
0x3e2: {  	v0 =	vadd.f32 $0.0e+00, v0;
	v41 =	vld.idx.msk [tilespmem:v11+s21+$0x0], $0xffff;
	v37 =	vmul.f32 v37, v12;
	[tilespmem:$0x1F300] =	vst v8  }
0x3e3: {  	v5 =	vadd.f32 v51, v7;
	v7 =	vld.idx.msk [tilespmem:v8+s21+$0x0], $0xffff;
	[tilespmem:$0x1F310] =	vst v10  }
0x3e4: {  	v0 =	vadd.f32 v37, v0;
	v37 =	vld.idx.msk [tilespmem:v10+s21+$0x0], $0xffff  }
0x3e5: {  	v10 =	vld [tilespmem:$0x1F320];
	_ =	sdelay $0x1  }
0x3e6: {  	v43 =	vmul.f32 $2.000000030e-01, v19;
	_ =	sdelay $0x1  }
0x3e7: {  	v19 =	vmax.f32 v19, v43  }
0x3e8: {  	v19 =	vmul.f32 v19, v10;
	v10 =	vld [tilespmem:$0x1F340];
	_ =	sdelay $0x1  }
0x3e9: {  	v62 =	vmul.f32 $2.000000030e-01, v30;
	_ =	sdelay $0x1  }
0x3ea: {  	v30 =	vmax.f32 v30, v62  }
0x3eb: {  	v17 =	vadd.f32 v17, v31;
	v24 =	vmul.f32 v30, v10;
	v10 =	vld [tilespmem:$0x1F360];
	_ =	sdelay $0x1  }
0x3ec: {  	v59 =	vmov v36;
	v9 =	vor.u32 v36, v55;
	v36 =	vmul.f32 $2.000000030e-01, v17;
	_ =	sdelay $0x1  }
0x3ed: {  	v17 =	vmax.f32 v17, v36  }
0x3ee: {  	v12 =	vor.u32 v61, v55;
	v3 =	vmovc v13;
	v8 =	vor.u32 v13, v55;
	v13 =	vmul.f32 v17, v10;
	v10 =	vld [tilespmem:$0x1F370]  }
0x3ef: {  	v1 =	vmul.f32 $1.442695020e+00, v1;
	_ =	sdelay $0x1  }
0x3f0: {  	(erf) = vpow2.f32 v1;
	v1 =	vld.idx.msk [tilespmem:v9+s20+$0x0], $0xffff;
	[tilespmem:$0x1F330] =	vst v9  }
0x3f1: {  	v0 =	vadd.f32 v25, v0;
	v25 =	vld.idx.msk [tilespmem:v9+s21+$0x0], $0xffff  }
0x3f2: {  	v31 =	vadd.f32 v41, v33;
	v33 =	vld.idx.msk [tilespmem:v12+s20+$0x0], $0xffff;
	[tilespmem:$0x1F350] =	vst v12  }
0x3f3: {  	v0 =	vadd.f32 v19, v0;
	v19 =	vld.idx.msk [tilespmem:v8+s20+$0x0], $0xffff  }
0x3f4: {  	v30 =	vld.idx.msk [tilespmem:v12+s21+$0x0], $0xffff  }
0x3f5: {  	v17 =	vld.idx.msk [tilespmem:v10+s20+$0x0], $0xffff;
	[tilespmem:$0x1F380] =	vst v8  }
0x3f6: {  	v9 =	vor.u32 v18, v55;
	v0 =	vadd.f32 v24, v0;
	v24 =	vld.idx.msk [tilespmem:v8+s21+$0x0], $0xffff  }
0x3f7: {  	v8 =	vld [tilespmem:$0x1F390];
	_ =	sdelay $0x1  }
0x3f8: {  	v39 =	vmul.f32 $2.000000030e-01, v31  }
0x3f9: {  	v1 =	vadd.f32 v25, v1  }
0x3fa: {  	v25 =	vmax.f32 v31, v39;
	v0 =	vadd.f32 v13, v0;
	v13 =	vld.idx.msk [tilespmem:v9+s20+$0x0], $0xffff;
	[tilespmem:$0x1F3A0] =	vst v9  }
0x3fb: {  	v8 =	vmul.f32 v25, v8;
	v25 =	vadd.f32 v30, v33;
	v30 =	vld.idx.msk [tilespmem:v9+s21+$0x0], $0xffff  }
0x3fc: {  	v7 =	vadd.f32 v7, v46;
	v9 =	vld [tilespmem:$0x1F3B0];
	_ =	sdelay $0x1  }
0x3fd: {  	v31 =	vmul.f32 $2.000000030e-01, v7  }
0x3fe: {  	s3 =	simm.s32 $0xE450;
	v36 =	vpop (erf);
	v12 =	vor.u32 v32, v55  }
0x3ff: {  	v7 =	vmax.f32 v7, v31;
	[tilespmem:s3+$0x0] =	vst v36  }
0x400: {  	v7 =	vmul.f32 v7, v9;
	v9 =	vld [tilespmem:$0x1F3D0]  }
0x401: {  	v16 =	vor.u32 v22, v55  }
0x402: {  	v31 =	vmul.f32 $2.000000030e-01, v1;
	v17 =	vmul.f32 v17, v44  }
0x403: {  	v0 =	vadd.f32 v8, v0;
	v8 =	vld.idx.msk [tilespmem:v12+s20+$0x0], $0xffff;
	[tilespmem:$0x1F3C0] =	vst v12  }
0x404: {  	v45 =	vor.u32 v27, v55;
	v1 =	vmax.f32 v1, v31;
	v31 =	vld.idx.msk [tilespmem:v12+s21+$0x0], $0xffff;
	[tilespmem:v10+s23+$0x0] =	vst.idx.msk $0xffff, v17  }
0x405: {  	v14 =	vadd.f32 v37, v14;
	v1 =	vmul.f32 v1, v9;
	v9 =	vld [tilespmem:$0x1F3E0]  }
0x406: {  	v17 =	vld.idx.msk [tilespmem:v16+s20+$0x0], $0xffff  }
0x407: {  	v37 =	vmul.f32 $2.000000030e-01, v14;
	v0 =	vadd.f32 v7, v0;
	v7 =	vld.idx.msk [tilespmem:v58+s20+$0x0], $0xffff  }
0x408: {  	v41 =	vmov v18;
	v18 =	vor.u32 v52, v55;
	v39 =	vld [tilespmem:$0x1FF90];
	[tilespmem:$0x1F3F0] =	vst v16  }
0x409: {  	v14 =	vmax.f32 v14, v37;
	v26 =	vld.idx.msk [tilespmem:v45+s20+$0x0], $0xffff  }
0x40a: {  	v0 =	vadd.f32 v1, v0;
	v1 =	vld.idx.msk [tilespmem:v16+s21+$0x0], $0xffff;
	v14 =	vmul.f32 v14, v9  }
0x40b: {  	v47 =	vmul.f32 $2.000000030e-01, v25;
	[tilespmem:$0x1F410] =	vst v45;
	v9 =	vld [tilespmem:$0x1F400]  }
0x40c: {  	v7 =	vmul.f32 v36, v7;
	v0 =	vadd.f32 v14, v0;
	v14 =	vld.idx.msk [tilespmem:v45+s21+$0x0], $0xffff  }
0x40d: {  	v25 =	vmax.f32 v25, v47;
	v47 =	vmul.f32 $2.000000030e-01, v2;
	v45 =	vld.idx.msk [tilespmem:v18+s20+$0x0], $0xffff;
	[tilespmem:$0x1F430] =	vst v18  }
0x40e: {  	v16 =	vld [tilespmem:$0x1F420];
	[tilespmem:v58+s23+$0x0] =	vst.idx.msk $0xffff, v7  }
0x40f: {  	v12 =	vor.u32 v53, v55;
	v7 =	vmax.f32 v2, v47;
	v2 =	vld [tilespmem:$0x1F440]  }
0x410: {  	v54 =	vmul.f32 $2.000000030e-01, v5;
	v9 =	vmul.f32 v25, v9  }
0x411: {  	v62 =	vmul.f32 $2.000000030e-01, v35  }
0x412: {  	v5 =	vmax.f32 v5, v54;
	v0 =	vadd.f32 v9, v0;
	v9 =	vld.idx.msk [tilespmem:v18+s21+$0x0], $0xffff  }
0x413: {  	v5 =	vmul.f32 v5, v16;
	v25 =	vmax.f32 v35, v62;
	v14 =	vadd.f32 v14, v26;
	v26 =	vld [tilespmem:$0x1FE00]  }
0x414: {  	v10 =	vor.u32 v39, v55;
	v16 =	vmul.f32 v25, v2;
	v25 =	vld.idx.msk [tilespmem:v12+s20+$0x0], $0xffff;
	[tilespmem:$0x1F450] =	vst v12  }
0x415: {  	v0 =	vadd.f32 v5, v0;
	v5 =	vld.idx.msk [tilespmem:v12+s21+$0x0], $0xffff  }
0x416: {  	s16 =	simm.s32 $0x40;
	v12 =	vld [tilespmem:$0x1F460]  }
0x417: {  	v2 =	vmov s16  }
0x418: {  	v54 =	vor.u32 v48, v55;
	v2 =	vshll.u32 v2, $0x5  }
0x419: {  	v18 =	vor.u32 v50, v55;
	v2 =	vor.u32 v26, v2;
	v26 =	vld.idx.msk [tilespmem:v10+s20+$0x0], $0xffff;
	[tilespmem:$0x1F470] =	vst v10  }
0x41a: {  	v0 =	vadd.f32 v16, v0;
	v16 =	vld.idx.msk [tilespmem:v10+s21+$0x0], $0xffff  }
0x41b: {  	v10 =	vld [tilespmem:$0x1F480];
	v7 =	vmul.f32 v7, v12;
	v12 =	vor.u32 v20, v2;
	_ =	sdelay $0x1  }
0x41c: {  	v51 =	vmov v27;
	v27 =	vmul.f32 $2.000000030e-01, v42;
	v55 =	vld.idx.msk [tilespmem:v54+s20+$0x0], $0xffff;
	[tilespmem:$0x1F490] =	vst v54  }
0x41d: {  	v5 =	vadd.f32 v5, v25;
	v25 =	vld.idx.msk [tilespmem:v18+s20+$0x0], $0xffff  }
0x41e: {  	v27 =	vmax.f32 v42, v27;
	v0 =	vadd.f32 v7, v0;
	v7 =	vld.idx.msk [tilespmem:v54+s21+$0x0], $0xffff;
	[tilespmem:$0x1F4A0] =	vst v18  }
0x41f: {  	v27 =	vmul.f32 v27, v10;
	v10 =	vld.idx.msk [tilespmem:v12+s20+$0x0], $0xffff;
	_ =	sdelay $0x3  }
0x420: {  	v46 =	vmov v22;
	v22 =	vld.idx.msk [tilespmem:v18+s21+$0x0], $0xffff  }
0x421: {  	v9 =	vadd.f32 v9, v45;
	[tilespmem:$0x1F4B0] =	vst v10;
	v10 =	vld [tilespmem:$0x1F4C0];
	_ =	sdelay $0x1  }
0x422: {  	v37 =	vmul.f32 $2.000000030e-01, v9;
	_ =	sdelay $0x1  }
0x423: {  	v9 =	vmax.f32 v9, v37  }
0x424: {  	v9 =	vmul.f32 v9, v10;
	v10 =	vld [tilespmem:$0x1FE50];
	_ =	sdelay $0x3  }
0x425: {  	[tilespmem:$0x1F4D0] =	vst v12  }
0x426: {  	v0 =	vadd.f32 v27, v0;
	v27 =	vor.u32 v10, v2;
	v10 =	vld.idx.msk [tilespmem:v12+s21+$0x0], $0xffff  }
0x427: {  	v62 =	vor.u32 v21, v2;
	_ =	sdelay $0x3  }
0x428: {  	v58 =	vmul.f32 $2.000000030e-01, v14;
	[tilespmem:$0x1F4E0] =	vst v10  }
0x429: {  	v10 =	vld.idx.msk [tilespmem:v62+s20+$0x0], $0xffff  }
0x42a: {  	v14 =	vmax.f32 v14, v58  }
0x42b: {  	v14 =	vmul.f32 v14, v60;
	_ =	sdelay $0x1  }
0x42c: {  	v0 =	vadd.f32 v14, v0;
	[tilespmem:$0x1F510] =	vst v62  }
0x42d: {  	[tilespmem:$0x1F4F0] =	vst v10  }
0x42e: {  	v0 =	vadd.f32 v9, v0;
	v9 =	vld.idx.msk [tilespmem:v62+s21+$0x0], $0xffff  }
0x42f: {  	v18 =	vor.u32 v34, v2;
	v10 =	vld [tilespmem:$0x1F500];
	_ =	sdelay $0x1  }
0x430: {  	v16 =	vadd.f32 v16, v26;
	v26 =	vmul.f32 $2.000000030e-01, v5;
	_ =	sdelay $0x1  }
0x431: {  	v5 =	vmax.f32 v5, v26;
	[tilespmem:$0x1F520] =	vst v9  }
0x432: {  	v5 =	vmul.f32 v5, v10;
	v10 =	vld.idx.msk [tilespmem:v18+s20+$0x0], $0xffff;
	_ =	sdelay $0x4  }
0x433: {  	[tilespmem:$0x1F530] =	vst v10;
	v10 =	vld [tilespmem:$0x1F540];
	_ =	sdelay $0x1  }
0x434: {  	v14 =	vmul.f32 $2.000000030e-01, v16;
	_ =	sdelay $0x1  }
0x435: {  	v9 =	vmax.f32 v16, v14  }
0x436: {  	v16 =	vmul.f32 v9, v10;
	v10 =	vld [tilespmem:$0x1FEF0];
	_ =	sdelay $0x1  }
0x437: {  	[tilespmem:$0x1F550] =	vst v18  }
0x438: {  	v0 =	vadd.f32 v5, v0;
	v5 =	vld.idx.msk [tilespmem:v18+s21+$0x0], $0xffff;
	_ =	sdelay $0x1  }
0x439: {  	v7 =	vadd.f32 v7, v55;
	v12 =	vor.u32 v63, v2;
	v18 =	vor.u32 v10, v2;
	v10 =	vld [tilespmem:$0x1F570];
	_ =	sdelay $0x1  }
0x43a: {  	v14 =	vmul.f32 $2.000000030e-01, v7  }
0x43b: {  	[tilespmem:$0x1F560] =	vst v5  }
0x43c: {  	v5 =	vmax.f32 v7, v14;
	v9 =	vld.idx.msk [tilespmem:v27+s20+$0x0], $0xffff;
	[tilespmem:$0x1F580] =	vst v27  }
0x43d: {  	v5 =	vmul.f32 v5, v10;
	v10 =	vld.idx.msk [tilespmem:v12+s20+$0x0], $0xffff;
	_ =	sdelay $0x3  }
0x43e: {  	v22 =	vadd.f32 v22, v25;
	v25 =	vadd.f32 v30, v13;
	v13 =	vld.idx.msk [tilespmem:v27+s21+$0x0], $0xffff  }
0x43f: {  	[tilespmem:$0x1FA60] =	vst v10;
	v10 =	vld [tilespmem:$0x1F590];
	_ =	sdelay $0x4  }
0x440: {  	v26 =	vadd.f32 v28, v10;
	v10 =	vld [tilespmem:$0x1F5A0];
	_ =	sdelay $0x1  }
0x441: {  	v7 =	vmul.f32 $2.000000030e-01, v22;
	_ =	sdelay $0x1  }
0x442: {  	v7 =	vmax.f32 v22, v7  }
0x443: {  	v1 =	vadd.f32 v1, v17;
	v7 =	vmul.f32 v7, v10;
	v10 =	vld [tilespmem:$0x1F5B0];
	_ =	sdelay $0x1  }
0x444: {  	v0 =	vadd.f32 v16, v0;
	v16 =	vmul.f32 $2.000000030e-01, v1;
	_ =	sdelay $0x1  }
0x445: {  	v1 =	vmax.f32 v1, v16;
	v16 =	vld [tilespmem:$0x1FFB0];
	_ =	sdelay $0x3  }
0x446: {  	v0 =	vadd.f32 v5, v0;
	v5 =	vld.idx.msk [tilespmem:v10+s20+$0x0], $0xffff;
	[tilespmem:$0x1F5C0] =	vst v12  }
0x447: {  	v30 =	vor.u32 v16, v2;
	v16 =	vld.idx.msk [tilespmem:v12+s21+$0x0], $0xffff  }
0x448: {  	v12 =	vld [tilespmem:$0x1F5D0];
	_ =	sdelay $0x4  }
0x449: {  	v8 =	vadd.f32 v31, v8;
	v1 =	vmul.f32 v1, v12;
	v12 =	vor.u32 v3, v2;
	v3 =	vld [tilespmem:$0x1F5F0]  }
0x44a: {  	v19 =	vadd.f32 v24, v19;
	v24 =	vld [tilespmem:$0x1F630]  }
0x44b: {  	v21 =	vld [tilespmem:$0x1F620];
	v22 =	vmul.f32 $2.000000030e-01, v8  }
0x44c: {  	v20 =	vld [tilespmem:$0x1F610]  }
0x44d: {  	v8 =	vmax.f32 v8, v22  }
0x44e: {  	v8 =	vmul.f32 v8, v3;
	v3 =	vld [tilespmem:$0x1F600];
	_ =	sdelay $0x1  }
0x44f: {  	v28 =	vadd.f32 v24, v21;
	v21 =	vld [tilespmem:$0x1F640]  }
0x450: {  	v0 =	vadd.f32 v7, v0  }
0x451: {  	v7 =	vmul.f32 $2.000000030e-01, v25;
	v17 =	vld.idx.msk [tilespmem:v18+s20+$0x0], $0xffff;
	[tilespmem:$0x1F5E0] =	vst v18  }
0x452: {  	v14 =	vld.idx.msk [tilespmem:v18+s21+$0x0], $0xffff;
	v5 =	vmul.f32 v5, v15;
	v0 =	vadd.f32 v1, v0  }
0x453: {  	v7 =	vmax.f32 v25, v7;
	v27 =	vld.idx.msk [tilespmem:v20+s20+$0x0], $0xffff  }
0x454: {  	v7 =	vmul.f32 v7, v21;
	v24 =	vld.idx.msk [tilespmem:v30+s20+$0x0], $0xffff;
	[tilespmem:v10+s23+$0x0] =	vst.idx.msk $0xffff, v5;
	v0 =	vadd.f32 v8, v0  }
0x455: {  	v1 =	vld.idx.msk [tilespmem:v3+s20+$0x0], $0xffff;
	[tilespmem:$0x1F660] =	vst v30  }
0x456: {  	v0 =	vadd.f32 v7, v0;
	v7 =	vld.idx.msk [tilespmem:v12+s20+$0x0], $0xffff;
	_ =	sdelay $0x1  }
0x457: {  	v25 =	vmul.f32 $2.000000030e-01, v19;
	_ =	sdelay $0x1  }
0x458: {  	v5 =	vmax.f32 v19, v25;
	v25 =	vld.idx.msk [tilespmem:v30+s21+$0x0], $0xffff;
	[tilespmem:$0x1F680] =	vst v12  }
0x459: {  	v11 =	vmov v32;
	[tilespmem:$0x1F670] =	vst v7  }
0x45a: {  	v10 =	vor.u32 v11, v2;
	v11 =	vld.idx.msk [tilespmem:v12+s21+$0x0], $0xffff;
	_ =	sdelay $0x1  }
0x45b: {  	v21 =	vld [tilespmem:$0x1F650];
	_ =	sdelay $0x1  }
0x45c: {  	v1 =	vmul.f32 v1, v44  }
0x45d: {  	[tilespmem:$0x1F690] =	vst v11;
	v11 =	vld [tilespmem:$0x1F6A0]  }
0x45e: {  	[tilespmem:v3+s23+$0x0] =	vst.idx.msk $0xffff, v1  }
0x45f: {  	v19 =	vmul.f32 $2.000000030e-01, v26;
	v8 =	vmul.f32 $2.000000030e-01, v21;
	v3 =	vld [tilespmem:$0x1F6B0]  }
0x460: {  	v5 =	vmul.f32 v5, v49  }
0x461: {  	v7 =	vmax.f32 v21, v8;
	v8 =	vmax.f32 v26, v19  }
0x462: {  	v0 =	vadd.f32 v5, v0;
	v5 =	vmul.f32 v36, v27;
	v8 =	vmul.f32 v8, v11;
	v11 =	vld [tilespmem:$0x1F6C0];
	_ =	sdelay $0x1  }
0x463: {  	v18 =	vor.u32 v41, v2;
	[tilespmem:v20+s23+$0x0] =	vst.idx.msk $0xffff, v5;
	v1 =	vmul.f32 $2.000000030e-01, v3  }
0x464: {  	v0 =	vadd.f32 v8, v0;
	v8 =	vld [tilespmem:$0x1F6F0]  }
0x465: {  	v1 =	vmax.f32 v3, v1;
	v3 =	vld [tilespmem:$0x1F6E0];
	_ =	sdelay $0x2  }
0x466: {  	v22 =	vld.idx.msk [tilespmem:v18+s20+$0x0], $0xffff  }
0x467: {  	v27 =	vld.idx.msk [tilespmem:v11+s20+$0x0], $0xffff;
	[tilespmem:$0x1F6D0] =	vst v18  }
0x468: {  	v8 =	vadd.f32 v8, v3;
	v3 =	vld.idx.msk [tilespmem:v10+s20+$0x0], $0xffff  }
0x469: {  	v21 =	vld [tilespmem:$0x1F700];
	_ =	sdelay $0x1  }
0x46a: {  	v12 =	vld [tilespmem:$0x1F720]  }
0x46b: {  	v26 =	vld.idx.msk [tilespmem:v18+s21+$0x0], $0xffff  }
0x46c: {  	v19 =	vmul.f32 $2.000000030e-01, v28;
	[tilespmem:$0x1FA90] =	vst v3;
	v3 =	vld [tilespmem:$0x1F710]  }
0x46d: {  	v5 =	vmul.f32 v7, v38  }
0x46e: {  	v7 =	vmax.f32 v28, v19;
	v20 =	vld [tilespmem:$0x1F760]  }
0x46f: {  	v7 =	vmul.f32 v7, v57;
	v0 =	vadd.f32 v5, v0  }
0x470: {  	v5 =	vld.idx.msk [tilespmem:v21+s20+$0x0], $0xffff;
	[tilespmem:$0x1F730] =	vst v10  }
0x471: {  	v0 =	vadd.f32 v7, v0;
	v7 =	vmul.f32 v27, v15;
	v19 =	vadd.f32 v12, v3;
	v12 =	vld.idx.msk [tilespmem:v10+s21+$0x0], $0xffff  }
0x472: {  	v3 =	vld [tilespmem:$0x1F740]  }
0x473: {  	v42 =	vor.u32 v46, v2;
	v10 =	vld [tilespmem:$0x1F750];
	[tilespmem:v11+s23+$0x0] =	vst.idx.msk $0xffff, v7  }
0x474: {  	v28 =	vmul.f32 $2.000000030e-01, v8;
	v11 =	vld [tilespmem:$0x1F780]  }
0x475: {  	v1 =	vmul.f32 v1, v4  }
0x476: {  	v18 =	vor.u32 v50, v2;
	v8 =	vmax.f32 v8, v28;
	v43 =	vld.idx.msk [tilespmem:v20+s20+$0x0], $0xffff;
	v31 =	vmul.f32 $2.000000030e-01, v19  }
0x477: {  	v0 =	vadd.f32 v1, v0;
	v7 =	vmul.f32 v8, v40;
	v5 =	vmul.f32 v5, v44  }
0x478: {  	v1 =	vmax.f32 v19, v31;
	v30 =	vadd.f32 v10, v3;
	v3 =	vld.idx.msk [tilespmem:v42+s20+$0x0], $0xffff;
	[tilespmem:$0x1F770] =	vst v42  }
0x479: {  	v0 =	vadd.f32 v7, v0;
	v1 =	vmul.f32 v1, v6;
	v28 =	vld.idx.msk [tilespmem:v42+s21+$0x0], $0xffff;
	[tilespmem:v21+s23+$0x0] =	vst.idx.msk $0xffff, v5  }
0x47a: {  	v31 =	vld [tilespmem:$0x1F7A0]  }
0x47b: {  	v4 =	vld.idx.msk [tilespmem:v18+s20+$0x0], $0xffff;
	v0 =	vadd.f32 v1, v0;
	v1 =	vmul.f32 v36, v43  }
0x47c: {  	v10 =	vor.u32 v48, v2;
	v7 =	vld.idx.msk [tilespmem:v11+s20+$0x0], $0xffff;
	[tilespmem:$0x1F790] =	vst v18  }
0x47d: {  	[tilespmem:v20+s23+$0x0] =	vst.idx.msk $0xffff, v1  }
0x47e: {  	v20 =	vld [tilespmem:$0x1F7C0];
	_ =	sdelay $0x1  }
0x47f: {  	v8 =	vmul.f32 $2.000000030e-01, v30;
	v6 =	vld.idx.msk [tilespmem:v18+s21+$0x0], $0xffff  }
0x480: {  	v19 =	vld.idx.msk [tilespmem:v10+s20+$0x0], $0xffff;
	v1 =	vmul.f32 v7, v15  }
0x481: {  	v5 =	vmax.f32 v30, v8;
	v8 =	vld.idx.msk [tilespmem:v31+s20+$0x0], $0xffff;
	[tilespmem:$0x1F7B0] =	vst v10  }
0x482: {  	v5 =	vmul.f32 v5, v23;
	[tilespmem:v11+s23+$0x0] =	vst.idx.msk $0xffff, v1  }
0x483: {  	v18 =	vor.u32 v39, v2;
	v29 =	vld [tilespmem:$0x1F7E0]  }
0x484: {  	v0 =	vadd.f32 v5, v0  }
0x485: {  	v21 =	vor.u32 v53, v2;
	v5 =	vld.idx.msk [tilespmem:v20+s20+$0x0], $0xffff  }
0x486: {  	v0 =	vmul.f32 $1.442695020e+00, v0  }
0x487: {  	v30 =	vld.idx.msk [tilespmem:v10+s21+$0x0], $0xffff  }
0x488: {  	v23 =	vld.idx.msk [tilespmem:v18+s20+$0x0], $0xffff;
	(erf) = vpow2.f32 v0;
	[tilespmem:$0x1F7D0] =	vst v18;
	v0 =	vmul.f32 v8, v44  }
0x489: {  	v32 =	vld.idx.msk [tilespmem:v18+s21+$0x0], $0xffff  }
0x48a: {  	v7 =	vld.idx.msk [tilespmem:v21+s20+$0x0], $0xffff;
	[tilespmem:v31+s23+$0x0] =	vst.idx.msk $0xffff, v0;
	v0 =	vmul.f32 v5, v36  }
0x48b: {  	v1 =	vld.idx.msk [tilespmem:v29+s20+$0x0], $0xffff;
	[tilespmem:$0x1F7F0] =	vst v21  }
0x48c: {  	v45 =	vld [tilespmem:$0x1F800];
	[tilespmem:v20+s23+$0x0] =	vst.idx.msk $0xffff, v0  }
0x48d: {  	v11 =	vld [tilespmem:$0x1F810]  }
0x48e: {  	v10 =	vor.u32 v52, v2;
	_ =	sdelay $0x2  }
0x48f: {  	v18 =	vor.u32 v51, v2;
	v0 =	vld [tilespmem:$0x1FE80]  }
0x490: {  	v5 =	vld.idx.msk [tilespmem:v21+s21+$0x0], $0xffff  }
0x491: {  	v27 =	vld.idx.msk [tilespmem:v10+s20+$0x0], $0xffff  }
0x492: {  	v8 =	vld.idx.msk [tilespmem:v45+s20+$0x0], $0xffff  }
0x493: {  	v31 =	vld.idx.msk [tilespmem:v11+s20+$0x0], $0xffff;
	[tilespmem:$0x1F820] =	vst v10  }
0x494: {  	v21 =	vor.u32 v0, v2;
	v0 =	vld.idx.msk [tilespmem:v18+s20+$0x0], $0xffff;
	_ =	sdelay $0x1  }
0x495: {  	v1 =	vmul.f32 v1, v15;
	_ =	sdelay $0x1  }
0x496: {  	v33 =	vld.idx.msk [tilespmem:v10+s21+$0x0], $0xffff;
	[tilespmem:v29+s23+$0x0] =	vst.idx.msk $0xffff, v1  }
0x497: {  	[tilespmem:$0x1F830] =	vst v0;
	v0 =	vld [tilespmem:$0x1F840];
	_ =	sdelay $0x7  }
0x498: {  	v1 =	vld.idx.msk [tilespmem:v0+s20+$0x0], $0xffff;
	[tilespmem:$0x1F850] =	vst v18  }
0x499: {  	v10 =	vld.idx.msk [tilespmem:v18+s21+$0x0], $0xffff;
	_ =	sdelay $0x4  }
0x49a: {  	v8 =	vmul.f32 v8, v44;
	[tilespmem:$0x1F860] =	vst v10;
	v10 =	vpop (erf)  }
0x49b: {  	v31 =	vmul.f32 v31, v36;
	[tilespmem:s3+$0xFFFFFFF0] =	vst v10  }
0x49c: {  	v18 =	vld [tilespmem:$0x1FF60];
	[tilespmem:v45+s23+$0x0] =	vst.idx.msk $0xffff, v8  }
0x49d: {  	v46 =	vld [tilespmem:$0x1F870];
	[tilespmem:v11+s23+$0x0] =	vst.idx.msk $0xffff, v31  }
0x49e: {  	v29 =	vld [tilespmem:$0x1FF70];
	_ =	sdelay $0x3  }
0x49f: {  	v47 =	vld [tilespmem:$0x1F880]  }
0x4a0: {  	v48 =	vor.u32 v29, v2;
	v29 =	vld [tilespmem:$0x1F890];
	_ =	sdelay $0x4  }
0x4a1: {  	v35 =	vld.idx.msk [tilespmem:v21+s20+$0x0], $0xffff  }
0x4a2: {  	v8 =	vld.idx.msk [tilespmem:v46+s20+$0x0], $0xffff  }
0x4a3: {  	v1 =	vmul.f32 v1, v15;
	v31 =	vld.idx.msk [tilespmem:v47+s20+$0x0], $0xffff  }
0x4a4: {  	v49 =	vld.idx.msk [tilespmem:v29+s20+$0x0], $0xffff;
	[tilespmem:$0x1F8A0] =	vst v21  }
0x4a5: {  	[tilespmem:v0+s23+$0x0] =	vst.idx.msk $0xffff, v1  }
0x4a6: {  	v0 =	vld [tilespmem:$0x1F8B0];
	_ =	sdelay $0x1  }
0x4a7: {  	v18 =	vor.u32 v18, v2;
	_ =	sdelay $0x3  }
0x4a8: {  	v40 =	vld.idx.msk [tilespmem:v21+s21+$0x0], $0xffff  }
0x4a9: {  	v8 =	vmul.f32 v10, v8;
	v11 =	vld.idx.msk [tilespmem:v18+s20+$0x0], $0xffff  }
0x4aa: {  	v31 =	vmul.f32 v31, v44;
	v50 =	vld.idx.msk [tilespmem:v0+s20+$0x0], $0xffff;
	[tilespmem:$0x1F8C0] =	vst v18  }
0x4ab: {  	[tilespmem:v46+s23+$0x0] =	vst.idx.msk $0xffff, v8;
	v8 =	vmul.f32 v49, v36  }
0x4ac: {  	v21 =	vld [tilespmem:$0x1FF50];
	[tilespmem:v47+s23+$0x0] =	vst.idx.msk $0xffff, v31  }
0x4ad: {  	v34 =	vld [tilespmem:$0x1F8D0];
	[tilespmem:v29+s23+$0x0] =	vst.idx.msk $0xffff, v8  }
0x4ae: {  	v39 =	vld [tilespmem:$0x1F8E0]  }
0x4af: {  	v1 =	vld [tilespmem:$0x1F8F0];
	_ =	sdelay $0x3  }
0x4b0: {  	v42 =	vld.idx.msk [tilespmem:v18+s21+$0x0], $0xffff  }
0x4b1: {  	v18 =	vld.idx.msk [tilespmem:v48+s20+$0x0], $0xffff  }
0x4b2: {  	v31 =	vld.idx.msk [tilespmem:v34+s20+$0x0], $0xffff  }
0x4b3: {  	v51 =	vmul.f32 v50, v15;
	v8 =	vld.idx.msk [tilespmem:v39+s20+$0x0], $0xffff  }
0x4b4: {  	v52 =	vld.idx.msk [tilespmem:v1+s20+$0x0], $0xffff;
	[tilespmem:$0x1F900] =	vst v48  }
0x4b5: {  	[tilespmem:v0+s23+$0x0] =	vst.idx.msk $0xffff, v51  }
0x4b6: {  	v0 =	vld [tilespmem:$0x1F910];
	_ =	sdelay $0x1  }
0x4b7: {  	v21 =	vor.u32 v21, v2;
	_ =	sdelay $0x3  }
0x4b8: {  	v41 =	vld.idx.msk [tilespmem:v48+s21+$0x0], $0xffff  }
0x4b9: {  	v37 =	vld.idx.msk [tilespmem:v21+s20+$0x0], $0xffff;
	v31 =	vmul.f32 v10, v31  }
0x4ba: {  	v8 =	vmul.f32 v8, v44;
	v53 =	vld.idx.msk [tilespmem:v0+s20+$0x0], $0xffff;
	[tilespmem:$0x1F920] =	vst v21  }
0x4bb: {  	v45 =	vld.idx.msk [tilespmem:v21+s21+$0x0], $0xffff;
	[tilespmem:v34+s23+$0x0] =	vst.idx.msk $0xffff, v31;
	v31 =	vmul.f32 v52, v36  }
0x4bc: {  	v21 =	vld [tilespmem:$0x1FE90];
	[tilespmem:v39+s23+$0x0] =	vst.idx.msk $0xffff, v8  }
0x4bd: {  	v34 =	vld [tilespmem:$0x1F930];
	[tilespmem:v1+s23+$0x0] =	vst.idx.msk $0xffff, v31  }
0x4be: {  	v49 =	vld [tilespmem:$0x1F940]  }
0x4bf: {  	v29 =	vor.u32 v61, v2;
	v1 =	vld [tilespmem:$0x1F950];
	_ =	sdelay $0x4  }
0x4c0: {  	v38 =	vld.idx.msk [tilespmem:v29+s20+$0x0], $0xffff  }
0x4c1: {  	v8 =	vld.idx.msk [tilespmem:v34+s20+$0x0], $0xffff  }
0x4c2: {  	v54 =	vmul.f32 v53, v15;
	v31 =	vld.idx.msk [tilespmem:v49+s20+$0x0], $0xffff  }
0x4c3: {  	v52 =	vld.idx.msk [tilespmem:v1+s20+$0x0], $0xffff;
	[tilespmem:$0x1F960] =	vst v29  }
0x4c4: {  	v46 =	vld.idx.msk [tilespmem:v29+s21+$0x0], $0xffff;
	[tilespmem:v0+s23+$0x0] =	vst.idx.msk $0xffff, v54  }
0x4c5: {  	v29 =	vld [tilespmem:$0x1F970];
	_ =	sdelay $0x1  }
0x4c6: {  	v21 =	vor.u32 v21, v2;
	_ =	sdelay $0x4  }
0x4c7: {  	v60 =	vld.idx.msk [tilespmem:v21+s20+$0x0], $0xffff;
	v8 =	vmul.f32 v8, v10  }
0x4c8: {  	v53 =	vld.idx.msk [tilespmem:v29+s20+$0x0], $0xffff;
	[tilespmem:$0x1F980] =	vst v21  }
0x4c9: {  	v0 =	vld [tilespmem:$0x1FFE0];
	[tilespmem:v34+s23+$0x0] =	vst.idx.msk $0xffff, v8  }
0x4ca: {  	v43 =	vld [tilespmem:$0x1F990]  }
0x4cb: {  	v55 =	vor.u32 v59, v2;
	v8 =	vmul.f32 v52, v36;
	_ =	sdelay $0x1  }
0x4cc: {  	[tilespmem:v1+s23+$0x0] =	vst.idx.msk $0xffff, v8  }
0x4cd: {  	v1 =	vld [tilespmem:$0x1F9B0]  }
0x4ce: {  	v48 =	vld.idx.msk [tilespmem:v21+s21+$0x0], $0xffff  }
0x4cf: {  	v0 =	vor.u32 v0, v2;
	v59 =	vld.idx.msk [tilespmem:v55+s20+$0x0], $0xffff  }
0x4d0: {  	v21 =	vld [tilespmem:$0x1FFF0]  }
0x4d1: {  	v54 =	vld.idx.msk [tilespmem:v43+s20+$0x0], $0xffff;
	[tilespmem:$0x1F9A0] =	vst v55  }
0x4d2: {  	v8 =	vld.idx.msk [tilespmem:v55+s21+$0x0], $0xffff;
	v55 =	vmul.f32 v53, v15  }
0x4d3: {  	v61 =	vld [tilespmem:$0x1FFC0]  }
0x4d4: {  	v51 =	vld.idx.msk [tilespmem:v0+s20+$0x0], $0xffff;
	[tilespmem:v29+s23+$0x0] =	vst.idx.msk $0xffff, v55  }
0x4d5: {  	v21 =	vor.u32 v21, v2;
	v47 =	vld.idx.msk [tilespmem:v1+s20+$0x0], $0xffff;
	[tilespmem:$0x1F9C0] =	vst v0  }
0x4d6: {  	v34 =	vld.idx.msk [tilespmem:v0+s21+$0x0], $0xffff  }
0x4d7: {  	v0 =	vld [tilespmem:$0x1F9E0];
	_ =	sdelay $0x2  }
0x4d8: {  	v29 =	vld.idx.msk [tilespmem:v21+s20+$0x0], $0xffff;
	_ =	sdelay $0x3  }
0x4d9: {  	v39 =	vld [tilespmem:$0x1F9D0];
	v62 =	vmul.f32 v54, v10  }
0x4da: {  	v58 =	vld.idx.msk [tilespmem:v0+s20+$0x0], $0xffff;
	[tilespmem:$0x1F9F0] =	vst v29  }
0x4db: {  	v29 =	vld [tilespmem:$0x1FF80];
	[tilespmem:v43+s23+$0x0] =	vst.idx.msk $0xffff, v62  }
0x4dc: {  	v52 =	vld [tilespmem:$0x1FA00]  }
0x4dd: {  	v47 =	vmul.f32 v47, v36  }
0x4de: {  	v57 =	vor.u32 v61, v2  }
0x4df: {  	[tilespmem:v1+s23+$0x0] =	vst.idx.msk $0xffff, v47  }
0x4e0: {  	v1 =	vld [tilespmem:$0x1FA20];
	_ =	sdelay $0x2  }
0x4e1: {  	v53 =	vld.idx.msk [tilespmem:v57+s20+$0x0], $0xffff;
	v43 =	vmul.f32 v58, v15  }
0x4e2: {  	v50 =	vor.u32 v29, v2;
	v55 =	vld.idx.msk [tilespmem:v52+s20+$0x0], $0xffff;
	[tilespmem:$0x1FA10] =	vst v57  }
0x4e3: {  	v29 =	vld [tilespmem:$0x1FE40];
	[tilespmem:v0+s23+$0x0] =	vst.idx.msk $0xffff, v43  }
0x4e4: {  	v0 =	vld [tilespmem:$0x1FE20]  }
0x4e5: {  	v62 =	vld.idx.msk [tilespmem:v57+s21+$0x0], $0xffff  }
0x4e6: {  	v54 =	vld.idx.msk [tilespmem:v1+s20+$0x0], $0xffff  }
0x4e7: {  	v57 =	vld.idx.msk [tilespmem:v50+s20+$0x0], $0xffff;
	[tilespmem:$0x1FA30] =	vst v50  }
0x4e8: {  	v47 =	vld.idx.msk [tilespmem:v50+s21+$0x0], $0xffff  }
0x4e9: {  	v50 =	vor.u32 v0, v2;
	v0 =	vld [tilespmem:$0x1FA40];
	_ =	sdelay $0x1  }
0x4ea: {  	v29 =	vor.u32 v29, v2;
	_ =	sdelay $0x2  }
0x4eb: {  	v55 =	vmul.f32 v55, v10;
	_ =	sdelay $0x1  }
0x4ec: {  	v43 =	vld.idx.msk [tilespmem:v29+s20+$0x0], $0xffff;
	[tilespmem:v52+s23+$0x0] =	vst.idx.msk $0xffff, v55  }
0x4ed: {  	v54 =	vmul.f32 v54, v36;
	v58 =	vld.idx.msk [tilespmem:v0+s20+$0x0], $0xffff;
	[tilespmem:$0x1FA50] =	vst v29  }
0x4ee: {  	v55 =	vld.idx.msk [tilespmem:v29+s21+$0x0], $0xffff  }
0x4ef: {  	v29 =	vld [tilespmem:$0x1FE30];
	[tilespmem:v1+s23+$0x0] =	vst.idx.msk $0xffff, v54  }
0x4f0: {  	v1 =	vld [tilespmem:$0x1FA60];
	_ =	sdelay $0x2  }
0x4f1: {  	v9 =	vadd.f32 v13, v9;
	v20 =	vadd.f32 v26, v22;
	v22 =	vlaneseq.u32;
	v13 =	vld.idx.msk [tilespmem:v56+s20+$0x0], $0xffff  }
0x4f2: {  	v52 =	vor.u32 v22, v2;
	v54 =	vld [tilespmem:$0x1FA80];
	v29 =	vor.u32 v29, v2;
	v2 =	vmul.f32 v58, v15  }
0x4f3: {  	v17 =	vadd.f32 v14, v17;
	v14 =	vadd.f32 v16, v1;
	v16 =	vld.idx.msk [tilespmem:v50+s20+$0x0], $0xffff;
	[tilespmem:$0x1FA70] =	vst v50  }
0x4f4: {  	v22 =	vld.idx.msk [tilespmem:v50+s21+$0x0], $0xffff;
	[tilespmem:v0+s23+$0x0] =	vst.idx.msk $0xffff, v2  }
0x4f5: {  	v50 =	vld [tilespmem:$0x1FAA0];
	_ =	sdelay $0x1  }
0x4f6: {  	v0 =	vld [tilespmem:$0x1FA90];
	_ =	sdelay $0x3  }
0x4f7: {  	v26 =	vld.idx.msk [tilespmem:v54+s20+$0x0], $0xffff  }
0x4f8: {  	v4 =	vadd.f32 v6, v4;
	v6 =	vmul.f32 v13, v10;
	v2 =	vadd.f32 v12, v0;
	v12 =	vld.idx.msk [tilespmem:v29+s20+$0x0], $0xffff  }
0x4f9: {  	v5 =	vadd.f32 v5, v7;
	v7 =	vld.idx.msk [tilespmem:v50+s20+$0x0], $0xffff;
	[tilespmem:$0x1FAB0] =	vst v29  }
0x4fa: {  	[tilespmem:v56+s23+$0x0] =	vst.idx.msk $0xffff, v6  }
0x4fb: {  	v58 =	vld [tilespmem:$0x1FAC0];
	_ =	sdelay $0x4  }
0x4fc: {  	v24 =	vadd.f32 v25, v24  }
0x4fd: {  	v25 =	vadd.f32 v28, v3;
	v3 =	vadd.f32 v30, v19;
	v19 =	vld.idx.msk [tilespmem:v29+s21+$0x0], $0xffff  }
0x4fe: {  	v1 =	vadd.f32 v42, v11;
	v11 =	vmul.f32 v26, v36;
	v6 =	vadd.f32 v41, v18;
	v18 =	vld.idx.msk [tilespmem:v52+s20+$0x0], $0xffff  }
0x4ff: {  	v28 =	vld.idx.msk [tilespmem:v58+s20+$0x0], $0xffff;
	[tilespmem:$0x1FAD0] =	vst v52  }
0x500: {  	[tilespmem:v54+s23+$0x0] =	vst.idx.msk $0xffff, v11  }
0x501: {  	v8 =	vadd.f32 v8, v59;
	v59 =	vmov v15;
	v15 =	vld [tilespmem:$0x1FAE0];
	_ =	sdelay $0x6  }
0x502: {  	v0 =	vadd.f32 v33, v27;
	v33 =	vld.idx.msk [tilespmem:v52+s21+$0x0], $0xffff  }
0x503: {  	v56 =	vld.idx.msk [tilespmem:v15+s20+$0x0], $0xffff  }
0x504: {  	v30 =	vadd.f32 v46, v38;
	v13 =	vadd.f32 v32, v23;
	v38 =	vld [tilespmem:$0xE770];
	v11 =	vmul.f32 $2.000000030e-01, v9  }
0x505: {  	v23 =	vadd.f32 v40, v35;
	v40 =	vadd.f32 v55, v43;
	v26 =	vmul.f32 $2.000000030e-01, v17;
	v46 =	vld [tilespmem:$0xE760]  }
0x506: {  	v55 =	vmovc v10;
	v10 =	vmovc v21;
	v29 =	vadd.f32 v48, v60;
	v21 =	vld [tilespmem:$0xE750];
	v60 =	vmax.f32 v9, v11;
	v11 =	vmul.f32 $2.000000030e-01, v20  }
0x507: {  	v16 =	vadd.f32 v22, v16;
	v48 =	vld [tilespmem:$0xE740];
	v9 =	vmul.f32 $2.000000030e-01, v2  }
0x508: {  	v17 =	vmax.f32 v17, v26;
	v26 =	vld [tilespmem:$0xE720];
	v20 =	vmax.f32 v20, v11;
	v11 =	vmul.f32 v56, v36  }
0x509: {  	v22 =	vmul.f32 $2.000000030e-01, v14;
	v32 =	vld [tilespmem:$0xE710];
	v2 =	vmax.f32 v2, v9;
	v9 =	vmul.f32 $2.000000030e-01, v25  }
0x50a: {  	v52 =	vadd.f32 v47, v57;
	v47 =	vld [tilespmem:$0x1FE00];
	[tilespmem:v15+s23+$0x0] =	vst.idx.msk $0xffff, v11  }
0x50b: {  	v22 =	vmax.f32 v14, v22;
	v14 =	vmul.f32 $2.000000030e-01, v3;
	v25 =	vmax.f32 v25, v9;
	v9 =	vld [tilespmem:$0x1FAF0]  }
0x50c: {  	v43 =	vadd.f32 v19, v12;
	v12 =	vmul.f32 $2.000000030e-01, v4;
	v19 =	vld [tilespmem:$0xE700]  }
0x50d: {  	v35 =	vadd.f32 v34, v51;
	v51 =	vadd.f32 v62, v53;
	v3 =	vmax.f32 v3, v14;
	v34 =	vld [tilespmem:$0xE6F0]  }
0x50e: {  	v14 =	vmul.f32 $2.000000030e-01, v23;
	v4 =	vmax.f32 v4, v12;
	v12 =	vmul.f32 $2.000000030e-01, v5;
	v53 =	vld [tilespmem:$0xE6E0]  }
0x50f: {  	v27 =	vadd.f32 v45, v37;
	v57 =	vmul.f32 $2.000000030e-01, v24;
	v41 =	vld [tilespmem:$0xE6C0]  }
0x510: {  	v45 =	vmax.f32 v23, v14;
	v12 =	vmax.f32 v5, v12;
	v5 =	vmul.f32 $2.000000030e-01, v30;
	v14 =	vld [tilespmem:$0xE690]  }
0x511: {  	v42 =	vmax.f32 v24, v57;
	v57 =	vld [tilespmem:$0xE6D0]  }
0x512: {  	v30 =	vmax.f32 v30, v5;
	v5 =	vmul.f32 $2.000000030e-01, v6;
	v56 =	vld [tilespmem:$0xE6B0];
	v15 =	vmul.f32 v60, v38  }
0x513: {  	v23 =	vld.idx.msk [tilespmem:v9+s20+$0x0], $0xffff;
	[tilespmem:$0x1FB00] =	vst v38  }
0x514: {  	v24 =	vmul.f32 $2.000000030e-01, v13;
	v6 =	vmax.f32 v6, v5;
	v5 =	vmul.f32 v22, v46;
	[tilespmem:$0x1FB10] =	vst v15  }
0x515: {  	v60 =	vmul.f32 $2.000000030e-01, v8;
	v37 =	vld [tilespmem:$0xE680];
	[tilespmem:$0x1FB20] =	vst v46  }
0x516: {  	v13 =	vmax.f32 v13, v24;
	[tilespmem:$0x1FB30] =	vst v5  }
0x517: {  	v24 =	vmul.f32 $2.000000030e-01, v27;
	v38 =	vmax.f32 v8, v60;
	v8 =	vmul.f32 v17, v21;
	v5 =	vld [tilespmem:$0xE670]  }
0x518: {  	v22 =	vld [tilespmem:$0xE660];
	[tilespmem:$0x1FB40] =	vst v21;
	v23 =	vmul.f32 v23, v36  }
0x519: {  	v27 =	vmax.f32 v27, v24;
	v24 =	vmul.f32 $2.000000030e-01, v29;
	[tilespmem:$0x1FB50] =	vst v8  }
0x51a: {  	[tilespmem:v9+s23+$0x0] =	vst.idx.msk $0xffff, v23;
	v9 =	vmul.f32 v42, v48  }
0x51b: {  	v54 =	vmul.f32 $2.000000030e-01, v1;
	v29 =	vmax.f32 v29, v24;
	v24 =	vld [tilespmem:$0xE650];
	[tilespmem:$0x1FB60] =	vst v48  }
0x51c: {  	v8 =	vmul.f32 $2.000000030e-01, v51;
	[tilespmem:$0x1FB70] =	vst v9  }
0x51d: {  	v1 =	vmax.f32 v1, v54;
	v2 =	vmul.f32 v2, v32;
	v54 =	vld [tilespmem:$0xE640];
	[tilespmem:$0x1FB80] =	vst v26  }
0x51e: {  	v11 =	vld [tilespmem:$0x1FC00];
	v9 =	vmax.f32 v51, v8;
	v8 =	vmul.f32 v20, v26;
	[tilespmem:$0x1FBA0] =	vst v32  }
0x51f: {  	[tilespmem:$0x1FBB0] =	vst v2  }
0x520: {  	v2 =	vmul.f32 v25, v19;
	[tilespmem:$0x1FB90] =	vst v8  }
0x521: {  	v21 =	vld [tilespmem:$0xE630];
	[tilespmem:$0x1FBC0] =	vst v19  }
0x522: {  	[tilespmem:$0x1FBD0] =	vst v2;
	v2 =	vmul.f32 v4, v34  }
0x523: {  	v31 =	vmul.f32 v31, v44;
	[tilespmem:$0x1FBE0] =	vst v34  }
0x524: {  	[tilespmem:$0x1FBF0] =	vst v2  }
0x525: {  	v3 =	vmul.f32 v3, v53;
	[tilespmem:v49+s23+$0x0] =	vst.idx.msk $0xffff, v31  }
0x526: {  	v2 =	vld.idx.msk [tilespmem:v11+s20+$0x0], $0xffff;
	[tilespmem:$0x1FC10] =	vst v53  }
0x527: {  	v62 =	vmul.f32 $2.000000030e-01, v0;
	[tilespmem:$0x1FC20] =	vst v3;
	v3 =	vmul.f32 v13, v57  }
0x528: {  	v7 =	vmul.f32 v7, v59;
	[tilespmem:$0x1FC30] =	vst v57  }
0x529: {  	v0 =	vmax.f32 v0, v62;
	v23 =	vmul.f32 $2.000000030e-01, v52;
	v4 =	vmul.f32 v12, v41;
	[tilespmem:$0x1FC40] =	vst v3  }
0x52a: {  	s16 =	simm.s32 $0x50;
	v62 =	vmul.f32 $2.000000030e-01, v35;
	v0 =	vmul.f32 v0, v56;
	[tilespmem:v50+s23+$0x0] =	vst.idx.msk $0xffff, v7  }
0x52b: {  	v1 =	vmul.f32 v1, v37;
	v20 =	vmax.f32 v52, v23;
	v3 =	vmov s16;
	v23 =	vld [tilespmem:$0xE620];
	[tilespmem:$0x1FC50] =	vst v4  }
0x52c: {  	v18 =	vadd.f32 v33, v18;
	[tilespmem:$0x1FC60] =	vst v0;
	v0 =	vshll.u32 v3, $0x5;
	v3 =	vmul.f32 v45, v14  }
0x52d: {  	v17 =	vmax.f32 v35, v62;
	v33 =	vld [tilespmem:$0xE600];
	[tilespmem:$0x1FC80] =	vst v1;
	v35 =	vor.u32 v47, v0;
	v0 =	vmul.f32 v6, v5  }
0x52e: {  	[tilespmem:$0x1FC70] =	vst v3  }
0x52f: {  	v48 =	vld [tilespmem:$0xE5F0];
	[tilespmem:$0x1FC90] =	vst v0;
	v0 =	vmul.f32 v27, v22;
	_ =	sdelay $0x1  }
0x530: {  	[tilespmem:$0x1FCA0] =	vst v0;
	v0 =	vld [tilespmem:$0x1FE50];
	_ =	sdelay $0x1  }
0x531: {  	v28 =	vmul.f32 v28, v55;
	_ =	sdelay $0x1  }
0x532: {  	[tilespmem:v58+s23+$0x0] =	vst.idx.msk $0xffff, v28  }
0x533: {  	v45 =	vor.u32 v0, v35;
	v0 =	vmul.f32 v2, v36;
	v2 =	vld [tilespmem:$0x1FE60]  }
0x534: {  	v1 =	vmul.f32 v29, v54  }
0x535: {  	v8 =	vld [tilespmem:$0xE5E0]  }
0x536: {  	v25 =	vld [tilespmem:$0xE5D0];
	[tilespmem:$0x1FCB0] =	vst v1  }
0x537: {  	[tilespmem:v11+s23+$0x0] =	vst.idx.msk $0xffff, v0  }
0x538: {  	v19 =	vor.u32 v2, v35;
	v2 =	vld [tilespmem:$0x1FE70];
	_ =	sdelay $0x4  }
0x539: {  	v29 =	vor.u32 v2, v35;
	v2 =	vmul.f32 v17, v23  }
0x53a: {  	v53 =	vld [tilespmem:$0xE5C0]  }
0x53b: {  	v57 =	vld [tilespmem:$0xE5B0];
	[tilespmem:$0x1FCC0] =	vst v2  }
0x53c: {  	v2 =	vld.idx.msk [tilespmem:v10+s21+$0x0], $0xffff;
	_ =	sdelay $0x4  }
0x53d: {  	[tilespmem:$0x1FCD0] =	vst v2  }
0x53e: {  	v2 =	vld.idx.msk [tilespmem:v45+s20+$0x0], $0xffff  }
0x53f: {  	v34 =	vor.u32 v63, v35;
	_ =	sdelay $0x1  }
0x540: {  	v1 =	vmul.f32 $2.000000030e-01, v40;
	_ =	sdelay $0x1  }
0x541: {  	v1 =	vmax.f32 v40, v1;
	[tilespmem:$0x1FCE0] =	vst v2  }
0x542: {  	v15 =	vmul.f32 v1, v8;
	v1 =	vld.idx.msk [tilespmem:v34+s20+$0x0], $0xffff;
	_ =	sdelay $0x4  }
0x543: {  	[tilespmem:$0x1FCF0] =	vst v1  }
0x544: {  	v2 =	vld.idx.msk [tilespmem:v19+s20+$0x0], $0xffff;
	_ =	sdelay $0x4  }
0x545: {  	[tilespmem:$0x1FD00] =	vst v2;
	v2 =	vld [tilespmem:$0x1FF90];
	_ =	sdelay $0x4  }
0x546: {  	v4 =	vmul.f32 v20, v48;
	v20 =	vor.u32 v2, v35;
	v2 =	vld [tilespmem:$0x1FE80];
	_ =	sdelay $0x1  }
0x547: {  	v0 =	vmul.f32 $2.000000030e-01, v43;
	_ =	sdelay $0x1  }
0x548: {  	v6 =	vmax.f32 v43, v0  }
0x549: {  	v27 =	vmul.f32 v6, v53;
	v6 =	vor.u32 v2, v35;
	v2 =	vld [tilespmem:$0x1FEA0];
	_ =	sdelay $0x4  }
0x54a: {  	v50 =	vor.u32 v2, v35;
	v2 =	vld [tilespmem:$0x1FE90]  }
0x54b: {  	v7 =	vmul.f32 $2.000000030e-01, v18  }
0x54c: {  	v62 =	vmov v36;
	v3 =	vmul.f32 $2.000000030e-01, v16  }
0x54d: {  	v60 =	vmul.f32 v30, v24;
	v51 =	vmovc v47;
	v7 =	vmax.f32 v18, v7;
	v44 =	vor.u32 v61, v35  }
0x54e: {  	v3 =	vmax.f32 v16, v3;
	v11 =	vmul.f32 v38, v21;
	v7 =	vmul.f32 v7, v57;
	v49 =	vld.idx.msk [tilespmem:v29+s20+$0x0], $0xffff  }
0x54f: {  	s0 =	simm.s32 $0x60;
	v0 =	vmul.f32 v9, v33;
	v1 =	vmul.f32 v3, v25;
	v3 =	vld.idx.msk [tilespmem:v39+s20+$0x0], $0xffff;
	v12 =	vor.u32 v2, v35  }
.LBB2_7:
0x550: {  	_ = 	snop  }
0x551: {  	v2 =	vld [tilespmem:$0x1FE30]  }
0x552: {  	v17 =	vld.idx.msk [tilespmem:v20+s20+$0x0], $0xffff;
	v18 =	vmov s0;
	v30 =	vadd.f32 $0.0e+00, v7  }
0x553: {  	v40 =	vld.idx.msk [tilespmem:v6+s20+$0x0], $0xffff;
	v18 =	vshll.u32 v18, $0x5  }
0x554: {  	v31 =	vor.u32 v51, v18;
	v18 =	vadd.f32 v27, v30;
	v27 =	vmul.f32 v3, v62;
	v3 =	vld [tilespmem:$0x1FE50]  }
0x555: {  	v43 =	vld.idx.msk [tilespmem:v12+s20+$0x0], $0xffff  }
0x556: {  	v38 =	vld.idx.msk [tilespmem:v44+s20+$0x0], $0xffff  }
0x557: {  	[tilespmem:$0x1E720] =	vst v45;
	v45 =	vld [tilespmem:$0x1FED0]  }
0x558: {  	[tilespmem:$0x1E710] =	vst v34;
	v34 =	vld [tilespmem:$0x1FEB0]  }
0x559: {  	v13 =	vld [tilespmem:$0x1F560];
	v3 =	vor.u32 v3, v31  }
0x55a: {  	v16 =	vor.u32 v2, v35;
	[tilespmem:$0x1E770] =	vst v3;
	v3 =	vld [tilespmem:$0x1FE40]  }
0x55b: {  	v7 =	vld.idx.msk [tilespmem:v50+s20+$0x0], $0xffff;
	v2 =	vlaneseq.u32  }
0x55c: {  	v18 =	vadd.f32 v1, v18;
	v1 =	vld [tilespmem:$0x1FE20];
	v58 =	vor.u32 v2, v35  }
0x55d: {  	v2 =	vld [tilespmem:$0x1FEE0]  }
0x55e: {  	[tilespmem:$0x1E800] =	vst v12;
	v51 =	vmov v29;
	v29 =	vmov v12;
	v12 =	vld [tilespmem:$0x1F4E0];
	v15 =	vadd.f32 v15, v18  }
0x55f: {  	v36 =	vld.idx.msk [tilespmem:v16+s20+$0x0], $0xffff;
	v32 =	vor.u32 v3, v35;
	v3 =	vor.u32 v63, v31  }
0x560: {  	v4 =	vadd.f32 v4, v15;
	[tilespmem:$0x1E780] =	vst v3;
	v3 =	vld [tilespmem:$0x1F530]  }
0x561: {  	v46 =	vor.u32 v1, v35;
	v1 =	vor.u32 v45, v31;
	v30 =	vld.idx.msk [tilespmem:v58+s20+$0x0], $0xffff  }
0x562: {  	v9 =	vor.u32 v2, v31;
	[tilespmem:$0x1E7D0] =	vst v1;
	v18 =	vld.idx.msk [tilespmem:v58+s21+$0x0], $0xffff;
	v0 =	vadd.f32 v0, v4  }
0x563: {  	v1 =	vor.u32 v34, v31;
	[tilespmem:$0x1E860] =	vst v9;
	v9 =	vld [tilespmem:$0x1FF80]  }
0x564: {  	[tilespmem:$0x1E730] =	vst v0;
	v0 =	vld [tilespmem:$0x1F4F0]  }
0x565: {  	[tilespmem:v39+s23+$0x0] =	vst.idx.msk $0xffff, v27;
	v39 =	vadd.f32 v13, v3;
	v3 =	vld [tilespmem:$0x1F4B0]  }
0x566: {  	[tilespmem:$0x1E870] =	vst v1;
	v1 =	vmov v19;
	v19 =	vld [tilespmem:$0x1F520];
	_ =	sdelay $0x2  }
0x567: {  	[tilespmem:$0x1E850] =	vst v10;
	v10 =	vld [tilespmem:$0x1FCD0]  }
0x568: {  	v52 =	vmovc v14;
	v14 =	vmov v20;
	v20 =	vor.u32 v9, v35;
	v9 =	vld [tilespmem:$0x1F9F0];
	v28 =	vadd.f32 v12, v3  }
0x569: {  	[tilespmem:$0x1E740] =	vst v11;
	v27 =	vadd.f32 v19, v0;
	v0 =	vmov v32;
	v13 =	vld [tilespmem:$0x1F690]  }
0x56a: {  	v11 =	vmov v50;
	[tilespmem:$0x1E840] =	vst v50;
	v12 =	vld [tilespmem:$0x1F670];
	v50 =	vmul.f32 $2.000000030e-01, v28  }
0x56b: {  	v47 =	vmov v59;
	v59 =	vld.idx.msk [tilespmem:v16+s21+$0x0], $0xffff  }
0x56c: {  	v3 =	vld [tilespmem:$0x1F000];
	v19 =	vmax.f32 v28, v50  }
0x56d: {  	[tilespmem:$0x1E760] =	vst v19;
	v19 =	vld [tilespmem:$0x1FFE0]  }
0x56e: {  	v28 =	vadd.f32 v18, v30;
	v18 =	vld.idx.msk [tilespmem:v0+s21+$0x0], $0xffff  }
0x56f: {  	v15 =	vadd.f32 v13, v12;
	v12 =	vadd.f32 v10, v9;
	v9 =	vld [tilespmem:$0x1F830]  }
0x570: {  	v13 =	vld [tilespmem:$0x1F860]  }
0x571: {  	v0 =	vld [tilespmem:$0x1FFF0]  }
0x572: {  	v59 =	vadd.f32 v59, v36;
	v36 =	vor.u32 v19, v35;
	v19 =	vld [tilespmem:$0x1FFD0]  }
0x573: {  	v61 =	vld.idx.msk [tilespmem:v46+s20+$0x0], $0xffff  }
0x574: {  	v63 =	vld.idx.msk [tilespmem:v3+s20+$0x0], $0xffff  }
0x575: {  	v26 =	vld.idx.msk [tilespmem:v46+s21+$0x0], $0xffff;
	v13 =	vadd.f32 v13, v9;
	v9 =	vmov v6;
	v6 =	vmul.f32 $2.000000030e-01, v39  }
0x576: {  	[tilespmem:$0x1E790] =	vst v32;
	v32 =	vld.idx.msk [tilespmem:v32+s20+$0x0], $0xffff;
	v4 =	vmul.f32 $2.000000030e-01, v15  }
0x577: {  	v0 =	vor.u32 v0, v35;
	v30 =	vmax.f32 v39, v6;
	v39 =	vor.u32 v19, v35;
	v19 =	vld [tilespmem:$0x1F010]  }
0x578: {  	v10 =	vmovc v55;
	v4 =	vmax.f32 v15, v4;
	v15 =	vmov v60;
	v60 =	vld.idx.msk [tilespmem:v20+s21+$0x0], $0xffff;
	v55 =	vmul.f32 $2.000000030e-01, v13  }
0x579: {  	v50 =	vmul.f32 $2.000000030e-01, v28;
	[tilespmem:$0x1E750] =	vst v4;
	v6 =	vld.idx.msk [tilespmem:v20+s20+$0x0], $0xffff;
	v4 =	vmul.f32 v63, v62  }
0x57a: {  	v42 =	vmul.f32 $2.000000030e-01, v12;
	v13 =	vmax.f32 v13, v55;
	v55 =	vld.idx.msk [tilespmem:v44+s21+$0x0], $0xffff  }
0x57b: {  	v28 =	vmax.f32 v28, v50;
	v50 =	vmul.f32 $2.000000030e-01, v59;
	[tilespmem:v3+s23+$0x0] =	vst.idx.msk $0xffff, v4;
	v3 =	vld [tilespmem:$0x1FF40]  }
0x57c: {  	v4 =	vmax.f32 v12, v42;
	v12 =	vmul.f32 v28, v57;
	v28 =	vld.idx.msk [tilespmem:v0+s20+$0x0], $0xffff  }
0x57d: {  	v26 =	vadd.f32 v26, v61;
	v18 =	vadd.f32 v18, v32;
	v63 =	vmax.f32 v59, v50;
	v32 =	vld.idx.msk [tilespmem:v0+s21+$0x0], $0xffff  }
0x57e: {  	v57 =	vmul.f32 v63, v53;
	v63 =	vld.idx.msk [tilespmem:v36+s20+$0x0], $0xffff  }
0x57f: {  	[tilespmem:$0x1E7B0] =	vst v44;
	v44 =	vmul.f32 $2.000000030e-01, v26;
	v53 =	vmul.f32 $2.000000030e-01, v18;
	v61 =	vld.idx.msk [tilespmem:v19+s20+$0x0], $0xffff  }
0x580: {  	[tilespmem:$0x1E7C0] =	vst v0;
	v0 =	vld [tilespmem:$0x1FF50]  }
0x581: {  	v26 =	vmax.f32 v26, v44;
	v44 =	vadd.f32 v60, v6;
	v6 =	vld.idx.msk [tilespmem:v36+s21+$0x0], $0xffff;
	v18 =	vmax.f32 v18, v53  }
0x582: {  	v8 =	vmul.f32 v18, v8;
	v18 =	vld.idx.msk [tilespmem:v29+s21+$0x0], $0xffff  }
0x583: {  	v12 =	vadd.f32 $0.0e+00, v12;
	v25 =	vmul.f32 v26, v25;
	v26 =	vadd.f32 v55, v38;
	v38 =	vld.idx.msk [tilespmem:v39+s20+$0x0], $0xffff  }
0x584: {  	v59 =	vld.idx.msk [tilespmem:v39+s21+$0x0], $0xffff;
	v28 =	vadd.f32 v32, v28;
	v61 =	vmul.f32 v61, v62  }
0x585: {  	v12 =	vadd.f32 v57, v12;
	v50 =	vor.u32 v0, v35;
	v0 =	vld [tilespmem:$0x1FF70]  }
0x586: {  	v53 =	vmul.f32 $2.000000030e-01, v44;
	v55 =	vmul.f32 $2.000000030e-01, v28;
	[tilespmem:v19+s23+$0x0] =	vst.idx.msk $0xffff, v61;
	v19 =	vld [tilespmem:$0x1F020]  }
0x587: {  	v12 =	vadd.f32 v25, v12;
	v25 =	vld [tilespmem:$0xE610]  }
0x588: {  	v44 =	vmax.f32 v44, v53;
	v57 =	vmul.f32 $2.000000030e-01, v26;
	v28 =	vmax.f32 v28, v55;
	v55 =	vld [tilespmem:$0x1FF30]  }
0x589: {  	v8 =	vadd.f32 v8, v12;
	v12 =	vmul.f32 v44, v48;
	v38 =	vadd.f32 v59, v38;
	v59 =	vld [tilespmem:$0x1F030]  }
0x58a: {  	[tilespmem:$0x1E7A0] =	vst v20;
	v6 =	vadd.f32 v6, v63;
	v20 =	vmov v50;
	v26 =	vmax.f32 v26, v57;
	v61 =	vld [tilespmem:$0x1FF60]  }
0x58b: {  	v8 =	vadd.f32 v12, v8;
	v12 =	vmul.f32 v26, v33;
	v0 =	vor.u32 v0, v35;
	v48 =	vld.idx.msk [tilespmem:v11+s21+$0x0], $0xffff  }
0x58c: {  	v57 =	vmul.f32 $2.000000030e-01, v6;
	v26 =	vld.idx.msk [tilespmem:v50+s20+$0x0], $0xffff  }
0x58d: {  	[tilespmem:$0x1E8A0] =	vst v50;
	v8 =	vadd.f32 v12, v8;
	v12 =	vmul.f32 v28, v25;
	v50 =	vld [tilespmem:$0x1FEC0];
	v11 =	vmov v0  }
0x58e: {  	v6 =	vmax.f32 v6, v57;
	v33 =	vmul.f32 $2.000000030e-01, v38;
	v32 =	vld.idx.msk [tilespmem:v19+s20+$0x0], $0xffff  }
0x58f: {  	v6 =	vmul.f32 v6, v23;
	v8 =	vadd.f32 v12, v8;
	v44 =	vld.idx.msk [tilespmem:v20+s21+$0x0], $0xffff;
	v53 =	vor.u32 v61, v35  }
0x590: {  	v23 =	vmax.f32 v38, v33;
	v28 =	vld.idx.msk [tilespmem:v0+s20+$0x0], $0xffff  }
0x591: {  	v6 =	vadd.f32 v6, v8;
	v8 =	vmul.f32 v23, v21;
	v21 =	vld.idx.msk [tilespmem:v9+s21+$0x0], $0xffff  }
0x592: {  	v18 =	vadd.f32 v18, v43;
	[tilespmem:$0x1E8B0] =	vst v0;
	v0 =	vor.u32 v55, v35;
	v60 =	vld.idx.msk [tilespmem:v11+s21+$0x0], $0xffff  }
0x593: {  	v7 =	vadd.f32 v48, v7;
	v48 =	vld [tilespmem:$0x1FF00];
	v12 =	vmul.f32 v32, v62  }
0x594: {  	v38 =	vmul.f32 $2.000000030e-01, v18;
	v57 =	vld.idx.msk [tilespmem:v53+s20+$0x0], $0xffff  }
0x595: {  	v42 =	vor.u32 v3, v35;
	v63 =	vor.u32 v50, v35;
	v33 =	vld.idx.msk [tilespmem:v53+s21+$0x0], $0xffff;
	[tilespmem:v19+s23+$0x0] =	vst.idx.msk $0xffff, v12  }
0x596: {  	[tilespmem:$0x1E8C0] =	vst v53;
	v26 =	vadd.f32 v44, v26;
	v12 =	vmax.f32 v18, v38;
	v18 =	vmul.f32 $2.000000030e-01, v7;
	v53 =	vld.idx.msk [tilespmem:v59+s20+$0x0], $0xffff  }
0x597: {  	v6 =	vadd.f32 v8, v6;
	v19 =	vmov v42;
	v8 =	vmul.f32 v12, v54;
	v38 =	vld.idx.msk [tilespmem:v0+s20+$0x0], $0xffff  }
0x598: {  	v28 =	vadd.f32 v60, v28;
	v60 =	vld.idx.msk [tilespmem:v0+s21+$0x0], $0xffff;
	v7 =	vmax.f32 v7, v18;
	v18 =	vmul.f32 $2.000000030e-01, v26  }
0x599: {  	v43 =	vld.idx.msk [tilespmem:v14+s21+$0x0], $0xffff;
	v6 =	vadd.f32 v8, v6;
	v7 =	vmul.f32 v7, v24  }
0x59a: {  	v8 =	vld.idx.msk [tilespmem:v63+s20+$0x0], $0xffff;
	v24 =	vmul.f32 $2.000000030e-01, v28;
	v18 =	vmax.f32 v26, v18;
	v26 =	vadd.f32 v33, v57  }
0x59b: {  	v23 =	vor.u32 v48, v35;
	v57 =	vld.idx.msk [tilespmem:v63+s21+$0x0], $0xffff;
	v6 =	vadd.f32 v7, v6;
	v7 =	vmul.f32 v18, v22  }
0x59c: {  	v18 =	vadd.f32 v21, v40;
	v40 =	vld.idx.msk [tilespmem:v19+s20+$0x0], $0xffff;
	v21 =	vmax.f32 v28, v24;
	v24 =	vmul.f32 $2.000000030e-01, v26  }
0x59d: {  	v28 =	vld.idx.msk [tilespmem:v19+s21+$0x0], $0xffff;
	v32 =	vmul.f32 v53, v62;
	v5 =	vmul.f32 v21, v5;
	v6 =	vadd.f32 v7, v6  }
0x59e: {  	v22 =	vld [tilespmem:$0xE6A0];
	v21 =	vmax.f32 v26, v24;
	v24 =	vmul.f32 $2.000000030e-01, v18;
	v26 =	vadd.f32 v60, v38  }
0x59f: {  	v17 =	vadd.f32 v43, v17;
	v5 =	vadd.f32 v5, v6;
	v6 =	vmul.f32 v21, v37  }
0x5a0: {  	[tilespmem:v59+s23+$0x0] =	vst.idx.msk $0xffff, v32;
	v33 =	vadd.f32 v57, v8;
	v18 =	vmax.f32 v18, v24;
	v53 =	vmul.f32 $2.000000030e-01, v26  }
0x5a1: {  	[tilespmem:$0x1F000] =	vst v0;
	v0 =	vmul.f32 $2.000000030e-01, v17;
	v8 =	vmovc v14;
	v5 =	vadd.f32 v6, v5;
	v6 =	vmul.f32 v18, v52  }
0x5a2: {  	[tilespmem:$0x1F030] =	vst v8;
	v20 =	vadd.f32 v28, v40;
	v18 =	vmul.f32 $2.000000030e-01, v33;
	v8 =	vmax.f32 v26, v53  }
0x5a3: {  	v60 =	vld.idx.msk [tilespmem:v51+s21+$0x0], $0xffff;
	v5 =	vadd.f32 v6, v5;
	v6 =	vmul.f32 v8, v22  }
0x5a4: {  	v17 =	vmax.f32 v17, v0;
	v0 =	vld [tilespmem:$0x1FC30];
	v40 =	vmul.f32 $2.000000030e-01, v20;
	v18 =	vmax.f32 v33, v18  }
0x5a5: {  	v5 =	vadd.f32 v6, v5;
	v6 =	vmul.f32 v18, v56  }
0x5a6: {  	v54 =	vld [tilespmem:$0x1FF10];
	v20 =	vmax.f32 v20, v40  }
0x5a7: {  	v14 =	vld.idx.msk [tilespmem:v23+s20+$0x0], $0xffff;
	v5 =	vadd.f32 v6, v5;
	v6 =	vmul.f32 v20, v41  }
0x5a8: {  	v26 =	vld.idx.msk [tilespmem:v23+s21+$0x0], $0xffff  }
0x5a9: {  	v38 =	vadd.f32 v60, v49;
	v5 =	vadd.f32 v6, v5;
	v6 =	vmul.f32 v17, v0;
	v0 =	vld [tilespmem:$0x1FC10];
	_ =	sdelay $0x1  }
0x5aa: {  	v44 =	vld [tilespmem:$0x1FEF0];
	v7 =	vor.u32 v54, v35;
	v56 =	vmul.f32 $2.000000030e-01, v38  }
0x5ab: {  	v42 =	vld [tilespmem:$0x1FF20]  }
0x5ac: {  	[tilespmem:$0x1F010] =	vst v63;
	v63 =	vld [tilespmem:$0x1F040];
	v11 =	vmax.f32 v38, v56  }
0x5ad: {  	v14 =	vadd.f32 v26, v14;
	v5 =	vadd.f32 v6, v5;
	v6 =	vmul.f32 v11, v0;
	v0 =	vld [tilespmem:$0x1FBE0]  }
0x5ae: {  	v59 =	vld [tilespmem:$0x1FFB0]  }
0x5af: {  	v4 =	vmul.f32 v4, v25;
	v28 =	vld.idx.msk [tilespmem:v7+s20+$0x0], $0xffff;
	v25 =	vmul.f32 $2.000000030e-01, v14  }
0x5b0: {  	v21 =	vor.u32 v42, v35;
	v52 =	vld.idx.msk [tilespmem:v7+s21+$0x0], $0xffff  }
0x5b1: {  	[tilespmem:$0x1F9D0] =	vst v9;
	v20 =	vld.idx.msk [tilespmem:v1+s21+$0x0], $0xffff;
	v9 =	vmax.f32 v14, v25  }
0x5b2: {  	v5 =	vadd.f32 v6, v5;
	v6 =	vmul.f32 v9, v0;
	v0 =	vld [tilespmem:$0x1FD00]  }
0x5b3: {  	v57 =	vld [tilespmem:$0x1FFA0]  }
0x5b4: {  	v32 =	vld.idx.msk [tilespmem:v63+s20+$0x0], $0xffff  }
0x5b5: {  	v53 =	vld.idx.msk [tilespmem:v21+s21+$0x0], $0xffff  }
0x5b6: {  	v18 =	vld.idx.msk [tilespmem:v21+s20+$0x0], $0xffff  }
0x5b7: {  	[tilespmem:$0x1F020] =	vst v19;
	v28 =	vadd.f32 v52, v28;
	v19 =	vadd.f32 v20, v0;
	v0 =	vld [tilespmem:$0x1FBC0]  }
0x5b8: {  	v60 =	vld [tilespmem:$0x1F050]  }
0x5b9: {  	v8 =	vor.u32 v57, v35;
	v49 =	vld [tilespmem:$0xE730];
	v14 =	vmul.f32 $2.000000030e-01, v28  }
0x5ba: {  	v52 =	vld [tilespmem:$0x1E710]  }
0x5bb: {  	v32 =	vmul.f32 v32, v62;
	v56 =	vld [tilespmem:$0x1E720];
	v9 =	vmax.f32 v28, v14  }
0x5bc: {  	v18 =	vadd.f32 v53, v18;
	v5 =	vadd.f32 v6, v5;
	v6 =	vmul.f32 v9, v0;
	v0 =	vld [tilespmem:$0x1FBA0]  }
0x5bd: {  	[tilespmem:v63+s23+$0x0] =	vst.idx.msk $0xffff, v32;
	v63 =	vmov v51;
	v51 =	vld [tilespmem:$0x1F060]  }
0x5be: {  	v24 =	vor.u32 v59, v35;
	v17 =	vld.idx.msk [tilespmem:v8+s20+$0x0], $0xffff;
	v14 =	vmul.f32 $2.000000030e-01, v18  }
0x5bf: {  	[tilespmem:$0x1F040] =	vst v63;
	v29 =	vld.idx.msk [tilespmem:v8+s21+$0x0], $0xffff;
	v63 =	vor.u32 v2, v35;
	v2 =	vmov v23  }
0x5c0: {  	v12 =	vor.u32 v44, v35;
	[tilespmem:$0x1F050] =	vst v2;
	v2 =	vld [tilespmem:$0x1FB80];
	v14 =	vmax.f32 v18, v14  }
0x5c1: {  	v14 =	vmul.f32 v14, v0;
	v0 =	vld [tilespmem:$0x1E730]  }
0x5c2: {  	v26 =	vld.idx.msk [tilespmem:v60+s20+$0x0], $0xffff  }
0x5c3: {  	v38 =	vld.idx.msk [tilespmem:v24+s20+$0x0], $0xffff;
	v18 =	vmul.f32 $2.000000030e-01, v19  }
0x5c4: {  	v25 =	vld.idx.msk [tilespmem:v24+s21+$0x0], $0xffff;
	v6 =	vadd.f32 v6, v5  }
0x5c5: {  	v17 =	vadd.f32 v29, v17;
	v28 =	vld.idx.msk [tilespmem:v12+s21+$0x0], $0xffff;
	v18 =	vmax.f32 v19, v18  }
0x5c6: {  	v0 =	vadd.f32 v4, v0;
	v4 =	vadd.f32 v14, v6;
	v6 =	vmul.f32 v18, v2;
	v2 =	vld [tilespmem:$0x1FCC0]  }
0x5c7: {  	v11 =	vor.u32 v45, v35;
	v26 =	vmul.f32 v26, v62;
	v20 =	vld.idx.msk [tilespmem:v12+s20+$0x0], $0xffff  }
0x5c8: {  	v45 =	vld.idx.msk [tilespmem:v52+s21+$0x0], $0xffff;
	v19 =	vmul.f32 $2.000000030e-01, v17  }
0x5c9: {  	[tilespmem:v60+s23+$0x0] =	vst.idx.msk $0xffff, v26;
	v5 =	vld [tilespmem:$0x1FCF0]  }
0x5ca: {  	v26 =	vld.idx.msk [tilespmem:v51+s20+$0x0], $0xffff;
	v9 =	vor.u32 v34, v35;
	v17 =	vmax.f32 v17, v19  }
0x5cb: {  	v29 =	vld.idx.msk [tilespmem:v56+s21+$0x0], $0xffff;
	v0 =	vadd.f32 v2, v0;
	v2 =	vadd.f32 v6, v4;
	v4 =	vmul.f32 v17, v49  }
0x5cc: {  	v19 =	vadd.f32 v28, v20;
	v20 =	vld.idx.msk [tilespmem:v11+s21+$0x0], $0xffff  }
0x5cd: {  	v25 =	vadd.f32 v25, v38;
	v2 =	vadd.f32 v4, v2;
	v4 =	vld [tilespmem:$0x1FB60]  }
0x5ce: {  	v23 =	vadd.f32 v45, v5;
	v5 =	vld [tilespmem:$0x1FCE0]  }
0x5cf: {  	v14 =	vld.idx.msk [tilespmem:v11+s20+$0x0], $0xffff;
	v18 =	vmul.f32 $2.000000030e-01, v25  }
0x5d0: {  	v6 =	vld.idx.msk [tilespmem:v9+s20+$0x0], $0xffff  }
0x5d1: {  	v17 =	vmax.f32 v25, v18;
	v25 =	vld.idx.msk [tilespmem:v9+s21+$0x0], $0xffff  }
0x5d2: {  	v4 =	vmul.f32 v17, v4;
	v17 =	vld.idx.msk [tilespmem:v63+s20+$0x0], $0xffff  }
0x5d3: {  	v28 =	vadd.f32 v29, v5;
	v29 =	vld.idx.msk [tilespmem:v63+s21+$0x0], $0xffff  }
0x5d4: {  	v2 =	vadd.f32 v4, v2;
	v4 =	vld [tilespmem:$0x1FB40]  }
0x5d5: {  	v18 =	vmov v7  }
0x5d6: {  	v53 =	vmul.f32 $2.000000030e-01, v19;
	[tilespmem:$0x1F060] =	vst v18;
	v18 =	vmul.f32 $2.000000030e-01, v28;
	_ =	sdelay $0x1  }
0x5d7: {  	v43 =	vmov v1;
	v1 =	vmax.f32 v19, v53;
	v18 =	vmax.f32 v28, v18;
	v28 =	vld [tilespmem:$0x1E860]  }
0x5d8: {  	v4 =	vmul.f32 v1, v4;
	v1 =	vld [tilespmem:$0x1E740];
	_ =	sdelay $0x1  }
0x5d9: {  	v5 =	vld [tilespmem:$0x1FCB0];
	_ =	sdelay $0x2  }
0x5da: {  	v0 =	vadd.f32 v1, v0;
	_ =	sdelay $0x1  }
0x5db: {  	v0 =	vadd.f32 v5, v0;
	v5 =	vld.idx.msk [tilespmem:v28+s20+$0x0], $0xffff;
	_ =	sdelay $0x1  }
0x5dc: {  	v0 =	vadd.f32 v15, v0;
	v15 =	vld [tilespmem:$0x1E870];
	_ =	sdelay $0x2  }
0x5dd: {  	[tilespmem:$0x1F4B0] =	vst v5;
	v5 =	vld.idx.msk [tilespmem:v28+s21+$0x0], $0xffff;
	_ =	sdelay $0x4  }
0x5de: {  	[tilespmem:$0x1F4E0] =	vst v5;
	v5 =	vld.idx.msk [tilespmem:v15+s20+$0x0], $0xffff;
	_ =	sdelay $0x4  }
0x5df: {  	[tilespmem:$0x1F4F0] =	vst v5;
	v5 =	vld [tilespmem:$0x1FCA0];
	_ =	sdelay $0x4  }
0x5e0: {  	v0 =	vadd.f32 v5, v0;
	v5 =	vld [tilespmem:$0x1FC90]  }
0x5e1: {  	v1 =	vld [tilespmem:$0x1E750];
	_ =	sdelay $0x3  }
0x5e2: {  	v0 =	vadd.f32 v5, v0;
	v5 =	vld.idx.msk [tilespmem:v15+s21+$0x0], $0xffff  }
0x5e3: {  	v15 =	vmul.f32 v1, v49;
	v1 =	vld [tilespmem:$0x1E7D0];
	_ =	sdelay $0x1  }
0x5e4: {  	v2 =	vadd.f32 v4, v2;
	v4 =	vld [tilespmem:$0x1FB20];
	_ =	sdelay $0x1  }
0x5e5: {  	v19 =	vmul.f32 $2.000000030e-01, v23;
	_ =	sdelay $0x1  }
0x5e6: {  	v7 =	vmax.f32 v23, v19  }
0x5e7: {  	v4 =	vmul.f32 v7, v4  }
0x5e8: {  	[tilespmem:$0x1F520] =	vst v5;
	v5 =	vld.idx.msk [tilespmem:v1+s20+$0x0], $0xffff  }
0x5e9: {  	v2 =	vadd.f32 v4, v2;
	v4 =	vld [tilespmem:$0x1FB00];
	_ =	sdelay $0x1  }
0x5ea: {  	v14 =	vadd.f32 v20, v14;
	v60 =	vld [tilespmem:$0xE780];
	_ =	sdelay $0x1  }
0x5eb: {  	v23 =	vmul.f32 $2.000000030e-01, v14;
	[tilespmem:$0x1F530] =	vst v5;
	v5 =	vld [tilespmem:$0x1FC80]  }
0x5ec: {  	v17 =	vadd.f32 v29, v17;
	v4 =	vmul.f32 v18, v4  }
0x5ed: {  	v14 =	vmax.f32 v14, v23  }
0x5ee: {  	v2 =	vadd.f32 v4, v2;
	v4 =	vmul.f32 v14, v60;
	v14 =	vmul.f32 $2.000000030e-01, v17;
	_ =	sdelay $0x1  }
0x5ef: {  	v14 =	vmax.f32 v17, v14;
	v17 =	vadd.f32 v5, v0;
	v0 =	vld.idx.msk [tilespmem:v1+s21+$0x0], $0xffff;
	_ =	sdelay $0x2  }
0x5f0: {  	v34 =	vmul.f32 v30, v60;
	v60 =	vld [tilespmem:$0x1E770]  }
0x5f1: {  	v6 =	vadd.f32 v25, v6;
	v25 =	vld [tilespmem:$0xE7A0]  }
0x5f2: {  	[tilespmem:$0x1F560] =	vst v0;
	v0 =	vld [tilespmem:$0x1E760];
	_ =	sdelay $0x1  }
0x5f3: {  	v41 =	vld [tilespmem:$0x1F300];
	_ =	sdelay $0x2  }
0x5f4: {  	v40 =	vld [tilespmem:$0x1F070];
	v33 =	vmul.f32 v0, v25;
	v0 =	vmov v21  }
0x5f5: {  	[tilespmem:$0x1F070] =	vst v0;
	v0 =	vld.idx.msk [tilespmem:v60+s20+$0x0], $0xffff  }
0x5f6: {  	v20 =	vld [tilespmem:$0xE790];
	_ =	sdelay $0x1  }
0x5f7: {  	v23 =	vmul.f32 $2.000000030e-01, v6  }
0x5f8: {  	v7 =	vld.idx.msk [tilespmem:v41+s20+$0x0], $0xffff  }
0x5f9: {  	v6 =	vmax.f32 v6, v23;
	[tilespmem:$0x1E7E0] =	vst v0;
	v0 =	vld [tilespmem:$0x1FC70]  }
0x5fa: {  	v2 =	vadd.f32 v4, v2;
	v4 =	vmul.f32 v6, v20;
	_ =	sdelay $0x1  }
0x5fb: {  	v2 =	vadd.f32 v4, v2;
	v4 =	vmul.f32 v14, v25;
	_ =	sdelay $0x1  }
0x5fc: {  	v5 =	vadd.f32 v4, v2;
	v4 =	vmul.f32 v7, v10;
	v7 =	vadd.f32 v0, v17;
	v0 =	vld.idx.msk [tilespmem:v60+s21+$0x0], $0xffff;
	_ =	sdelay $0x4  }
0x5fd: {  	[tilespmem:$0x1E7F0] =	vst v0;
	v0 =	vld [tilespmem:$0x1F9C0];
	_ =	sdelay $0x2  }
0x5fe: {  	v26 =	vmul.f32 v26, v62;
	_ =	sdelay $0x1  }
0x5ff: {  	[tilespmem:v51+s23+$0x0] =	vst.idx.msk $0xffff, v26;
	v26 =	vld [tilespmem:$0x1E980];
	v2 =	vmov v0  }
0x600: {  	[tilespmem:$0x1F300] =	vst v2;
	v2 =	vld [tilespmem:$0x1E780];
	_ =	sdelay $0x6  }
0x601: {  	v18 =	vld.idx.msk [tilespmem:v26+s20+$0x0], $0xffff;
	[tilespmem:v41+s23+$0x0] =	vst.idx.msk $0xffff, v4  }
0x602: {  	v0 =	vld.idx.msk [tilespmem:v2+s20+$0x0], $0xffff  }
0x603: {  	v23 =	vld [tilespmem:$0x1F330];
	_ =	sdelay $0x3  }
0x604: {  	[tilespmem:$0x1E810] =	vst v0;
	v0 =	vld [tilespmem:$0x1FC60]  }
0x605: {  	v6 =	vmul.f32 v13, v22  }
0x606: {  	v17 =	vmul.f32 v18, v47  }
0x607: {  	v19 =	vld.idx.msk [tilespmem:v40+s20+$0x0], $0xffff;
	v6 =	vadd.f32 v6, v7  }
0x608: {  	v7 =	vld.idx.msk [tilespmem:v23+s20+$0x0], $0xffff;
	[tilespmem:v26+s23+$0x0] =	vst.idx.msk $0xffff, v17  }
0x609: {  	v6 =	vadd.f32 v0, v6;
	v0 =	vld.idx.msk [tilespmem:v2+s21+$0x0], $0xffff;
	_ =	sdelay $0x3  }
0x60a: {  	v19 =	vmul.f32 v19, v62  }
0x60b: {  	[tilespmem:$0x1E820] =	vst v0;
	v0 =	vld [tilespmem:$0x1FC50]  }
0x60c: {  	[tilespmem:v40+s23+$0x0] =	vst.idx.msk $0xffff, v19;
	v19 =	vld [tilespmem:$0x1F080];
	_ =	sdelay $0x3  }
0x60d: {  	v35 =	vor.u32 v44, v31;
	v44 =	vor.u32 v59, v31;
	v6 =	vadd.f32 v0, v6;
	v0 =	vld [tilespmem:$0x1FC40];
	_ =	sdelay $0x3  }
0x60e: {  	v14 =	vld.idx.msk [tilespmem:v19+s20+$0x0], $0xffff  }
0x60f: {  	v6 =	vadd.f32 v0, v6;
	v0 =	vld.idx.msk [tilespmem:v44+s20+$0x0], $0xffff  }
0x610: {  	v4 =	vld [tilespmem:$0x1F4A0];
	_ =	sdelay $0x1  }
0x611: {  	v22 =	vld [tilespmem:$0x1E970];
	_ =	sdelay $0x1  }
0x612: {  	[tilespmem:$0x1E830] =	vst v0;
	v0 =	vld [tilespmem:$0x1FC20]  }
0x613: {  	v1 =	vmul.f32 v14, v62;
	v14 =	vmov v4  }
0x614: {  	[tilespmem:$0x1E980] =	vst v14;
	v14 =	vld [tilespmem:$0x1F790];
	_ =	sdelay $0x2  }
0x615: {  	v13 =	vmul.f32 $2.000000030e-01, v27;
	v6 =	vadd.f32 v0, v6;
	v0 =	vld [tilespmem:$0x1F9A0]  }
0x616: {  	v18 =	vld.idx.msk [tilespmem:v22+s20+$0x0], $0xffff  }
0x617: {  	v13 =	vmax.f32 v27, v13;
	v4 =	vmov v14;
	v14 =	vld.idx.msk [tilespmem:v35+s20+$0x0], $0xffff  }
0x618: {  	v30 =	vmul.f32 v13, v20;
	v7 =	vmul.f32 v7, v10;
	v20 =	vld.idx.msk [tilespmem:v35+s21+$0x0], $0xffff  }
0x619: {  	[tilespmem:v19+s23+$0x0] =	vst.idx.msk $0xffff, v1;
	v19 =	vld.idx.msk [tilespmem:v44+s21+$0x0], $0xffff  }
0x61a: {  	v38 =	vor.u32 v57, v31;
	[tilespmem:v23+s23+$0x0] =	vst.idx.msk $0xffff, v7;
	v23 =	vmov v0;
	v0 =	vld [tilespmem:$0x1FE60];
	_ =	sdelay $0x4  }
0x61b: {  	v28 =	vor.u32 v0, v31;
	v0 =	vld.idx.msk [tilespmem:v38+s20+$0x0], $0xffff  }
0x61c: {  	v13 =	vmul.f32 $1.442695020e+00, v5;
	[tilespmem:$0x1F4A0] =	vst v4;
	v4 =	vld [tilespmem:$0x1F0B0];
	_ =	sdelay $0x1  }
0x61d: {  	(erf) = vpow2.f32 v13;
	_ =	sdelay $0x1  }
0x61e: {  	[tilespmem:$0x1F670] =	vst v0;
	v0 =	vld [tilespmem:$0x1FBF0]  }
0x61f: {  	v29 =	vld [tilespmem:$0x1F310];
	_ =	sdelay $0x2  }
0x620: {  	v21 =	vld.idx.msk [tilespmem:v4+s20+$0x0], $0xffff  }
0x621: {  	v6 =	vadd.f32 v0, v6;
	v0 =	vld [tilespmem:$0x1FBD0];
	_ =	sdelay $0x1  }
0x622: {  	s3 =	sadd.s32 $0x20, s3;
	v32 =	vpop (erf);
	v7 =	vmul.f32 v18, v47  }
0x623: {  	v49 =	vld [tilespmem:$0x1E960];
	[tilespmem:s3+$0x0] =	vst v32  }
0x624: {  	v21 =	vmul.f32 v21, v62;
	v18 =	vld.idx.msk [tilespmem:v29+s20+$0x0], $0xffff;
	[tilespmem:v22+s23+$0x0] =	vst.idx.msk $0xffff, v7  }
0x625: {  	[tilespmem:$0x1F330] =	vst v23;
	v6 =	vadd.f32 v0, v6;
	v0 =	vld.idx.msk [tilespmem:v38+s21+$0x0], $0xffff  }
0x626: {  	v23 =	vld.idx.msk [tilespmem:v58+s20+$0x0], $0xffff;
	[tilespmem:v4+s23+$0x0] =	vst.idx.msk $0xffff, v21;
	v4 =	vmov v8  }
0x627: {  	[tilespmem:$0x1F0B0] =	vst v4;
	v4 =	vld [tilespmem:$0x1F3F0];
	_ =	sdelay $0x2  }
0x628: {  	[tilespmem:$0x1F690] =	vst v0;
	v0 =	vld [tilespmem:$0x1FBB0];
	_ =	sdelay $0x1  }
0x629: {  	v51 =	vld [tilespmem:$0x1F350];
	v21 =	vmov v4  }
0x62a: {  	v8 =	vor.u32 v42, v31;
	[tilespmem:$0x1E970] =	vst v21;
	v21 =	vld [tilespmem:$0x1F770]  }
0x62b: {  	v7 =	vld.idx.msk [tilespmem:v49+s20+$0x0], $0xffff  }
0x62c: {  	v6 =	vadd.f32 v0, v6;
	v0 =	vld [tilespmem:$0x1FB90];
	_ =	sdelay $0x2  }
0x62d: {  	v26 =	vmul.f32 v18, v10;
	v18 =	vld.idx.msk [tilespmem:v8+s20+$0x0], $0xffff;
	v4 =	vmov v21  }
0x62e: {  	v22 =	vld.idx.msk [tilespmem:v28+s21+$0x0], $0xffff;
	v7 =	vmul.f32 v7, v47;
	[tilespmem:$0x1F3F0] =	vst v4  }
0x62f: {  	v4 =	vld.idx.msk [tilespmem:v28+s20+$0x0], $0xffff;
	[tilespmem:v29+s23+$0x0] =	vst.idx.msk $0xffff, v26;
	v6 =	vadd.f32 v0, v6  }
0x630: {  	v17 =	vld.idx.msk [tilespmem:v8+s21+$0x0], $0xffff  }
0x631: {  	v6 =	vadd.f32 v15, v6;
	v15 =	vld.idx.msk [tilespmem:v51+s20+$0x0], $0xffff  }
0x632: {  	[tilespmem:v49+s23+$0x0] =	vst.idx.msk $0xffff, v7;
	v7 =	vmov v24;
	v24 =	vld [tilespmem:$0x1F3C0];
	_ =	sdelay $0x1  }
0x633: {  	v45 =	vld [tilespmem:$0x1F0E0];
	_ =	sdelay $0x1  }
0x634: {  	v0 =	vld [tilespmem:$0x1FB70]  }
0x635: {  	[tilespmem:$0x1F0E0] =	vst v7;
	v7 =	vmov v24;
	v24 =	vld [tilespmem:$0x1F730]  }
0x636: {  	v5 =	vld [tilespmem:$0x1F980];
	_ =	sdelay $0x3  }
0x637: {  	v25 =	vld.idx.msk [tilespmem:v45+s20+$0x0], $0xffff;
	v6 =	vadd.f32 v0, v6;
	v0 =	vmov v24  }
0x638: {  	v21 =	vmov v5;
	[tilespmem:$0x1F3C0] =	vst v0;
	v0 =	vld [tilespmem:$0x1FB50]  }
0x639: {  	v27 =	vmul.f32 v32, v23;
	[tilespmem:$0x1F310] =	vst v21;
	v21 =	vld [tilespmem:$0x1F0F0];
	_ =	sdelay $0x1  }
0x63a: {  	[tilespmem:v58+s23+$0x0] =	vst.idx.msk $0xffff, v27  }
0x63b: {  	v29 =	vld.idx.msk [tilespmem:v16+s20+$0x0], $0xffff  }
0x63c: {  	v6 =	vadd.f32 v0, v6;
	v0 =	vld [tilespmem:$0x1FE70]  }
0x63d: {  	v25 =	vmul.f32 v25, v62;
	v26 =	vor.u32 v54, v31;
	v54 =	vld [tilespmem:$0x1E950]  }
0x63e: {  	v59 =	vld [tilespmem:$0x1F2B0]  }
0x63f: {  	v53 =	vor.u32 v48, v31;
	v48 =	vld [tilespmem:$0x1F960];
	[tilespmem:v45+s23+$0x0] =	vst.idx.msk $0xffff, v25  }
0x640: {  	v37 =	vld.idx.msk [tilespmem:v21+s20+$0x0], $0xffff;
	v58 =	vmul.f32 v32, v29  }
0x641: {  	v1 =	vor.u32 v0, v31;
	v0 =	vld [tilespmem:$0x1FB30]  }
0x642: {  	[tilespmem:v16+s23+$0x0] =	vst.idx.msk $0xffff, v58;
	v16 =	vmov v12;
	v12 =	vld [tilespmem:$0x1F3A0]  }
0x643: {  	v58 =	vld [tilespmem:$0x1EF90]  }
0x644: {  	v49 =	vld.idx.msk [tilespmem:v46+s20+$0x0], $0xffff  }
0x645: {  	v37 =	vmul.f32 v37, v62;
	[tilespmem:$0x1E960] =	vst v7;
	v7 =	vmov v8;
	v8 =	vld.idx.msk [tilespmem:v54+s20+$0x0], $0xffff  }
0x646: {  	v6 =	vadd.f32 v0, v6;
	v0 =	vld [tilespmem:$0x1FB10]  }
0x647: {  	v13 =	vmov v43;
	[tilespmem:v21+s23+$0x0] =	vst.idx.msk $0xffff, v37;
	v37 =	vor.u32 v3, v31;
	v3 =	vld [tilespmem:$0x1E940]  }
0x648: {  	[tilespmem:$0x1F080] =	vst v13;
	v13 =	vld.idx.msk [tilespmem:v26+s20+$0x0], $0xffff  }
0x649: {  	v27 =	vld.idx.msk [tilespmem:v26+s21+$0x0], $0xffff  }
0x64a: {  	[tilespmem:$0x1F770] =	vst v26;
	v26 =	vld.idx.msk [tilespmem:v53+s21+$0x0], $0xffff;
	v15 =	vmul.f32 v15, v10  }
0x64b: {  	v8 =	vmul.f32 v8, v47;
	v6 =	vadd.f32 v0, v6;
	v0 =	vld [tilespmem:$0x1FF90]  }
0x64c: {  	v24 =	vld.idx.msk [tilespmem:v53+s20+$0x0], $0xffff;
	[tilespmem:v51+s23+$0x0] =	vst.idx.msk $0xffff, v15  }
0x64d: {  	v29 =	vmov v48;
	v41 =	vld.idx.msk [tilespmem:v59+s20+$0x0], $0xffff  }
0x64e: {  	[tilespmem:$0x1F350] =	vst v29;
	v29 =	vld.idx.msk [tilespmem:v1+s20+$0x0], $0xffff  }
0x64f: {  	[tilespmem:v54+s23+$0x0] =	vst.idx.msk $0xffff, v8;
	v8 =	vmov v12;
	v12 =	vld [tilespmem:$0x1F6D0];
	v6 =	vadd.f32 v34, v6  }
0x650: {  	v5 =	vor.u32 v0, v31  }
0x651: {  	v6 =	vadd.f32 v30, v6  }
0x652: {  	v42 =	vld.idx.msk [tilespmem:v3+s20+$0x0], $0xffff  }
0x653: {  	v30 =	vld.idx.msk [tilespmem:v1+s21+$0x0], $0xffff;
	v6 =	vadd.f32 v33, v6  }
0x654: {  	[tilespmem:$0x1E950] =	vst v8;
	v8 =	vmov v12;
	v12 =	vmul.f32 v41, v10;
	v33 =	vld.idx.msk [tilespmem:v37+s20+$0x0], $0xffff  }
0x655: {  	[tilespmem:$0x1F790] =	vst v53;
	v6 =	vmul.f32 $1.442695020e+00, v6;
	v25 =	vld.idx.msk [tilespmem:v5+s20+$0x0], $0xffff  }
0x656: {  	v53 =	vld.idx.msk [tilespmem:v5+s21+$0x0], $0xffff;
	[tilespmem:v59+s23+$0x0] =	vst.idx.msk $0xffff, v12  }
0x657: {  	[tilespmem:$0x1E890] =	vst v1;
	v1 =	vmul.f32 v42, v47;
	(erf) = vpow2.f32 v6;
	v6 =	vld.idx.msk [tilespmem:v58+s20+$0x0], $0xffff  }
0x658: {  	v34 =	vld.idx.msk [tilespmem:v37+s21+$0x0], $0xffff  }
0x659: {  	[tilespmem:v3+s23+$0x0] =	vst.idx.msk $0xffff, v1;
	v3 =	vld [tilespmem:$0x1F380];
	_ =	sdelay $0x4  }
0x65a: {  	v1 =	vmov v3;
	v3 =	vld [tilespmem:$0x1F680];
	_ =	sdelay $0x3  }
0x65b: {  	v57 =	vld [tilespmem:$0x1F150]  }
0x65c: {  	[tilespmem:$0x1E880] =	vst v5;
	v5 =	vld [tilespmem:$0x1E790];
	v0 =	vmov v3  }
0x65d: {  	v51 =	vor.u32 v55, v31;
	[tilespmem:$0x1F380] =	vst v0;
	v0 =	vld [tilespmem:$0x1FE80];
	_ =	sdelay $0x1  }
0x65e: {  	v12 =	vld [tilespmem:$0x1F920];
	_ =	sdelay $0x1  }
0x65f: {  	[tilespmem:$0x1F3A0] =	vst v8;
	v8 =	vmov v28  }
0x660: {  	v28 =	vmul.f32 v32, v49;
	v48 =	vor.u32 v0, v31;
	v0 =	vld.idx.msk [tilespmem:v51+s20+$0x0], $0xffff  }
0x661: {  	[tilespmem:$0x1F6D0] =	vst v8  }
0x662: {  	v40 =	vld.idx.msk [tilespmem:v57+s20+$0x0], $0xffff;
	[tilespmem:v46+s23+$0x0] =	vst.idx.msk $0xffff, v28;
	v8 =	vmov v12  }
0x663: {  	v28 =	vld.idx.msk [tilespmem:v5+s20+$0x0], $0xffff  }
0x664: {  	v12 =	vor.u32 v50, v31;
	[tilespmem:$0x1F2B0] =	vst v8;
	v3 =	vld [tilespmem:$0x1E930]  }
0x665: {  	v8 =	vmov v52;
	[tilespmem:$0x1F830] =	vst v0;
	v0 =	vld.idx.msk [tilespmem:v51+s21+$0x0], $0xffff  }
0x666: {  	[tilespmem:$0x1F150] =	vst v8;
	v8 =	vld [tilespmem:$0x1F160];
	_ =	sdelay $0x1  }
0x667: {  	v45 =	vld [tilespmem:$0x1EF80]  }
0x668: {  	[tilespmem:$0x1E940] =	vst v1;
	v1 =	vmov v38;
	v38 =	vld.idx.msk [tilespmem:v12+s20+$0x0], $0xffff  }
0x669: {  	v40 =	vmul.f32 v40, v62;
	[tilespmem:$0x1F860] =	vst v0;
	v0 =	vld [tilespmem:$0x1FAD0]  }
0x66a: {  	v15 =	vmul.f32 v6, v10;
	v6 =	vmul.f32 v28, v32;
	v28 =	vld [tilespmem:$0x1F900]  }
0x66b: {  	[tilespmem:$0x1F730] =	vst v7;
	v59 =	vld.idx.msk [tilespmem:v3+s20+$0x0], $0xffff  }
0x66c: {  	[tilespmem:v57+s23+$0x0] =	vst.idx.msk $0xffff, v40;
	v41 =	vld.idx.msk [tilespmem:v12+s21+$0x0], $0xffff  }
0x66d: {  	v40 =	vld.idx.msk [tilespmem:v8+s20+$0x0], $0xffff;
	[tilespmem:v5+s23+$0x0] =	vst.idx.msk $0xffff, v6  }
0x66e: {  	v5 =	vld [tilespmem:$0x1E7A0];
	[tilespmem:v58+s23+$0x0] =	vst.idx.msk $0xffff, v15  }
0x66f: {  	v7 =	vpop (erf);
	[tilespmem:$0x1F680] =	vst v1;
	v1 =	vmov v28;
	v28 =	vld.idx.msk [tilespmem:v45+s20+$0x0], $0xffff  }
0x670: {  	v42 =	vld.idx.msk [tilespmem:v48+s20+$0x0], $0xffff;
	[tilespmem:s3+$0xFFFFFFF0] =	vst v7;
	v6 =	vmul.f32 v59, v47  }
0x671: {  	v54 =	vld.idx.msk [tilespmem:v0+s20+$0x0], $0xffff  }
0x672: {  	[tilespmem:v3+s23+$0x0] =	vst.idx.msk $0xffff, v6;
	v6 =	vld [tilespmem:$0x1F290];
	_ =	sdelay $0x2  }
0x673: {  	v40 =	vmul.f32 v40, v62  }
0x674: {  	v49 =	vor.u32 v61, v31;
	v61 =	vld.idx.msk [tilespmem:v5+s20+$0x0], $0xffff  }
0x675: {  	[tilespmem:v8+s23+$0x0] =	vst.idx.msk $0xffff, v40;
	v3 =	vmov v44;
	v8 =	vmov v6;
	v6 =	vld [tilespmem:$0x1F660]  }
0x676: {  	[tilespmem:$0x1F660] =	vst v3;
	v3 =	vld [tilespmem:$0x1E920];
	_ =	sdelay $0x2  }
0x677: {  	v50 =	vld [tilespmem:$0x1F170]  }
0x678: {  	[tilespmem:$0x1F0F0] =	vst v16;
	v16 =	vld.idx.msk [tilespmem:v48+s21+$0x0], $0xffff  }
0x679: {  	[tilespmem:$0x1EF90] =	vst v1;
	v43 =	vld.idx.msk [tilespmem:v49+s20+$0x0], $0xffff  }
0x67a: {  	v44 =	vld.idx.msk [tilespmem:v49+s21+$0x0], $0xffff;
	[tilespmem:$0x1E930] =	vst v8;
	v1 =	vmov v6  }
0x67b: {  	v8 =	vmul.f32 v28, v10;
	[tilespmem:$0x1F290] =	vst v1;
	v1 =	vld [tilespmem:$0x1FF70]  }
0x67c: {  	v6 =	vld.idx.msk [tilespmem:v3+s20+$0x0], $0xffff  }
0x67d: {  	[tilespmem:v45+s23+$0x0] =	vst.idx.msk $0xffff, v8;
	v45 =	vld [tilespmem:$0x1EF60]  }
0x67e: {  	v52 =	vmul.f32 v61, v32;
	v61 =	vld [tilespmem:$0x1F8C0]  }
0x67f: {  	v8 =	vld [tilespmem:$0x1FAB0]  }
0x680: {  	v40 =	vld.idx.msk [tilespmem:v50+s20+$0x0], $0xffff  }
0x681: {  	v15 =	vmov v56;
	v56 =	vor.u32 v1, v31  }
0x682: {  	v54 =	vmul.f32 v7, v54  }
0x683: {  	v1 =	vmov v61  }
0x684: {  	v28 =	vmov v49;
	[tilespmem:$0x1EF80] =	vst v1;
	v1 =	vld [tilespmem:$0x1FF50]  }
0x685: {  	v46 =	vmul.f32 v40, v62;
	[tilespmem:$0x1F8C0] =	vst v28;
	v28 =	vld.idx.msk [tilespmem:v45+s20+$0x0], $0xffff  }
0x686: {  	v6 =	vmul.f32 v6, v47;
	v40 =	vld.idx.msk [tilespmem:v56+s20+$0x0], $0xffff;
	[tilespmem:v0+s23+$0x0] =	vst.idx.msk $0xffff, v54;
	v54 =	vmov v11  }
0x687: {  	[tilespmem:$0x1F170] =	vst v54;
	v54 =	vld.idx.msk [tilespmem:v8+s20+$0x0], $0xffff  }
0x688: {  	[tilespmem:v3+s23+$0x0] =	vst.idx.msk $0xffff, v6;
	v6 =	vld [tilespmem:$0x1EF50]  }
0x689: {  	v57 =	vor.u32 v1, v31;
	v1 =	vld [tilespmem:$0x1E7B0];
	_ =	sdelay $0x1  }
0x68a: {  	v55 =	vld [tilespmem:$0x1E900]  }
0x68b: {  	[tilespmem:$0x1F160] =	vst v15;
	v15 =	vld [tilespmem:$0x1E7C0]  }
0x68c: {  	[tilespmem:v5+s23+$0x0] =	vst.idx.msk $0xffff, v52;
	v5 =	vmov v6;
	v6 =	vld [tilespmem:$0x1F5E0]  }
0x68d: {  	v59 =	vmov v9;
	v61 =	vld [tilespmem:$0x1F210]  }
0x68e: {  	[tilespmem:$0x1F210] =	vst v59;
	v59 =	vld [tilespmem:$0x1FA70];
	v3 =	vmov v35  }
0x68f: {  	[tilespmem:$0x1F5E0] =	vst v3;
	v3 =	vld [tilespmem:$0x1E910]  }
0x690: {  	v52 =	vld.idx.msk [tilespmem:v1+s20+$0x0], $0xffff  }
0x691: {  	[tilespmem:v50+s23+$0x0] =	vst.idx.msk $0xffff, v46;
	v50 =	vld [tilespmem:$0x1F410];
	v0 =	vmov v6  }
0x692: {  	[tilespmem:$0x1EF50] =	vst v0;
	v0 =	vld [tilespmem:$0x1FEA0]  }
0x693: {  	v11 =	vld.idx.msk [tilespmem:v57+s20+$0x0], $0xffff  }
0x694: {  	v35 =	vld.idx.msk [tilespmem:v57+s21+$0x0], $0xffff  }
0x695: {  	[tilespmem:$0x1F920] =	vst v57;
	v57 =	vld [tilespmem:$0x1F8A0]  }
0x696: {  	[tilespmem:$0x1E920] =	vst v5;
	v5 =	vmul.f32 v28, v10;
	v28 =	vmov v48;
	v49 =	vld.idx.msk [tilespmem:v61+s20+$0x0], $0xffff  }
0x697: {  	[tilespmem:$0x1F8A0] =	vst v28;
	v6 =	vld.idx.msk [tilespmem:v3+s20+$0x0], $0xffff;
	v52 =	vmul.f32 v52, v32;
	v58 =	vor.u32 v0, v31  }
0x698: {  	v46 =	vld.idx.msk [tilespmem:v56+s21+$0x0], $0xffff;
	[tilespmem:v45+s23+$0x0] =	vst.idx.msk $0xffff, v5  }
0x699: {  	[tilespmem:v1+s23+$0x0] =	vst.idx.msk $0xffff, v52;
	v28 =	vld.idx.msk [tilespmem:v50+s20+$0x0], $0xffff  }
0x69a: {  	v54 =	vmul.f32 v7, v54;
	v0 =	vmov v57;
	v52 =	vld.idx.msk [tilespmem:v15+s20+$0x0], $0xffff  }
0x69b: {  	v49 =	vmul.f32 v49, v62;
	[tilespmem:$0x1EF60] =	vst v0;
	v0 =	vld [tilespmem:$0x1FE90]  }
0x69c: {  	v6 =	vmul.f32 v6, v47;
	v48 =	vld.idx.msk [tilespmem:v58+s20+$0x0], $0xffff;
	[tilespmem:v8+s23+$0x0] =	vst.idx.msk $0xffff, v54  }
0x69d: {  	[tilespmem:v61+s23+$0x0] =	vst.idx.msk $0xffff, v49;
	v61 =	vld.idx.msk [tilespmem:v59+s20+$0x0], $0xffff  }
0x69e: {  	[tilespmem:v3+s23+$0x0] =	vst.idx.msk $0xffff, v6;
	v6 =	vld [tilespmem:$0x1EF30];
	_ =	sdelay $0x3  }
0x69f: {  	v1 =	vor.u32 v0, v31  }
0x6a0: {  	v5 =	vmov v6;
	v6 =	vld [tilespmem:$0x1F5C0]  }
0x6a1: {  	v57 =	vld [tilespmem:$0x1F230]  }
0x6a2: {  	v3 =	vmov v2;
	v9 =	vld.idx.msk [tilespmem:v58+s21+$0x0], $0xffff  }
0x6a3: {  	[tilespmem:$0x1F5C0] =	vst v3;
	v3 =	vld.idx.msk [tilespmem:v55+s20+$0x0], $0xffff  }
0x6a4: {  	v45 =	vld.idx.msk [tilespmem:v1+s20+$0x0], $0xffff  }
0x6a5: {  	v2 =	vmul.f32 v28, v10;
	v49 =	vld.idx.msk [tilespmem:v1+s21+$0x0], $0xffff;
	v0 =	vmov v6  }
0x6a6: {  	[tilespmem:$0x1EF30] =	vst v0;
	v0 =	vld [tilespmem:$0x1FFD0]  }
0x6a7: {  	[tilespmem:v50+s23+$0x0] =	vst.idx.msk $0xffff, v2;
	v50 =	vld [tilespmem:$0x1F430];
	_ =	sdelay $0x3  }
0x6a8: {  	v28 =	vmul.f32 v52, v32;
	v52 =	vld [tilespmem:$0x1F850];
	v0 =	vor.u32 v0, v31;
	_ =	sdelay $0x2  }
0x6a9: {  	[tilespmem:$0x1F900] =	vst v56;
	v54 =	vld.idx.msk [tilespmem:v57+s20+$0x0], $0xffff;
	v6 =	vmov v51  }
0x6aa: {  	[tilespmem:$0x1F850] =	vst v6;
	v6 =	vld.idx.msk [tilespmem:v50+s20+$0x0], $0xffff  }
0x6ab: {  	[tilespmem:$0x1F980] =	vst v1;
	v1 =	vmov v52;
	v52 =	vld.idx.msk [tilespmem:v0+s20+$0x0], $0xffff  }
0x6ac: {  	[tilespmem:v15+s23+$0x0] =	vst.idx.msk $0xffff, v28;
	v56 =	vmul.f32 v61, v7;
	v28 =	vld.idx.msk [tilespmem:v0+s21+$0x0], $0xffff  }
0x6ad: {  	[tilespmem:$0x1F9A0] =	vst v0;
	v0 =	vld [tilespmem:$0x1FFF0]  }
0x6ae: {  	[tilespmem:v59+s23+$0x0] =	vst.idx.msk $0xffff, v56;
	v59 =	vld [tilespmem:$0x1F580];
	_ =	sdelay $0x1  }
0x6af: {  	v61 =	vld [tilespmem:$0x1FA50]  }
0x6b0: {  	[tilespmem:$0x1F960] =	vst v58;
	v58 =	vld [tilespmem:$0x1EF10]  }
0x6b1: {  	[tilespmem:$0x1F410] =	vst v1;
	v1 =	vld [tilespmem:$0x1FFE0]  }
0x6b2: {  	v8 =	vmul.f32 v3, v47;
	v3 =	vmovc v60;
	v60 =	vld [tilespmem:$0x1E8F0];
	v21 =	vor.u32 v0, v31;
	v0 =	vmov v59  }
0x6b3: {  	[tilespmem:$0x1EF10] =	vst v0;
	v0 =	vld [tilespmem:$0x1FFC0]  }
0x6b4: {  	v2 =	vmul.f32 v54, v62;
	_ =	sdelay $0x1  }
0x6b5: {  	[tilespmem:v57+s23+$0x0] =	vst.idx.msk $0xffff, v2;
	v57 =	vmov v63;
	v63 =	vld [tilespmem:$0x1F820];
	v1 =	vor.u32 v1, v31  }
0x6b6: {  	v51 =	vld.idx.msk [tilespmem:v61+s20+$0x0], $0xffff;
	[tilespmem:v55+s23+$0x0] =	vst.idx.msk $0xffff, v8  }
0x6b7: {  	v8 =	vor.u32 v0, v31;
	v0 =	vld.idx.msk [tilespmem:v21+s20+$0x0], $0xffff  }
0x6b8: {  	v2 =	vmov v58  }
0x6b9: {  	[tilespmem:$0x1E900] =	vst v2;
	v2 =	vmul.f32 v6, v10;
	v62 =	vld.idx.msk [tilespmem:v60+s20+$0x0], $0xffff  }
0x6ba: {  	[tilespmem:$0x1F230] =	vst v57;
	v56 =	vld.idx.msk [tilespmem:v1+s20+$0x0], $0xffff  }
0x6bb: {  	v57 =	vld.idx.msk [tilespmem:v1+s21+$0x0], $0xffff;
	[tilespmem:v50+s23+$0x0] =	vst.idx.msk $0xffff, v2  }
0x6bc: {  	v6 =	vmov v12;
	v12 =	vld [tilespmem:$0x1EF00];
	[tilespmem:$0x1F9F0] =	vst v0;
	v0 =	vmov v63  }
0x6bd: {  	[tilespmem:$0x1F430] =	vst v0;
	v0 =	vld.idx.msk [tilespmem:v21+s21+$0x0], $0xffff  }
0x6be: {  	[tilespmem:$0x1E910] =	vst v5;
	v5 =	vmov v32;
	v32 =	vld.idx.msk [tilespmem:v36+s20+$0x0], $0xffff  }
0x6bf: {  	v55 =	vld [tilespmem:$0x1F450]  }
0x6c0: {  	v50 =	vld [tilespmem:$0x1FA30]  }
0x6c1: {  	v2 =	vmov v12;
	v12 =	vld [tilespmem:$0x1F550]  }
0x6c2: {  	[tilespmem:$0x1FCD0] =	vst v0;
	v0 =	vld [tilespmem:$0x1FF80];
	_ =	sdelay $0x3  }
0x6c3: {  	[tilespmem:$0x1F9C0] =	vst v1;
	v1 =	vmov v12;
	v12 =	vld [tilespmem:$0x1E8E0]  }
0x6c4: {  	[tilespmem:$0x1F820] =	vst v6;
	v6 =	vmul.f32 v32, v5;
	v51 =	vmul.f32 v51, v7;
	v32 =	vor.u32 v0, v31;
	v0 =	vld [tilespmem:$0x1E7D0]  }
0x6c5: {  	[tilespmem:$0x1F580] =	vst v3;
	v3 =	vmul.f32 v62, v47;
	v58 =	vld.idx.msk [tilespmem:v55+s20+$0x0], $0xffff  }
0x6c6: {  	v59 =	vld.idx.msk [tilespmem:v8+s20+$0x0], $0xffff;
	[tilespmem:v61+s23+$0x0] =	vst.idx.msk $0xffff, v51  }
0x6c7: {  	v51 =	vld.idx.msk [tilespmem:v50+s20+$0x0], $0xffff;
	[tilespmem:v60+s23+$0x0] =	vst.idx.msk $0xffff, v3  }
0x6c8: {  	v54 =	vld.idx.msk [tilespmem:v8+s21+$0x0], $0xffff  }
0x6c9: {  	[tilespmem:v36+s23+$0x0] =	vst.idx.msk $0xffff, v6;
	v6 =	vmov v0;
	v0 =	vld [tilespmem:$0x1FE40]  }
0x6ca: {  	v60 =	vld.idx.msk [tilespmem:v32+s20+$0x0], $0xffff  }
0x6cb: {  	v58 =	vmul.f32 v58, v10;
	v61 =	vld.idx.msk [tilespmem:v32+s21+$0x0], $0xffff  }
0x6cc: {  	[tilespmem:$0x1F550] =	vst v6;
	v6 =	vld.idx.msk [tilespmem:v12+s20+$0x0], $0xffff  }
0x6cd: {  	[tilespmem:v55+s23+$0x0] =	vst.idx.msk $0xffff, v58;
	v55 =	vld [tilespmem:$0x1F7F0];
	_ =	sdelay $0x4  }
0x6ce: {  	v63 =	vor.u32 v0, v31;
	v0 =	vmov v55;
	v55 =	vld [tilespmem:$0x1F470];
	_ =	sdelay $0x1  }
0x6cf: {  	v36 =	vld.idx.msk [tilespmem:v39+s20+$0x0], $0xffff  }
0x6d0: {  	[tilespmem:$0x1E8F0] =	vst v2;
	v2 =	vld [tilespmem:$0x1E7F0]  }
0x6d1: {  	[tilespmem:$0x1EF00] =	vst v1;
	v1 =	vld [tilespmem:$0x1E7E0]  }
0x6d2: {  	v58 =	vmov v37;
	[tilespmem:$0x1F450] =	vst v0;
	v0 =	vld [tilespmem:$0x1FE20]  }
0x6d3: {  	[tilespmem:$0x1F7F0] =	vst v58;
	v58 =	vld.idx.msk [tilespmem:v63+s20+$0x0], $0xffff  }
0x6d4: {  	v51 =	vmul.f32 v51, v7;
	[tilespmem:$0x1FA50] =	vst v63;
	v63 =	vld.idx.msk [tilespmem:v63+s21+$0x0], $0xffff  }
0x6d5: {  	v37 =	vld.idx.msk [tilespmem:v55+s20+$0x0], $0xffff  }
0x6d6: {  	[tilespmem:v50+s23+$0x0] =	vst.idx.msk $0xffff, v51;
	v50 =	vld [tilespmem:$0x1FA10]  }
0x6d7: {  	v36 =	vmul.f32 v36, v5  }
0x6d8: {  	v3 =	vld [tilespmem:$0x1E820]  }
0x6d9: {  	[tilespmem:v39+s23+$0x0] =	vst.idx.msk $0xffff, v36;
	v36 =	vadd.f32 v2, v1;
	v2 =	vld [tilespmem:$0x1E810]  }
0x6da: {  	v23 =	vld [tilespmem:$0x1E800]  }
0x6db: {  	v62 =	vor.u32 v0, v31;
	v0 =	vld [tilespmem:$0x1FE30];
	_ =	sdelay $0x1  }
0x6dc: {  	v39 =	vadd.f32 v20, v14;
	v20 =	vld [tilespmem:$0x1EEE0];
	v6 =	vmul.f32 v6, v47  }
0x6dd: {  	v51 =	vadd.f32 v3, v2;
	v2 =	vld.idx.msk [tilespmem:v50+s20+$0x0], $0xffff  }
0x6de: {  	[tilespmem:v12+s23+$0x0] =	vst.idx.msk $0xffff, v6;
	v12 =	vld [tilespmem:$0x1E8D0]  }
0x6df: {  	v0 =	vor.u32 v0, v31  }
0x6e0: {  	v6 =	vadd.f32 v22, v4;
	v4 =	vld [tilespmem:$0x1E830];
	_ =	sdelay $0x1  }
0x6e1: {  	v1 =	vld.idx.msk [tilespmem:v23+s20+$0x0], $0xffff  }
0x6e2: {  	v24 =	vadd.f32 v26, v24;
	v26 =	vmov v20;
	v15 =	vld.idx.msk [tilespmem:v62+s20+$0x0], $0xffff  }
0x6e3: {  	[tilespmem:$0x1E8E0] =	vst v26;
	v26 =	vld.idx.msk [tilespmem:v0+s20+$0x0], $0xffff  }
0x6e4: {  	v22 =	vadd.f32 v27, v13;
	v13 =	vmul.f32 v37, v10;
	v14 =	vadd.f32 v19, v4;
	v19 =	vld.idx.msk [tilespmem:v62+s21+$0x0], $0xffff  }
0x6e5: {  	v4 =	vld.idx.msk [tilespmem:v12+s20+$0x0], $0xffff  }
0x6e6: {  	[tilespmem:v55+s23+$0x0] =	vst.idx.msk $0xffff, v13;
	v55 =	vld [tilespmem:$0x1F490]  }
0x6e7: {  	v37 =	vld.idx.msk [tilespmem:v0+s21+$0x0], $0xffff  }
0x6e8: {  	v3 =	vlaneseq.u32;
	[tilespmem:$0x1FAB0] =	vst v0;
	v0 =	vld [tilespmem:$0x1E850]  }
0x6e9: {  	v20 =	vld [tilespmem:$0x1F510];
	v3 =	vor.u32 v3, v31;
	_ =	sdelay $0x1  }
0x6ea: {  	v1 =	vmul.f32 v1, v5;
	_ =	sdelay $0x1  }
0x6eb: {  	[tilespmem:v23+s23+$0x0] =	vst.idx.msk $0xffff, v1;
	v1 =	vld [tilespmem:$0x1E860];
	v27 =	vadd.f32 v17, v18;
	v17 =	vmov v5;
	v5 =	vmul.f32 v2, v7  }
0x6ec: {  	v31 =	vadd.f32 v53, v25;
	v18 =	vmov v20;
	v53 =	vld.idx.msk [tilespmem:v3+s20+$0x0], $0xffff  }
0x6ed: {  	v20 =	vadd.f32 v16, v42;
	v4 =	vmul.f32 v4, v47;
	v16 =	vld.idx.msk [tilespmem:v55+s20+$0x0], $0xffff;
	[tilespmem:v50+s23+$0x0] =	vst.idx.msk $0xffff, v5  }
0x6ee: {  	v47 =	vadd.f32 v28, v52;
	v28 =	vld.idx.msk [tilespmem:v0+s20+$0x0], $0xffff  }
0x6ef: {  	[tilespmem:v12+s23+$0x0] =	vst.idx.msk $0xffff, v4;
	v4 =	vld [tilespmem:$0x1EEC0];
	_ =	sdelay $0x4  }
0x6f0: {  	v2 =	vmov v4;
	v4 =	vmov v1;
	v1 =	vld [tilespmem:$0x1E870]  }
0x6f1: {  	v12 =	vld [tilespmem:$0x1F4D0];
	_ =	sdelay $0x1  }
0x6f2: {  	v29 =	vadd.f32 v30, v29;
	[tilespmem:$0x1FA70] =	vst v62;
	v62 =	vld [tilespmem:$0x1E840]  }
0x6f3: {  	v30 =	vadd.f32 v34, v33;
	v33 =	vadd.f32 v41, v38;
	[tilespmem:$0x1FAD0] =	vst v3;
	v41 =	vmul.f32 v16, v10;
	v16 =	vld [tilespmem:$0x1F7D0]  }
0x6f4: {  	[tilespmem:$0x1F4D0] =	vst v4;
	v4 =	vadd.f32 v54, v59;
	v59 =	vmov v1;
	v1 =	vld [tilespmem:$0x1E880]  }
0x6f5: {  	[tilespmem:$0x1EEE0] =	vst v18;
	v18 =	vadd.f32 v35, v11;
	v35 =	vld.idx.msk [tilespmem:v3+s21+$0x0], $0xffff;
	v3 =	vmov v12  }
0x6f6: {  	v5 =	vld [tilespmem:$0xE770]  }
0x6f7: {  	v23 =	vadd.f32 v9, v48;
	v48 =	vld [tilespmem:$0xE760];
	[tilespmem:$0x1EEC0] =	vst v3  }
0x6f8: {  	v11 =	vmul.f32 $2.000000030e-01, v36;
	v3 =	vmov v16;
	v16 =	vadd.f32 v61, v60;
	v61 =	vld [tilespmem:$0xE750];
	[tilespmem:v55+s23+$0x0] =	vst.idx.msk $0xffff, v41  }
0x6f9: {  	[tilespmem:$0x1F510] =	vst v59;
	v59 =	vmov v10;
	v10 =	vld [tilespmem:$0x1F7B0];
	v1 =	vmov v1  }
0x6fa: {  	v38 =	vmul.f32 $2.000000030e-01, v51;
	v55 =	vmov v7;
	v7 =	vmax.f32 v36, v11;
	[tilespmem:$0x1F7D0] =	vst v1;
	v1 =	vld [tilespmem:$0x1E890]  }
0x6fb: {  	v34 =	vmul.f32 $2.000000030e-01, v39;
	[tilespmem:$0x1FB00] =	vst v5;
	v5 =	vmul.f32 v7, v5  }
0x6fc: {  	v50 =	vadd.f32 v63, v58;
	v58 =	vadd.f32 v19, v15;
	v19 =	vmax.f32 v51, v38  }
0x6fd: {  	v9 =	vld.idx.msk [tilespmem:v62+s20+$0x0], $0xffff;
	[tilespmem:$0x1FB10] =	vst v5;
	v5 =	vmul.f32 v19, v48  }
0x6fe: {  	v7 =	vmax.f32 v39, v34  }
0x6ff: {  	v15 =	vld [tilespmem:$0xE720];
	[tilespmem:$0x1FB30] =	vst v5;
	v5 =	vmul.f32 v7, v61;
	v12 =	vmov v10;
	v10 =	vmov v1  }
0x700: {  	[tilespmem:$0x1F490] =	vst v12;
	v12 =	vld [tilespmem:$0xE740]  }
0x701: {  	v25 =	vadd.f32 v44, v43;
	v43 =	vmul.f32 $2.000000030e-01, v6;
	v11 =	vmul.f32 v28, v55;
	[tilespmem:$0x1FB50] =	vst v5  }
0x702: {  	v13 =	vadd.f32 v46, v40;
	v40 =	vmul.f32 $2.000000030e-01, v14;
	v9 =	vmul.f32 v9, v17;
	[tilespmem:$0x1F7B0] =	vst v10;
	v10 =	vmovc v8;
	v8 =	vld [tilespmem:$0xE710]  }
0x703: {  	v19 =	vld [tilespmem:$0x1E8A0];
	v5 =	vmax.f32 v6, v43;
	[tilespmem:v0+s23+$0x0] =	vst.idx.msk $0xffff, v11  }
0x704: {  	v42 =	vmul.f32 $2.000000030e-01, v27;
	[tilespmem:v62+s23+$0x0] =	vst.idx.msk $0xffff, v9;
	v9 =	vmax.f32 v14, v40;
	v5 =	vmul.f32 v5, v15;
	v0 =	vld [tilespmem:$0xE700]  }
0x705: {  	v49 =	vadd.f32 v49, v45;
	v6 =	vmul.f32 v9, v12;
	v9 =	vld [tilespmem:$0xE6E0]  }
0x706: {  	v44 =	vmul.f32 $2.000000030e-01, v24;
	v45 =	vmul.f32 $2.000000030e-01, v22;
	v14 =	vmax.f32 v27, v42;
	[tilespmem:$0x1FB90] =	vst v5  }
0x707: {  	v46 =	vmul.f32 $2.000000030e-01, v29;
	[tilespmem:$0x1FB60] =	vst v12;
	v12 =	vld [tilespmem:$0xE6D0];
	v5 =	vmul.f32 v14, v8  }
0x708: {  	v1 =	vmul.f32 $2.000000030e-01, v31  }
0x709: {  	[tilespmem:$0x1FBB0] =	vst v5;
	v5 =	vmax.f32 v22, v45;
	v22 =	vmax.f32 v24, v44;
	v24 =	vmax.f32 v29, v46  }
0x70a: {  	[tilespmem:$0x1FBC0] =	vst v0;
	v5 =	vmul.f32 v5, v0;
	v0 =	vmul.f32 v24, v9  }
0x70b: {  	v26 =	vadd.f32 v37, v26;
	v1 =	vmax.f32 v31, v1;
	v37 =	vld [tilespmem:$0xE680]  }
0x70c: {  	[tilespmem:$0x1FC20] =	vst v0;
	v0 =	vmul.f32 v1, v12  }
0x70d: {  	v28 =	vld.idx.msk [tilespmem:v19+s20+$0x0], $0xffff;
	[tilespmem:$0x1FB70] =	vst v6;
	v6 =	vmul.f32 $2.000000030e-01, v25  }
0x70e: {  	[tilespmem:$0x1FC40] =	vst v0;
	v0 =	vld [tilespmem:$0x1E8B0]  }
0x70f: {  	v6 =	vmax.f32 v25, v6  }
0x710: {  	[tilespmem:$0x1FB40] =	vst v61;
	v61 =	vmul.f32 $2.000000030e-01, v23;
	v6 =	vmul.f32 v6, v37  }
0x711: {  	[tilespmem:$0x1E8D0] =	vst v2;
	v11 =	vld [tilespmem:$0xE6F0]  }
0x712: {  	v2 =	vadd.f32 v57, v56;
	[tilespmem:$0x1FC80] =	vst v6;
	v6 =	vmax.f32 v23, v61;
	v23 =	vld [tilespmem:$0xE620]  }
0x713: {  	v56 =	vld [tilespmem:$0xE6B0];
	[tilespmem:$0x1FBD0] =	vst v5;
	v5 =	vmul.f32 v28, v17  }
0x714: {  	v31 =	vmul.f32 $2.000000030e-01, v2;
	v14 =	vld [tilespmem:$0xE690]  }
0x715: {  	v60 =	vmul.f32 $2.000000030e-01, v33;
	[tilespmem:v19+s23+$0x0] =	vst.idx.msk $0xffff, v5;
	v5 =	vld [tilespmem:$0xE670]  }
0x716: {  	v7 =	vmul.f32 $2.000000030e-01, v20;
	v2 =	vmax.f32 v2, v31;
	[tilespmem:$0x1FBA0] =	vst v8;
	v8 =	vmul.f32 v22, v11;
	v1 =	vld.idx.msk [tilespmem:v0+s20+$0x0], $0xffff  }
0x717: {  	v27 =	vmul.f32 $2.000000030e-01, v13;
	v57 =	vld [tilespmem:$0x1FE00];
	v24 =	vmax.f32 v33, v60;
	v2 =	vmul.f32 v2, v23  }
0x718: {  	v7 =	vmax.f32 v20, v7;
	v54 =	vld [tilespmem:$0xE640];
	[tilespmem:$0x1FBF0] =	vst v8;
	v8 =	vmul.f32 v24, v56  }
0x719: {  	v13 =	vmax.f32 v13, v27;
	v7 =	vmul.f32 v7, v14;
	[tilespmem:$0x1FCC0] =	vst v2;
	v2 =	vld [tilespmem:$0x1FE60]  }
0x71a: {  	s16 =	sadd.s32 $0x10, s0;
	v28 =	vmul.f32 $2.000000030e-01, v49;
	[tilespmem:$0x1FC60] =	vst v8;
	v8 =	vmul.f32 v13, v5  }
0x71b: {  	[tilespmem:$0x1FC70] =	vst v7;
	v13 =	vmov s16;
	v1 =	vmul.f32 v1, v17  }
0x71c: {  	v7 =	vadd.f32 v35, v53;
	v13 =	vshll.u32 v13, $0x5;
	[tilespmem:$0x1FC90] =	vst v8;
	v8 =	vmax.f32 v49, v28  }
0x71d: {  	v35 =	vor.u32 v57, v13;
	[tilespmem:v0+s23+$0x0] =	vst.idx.msk $0xffff, v1;
	v1 =	vmul.f32 v8, v54  }
0x71e: {  	v19 =	vor.u32 v2, v35;
	v2 =	vld [tilespmem:$0x1FE70]  }
0x71f: {  	[tilespmem:$0x1FCB0] =	vst v1;
	v1 =	vld [tilespmem:$0x1FE50];
	_ =	sdelay $0x2  }
0x720: {  	v29 =	vmul.f32 $2.000000030e-01, v47  }
0x721: {  	v24 =	vld [tilespmem:$0xE650]  }
0x722: {  	v0 =	vmax.f32 v47, v29;
	v29 =	vor.u32 v2, v35;
	v2 =	vld [tilespmem:$0x1FF90];
	v45 =	vor.u32 v1, v35;
	_ =	sdelay $0x2  }
0x723: {  	v20 =	vmul.f32 $2.000000030e-01, v50  }
0x724: {  	v63 =	vld [tilespmem:$0x1FE10]  }
0x725: {  	v60 =	vmul.f32 v6, v24;
	v6 =	vmax.f32 v50, v20;
	v20 =	vor.u32 v2, v35;
	v2 =	vld.idx.msk [tilespmem:v45+s20+$0x0], $0xffff;
	_ =	sdelay $0x3  }
0x726: {  	v8 =	vld [tilespmem:$0xE5E0]  }
0x727: {  	v34 =	vor.u32 v63, v35;
	[tilespmem:$0x1FCE0] =	vst v2;
	v2 =	vld [tilespmem:$0x1FE80];
	_ =	sdelay $0x4  }
0x728: {  	[tilespmem:$0x1FB80] =	vst v15;
	v15 =	vmul.f32 v6, v8;
	v6 =	vor.u32 v2, v35;
	v2 =	vld.idx.msk [tilespmem:v34+s20+$0x0], $0xffff;
	_ =	sdelay $0x1  }
0x729: {  	v22 =	vld [tilespmem:$0xE660];
	_ =	sdelay $0x1  }
0x72a: {  	v62 =	vmul.f32 $2.000000030e-01, v18  }
0x72b: {  	[tilespmem:$0x1FCF0] =	vst v2;
	v2 =	vld [tilespmem:$0x1FEA0]  }
0x72c: {  	v18 =	vmax.f32 v18, v62  }
0x72d: {  	[tilespmem:$0x1FC10] =	vst v9;
	v9 =	vmul.f32 v18, v22  }
0x72e: {  	v39 =	vld [tilespmem:$0x1F9D0]  }
0x72f: {  	[tilespmem:$0x1FCA0] =	vst v9;
	v9 =	vld [tilespmem:$0x1E8C0]  }
0x730: {  	v50 =	vor.u32 v2, v35;
	v2 =	vld.idx.msk [tilespmem:v19+s20+$0x0], $0xffff  }
0x731: {  	[tilespmem:$0x1FB20] =	vst v48;
	v41 =	vld [tilespmem:$0xE6C0]  }
0x732: {  	[tilespmem:$0x1F470] =	vst v3;
	v48 =	vld [tilespmem:$0xE5F0]  }
0x733: {  	v3 =	vmov v32;
	[tilespmem:$0x1FA10] =	vst v10;
	v10 =	vmov v21;
	v21 =	vld [tilespmem:$0xE630]  }
0x734: {  	[tilespmem:$0x1FA30] =	vst v3;
	v3 =	vmul.f32 $2.000000030e-01, v30;
	v25 =	vld [tilespmem:$0xE5D0]  }
0x735: {  	[tilespmem:$0x1FD00] =	vst v2;
	v2 =	vld [tilespmem:$0x1FE90]  }
0x736: {  	v51 =	vmov v57;
	v3 =	vmax.f32 v30, v3;
	v57 =	vld [tilespmem:$0xE5B0]  }
0x737: {  	v3 =	vmul.f32 v3, v41;
	v1 =	vld.idx.msk [tilespmem:v9+s20+$0x0], $0xffff  }
0x738: {  	v33 =	vld [tilespmem:$0xE600]  }
0x739: {  	[tilespmem:$0x1FC50] =	vst v3;
	v3 =	vmul.f32 $2.000000030e-01, v16;
	v53 =	vld [tilespmem:$0xE5C0];
	v13 =	vmul.f32 $2.000000030e-01, v7  }
0x73a: {  	p5 =	slt.u32 s0, $0x160;
	v30 =	vmul.f32 $2.000000030e-01, v4;
	v43 =	vmul.f32 $2.000000030e-01, v58;
	[tilespmem:$0x1FC30] =	vst v12;
	v12 =	vor.u32 v2, v35;
	v2 =	vld [tilespmem:$0x1FFC0]  }
.Ltmp2:
0x73b: {  	v3 =	vmax.f32 v16, v3;
	v18 =	vmul.f32 $2.000000030e-01, v26;
	v7 =	vmax.f32 v7, v13;
	(pc) =	sbr.rel @p5 .LBB2_7-.Ltmp2, $4  }
0x73c: {  	v62 =	vmovc v17;
	v16 =	vmax.f32 v58, v43;
	v7 =	vmul.f32 v7, v57;
	v17 =	vmul.f32 v1, v17  }
0x73d: {  	[tilespmem:$0x1FBE0] =	vst v11;
	v11 =	vmul.f32 v0, v21;
	v0 =	vmax.f32 v4, v30;
	v4 =	vmul.f32 v3, v48  }
0x73e: {  	v3 =	vmax.f32 v26, v18;
	v0 =	vmul.f32 v0, v33;
	v49 =	vld.idx.msk [tilespmem:v29+s20+$0x0], $0xffff;
	[tilespmem:v9+s23+$0x0] =	vst.idx.msk $0xffff, v17  }
0x73f: {  	s0 =	sadd.s32 $0x20, s0;
	v27 =	vmul.f32 v3, v53;
	v1 =	vmul.f32 v16, v25;
	v3 =	vld.idx.msk [tilespmem:v39+s20+$0x0], $0xffff;
	v44 =	vor.u32 v2, v35  }
0x740: {  	v13 =	vld [tilespmem:$0x1FE30];
	_ =	sdelay $0x1  }
0x741: {  	v2 =	vlaneseq.u32  }
0x742: {  	v58 =	vor.u32 v2, v35;
	_ =	sdelay $0x1  }
0x743: {  	v18 =	vor.u32 v13, v35;
	v13 =	vld [tilespmem:$0x1FE20]  }
0x744: {  	v47 =	vld [tilespmem:$0x1FF80];
	_ =	sdelay $0x1  }
0x745: {  	v17 =	vld.idx.msk [tilespmem:v58+s20+$0x0], $0xffff  }
0x746: {  	v26 =	vld.idx.msk [tilespmem:v58+s21+$0x0], $0xffff  }
0x747: {  	v40 =	vor.u32 v13, v35;
	v13 =	vld [tilespmem:$0x1FE40]  }
0x748: {  	v47 =	vor.u32 v47, v35;
	v28 =	vld.idx.msk [tilespmem:v18+s20+$0x0], $0xffff  }
0x749: {  	v30 =	vld.idx.msk [tilespmem:v18+s21+$0x0], $0xffff  }
0x74a: {  	v16 =	vld.idx.msk [tilespmem:v44+s20+$0x0], $0xffff  }
0x74b: {  	v52 =	vld [tilespmem:$0x1FFF0]  }
0x74c: {  	v7 =	vadd.f32 $0.0e+00, v7;
	v61 =	vld [tilespmem:$0x1FFE0];
	v17 =	vadd.f32 v26, v17  }
0x74d: {  	v38 =	vld.idx.msk [tilespmem:v47+s20+$0x0], $0xffff;
	v13 =	vor.u32 v13, v35  }
0x74e: {  	v7 =	vadd.f32 v27, v7;
	v27 =	vld.idx.msk [tilespmem:v47+s21+$0x0], $0xffff;
	v28 =	vadd.f32 v30, v28;
	v30 =	vmul.f32 $2.000000030e-01, v17  }
0x74f: {  	v31 =	vld.idx.msk [tilespmem:v40+s20+$0x0], $0xffff  }
0x750: {  	v52 =	vor.u32 v52, v35;
	v32 =	vld.idx.msk [tilespmem:v40+s21+$0x0], $0xffff;
	v17 =	vmax.f32 v17, v30  }
0x751: {  	v1 =	vadd.f32 v1, v7;
	v46 =	vor.u32 v61, v35;
	v7 =	vmul.f32 v17, v57;
	v57 =	vld [tilespmem:$0x1FFD0]  }
0x752: {  	v26 =	vld.idx.msk [tilespmem:v13+s20+$0x0], $0xffff  }
0x753: {  	v36 =	vld.idx.msk [tilespmem:v13+s21+$0x0], $0xffff  }
0x754: {  	v9 =	vld [tilespmem:$0x1FCD0]  }
0x755: {  	v43 =	vld.idx.msk [tilespmem:v52+s20+$0x0], $0xffff;
	v42 =	vmul.f32 $2.000000030e-01, v28  }
0x756: {  	v27 =	vadd.f32 v27, v38;
	v38 =	vld.idx.msk [tilespmem:v46+s20+$0x0], $0xffff;
	v31 =	vadd.f32 v32, v31  }
0x757: {  	v1 =	vadd.f32 v15, v1;
	v17 =	vmax.f32 v28, v42;
	v32 =	vld.idx.msk [tilespmem:v44+s21+$0x0], $0xffff;
	v30 =	vor.u32 v57, v35  }
0x758: {  	v15 =	vmul.f32 v17, v53;
	v53 =	vld [tilespmem:$0x1F530];
	v28 =	vmul.f32 $2.000000030e-01, v31;
	v26 =	vadd.f32 v36, v26  }
0x759: {  	v7 =	vadd.f32 $0.0e+00, v7;
	v36 =	vld.idx.msk [tilespmem:v52+s21+$0x0], $0xffff  }
0x75a: {  	v17 =	vld [tilespmem:$0x1F560];
	v28 =	vmax.f32 v31, v28;
	v31 =	vmul.f32 $2.000000030e-01, v26  }
0x75b: {  	v7 =	vadd.f32 v15, v7;
	v15 =	vmul.f32 v28, v25;
	v25 =	vld.idx.msk [tilespmem:v46+s21+$0x0], $0xffff  }
0x75c: {  	v16 =	vadd.f32 v32, v16;
	v28 =	vld.idx.msk [tilespmem:v30+s20+$0x0], $0xffff;
	v26 =	vmax.f32 v26, v31;
	v31 =	vmul.f32 $2.000000030e-01, v27  }
0x75d: {  	v7 =	vadd.f32 v15, v7;
	v8 =	vmul.f32 v26, v8;
	v26 =	vld.idx.msk [tilespmem:v30+s21+$0x0], $0xffff  }
0x75e: {  	v32 =	vld [tilespmem:$0xE610];
	v2 =	vmul.f32 $2.000000030e-01, v16;
	v15 =	vadd.f32 v36, v43;
	v27 =	vmax.f32 v27, v31  }
0x75f: {  	v17 =	vadd.f32 v17, v53;
	v53 =	vld [tilespmem:$0x1FF50];
	v7 =	vadd.f32 v8, v7;
	v8 =	vmul.f32 v27, v48  }
0x760: {  	v42 =	vld.idx.msk [tilespmem:v50+s20+$0x0], $0xffff;
	v16 =	vmax.f32 v16, v2;
	v25 =	vadd.f32 v25, v38;
	v43 =	vmul.f32 $2.000000030e-01, v15  }
0x761: {  	v7 =	vadd.f32 v8, v7;
	v8 =	vmul.f32 v16, v33;
	v33 =	vld.idx.msk [tilespmem:v50+s21+$0x0], $0xffff  }
0x762: {  	v36 =	vld [tilespmem:$0x1FF70];
	v16 =	vmax.f32 v15, v43;
	v43 =	vmul.f32 $2.000000030e-01, v25;
	v26 =	vadd.f32 v26, v28  }
0x763: {  	v1 =	vadd.f32 v4, v1;
	v38 =	vld.idx.msk [tilespmem:v12+s21+$0x0], $0xffff;
	v4 =	vadd.f32 v8, v7;
	v7 =	vmul.f32 v16, v32  }
0x764: {  	v31 =	vor.u32 v53, v35;
	v53 =	vld [tilespmem:$0x1F9F0];
	v16 =	vmax.f32 v25, v43;
	v25 =	vmul.f32 $2.000000030e-01, v26  }
0x765: {  	v27 =	vld.idx.msk [tilespmem:v12+s20+$0x0], $0xffff;
	v4 =	vadd.f32 v7, v4  }
0x766: {  	v7 =	vmul.f32 v16, v23;
	v23 =	vmax.f32 v26, v25;
	v26 =	vadd.f32 v33, v42;
	v42 =	vld [tilespmem:$0x1FF30]  }
0x767: {  	v48 =	vld [tilespmem:$0x1FF60];
	v36 =	vor.u32 v36, v35;
	_ =	sdelay $0x1  }
0x768: {  	v8 =	vld.idx.msk [tilespmem:v31+s20+$0x0], $0xffff  }
0x769: {  	v43 =	vld.idx.msk [tilespmem:v31+s21+$0x0], $0xffff  }
0x76a: {  	v38 =	vadd.f32 v38, v27;
	v27 =	vor.u32 v42, v35;
	v42 =	vld [tilespmem:$0x1FEC0]  }
0x76b: {  	v15 =	vor.u32 v48, v35;
	v48 =	vmov v12;
	v12 =	vadd.f32 v9, v53;
	v16 =	vld.idx.msk [tilespmem:v36+s20+$0x0], $0xffff  }
0x76c: {  	v53 =	vld.idx.msk [tilespmem:v36+s21+$0x0], $0xffff;
	v4 =	vadd.f32 v7, v4;
	v7 =	vmul.f32 v23, v21;
	v23 =	vmul.f32 $2.000000030e-01, v38;
	_ =	sdelay $0x1  }
0x76d: {  	v28 =	vld.idx.msk [tilespmem:v6+s20+$0x0], $0xffff;
	v8 =	vadd.f32 v43, v8;
	v23 =	vmax.f32 v38, v23  }
0x76e: {  	v4 =	vadd.f32 v7, v4;
	v7 =	vld.idx.msk [tilespmem:v6+s21+$0x0], $0xffff;
	v25 =	vor.u32 v42, v35;
	v42 =	vmul.f32 $2.000000030e-01, v26  }
0x76f: {  	v9 =	vld [tilespmem:$0x1FF10];
	v38 =	vmul.f32 v23, v54  }
0x770: {  	v33 =	vld [tilespmem:$0x1FF00];
	v43 =	vmul.f32 $2.000000030e-01, v8;
	v16 =	vadd.f32 v53, v16;
	v26 =	vmax.f32 v26, v42  }
0x771: {  	v53 =	vld [tilespmem:$0x1FF40];
	v4 =	vadd.f32 v38, v4;
	v24 =	vmul.f32 v26, v24  }
0x772: {  	v0 =	vadd.f32 v0, v1;
	v21 =	vld.idx.msk [tilespmem:v15+s20+$0x0], $0xffff;
	v8 =	vmax.f32 v8, v43;
	v2 =	vmul.f32 $2.000000030e-01, v16  }
0x773: {  	v1 =	vld.idx.msk [tilespmem:v15+s21+$0x0], $0xffff;
	v8 =	vmul.f32 v8, v22;
	v7 =	vadd.f32 v7, v28;
	v4 =	vadd.f32 v24, v4  }
0x774: {  	v28 =	vld [tilespmem:$0x1F860];
	v16 =	vmax.f32 v16, v2;
	v42 =	vmul.f32 $2.000000030e-01, v12  }
0x775: {  	v54 =	vld.idx.msk [tilespmem:v27+s20+$0x0], $0xffff;
	v5 =	vmul.f32 v16, v5;
	v16 =	vmul.f32 $2.000000030e-01, v7;
	v4 =	vadd.f32 v8, v4  }
0x776: {  	v23 =	vor.u32 v53, v35;
	v26 =	vld.idx.msk [tilespmem:v27+s21+$0x0], $0xffff;
	v12 =	vmax.f32 v12, v42  }
0x777: {  	v4 =	vadd.f32 v5, v4;
	v5 =	vmax.f32 v7, v16;
	v16 =	vor.u32 v9, v35;
	v9 =	vld [tilespmem:$0x1F830]  }
0x778: {  	v12 =	vmul.f32 v12, v32;
	v32 =	vld [tilespmem:$0x1FCC0]  }
0x779: {  	v1 =	vadd.f32 v1, v21;
	v21 =	vld.idx.msk [tilespmem:v25+s20+$0x0], $0xffff  }
0x77a: {  	v22 =	vld.idx.msk [tilespmem:v25+s21+$0x0], $0xffff  }
0x77b: {  	v24 =	vmul.f32 $2.000000030e-01, v1;
	v8 =	vld.idx.msk [tilespmem:v23+s20+$0x0], $0xffff;
	v0 =	vadd.f32 v12, v0  }
0x77c: {  	v28 =	vadd.f32 v28, v9;
	v9 =	vld [tilespmem:$0x1FCB0]  }
0x77d: {  	v1 =	vmax.f32 v1, v24;
	v12 =	vld.idx.msk [tilespmem:v23+s21+$0x0], $0xffff;
	v0 =	vadd.f32 v32, v0  }
0x77e: {  	v1 =	vmul.f32 v1, v37;
	v37 =	vld [tilespmem:$0xE6A0]  }
0x77f: {  	v7 =	vld.idx.msk [tilespmem:v20+s20+$0x0], $0xffff;
	v22 =	vadd.f32 v22, v21;
	v21 =	vor.u32 v33, v35;
	v0 =	vadd.f32 v11, v0  }
0x780: {  	v24 =	vadd.f32 v26, v54;
	v32 =	vld.idx.msk [tilespmem:v45+s21+$0x0], $0xffff  }
0x781: {  	v1 =	vadd.f32 v1, v4;
	v4 =	vmul.f32 v5, v14;
	v0 =	vadd.f32 v9, v0;
	v9 =	vld [tilespmem:$0x1FF20]  }
0x782: {  	v5 =	vld.idx.msk [tilespmem:v20+s21+$0x0], $0xffff;
	v14 =	vmul.f32 $2.000000030e-01, v24;
	v26 =	vmul.f32 $2.000000030e-01, v22  }
0x783: {  	v8 =	vadd.f32 v12, v8;
	v12 =	vld.idx.msk [tilespmem:v29+s21+$0x0], $0xffff  }
0x784: {  	v14 =	vmax.f32 v24, v14;
	v1 =	vadd.f32 v4, v1;
	v4 =	vmax.f32 v22, v26;
	v26 =	vld.idx.msk [tilespmem:v21+s20+$0x0], $0xffff  }
0x785: {  	v22 =	vmul.f32 v14, v37;
	v4 =	vmul.f32 v4, v56;
	v56 =	vld [tilespmem:$0x1FFB0]  }
0x786: {  	v38 =	vmul.f32 $2.000000030e-01, v8;
	v14 =	vor.u32 v9, v35;
	v9 =	vld [tilespmem:$0x1FCA0]  }
0x787: {  	v5 =	vadd.f32 v5, v7;
	v7 =	vld.idx.msk [tilespmem:v21+s21+$0x0], $0xffff;
	v1 =	vadd.f32 v22, v1  }
0x788: {  	v22 =	vld.idx.msk [tilespmem:v16+s20+$0x0], $0xffff;
	v8 =	vmax.f32 v8, v38  }
0x789: {  	v1 =	vadd.f32 v4, v1;
	v4 =	vmul.f32 v8, v41;
	v8 =	vld [tilespmem:$0x1FC90];
	v0 =	vadd.f32 v60, v0  }
0x78a: {  	v24 =	vmul.f32 $2.000000030e-01, v28;
	v38 =	vld [tilespmem:$0x1FBA0]  }
0x78b: {  	v43 =	vadd.f32 v12, v49;
	v0 =	vadd.f32 v9, v0;
	v9 =	vld [tilespmem:$0x1FC30]  }
0x78c: {  	v49 =	vld.idx.msk [tilespmem:v19+s21+$0x0], $0xffff;
	v24 =	vmax.f32 v28, v24  }
0x78d: {  	v28 =	vld.idx.msk [tilespmem:v16+s21+$0x0], $0xffff;
	v42 =	vmul.f32 $2.000000030e-01, v5;
	v26 =	vadd.f32 v7, v26;
	v7 =	vmul.f32 $2.000000030e-01, v43  }
0x78e: {  	v0 =	vadd.f32 v8, v0;
	v8 =	vld [tilespmem:$0x1FFA0]  }
0x78f: {  	v5 =	vmax.f32 v5, v42;
	v33 =	vmax.f32 v43, v7;
	v7 =	vld [tilespmem:$0x1FC70]  }
0x790: {  	v1 =	vadd.f32 v4, v1;
	v4 =	vld.idx.msk [tilespmem:v14+s21+$0x0], $0xffff;
	v5 =	vmul.f32 v5, v9  }
0x791: {  	v9 =	vld [tilespmem:$0x1FC80]  }
0x792: {  	v11 =	vor.u32 v56, v35;
	v1 =	vadd.f32 v5, v1;
	v5 =	vld [tilespmem:$0x1FC10]  }
0x793: {  	v12 =	vor.u32 v8, v35;
	v8 =	vld.idx.msk [tilespmem:v14+s20+$0x0], $0xffff  }
0x794: {  	v42 =	vld [tilespmem:$0x1FB80]  }
0x795: {  	v60 =	vld [tilespmem:$0x1F4E0]  }
0x796: {  	v22 =	vadd.f32 v28, v22;
	v43 =	vld [tilespmem:$0x1FC20];
	v0 =	vadd.f32 v9, v0  }
0x797: {  	v54 =	vld.idx.msk [tilespmem:v11+s20+$0x0], $0xffff;
	v5 =	vmul.f32 v33, v5  }
0x798: {  	v0 =	vadd.f32 v7, v0;
	v7 =	vld [tilespmem:$0x1FEF0];
	v4 =	vadd.f32 v4, v8;
	v8 =	vmul.f32 $2.000000030e-01, v22  }
0x799: {  	v28 =	vmul.f32 $2.000000030e-01, v26;
	v1 =	vadd.f32 v5, v1;
	v5 =	vld [tilespmem:$0x1FBE0]  }
0x79a: {  	v8 =	vmax.f32 v22, v8;
	v22 =	vld [tilespmem:$0x1FC60]  }
0x79b: {  	v2 =	vmul.f32 v24, v37;
	v9 =	vmax.f32 v26, v28;
	v28 =	vld [tilespmem:$0x1F4B0];
	v26 =	vmul.f32 $2.000000030e-01, v4  }
0x79c: {  	v24 =	vld.idx.msk [tilespmem:v12+s20+$0x0], $0xffff  }
0x79d: {  	v0 =	vadd.f32 v2, v0;
	v4 =	vmax.f32 v4, v26;
	v26 =	vld [tilespmem:$0x1FC50]  }
0x79e: {  	v7 =	vor.u32 v7, v35;
	v5 =	vmul.f32 v9, v5;
	v9 =	vld [tilespmem:$0x1FD00]  }
0x79f: {  	v0 =	vadd.f32 v22, v0;
	v22 =	vld.idx.msk [tilespmem:v11+s21+$0x0], $0xffff  }
0x7a0: {  	v1 =	vadd.f32 v5, v1;
	v5 =	vld [tilespmem:$0x1FBC0]  }
0x7a1: {  	v53 =	vld.idx.msk [tilespmem:v12+s21+$0x0], $0xffff  }
0x7a2: {  	v28 =	vadd.f32 v60, v28;
	v60 =	vld [tilespmem:$0x1F690]  }
0x7a3: {  	v0 =	vadd.f32 v26, v0;
	v26 =	vld.idx.msk [tilespmem:v7+s21+$0x0], $0xffff  }
0x7a4: {  	v41 =	vmov v19;
	v19 =	vadd.f32 v22, v54;
	v22 =	vld.idx.msk [tilespmem:v34+s21+$0x0], $0xffff  }
0x7a5: {  	v9 =	vadd.f32 v49, v9;
	v49 =	vld [tilespmem:$0x1FEB0];
	v5 =	vmul.f32 v8, v5  }
0x7a6: {  	v54 =	vld [tilespmem:$0x1F670]  }
0x7a7: {  	v37 =	vmul.f32 $2.000000030e-01, v9;
	v1 =	vadd.f32 v5, v1;
	v5 =	vld [tilespmem:$0x1FC40]  }
0x7a8: {  	v8 =	vld.idx.msk [tilespmem:v7+s20+$0x0], $0xffff  }
0x7a9: {  	v24 =	vadd.f32 v53, v24;
	v2 =	vmul.f32 v4, v38;
	v4 =	vmax.f32 v9, v37;
	v9 =	vld [tilespmem:$0xE730]  }
0x7aa: {  	v37 =	vld [tilespmem:$0x1FB50]  }
0x7ab: {  	v53 =	vmul.f32 $2.000000030e-01, v24;
	v33 =	vadd.f32 v60, v54;
	v60 =	vld [tilespmem:$0x1FCF0]  }
0x7ac: {  	v0 =	vadd.f32 v5, v0;
	v5 =	vld [tilespmem:$0x1FED0]  }
0x7ad: {  	v24 =	vmax.f32 v24, v53;
	v4 =	vmul.f32 v4, v42;
	v42 =	vld [tilespmem:$0x1FBF0];
	v53 =	vmul.f32 $2.000000030e-01, v33  }
0x7ae: {  	v1 =	vadd.f32 v2, v1;
	v2 =	vor.u32 v49, v35;
	v49 =	vld [tilespmem:$0x1FBD0]  }
0x7af: {  	v8 =	vadd.f32 v26, v8;
	v33 =	vmax.f32 v33, v53;
	v53 =	vld [tilespmem:$0x1FCE0]  }
0x7b0: {  	v4 =	vadd.f32 v4, v1;
	v24 =	vmul.f32 v24, v9;
	v22 =	vadd.f32 v22, v60;
	v60 =	vld [tilespmem:$0x1F4F0]  }
0x7b1: {  	v0 =	vadd.f32 v43, v0;
	v43 =	vld [tilespmem:$0x1FEE0];
	v5 =	vor.u32 v5, v35  }
0x7b2: {  	v54 =	vmul.f32 $2.000000030e-01, v8;
	v4 =	vadd.f32 v24, v4;
	v24 =	vld [tilespmem:$0x1FB60]  }
0x7b3: {  	v38 =	vmov v34;
	v34 =	vld.idx.msk [tilespmem:v2+s21+$0x0], $0xffff  }
0x7b4: {  	v26 =	vmul.f32 $2.000000030e-01, v19;
	v8 =	vmax.f32 v8, v54;
	v54 =	vld [tilespmem:$0x1FB90]  }
0x7b5: {  	v0 =	vadd.f32 v42, v0;
	v42 =	vld [tilespmem:$0x1FBB0]  }
0x7b6: {  	v19 =	vmax.f32 v19, v26;
	v26 =	vld.idx.msk [tilespmem:v5+s20+$0x0], $0xffff  }
0x7b7: {  	v1 =	vor.u32 v43, v35;
	v35 =	vld.idx.msk [tilespmem:v5+s21+$0x0], $0xffff  }
0x7b8: {  	v0 =	vadd.f32 v49, v0;
	v43 =	vld [tilespmem:$0x1FB40]  }
0x7b9: {  	v49 =	vmul.f32 $2.000000030e-01, v22;
	v19 =	vmul.f32 v19, v24;
	v24 =	vld.idx.msk [tilespmem:v2+s20+$0x0], $0xffff  }
0x7ba: {  	v0 =	vadd.f32 v42, v0;
	v42 =	vld [tilespmem:$0x1F520]  }
0x7bb: {  	v4 =	vadd.f32 v19, v4;
	v19 =	vmax.f32 v22, v49;
	v49 =	vld [tilespmem:$0x1FB70]  }
0x7bc: {  	v9 =	vmul.f32 v33, v9;
	v0 =	vadd.f32 v54, v0;
	v22 =	vadd.f32 v35, v26;
	v26 =	vld [tilespmem:$0x1FB20]  }
0x7bd: {  	v54 =	vld [tilespmem:$0x1FB00];
	v8 =	vmul.f32 v8, v43  }
0x7be: {  	v0 =	vadd.f32 v9, v0;
	v9 =	vld [tilespmem:$0xE780]  }
0x7bf: {  	v32 =	vadd.f32 v32, v53;
	v33 =	vld.idx.msk [tilespmem:v1+s20+$0x0], $0xffff;
	v4 =	vadd.f32 v8, v4  }
0x7c0: {  	v8 =	vld.idx.msk [tilespmem:v1+s21+$0x0], $0xffff;
	v35 =	vadd.f32 v42, v60;
	v60 =	vmul.f32 $2.000000030e-01, v17;
	v43 =	vmul.f32 $2.000000030e-01, v22  }
0x7c1: {  	v19 =	vmul.f32 v19, v26;
	v26 =	vmul.f32 $2.000000030e-01, v32  }
0x7c2: {  	v24 =	vadd.f32 v34, v24;
	v0 =	vadd.f32 v49, v0;
	v22 =	vmax.f32 v22, v43;
	v43 =	vld [tilespmem:$0x1FB30]  }
0x7c3: {  	v53 =	vld [tilespmem:$0xE790];
	v17 =	vmax.f32 v17, v60;
	v22 =	vmul.f32 v22, v9;
	v26 =	vmax.f32 v32, v26  }
0x7c4: {  	v9 =	vmul.f32 v17, v9;
	v17 =	vld [tilespmem:$0x1FB10];
	v4 =	vadd.f32 v19, v4;
	v26 =	vmul.f32 v26, v54  }
0x7c5: {  	v42 =	vmul.f32 $2.000000030e-01, v24;
	v0 =	vadd.f32 v37, v0;
	v8 =	vadd.f32 v8, v33  }
0x7c6: {  	v4 =	vadd.f32 v26, v4;
	v26 =	vld [tilespmem:$0xE7A0]  }
0x7c7: {  	v24 =	vmax.f32 v24, v42;
	v49 =	vmul.f32 $2.000000030e-01, v8;
	v0 =	vadd.f32 v43, v0  }
0x7c8: {  	v4 =	vadd.f32 v22, v4;
	v22 =	vmul.f32 v24, v53;
	v24 =	vmul.f32 $2.000000030e-01, v35  }
0x7c9: {  	v8 =	vmax.f32 v8, v49;
	v0 =	vadd.f32 v17, v0  }
0x7ca: {  	v4 =	vadd.f32 v22, v4;
	v17 =	vmax.f32 v35, v24;
	v22 =	vmul.f32 $2.000000030e-01, v28  }
0x7cb: {  	v0 =	vadd.f32 v9, v0;
	v17 =	vmul.f32 v17, v53;
	v8 =	vmul.f32 v8, v26  }
0x7cc: {  	v9 =	vmax.f32 v28, v22  }
0x7cd: {  	v4 =	vadd.f32 v8, v4;
	v8 =	vmul.f32 v9, v26;
	v0 =	vadd.f32 v17, v0;
	_ =	sdelay $0x1  }
0x7ce: {  	v0 =	vadd.f32 v8, v0  }
0x7cf: {  	v4 =	vmul.f32 $1.442695020e+00, v4  }
0x7d0: {  	v0 =	vmul.f32 $1.442695020e+00, v0  }
0x7d1: {  	(erf) = vpow2.f32 v4  }
0x7d2: {  	(erf) = vpow2.f32 v0;
	_ =	sdelay $0x7  }
0x7d3: {  	s0 =	sadd.s32 $0x20, s3;
	v4 =	vpop (erf)  }
0x7d4: {  	[tilespmem:s0+$0x0] =	vst v4;
	v0 =	vpop (erf)  }
0x7d5: {  	[tilespmem:s0+$0xFFFFFFF0] =	vst v0  }
0x7d6: {  	v17 =	vld [tilespmem:$0x1FAD0];
	_ =	sdelay $0x5  }
0x7d7: {  	v8 =	vld.idx.msk [tilespmem:v58+s20+$0x0], $0xffff;
	_ =	sdelay $0x1  }
0x7d8: {  	v9 =	vld.idx.msk [tilespmem:v17+s20+$0x0], $0xffff;
	_ =	sdelay $0x2  }
0x7d9: {  	v8 =	vmul.f32 v4, v8;
	_ =	sdelay $0x1  }
0x7da: {  	[tilespmem:v58+s23+$0x0] =	vst.idx.msk $0xffff, v8;
	v8 =	vmul.f32 v0, v9;
	_ =	sdelay $0x1  }
0x7db: {  	[tilespmem:v17+s23+$0x0] =	vst.idx.msk $0xffff, v8  }
0x7dc: {  	v17 =	vld [tilespmem:$0x1FAB0];
	_ =	sdelay $0x6  }
0x7dd: {  	v9 =	vld.idx.msk [tilespmem:v18+s20+$0x0], $0xffff  }
0x7de: {  	v8 =	vld.idx.msk [tilespmem:v17+s20+$0x0], $0xffff;
	_ =	sdelay $0x3  }
0x7df: {  	v9 =	vmul.f32 v4, v9  }
0x7e0: {  	v8 =	vmul.f32 v0, v8  }
0x7e1: {  	[tilespmem:v18+s23+$0x0] =	vst.idx.msk $0xffff, v9  }
0x7e2: {  	[tilespmem:v17+s23+$0x0] =	vst.idx.msk $0xffff, v8  }
0x7e3: {  	v17 =	vld [tilespmem:$0x1FA70];
	_ =	sdelay $0x6  }
0x7e4: {  	v9 =	vld.idx.msk [tilespmem:v40+s20+$0x0], $0xffff  }
0x7e5: {  	v8 =	vld.idx.msk [tilespmem:v17+s20+$0x0], $0xffff;
	_ =	sdelay $0x3  }
0x7e6: {  	v9 =	vmul.f32 v4, v9  }
0x7e7: {  	v8 =	vmul.f32 v8, v0  }
0x7e8: {  	[tilespmem:v40+s23+$0x0] =	vst.idx.msk $0xffff, v9  }
0x7e9: {  	[tilespmem:v17+s23+$0x0] =	vst.idx.msk $0xffff, v8  }
0x7ea: {  	v17 =	vld [tilespmem:$0x1FA50];
	_ =	sdelay $0x6  }
0x7eb: {  	v9 =	vld.idx.msk [tilespmem:v13+s20+$0x0], $0xffff  }
0x7ec: {  	v8 =	vld.idx.msk [tilespmem:v17+s20+$0x0], $0xffff;
	_ =	sdelay $0x3  }
0x7ed: {  	v9 =	vmul.f32 v9, v4  }
0x7ee: {  	v8 =	vmul.f32 v8, v0  }
0x7ef: {  	[tilespmem:v13+s23+$0x0] =	vst.idx.msk $0xffff, v9  }
0x7f0: {  	[tilespmem:v17+s23+$0x0] =	vst.idx.msk $0xffff, v8  }
0x7f1: {  	v13 =	vld [tilespmem:$0x1FA30];
	_ =	sdelay $0x6  }
0x7f2: {  	v9 =	vld.idx.msk [tilespmem:v47+s20+$0x0], $0xffff  }
0x7f3: {  	v8 =	vld.idx.msk [tilespmem:v13+s20+$0x0], $0xffff;
	_ =	sdelay $0x3  }
0x7f4: {  	v9 =	vmul.f32 v9, v4  }
0x7f5: {  	v8 =	vmul.f32 v8, v0  }
0x7f6: {  	[tilespmem:v47+s23+$0x0] =	vst.idx.msk $0xffff, v9  }
0x7f7: {  	v9 =	vld.idx.msk [tilespmem:v44+s20+$0x0], $0xffff;
	[tilespmem:v13+s23+$0x0] =	vst.idx.msk $0xffff, v8  }
0x7f8: {  	v13 =	vld [tilespmem:$0x1FA10];
	_ =	sdelay $0x7  }
0x7f9: {  	v8 =	vld.idx.msk [tilespmem:v13+s20+$0x0], $0xffff;
	_ =	sdelay $0x3  }
0x7fa: {  	v9 =	vmul.f32 v9, v4  }
0x7fb: {  	v8 =	vmul.f32 v8, v0  }
0x7fc: {  	[tilespmem:v44+s23+$0x0] =	vst.idx.msk $0xffff, v9  }
0x7fd: {  	v9 =	vld.idx.msk [tilespmem:v52+s20+$0x0], $0xffff;
	[tilespmem:v13+s23+$0x0] =	vst.idx.msk $0xffff, v8  }
0x7fe: {  	v8 =	vld.idx.msk [tilespmem:v10+s20+$0x0], $0xffff;
	_ =	sdelay $0x3  }
0x7ff: {  	v9 =	vmul.f32 v9, v4  }
0x800: {  	v8 =	vmul.f32 v8, v0  }
0x801: {  	[tilespmem:v52+s23+$0x0] =	vst.idx.msk $0xffff, v9  }
0x802: {  	[tilespmem:v10+s23+$0x0] =	vst.idx.msk $0xffff, v8  }
0x803: {  	v17 =	vld [tilespmem:$0x1F300]  }
0x804: {  	v10 =	vld [tilespmem:$0x1F9C0];
	_ =	sdelay $0x5  }
0x805: {  	v9 =	vld.idx.msk [tilespmem:v46+s20+$0x0], $0xffff  }
0x806: {  	v8 =	vld.idx.msk [tilespmem:v17+s20+$0x0], $0xffff  }
0x807: {  	v13 =	vld.idx.msk [tilespmem:v10+s20+$0x0], $0xffff;
	_ =	sdelay $0x2  }
0x808: {  	v9 =	vmul.f32 v9, v4  }
0x809: {  	v8 =	vmul.f32 v8, v55  }
0x80a: {  	[tilespmem:v46+s23+$0x0] =	vst.idx.msk $0xffff, v9;
	v9 =	vmul.f32 v13, v0  }
0x80b: {  	[tilespmem:v17+s23+$0x0] =	vst.idx.msk $0xffff, v8  }
0x80c: {  	[tilespmem:v10+s23+$0x0] =	vst.idx.msk $0xffff, v9  }
0x80d: {  	v17 =	vld [tilespmem:$0x1F330]  }
0x80e: {  	v10 =	vld [tilespmem:$0x1F9A0];
	_ =	sdelay $0x5  }
0x80f: {  	v8 =	vld.idx.msk [tilespmem:v30+s20+$0x0], $0xffff  }
0x810: {  	v9 =	vld.idx.msk [tilespmem:v17+s20+$0x0], $0xffff  }
0x811: {  	v13 =	vld.idx.msk [tilespmem:v10+s20+$0x0], $0xffff;
	_ =	sdelay $0x2  }
0x812: {  	v8 =	vmul.f32 v8, v4  }
0x813: {  	v9 =	vmul.f32 v9, v55  }
0x814: {  	[tilespmem:v30+s23+$0x0] =	vst.idx.msk $0xffff, v8;
	v8 =	vmul.f32 v13, v0  }
0x815: {  	[tilespmem:v17+s23+$0x0] =	vst.idx.msk $0xffff, v9  }
0x816: {  	[tilespmem:v10+s23+$0x0] =	vst.idx.msk $0xffff, v8  }
0x817: {  	v17 =	vld [tilespmem:$0x1F310]  }
0x818: {  	v10 =	vld [tilespmem:$0x1F980];
	_ =	sdelay $0x5  }
0x819: {  	v9 =	vld.idx.msk [tilespmem:v48+s20+$0x0], $0xffff  }
0x81a: {  	v8 =	vld.idx.msk [tilespmem:v17+s20+$0x0], $0xffff  }
0x81b: {  	v13 =	vld.idx.msk [tilespmem:v10+s20+$0x0], $0xffff;
	_ =	sdelay $0x2  }
0x81c: {  	v9 =	vmul.f32 v9, v4  }
0x81d: {  	v8 =	vmul.f32 v8, v55  }
0x81e: {  	[tilespmem:v48+s23+$0x0] =	vst.idx.msk $0xffff, v9;
	v9 =	vmul.f32 v13, v0  }
0x81f: {  	[tilespmem:v17+s23+$0x0] =	vst.idx.msk $0xffff, v8  }
0x820: {  	[tilespmem:v10+s23+$0x0] =	vst.idx.msk $0xffff, v9  }
0x821: {  	v17 =	vld [tilespmem:$0x1F350]  }
0x822: {  	v10 =	vld [tilespmem:$0x1F960];
	_ =	sdelay $0x5  }
0x823: {  	v8 =	vld.idx.msk [tilespmem:v50+s20+$0x0], $0xffff  }
0x824: {  	v9 =	vld.idx.msk [tilespmem:v17+s20+$0x0], $0xffff  }
0x825: {  	v13 =	vld.idx.msk [tilespmem:v10+s20+$0x0], $0xffff;
	_ =	sdelay $0x2  }
0x826: {  	v8 =	vmul.f32 v8, v4  }
0x827: {  	v9 =	vmul.f32 v9, v55  }
0x828: {  	[tilespmem:v50+s23+$0x0] =	vst.idx.msk $0xffff, v8;
	v8 =	vmul.f32 v13, v0  }
0x829: {  	[tilespmem:v17+s23+$0x0] =	vst.idx.msk $0xffff, v9  }
0x82a: {  	[tilespmem:v10+s23+$0x0] =	vst.idx.msk $0xffff, v8  }
0x82b: {  	v17 =	vld [tilespmem:$0x1F2B0]  }
0x82c: {  	v10 =	vld [tilespmem:$0x1F920];
	_ =	sdelay $0x5  }
0x82d: {  	v9 =	vld.idx.msk [tilespmem:v31+s20+$0x0], $0xffff  }
0x82e: {  	v8 =	vld.idx.msk [tilespmem:v17+s20+$0x0], $0xffff  }
0x82f: {  	v13 =	vld.idx.msk [tilespmem:v10+s20+$0x0], $0xffff;
	_ =	sdelay $0x2  }
0x830: {  	v9 =	vmul.f32 v9, v4  }
0x831: {  	v8 =	vmul.f32 v8, v55  }
0x832: {  	[tilespmem:v31+s23+$0x0] =	vst.idx.msk $0xffff, v9;
	v9 =	vmul.f32 v13, v0  }
0x833: {  	[tilespmem:v17+s23+$0x0] =	vst.idx.msk $0xffff, v8  }
0x834: {  	[tilespmem:v10+s23+$0x0] =	vst.idx.msk $0xffff, v9  }
0x835: {  	v17 =	vld [tilespmem:$0x1EF90]  }
0x836: {  	v10 =	vld [tilespmem:$0x1F900];
	_ =	sdelay $0x5  }
0x837: {  	v8 =	vld.idx.msk [tilespmem:v36+s20+$0x0], $0xffff  }
0x838: {  	v9 =	vld.idx.msk [tilespmem:v17+s20+$0x0], $0xffff  }
0x839: {  	v13 =	vld.idx.msk [tilespmem:v10+s20+$0x0], $0xffff;
	_ =	sdelay $0x2  }
0x83a: {  	v8 =	vmul.f32 v8, v4  }
0x83b: {  	v9 =	vmul.f32 v9, v55  }
0x83c: {  	[tilespmem:v36+s23+$0x0] =	vst.idx.msk $0xffff, v8;
	v8 =	vmul.f32 v13, v0  }
0x83d: {  	[tilespmem:v17+s23+$0x0] =	vst.idx.msk $0xffff, v9  }
0x83e: {  	[tilespmem:v10+s23+$0x0] =	vst.idx.msk $0xffff, v8  }
0x83f: {  	v17 =	vld [tilespmem:$0x1EF80]  }
0x840: {  	v10 =	vld [tilespmem:$0x1F8C0];
	_ =	sdelay $0x5  }
0x841: {  	v9 =	vld.idx.msk [tilespmem:v15+s20+$0x0], $0xffff  }
0x842: {  	v8 =	vld.idx.msk [tilespmem:v17+s20+$0x0], $0xffff  }
0x843: {  	v13 =	vld.idx.msk [tilespmem:v10+s20+$0x0], $0xffff;
	_ =	sdelay $0x2  }
0x844: {  	v9 =	vmul.f32 v9, v4  }
0x845: {  	v8 =	vmul.f32 v8, v55  }
0x846: {  	[tilespmem:v15+s23+$0x0] =	vst.idx.msk $0xffff, v9;
	v9 =	vmul.f32 v13, v0  }
0x847: {  	[tilespmem:v17+s23+$0x0] =	vst.idx.msk $0xffff, v8  }
0x848: {  	[tilespmem:v10+s23+$0x0] =	vst.idx.msk $0xffff, v9  }
0x849: {  	v15 =	vld [tilespmem:$0x1EF60]  }
0x84a: {  	v10 =	vld [tilespmem:$0x1F8A0];
	_ =	sdelay $0x5  }
0x84b: {  	v8 =	vld.idx.msk [tilespmem:v6+s20+$0x0], $0xffff  }
0x84c: {  	v9 =	vld.idx.msk [tilespmem:v15+s20+$0x0], $0xffff  }
0x84d: {  	v13 =	vld.idx.msk [tilespmem:v10+s20+$0x0], $0xffff  }
0x84e: {  	v3 =	vmul.f32 v3, v62;
	_ =	sdelay $0x1  }
0x84f: {  	[tilespmem:v39+s23+$0x0] =	vst.idx.msk $0xffff, v3;
	v3 =	vmul.f32 v8, v4  }
0x850: {  	v8 =	vmul.f32 v9, v55  }
0x851: {  	v17 =	vld [tilespmem:$0x1F000];
	[tilespmem:v6+s23+$0x0] =	vst.idx.msk $0xffff, v3;
	v3 =	vmul.f32 v13, v0  }
0x852: {  	[tilespmem:v15+s23+$0x0] =	vst.idx.msk $0xffff, v8  }
0x853: {  	[tilespmem:v10+s23+$0x0] =	vst.idx.msk $0xffff, v3  }
0x854: {  	v15 =	vld [tilespmem:$0x1F410]  }
0x855: {  	v10 =	vld [tilespmem:$0x1F850];
	_ =	sdelay $0x4  }
0x856: {  	v9 =	vld.idx.msk [tilespmem:v17+s20+$0x0], $0xffff  }
0x857: {  	v6 =	vld.idx.msk [tilespmem:v27+s20+$0x0], $0xffff  }
0x858: {  	v3 =	vld.idx.msk [tilespmem:v15+s20+$0x0], $0xffff  }
0x859: {  	v8 =	vld.idx.msk [tilespmem:v10+s20+$0x0], $0xffff;
	_ =	sdelay $0x1  }
0x85a: {  	v9 =	vmul.f32 v9, v62  }
0x85b: {  	v6 =	vmul.f32 v6, v4  }
0x85c: {  	[tilespmem:v17+s23+$0x0] =	vst.idx.msk $0xffff, v9;
	v3 =	vmul.f32 v3, v55  }
0x85d: {  	v13 =	vld [tilespmem:$0x1F010];
	[tilespmem:v27+s23+$0x0] =	vst.idx.msk $0xffff, v6;
	v6 =	vmul.f32 v8, v0  }
0x85e: {  	[tilespmem:v15+s23+$0x0] =	vst.idx.msk $0xffff, v3  }
0x85f: {  	[tilespmem:v10+s23+$0x0] =	vst.idx.msk $0xffff, v6  }
0x860: {  	v15 =	vld [tilespmem:$0x1F430]  }
0x861: {  	v10 =	vld [tilespmem:$0x1F820];
	_ =	sdelay $0x4  }
0x862: {  	v9 =	vld.idx.msk [tilespmem:v13+s20+$0x0], $0xffff  }
0x863: {  	v3 =	vld.idx.msk [tilespmem:v25+s20+$0x0], $0xffff  }
0x864: {  	v6 =	vld.idx.msk [tilespmem:v15+s20+$0x0], $0xffff  }
0x865: {  	v8 =	vld.idx.msk [tilespmem:v10+s20+$0x0], $0xffff;
	_ =	sdelay $0x1  }
0x866: {  	v9 =	vmul.f32 v9, v62  }
0x867: {  	v3 =	vmul.f32 v3, v4  }
0x868: {  	[tilespmem:v13+s23+$0x0] =	vst.idx.msk $0xffff, v9;
	v6 =	vmul.f32 v6, v55  }
0x869: {  	v13 =	vld [tilespmem:$0x1F020];
	[tilespmem:v25+s23+$0x0] =	vst.idx.msk $0xffff, v3;
	v3 =	vmul.f32 v8, v0  }
0x86a: {  	[tilespmem:v15+s23+$0x0] =	vst.idx.msk $0xffff, v6  }
0x86b: {  	[tilespmem:v10+s23+$0x0] =	vst.idx.msk $0xffff, v3  }
0x86c: {  	v15 =	vld [tilespmem:$0x1F450]  }
0x86d: {  	v10 =	vld [tilespmem:$0x1F7F0];
	_ =	sdelay $0x4  }
0x86e: {  	v9 =	vld.idx.msk [tilespmem:v13+s20+$0x0], $0xffff  }
0x86f: {  	v6 =	vld.idx.msk [tilespmem:v23+s20+$0x0], $0xffff  }
0x870: {  	v3 =	vld.idx.msk [tilespmem:v15+s20+$0x0], $0xffff  }
0x871: {  	v8 =	vld.idx.msk [tilespmem:v10+s20+$0x0], $0xffff;
	_ =	sdelay $0x1  }
0x872: {  	v9 =	vmul.f32 v9, v62  }
0x873: {  	v6 =	vmul.f32 v6, v4  }
0x874: {  	[tilespmem:v13+s23+$0x0] =	vst.idx.msk $0xffff, v9;
	v3 =	vmul.f32 v3, v55  }
0x875: {  	v13 =	vld [tilespmem:$0x1F030];
	[tilespmem:v23+s23+$0x0] =	vst.idx.msk $0xffff, v6;
	v6 =	vmul.f32 v8, v0  }
0x876: {  	[tilespmem:v15+s23+$0x0] =	vst.idx.msk $0xffff, v3  }
0x877: {  	[tilespmem:v10+s23+$0x0] =	vst.idx.msk $0xffff, v6  }
0x878: {  	v10 =	vld [tilespmem:$0x1F470]  }
0x879: {  	v15 =	vld [tilespmem:$0x1F7D0];
	_ =	sdelay $0x3  }
0x87a: {  	v9 =	vld.idx.msk [tilespmem:v13+s20+$0x0], $0xffff;
	_ =	sdelay $0x1  }
0x87b: {  	v3 =	vld.idx.msk [tilespmem:v20+s20+$0x0], $0xffff  }
0x87c: {  	v6 =	vld.idx.msk [tilespmem:v10+s20+$0x0], $0xffff  }
0x87d: {  	v8 =	vld.idx.msk [tilespmem:v15+s20+$0x0], $0xffff  }
0x87e: {  	v9 =	vmul.f32 v9, v62;
	_ =	sdelay $0x1  }
0x87f: {  	[tilespmem:v13+s23+$0x0] =	vst.idx.msk $0xffff, v9;
	v3 =	vmul.f32 v3, v4  }
0x880: {  	v13 =	vld [tilespmem:$0x1F040];
	v6 =	vmul.f32 v6, v55  }
0x881: {  	[tilespmem:v20+s23+$0x0] =	vst.idx.msk $0xffff, v3;
	v3 =	vmul.f32 v8, v0  }
0x882: {  	[tilespmem:v10+s23+$0x0] =	vst.idx.msk $0xffff, v6  }
0x883: {  	[tilespmem:v15+s23+$0x0] =	vst.idx.msk $0xffff, v3  }
0x884: {  	v53 =	vld [tilespmem:$0x1F490]  }
0x885: {  	v10 =	vld [tilespmem:$0x1F7B0];
	_ =	sdelay $0x2  }
0x886: {  	v9 =	vld.idx.msk [tilespmem:v13+s20+$0x0], $0xffff  }
0x887: {  	v6 =	vld.idx.msk [tilespmem:v29+s20+$0x0], $0xffff;
	_ =	sdelay $0x2  }
0x888: {  	v3 =	vld.idx.msk [tilespmem:v53+s20+$0x0], $0xffff  }
0x889: {  	v9 =	vmul.f32 v9, v62;
	v8 =	vld.idx.msk [tilespmem:v10+s20+$0x0], $0xffff  }
0x88a: {  	v6 =	vmul.f32 v6, v4  }
0x88b: {  	[tilespmem:v13+s23+$0x0] =	vst.idx.msk $0xffff, v9  }
0x88c: {  	v17 =	vld [tilespmem:$0x1F050];
	[tilespmem:v29+s23+$0x0] =	vst.idx.msk $0xffff, v6  }
0x88d: {  	v15 =	vld [tilespmem:$0x1E980];
	v3 =	vmul.f32 v3, v55  }
0x88e: {  	v6 =	vmul.f32 v8, v0  }
0x88f: {  	[tilespmem:v53+s23+$0x0] =	vst.idx.msk $0xffff, v3  }
0x890: {  	[tilespmem:v10+s23+$0x0] =	vst.idx.msk $0xffff, v6  }
0x891: {  	v18 =	vld [tilespmem:$0x1F4A0]  }
0x892: {  	v10 =	vld [tilespmem:$0x1F790];
	_ =	sdelay $0x1  }
0x893: {  	v9 =	vld.idx.msk [tilespmem:v17+s20+$0x0], $0xffff  }
0x894: {  	v8 =	vld.idx.msk [tilespmem:v15+s20+$0x0], $0xffff  }
0x895: {  	v3 =	vld.idx.msk [tilespmem:v21+s20+$0x0], $0xffff;
	_ =	sdelay $0x2  }
0x896: {  	v9 =	vmul.f32 v9, v62;
	v6 =	vld.idx.msk [tilespmem:v18+s20+$0x0], $0xffff  }
0x897: {  	v8 =	vmul.f32 v8, v59;
	v13 =	vld.idx.msk [tilespmem:v10+s20+$0x0], $0xffff  }
0x898: {  	[tilespmem:v17+s23+$0x0] =	vst.idx.msk $0xffff, v9;
	v3 =	vmul.f32 v3, v4  }
0x899: {  	[tilespmem:v15+s23+$0x0] =	vst.idx.msk $0xffff, v8  }
0x89a: {  	v17 =	vld [tilespmem:$0x1F060];
	[tilespmem:v21+s23+$0x0] =	vst.idx.msk $0xffff, v3  }
0x89b: {  	v15 =	vld [tilespmem:$0x1E970];
	v6 =	vmul.f32 v6, v55  }
0x89c: {  	v3 =	vmul.f32 v13, v0  }
0x89d: {  	[tilespmem:v18+s23+$0x0] =	vst.idx.msk $0xffff, v6  }
0x89e: {  	[tilespmem:v10+s23+$0x0] =	vst.idx.msk $0xffff, v3  }
0x89f: {  	v18 =	vld [tilespmem:$0x1F3F0]  }
0x8a0: {  	v10 =	vld [tilespmem:$0x1F770];
	_ =	sdelay $0x1  }
0x8a1: {  	v8 =	vld.idx.msk [tilespmem:v17+s20+$0x0], $0xffff  }
0x8a2: {  	v9 =	vld.idx.msk [tilespmem:v15+s20+$0x0], $0xffff  }
0x8a3: {  	v6 =	vld.idx.msk [tilespmem:v16+s20+$0x0], $0xffff;
	_ =	sdelay $0x2  }
0x8a4: {  	v8 =	vmul.f32 v8, v62;
	v3 =	vld.idx.msk [tilespmem:v18+s20+$0x0], $0xffff  }
0x8a5: {  	v9 =	vmul.f32 v9, v59;
	v13 =	vld.idx.msk [tilespmem:v10+s20+$0x0], $0xffff  }
0x8a6: {  	v6 =	vmul.f32 v6, v4;
	[tilespmem:v17+s23+$0x0] =	vst.idx.msk $0xffff, v8  }
0x8a7: {  	[tilespmem:v15+s23+$0x0] =	vst.idx.msk $0xffff, v9  }
0x8a8: {  	v17 =	vld [tilespmem:$0x1F070];
	[tilespmem:v16+s23+$0x0] =	vst.idx.msk $0xffff, v6  }
0x8a9: {  	v15 =	vld [tilespmem:$0x1E960];
	v3 =	vmul.f32 v3, v55  }
0x8aa: {  	v9 =	vmul.f32 v13, v0  }
0x8ab: {  	[tilespmem:v18+s23+$0x0] =	vst.idx.msk $0xffff, v3  }
0x8ac: {  	[tilespmem:v10+s23+$0x0] =	vst.idx.msk $0xffff, v9  }
0x8ad: {  	v16 =	vld [tilespmem:$0x1F3C0]  }
0x8ae: {  	v10 =	vld [tilespmem:$0x1F730];
	_ =	sdelay $0x1  }
0x8af: {  	v8 =	vld.idx.msk [tilespmem:v17+s20+$0x0], $0xffff  }
0x8b0: {  	v6 =	vld.idx.msk [tilespmem:v15+s20+$0x0], $0xffff;
	_ =	sdelay $0x1  }
0x8b1: {  	v3 =	vld.idx.msk [tilespmem:v14+s20+$0x0], $0xffff;
	_ =	sdelay $0x1  }
0x8b2: {  	v8 =	vmul.f32 v8, v62;
	v9 =	vld.idx.msk [tilespmem:v16+s20+$0x0], $0xffff  }
0x8b3: {  	v6 =	vmul.f32 v6, v59;
	v13 =	vld.idx.msk [tilespmem:v10+s20+$0x0], $0xffff  }
0x8b4: {  	[tilespmem:v17+s23+$0x0] =	vst.idx.msk $0xffff, v8  }
0x8b5: {  	v3 =	vmul.f32 v3, v4;
	[tilespmem:v15+s23+$0x0] =	vst.idx.msk $0xffff, v6  }
0x8b6: {  	v15 =	vld [tilespmem:$0x1F080]  }
0x8b7: {  	[tilespmem:v14+s23+$0x0] =	vst.idx.msk $0xffff, v3;
	v8 =	vmul.f32 v9, v55  }
0x8b8: {  	v14 =	vld [tilespmem:$0x1E950];
	v9 =	vmul.f32 v13, v0  }
0x8b9: {  	[tilespmem:v16+s23+$0x0] =	vst.idx.msk $0xffff, v8  }
0x8ba: {  	v16 =	vld [tilespmem:$0x1F3A0];
	[tilespmem:v10+s23+$0x0] =	vst.idx.msk $0xffff, v9  }
0x8bb: {  	v18 =	vld [tilespmem:$0x1F6D0];
	_ =	sdelay $0x2  }
0x8bc: {  	v6 =	vld.idx.msk [tilespmem:v15+s20+$0x0], $0xffff;
	_ =	sdelay $0x1  }
0x8bd: {  	v3 =	vld.idx.msk [tilespmem:v14+s20+$0x0], $0xffff  }
0x8be: {  	v8 =	vld.idx.msk [tilespmem:v41+s20+$0x0], $0xffff  }
0x8bf: {  	v13 =	vld.idx.msk [tilespmem:v16+s20+$0x0], $0xffff  }
0x8c0: {  	v6 =	vmul.f32 v6, v62;
	v9 =	vld.idx.msk [tilespmem:v18+s20+$0x0], $0xffff;
	_ =	sdelay $0x1  }
0x8c1: {  	v3 =	vmul.f32 v3, v59;
	[tilespmem:v15+s23+$0x0] =	vst.idx.msk $0xffff, v6  }
0x8c2: {  	v6 =	vmul.f32 v8, v4;
	v15 =	vld [tilespmem:$0x1F0B0]  }
0x8c3: {  	[tilespmem:v14+s23+$0x0] =	vst.idx.msk $0xffff, v3;
	v3 =	vmul.f32 v13, v55  }
0x8c4: {  	v14 =	vld [tilespmem:$0x1E940];
	[tilespmem:v41+s23+$0x0] =	vst.idx.msk $0xffff, v6;
	v6 =	vmul.f32 v9, v0  }
0x8c5: {  	[tilespmem:v16+s23+$0x0] =	vst.idx.msk $0xffff, v3  }
0x8c6: {  	v17 =	vld [tilespmem:$0x1F380];
	[tilespmem:v18+s23+$0x0] =	vst.idx.msk $0xffff, v6  }
0x8c7: {  	v18 =	vld [tilespmem:$0x1F680];
	_ =	sdelay $0x2  }
0x8c8: {  	v8 =	vld.idx.msk [tilespmem:v15+s20+$0x0], $0xffff;
	_ =	sdelay $0x1  }
0x8c9: {  	v13 =	vld.idx.msk [tilespmem:v14+s20+$0x0], $0xffff  }
0x8ca: {  	v9 =	vld.idx.msk [tilespmem:v12+s20+$0x0], $0xffff  }
0x8cb: {  	v3 =	vld.idx.msk [tilespmem:v17+s20+$0x0], $0xffff  }
0x8cc: {  	v8 =	vmul.f32 v8, v62;
	v6 =	vld.idx.msk [tilespmem:v18+s20+$0x0], $0xffff;
	_ =	sdelay $0x1  }
0x8cd: {  	v13 =	vmul.f32 v13, v59;
	[tilespmem:v15+s23+$0x0] =	vst.idx.msk $0xffff, v8  }
0x8ce: {  	v8 =	vmul.f32 v9, v4;
	v16 =	vld [tilespmem:$0x1F0E0]  }
0x8cf: {  	[tilespmem:v14+s23+$0x0] =	vst.idx.msk $0xffff, v13;
	v3 =	vmul.f32 v3, v55  }
0x8d0: {  	v14 =	vld [tilespmem:$0x1E930];
	[tilespmem:v12+s23+$0x0] =	vst.idx.msk $0xffff, v8;
	v6 =	vmul.f32 v6, v0  }
0x8d1: {  	[tilespmem:v17+s23+$0x0] =	vst.idx.msk $0xffff, v3  }
0x8d2: {  	v15 =	vld [tilespmem:$0x1F290];
	[tilespmem:v18+s23+$0x0] =	vst.idx.msk $0xffff, v6  }
0x8d3: {  	v17 =	vld [tilespmem:$0x1F660];
	_ =	sdelay $0x2  }
0x8d4: {  	v9 =	vld.idx.msk [tilespmem:v16+s20+$0x0], $0xffff;
	_ =	sdelay $0x1  }
0x8d5: {  	v13 =	vld.idx.msk [tilespmem:v14+s20+$0x0], $0xffff  }
0x8d6: {  	v8 =	vld.idx.msk [tilespmem:v11+s20+$0x0], $0xffff  }
0x8d7: {  	v3 =	vld.idx.msk [tilespmem:v15+s20+$0x0], $0xffff  }
0x8d8: {  	v9 =	vmul.f32 v9, v62;
	v6 =	vld.idx.msk [tilespmem:v17+s20+$0x0], $0xffff;
	_ =	sdelay $0x1  }
0x8d9: {  	v12 =	vmul.f32 v13, v59;
	[tilespmem:v16+s23+$0x0] =	vst.idx.msk $0xffff, v9  }
0x8da: {  	v8 =	vmul.f32 v8, v4;
	v16 =	vld [tilespmem:$0x1F0F0]  }
0x8db: {  	[tilespmem:v14+s23+$0x0] =	vst.idx.msk $0xffff, v12;
	v3 =	vmul.f32 v3, v55  }
0x8dc: {  	v13 =	vld [tilespmem:$0x1E920];
	[tilespmem:v11+s23+$0x0] =	vst.idx.msk $0xffff, v8;
	v6 =	vmul.f32 v6, v0  }
0x8dd: {  	[tilespmem:v15+s23+$0x0] =	vst.idx.msk $0xffff, v3  }
0x8de: {  	v14 =	vld [tilespmem:$0x1EF50];
	[tilespmem:v17+s23+$0x0] =	vst.idx.msk $0xffff, v6  }
0x8df: {  	v17 =	vld [tilespmem:$0x1F5E0];
	_ =	sdelay $0x2  }
0x8e0: {  	v9 =	vld.idx.msk [tilespmem:v16+s20+$0x0], $0xffff;
	_ =	sdelay $0x1  }
0x8e1: {  	v12 =	vld.idx.msk [tilespmem:v13+s20+$0x0], $0xffff  }
0x8e2: {  	v8 =	vld.idx.msk [tilespmem:v7+s20+$0x0], $0xffff  }
0x8e3: {  	v3 =	vld.idx.msk [tilespmem:v14+s20+$0x0], $0xffff  }
0x8e4: {  	v9 =	vmul.f32 v9, v62;
	v6 =	vld.idx.msk [tilespmem:v17+s20+$0x0], $0xffff;
	_ =	sdelay $0x1  }
0x8e5: {  	v11 =	vmul.f32 v12, v59;
	[tilespmem:v16+s23+$0x0] =	vst.idx.msk $0xffff, v9  }
0x8e6: {  	v8 =	vmul.f32 v8, v4;
	v15 =	vld [tilespmem:$0x1F150]  }
0x8e7: {  	[tilespmem:v13+s23+$0x0] =	vst.idx.msk $0xffff, v11;
	v3 =	vmul.f32 v3, v55  }
0x8e8: {  	v12 =	vld [tilespmem:$0x1E910];
	[tilespmem:v7+s23+$0x0] =	vst.idx.msk $0xffff, v8;
	v6 =	vmul.f32 v6, v0  }
0x8e9: {  	[tilespmem:v14+s23+$0x0] =	vst.idx.msk $0xffff, v3  }
0x8ea: {  	v13 =	vld [tilespmem:$0x1EF30];
	[tilespmem:v17+s23+$0x0] =	vst.idx.msk $0xffff, v6  }
0x8eb: {  	v16 =	vld [tilespmem:$0x1F5C0];
	_ =	sdelay $0x2  }
0x8ec: {  	v9 =	vld.idx.msk [tilespmem:v15+s20+$0x0], $0xffff;
	_ =	sdelay $0x1  }
0x8ed: {  	v11 =	vld.idx.msk [tilespmem:v12+s20+$0x0], $0xffff  }
0x8ee: {  	v7 =	vld.idx.msk [tilespmem:v38+s20+$0x0], $0xffff  }
0x8ef: {  	v3 =	vld.idx.msk [tilespmem:v13+s20+$0x0], $0xffff  }
0x8f0: {  	v8 =	vmul.f32 v9, v62;
	v6 =	vld.idx.msk [tilespmem:v16+s20+$0x0], $0xffff;
	_ =	sdelay $0x1  }
0x8f1: {  	v9 =	vmul.f32 v11, v59;
	[tilespmem:v15+s23+$0x0] =	vst.idx.msk $0xffff, v8  }
0x8f2: {  	v7 =	vmul.f32 v7, v4;
	v14 =	vld [tilespmem:$0x1F160]  }
0x8f3: {  	[tilespmem:v12+s23+$0x0] =	vst.idx.msk $0xffff, v9;
	v3 =	vmul.f32 v3, v55  }
0x8f4: {  	v11 =	vld [tilespmem:$0x1E900];
	[tilespmem:v38+s23+$0x0] =	vst.idx.msk $0xffff, v7;
	v6 =	vmul.f32 v6, v0  }
0x8f5: {  	[tilespmem:v13+s23+$0x0] =	vst.idx.msk $0xffff, v3  }
0x8f6: {  	v12 =	vld [tilespmem:$0x1EF10];
	[tilespmem:v16+s23+$0x0] =	vst.idx.msk $0xffff, v6  }
0x8f7: {  	v15 =	vld [tilespmem:$0x1F580];
	_ =	sdelay $0x2  }
0x8f8: {  	v8 =	vld.idx.msk [tilespmem:v14+s20+$0x0], $0xffff;
	_ =	sdelay $0x1  }
0x8f9: {  	v9 =	vld.idx.msk [tilespmem:v11+s20+$0x0], $0xffff  }
0x8fa: {  	v7 =	vld.idx.msk [tilespmem:v45+s20+$0x0], $0xffff  }
0x8fb: {  	v3 =	vld.idx.msk [tilespmem:v12+s20+$0x0], $0xffff  }
0x8fc: {  	v8 =	vmul.f32 v8, v62;
	v6 =	vld.idx.msk [tilespmem:v15+s20+$0x0], $0xffff;
	_ =	sdelay $0x1  }
0x8fd: {  	v9 =	vmul.f32 v9, v59;
	[tilespmem:v14+s23+$0x0] =	vst.idx.msk $0xffff, v8  }
0x8fe: {  	v7 =	vmul.f32 v7, v4;
	v13 =	vld [tilespmem:$0x1F170]  }
0x8ff: {  	[tilespmem:v11+s23+$0x0] =	vst.idx.msk $0xffff, v9;
	v3 =	vmul.f32 v3, v55  }
0x900: {  	v11 =	vld [tilespmem:$0x1E8F0];
	[tilespmem:v45+s23+$0x0] =	vst.idx.msk $0xffff, v7;
	v6 =	vmul.f32 v6, v0  }
0x901: {  	[tilespmem:v12+s23+$0x0] =	vst.idx.msk $0xffff, v3  }
0x902: {  	v12 =	vld [tilespmem:$0x1EF00];
	[tilespmem:v15+s23+$0x0] =	vst.idx.msk $0xffff, v6  }
0x903: {  	v14 =	vld [tilespmem:$0x1F550];
	_ =	sdelay $0x2  }
0x904: {  	v8 =	vld.idx.msk [tilespmem:v13+s20+$0x0], $0xffff;
	_ =	sdelay $0x1  }
0x905: {  	v9 =	vld.idx.msk [tilespmem:v11+s20+$0x0], $0xffff  }
0x906: {  	v7 =	vld.idx.msk [tilespmem:v5+s20+$0x0], $0xffff  }
0x907: {  	v3 =	vld.idx.msk [tilespmem:v12+s20+$0x0], $0xffff  }
0x908: {  	v8 =	vmul.f32 v8, v62;
	v6 =	vld.idx.msk [tilespmem:v14+s20+$0x0], $0xffff;
	_ =	sdelay $0x1  }
0x909: {  	v9 =	vmul.f32 v9, v59;
	[tilespmem:v13+s23+$0x0] =	vst.idx.msk $0xffff, v8  }
0x90a: {  	v7 =	vmul.f32 v7, v4;
	v13 =	vld [tilespmem:$0x1F210]  }
0x90b: {  	[tilespmem:v11+s23+$0x0] =	vst.idx.msk $0xffff, v9;
	v3 =	vmul.f32 v3, v55  }
0x90c: {  	v11 =	vld [tilespmem:$0x1E8E0];
	[tilespmem:v5+s23+$0x0] =	vst.idx.msk $0xffff, v7;
	v5 =	vmul.f32 v6, v0  }
0x90d: {  	[tilespmem:v12+s23+$0x0] =	vst.idx.msk $0xffff, v3  }
0x90e: {  	v12 =	vld [tilespmem:$0x1EEE0];
	[tilespmem:v14+s23+$0x0] =	vst.idx.msk $0xffff, v5  }
0x90f: {  	v14 =	vld [tilespmem:$0x1F510];
	_ =	sdelay $0x2  }
0x910: {  	v8 =	vld.idx.msk [tilespmem:v13+s20+$0x0], $0xffff;
	_ =	sdelay $0x1  }
0x911: {  	v9 =	vld.idx.msk [tilespmem:v11+s20+$0x0], $0xffff  }
0x912: {  	v6 =	vld.idx.msk [tilespmem:v2+s20+$0x0], $0xffff  }
0x913: {  	v3 =	vld.idx.msk [tilespmem:v12+s20+$0x0], $0xffff  }
0x914: {  	v7 =	vmul.f32 v8, v62;
	v5 =	vld.idx.msk [tilespmem:v14+s20+$0x0], $0xffff;
	_ =	sdelay $0x1  }
0x915: {  	v8 =	vmul.f32 v9, v59;
	[tilespmem:v13+s23+$0x0] =	vst.idx.msk $0xffff, v7  }
0x916: {  	v6 =	vmul.f32 v6, v4;
	v13 =	vld [tilespmem:$0x1F230]  }
0x917: {  	[tilespmem:v11+s23+$0x0] =	vst.idx.msk $0xffff, v8;
	v3 =	vmul.f32 v3, v55  }
0x918: {  	v9 =	vld [tilespmem:$0x1E8D0];
	[tilespmem:v2+s23+$0x0] =	vst.idx.msk $0xffff, v6;
	v54 =	vmul.f32 v5, v0  }
0x919: {  	[tilespmem:v12+s23+$0x0] =	vst.idx.msk $0xffff, v3  }
0x91a: {  	v11 =	vld [tilespmem:$0x1EEC0];
	[tilespmem:v14+s23+$0x0] =	vst.idx.msk $0xffff, v54  }
0x91b: {  	v12 =	vld [tilespmem:$0x1F4D0];
	_ =	sdelay $0x2  }
0x91c: {  	v7 =	vld.idx.msk [tilespmem:v13+s20+$0x0], $0xffff  }
0x91d: {  	v5 =	vld.idx.msk [tilespmem:v1+s20+$0x0], $0xffff;
	_ =	sdelay $0x1  }
0x91e: {  	v8 =	vld.idx.msk [tilespmem:v9+s20+$0x0], $0xffff  }
0x91f: {  	v3 =	vld.idx.msk [tilespmem:v11+s20+$0x0], $0xffff  }
0x920: {  	v58 =	vmul.f32 v7, v62;
	v7 =	vlaneseq.u32;
	v6 =	vld.idx.msk [tilespmem:v12+s20+$0x0], $0xffff  }
0x921: {  	v4 =	vmul.f32 v5, v4;
	v16 =	vmul.u32 $0x21, v7;
	_ =	sdelay $0x1  }
0x922: {  	[tilespmem:v1+s23+$0x0] =	vst.idx.msk $0xffff, v4;
	v7 =	vmul.f32 v8, v59;
	v2 =	vor.u32 $0x3000, v16  }
0x923: {  	[tilespmem:v13+s23+$0x0] =	vst.idx.msk $0xffff, v58;
	v3 =	vmul.f32 v3, v55  }
0x924: {  	[tilespmem:v9+s23+$0x0] =	vst.idx.msk $0xffff, v7;
	v60 =	vmul.f32 v6, v0  }
0x925: {  	[tilespmem:v11+s23+$0x0] =	vst.idx.msk $0xffff, v3  }
0x926: {  	v1 =	vadd.s32 $0x3002, v16;
	[tilespmem:v12+s23+$0x0] =	vst.idx.msk $0xffff, v60  }
0x927: {  	v14 =	vld.idx.msk [tilespmem:v2+s20+$0x0], $0xffff  }
0x928: {  	v15 =	vld.idx.msk [tilespmem:v2+s21+$0x0], $0xffff  }
0x929: {  	v17 =	vld [tilespmem:$0xE5B0]  }
0x92a: {  	v4 =	vadd.s32 $0x3004, v16;
	v20 =	vld [tilespmem:$0xE5C0]  }
0x92b: {  	v21 =	vld.idx.msk [tilespmem:v1+s20+$0x0], $0xffff  }
0x92c: {  	v22 =	vld.idx.msk [tilespmem:v1+s21+$0x0], $0xffff  }
0x92d: {  	v5 =	vadd.s32 $0x3005, v16;
	v23 =	vld [tilespmem:$0xE5D0]  }
0x92e: {  	v26 =	vld [tilespmem:$0xE5E0]  }
0x92f: {  	v27 =	vld.idx.msk [tilespmem:v4+s20+$0x0], $0xffff  }
0x930: {  	v28 =	vld.idx.msk [tilespmem:v4+s21+$0x0], $0xffff  }
0x931: {  	v7 =	vadd.s32 $0x3007, v16;
	v29 =	vld [tilespmem:$0xE5F0]  }
0x932: {  	v30 =	vld.idx.msk [tilespmem:v5+s20+$0x0], $0xffff  }
0x933: {  	v31 =	vld.idx.msk [tilespmem:v5+s21+$0x0], $0xffff  }
0x934: {  	v8 =	vadd.s32 $0x3008, v16;
	v32 =	vld [tilespmem:$0xE600]  }
0x935: {  	v35 =	vld [tilespmem:$0xE610]  }
0x936: {  	v36 =	vld.idx.msk [tilespmem:v7+s20+$0x0], $0xffff  }
0x937: {  	v9 =	vadd.s32 $0x3009, v16;
	v37 =	vld.idx.msk [tilespmem:v7+s21+$0x0], $0xffff  }
0x938: {  	v38 =	vld [tilespmem:$0xE620]  }
0x939: {  	v39 =	vld.idx.msk [tilespmem:v8+s20+$0x0], $0xffff  }
0x93a: {  	v10 =	vadd.s32 $0x300A, v16;
	v40 =	vld.idx.msk [tilespmem:v8+s21+$0x0], $0xffff  }
0x93b: {  	v41 =	vld [tilespmem:$0xE630]  }
0x93c: {  	v42 =	vld.idx.msk [tilespmem:v9+s20+$0x0], $0xffff  }
0x93d: {  	v43 =	vld.idx.msk [tilespmem:v9+s21+$0x0], $0xffff  }
0x93e: {  	v13 =	vadd.s32 $0x300D, v16;
	v44 =	vld [tilespmem:$0xE640]  }
0x93f: {  	v45 =	vld.idx.msk [tilespmem:v10+s20+$0x0], $0xffff  }
0x940: {  	v46 =	vld.idx.msk [tilespmem:v10+s21+$0x0], $0xffff  }
0x941: {  	v0 =	vadd.s32 $0x3001, v16;
	v47 =	vld [tilespmem:$0xE650]  }
0x942: {  	v50 =	vld [tilespmem:$0xE660]  }
0x943: {  	v6 =	vadd.s32 $0x3006, v16;
	v53 =	vld.idx.msk [tilespmem:v13+s20+$0x0], $0xffff  }
0x944: {  	v3 =	vadd.s32 $0x3003, v16;
	v55 =	vld.idx.msk [tilespmem:v13+s21+$0x0], $0xffff  }
0x945: {  	v52 =	vld [tilespmem:$0x1FD10]  }
0x946: {  	v18 =	vld.idx.msk [tilespmem:v0+s20+$0x0], $0xffff  }
0x947: {  	v11 =	vadd.s32 $0x300B, v16;
	v62 =	vld.idx.msk [tilespmem:v0+s21+$0x0], $0xffff  }
0x948: {  	v33 =	vld.idx.msk [tilespmem:v6+s20+$0x0], $0xffff  }
0x949: {  	v12 =	vadd.s32 $0x300C, v16;
	v24 =	vld.idx.msk [tilespmem:v3+s20+$0x0], $0xffff  }
0x94a: {  	v25 =	vld.idx.msk [tilespmem:v3+s21+$0x0], $0xffff  }
0x94b: {  	v34 =	vld.idx.msk [tilespmem:v6+s21+$0x0], $0xffff;
	v15 =	vadd.f32 v15, v14  }
0x94c: {  	v48 =	vld.idx.msk [tilespmem:v11+s20+$0x0], $0xffff  }
0x94d: {  	v58 =	vld.idx.msk [tilespmem:v11+s21+$0x0], $0xffff;
	v14 =	vadd.s32 $0x300E, v16;
	v60 =	vmul.f32 $2.000000030e-01, v15  }
0x94e: {  	v49 =	vld.idx.msk [tilespmem:v12+s20+$0x0], $0xffff;
	v18 =	vadd.f32 v62, v18  }
0x94f: {  	v19 =	vld.idx.msk [tilespmem:v12+s21+$0x0], $0xffff;
	v21 =	vadd.f32 v22, v21;
	v24 =	vadd.f32 v25, v24;
	v15 =	vmax.f32 v15, v60  }
0x950: {  	v22 =	vld [tilespmem:$0xE670];
	v62 =	vmul.f32 $2.000000030e-01, v18;
	v17 =	vmul.f32 v15, v17;
	v15 =	vadd.s32 $0x300F, v16  }
0x951: {  	v59 =	vmul.f32 $2.000000030e-01, v21;
	v25 =	vld [tilespmem:$0xE680]  }
0x952: {  	v27 =	vadd.f32 v28, v27;
	v60 =	vmul.f32 $2.000000030e-01, v24;
	v28 =	vld.idx.msk [tilespmem:v14+s21+$0x0], $0xffff;
	v18 =	vmax.f32 v18, v62  }
0x953: {  	v16 =	vadd.s32 $0x3010, v16;
	v18 =	vmul.f32 v18, v20;
	v20 =	vmax.f32 v21, v59;
	v21 =	vld.idx.msk [tilespmem:v14+s20+$0x0], $0xffff  }
0x954: {  	v62 =	vmul.f32 v20, v23;
	v20 =	vld [tilespmem:$0xE690]  }
0x955: {  	v30 =	vadd.f32 v31, v30;
	v23 =	vmax.f32 v24, v60;
	v24 =	vmul.f32 $2.000000030e-01, v27;
	v31 =	vld.idx.msk [tilespmem:v15+s20+$0x0], $0xffff  }
0x956: {  	v54 =	vmul.f32 v23, v26;
	v23 =	vld.idx.msk [tilespmem:v15+s21+$0x0], $0xffff  }
0x957: {  	v17 =	vadd.f32 $0.0e+00, v17;
	v24 =	vmax.f32 v27, v24;
	v27 =	vadd.f32 v34, v33;
	v33 =	vld [tilespmem:$0xE6A0]  }
0x958: {  	v26 =	vmul.f32 $2.000000030e-01, v30;
	v34 =	vld.idx.msk [tilespmem:v16+s21+$0x0], $0xffff  }
0x959: {  	v17 =	vadd.f32 v18, v17;
	v59 =	vmul.f32 v24, v29;
	v24 =	vld.idx.msk [tilespmem:v16+s20+$0x0], $0xffff  }
0x95a: {  	v26 =	vmax.f32 v30, v26;
	v30 =	vadd.f32 v37, v36;
	v36 =	vld.idx.msk [tilespmem:v52+s20+$0x0], $0xffff  }
0x95b: {  	v17 =	vadd.f32 v62, v17;
	v37 =	vld [tilespmem:$0xE6C0];
	v29 =	vmul.f32 $2.000000030e-01, v27  }
0x95c: {  	v60 =	vmul.f32 v26, v32;
	v26 =	vld [tilespmem:$0xE6B0]  }
0x95d: {  	v42 =	vadd.f32 v43, v42;
	v17 =	vadd.f32 v54, v17;
	v54 =	vld [tilespmem:$0x1FD20];
	v27 =	vmax.f32 v27, v29  }
0x95e: {  	v62 =	vadd.f32 v40, v39;
	v29 =	vmul.f32 $2.000000030e-01, v30;
	v40 =	vmul.f32 v27, v35;
	v27 =	vld.idx.msk [tilespmem:v52+s21+$0x0], $0xffff  }
0x95f: {  	v17 =	vadd.f32 v59, v17;
	v23 =	vadd.f32 v23, v31;
	v31 =	vld [tilespmem:$0xE700]  }
0x960: {  	v59 =	vmul.f32 $2.000000030e-01, v42;
	v29 =	vmax.f32 v30, v29;
	v24 =	vadd.f32 v34, v24;
	v34 =	vld [tilespmem:$0x1FDE0]  }
0x961: {  	v30 =	vmul.f32 $2.000000030e-01, v62;
	v43 =	vmul.f32 v29, v38;
	v38 =	vadd.f32 v46, v45;
	v45 =	vld [tilespmem:$0x1FD30]  }
0x962: {  	v17 =	vadd.f32 v60, v17;
	v32 =	vmax.f32 v42, v59;
	v42 =	vld [tilespmem:$0xE6E0]  }
0x963: {  	v46 =	vld [tilespmem:$0x1FD40];
	v30 =	vmax.f32 v62, v30  }
0x964: {  	v17 =	vadd.f32 v40, v17;
	v60 =	vmul.f32 v30, v41;
	v30 =	vld [tilespmem:$0xE6D0]  }
0x965: {  	v59 =	vadd.f32 v58, v48;
	v62 =	vmul.f32 $2.000000030e-01, v38;
	v40 =	vld [tilespmem:$0x1FD70]  }
0x966: {  	v19 =	vadd.f32 v19, v49;
	v29 =	vld.idx.msk [tilespmem:v54+s20+$0x0], $0xffff;
	v17 =	vadd.f32 v43, v17  }
0x967: {  	v39 =	vld.idx.msk [tilespmem:v54+s21+$0x0], $0xffff;
	v35 =	vmax.f32 v38, v62;
	v62 =	vmul.f32 $2.000000030e-01, v59  }
0x968: {  	v49 =	vmul.f32 $2.000000030e-01, v19;
	v43 =	vld [tilespmem:$0x1FD60];
	v17 =	vadd.f32 v60, v17;
	v60 =	vmul.f32 v32, v44  }
0x969: {  	v58 =	vadd.f32 v55, v53;
	v48 =	vmul.f32 v35, v47;
	v47 =	vld [tilespmem:$0x1FD50];
	v38 =	vmax.f32 v59, v62  }
0x96a: {  	v21 =	vadd.f32 v28, v21;
	v59 =	vmul.f32 v38, v50;
	v38 =	vld [tilespmem:$0xE6F0];
	v17 =	vadd.f32 v60, v17  }
0x96b: {  	v41 =	vld.idx.msk [tilespmem:v45+s20+$0x0], $0xffff;
	v60 =	vmul.f32 $2.000000030e-01, v58  }
0x96c: {  	v19 =	vmax.f32 v19, v49;
	v32 =	vld.idx.msk [tilespmem:v45+s21+$0x0], $0xffff;
	v17 =	vadd.f32 v48, v17;
	v48 =	vmul.f32 $2.000000030e-01, v21  }
0x96d: {  	v62 =	vmul.f32 v19, v22;
	v35 =	vld.idx.msk [tilespmem:v46+s20+$0x0], $0xffff;
	v22 =	vmax.f32 v58, v60  }
0x96e: {  	v44 =	vld.idx.msk [tilespmem:v46+s21+$0x0], $0xffff;
	v49 =	vmul.f32 v22, v25;
	v25 =	vmul.f32 $2.000000030e-01, v23;
	v21 =	vmax.f32 v21, v48  }
0x96f: {  	v29 =	vadd.f32 v39, v29;
	v39 =	vld [tilespmem:$0x1FD80];
	v53 =	vmul.f32 v21, v20  }
0x970: {  	v22 =	vld.idx.msk [tilespmem:v43+s20+$0x0], $0xffff;
	v21 =	vmax.f32 v23, v25;
	v23 =	vmul.f32 $2.000000030e-01, v24;
	v25 =	vadd.f32 v27, v36  }
0x971: {  	v50 =	vld.idx.msk [tilespmem:v43+s21+$0x0], $0xffff  }
0x972: {  	v28 =	vld.idx.msk [tilespmem:v47+s20+$0x0], $0xffff;
	v23 =	vmax.f32 v24, v23;
	v24 =	vmul.f32 $2.000000030e-01, v25  }
0x973: {  	v19 =	vld.idx.msk [tilespmem:v47+s21+$0x0], $0xffff;
	v58 =	vmul.f32 v23, v26  }
0x974: {  	v20 =	vld [tilespmem:$0xE710];
	v26 =	vadd.f32 v32, v41;
	v24 =	vmax.f32 v25, v24;
	v25 =	vmul.f32 $2.000000030e-01, v29  }
0x975: {  	v17 =	vadd.f32 v59, v17;
	v27 =	vld.idx.msk [tilespmem:v40+s20+$0x0], $0xffff;
	v35 =	vadd.f32 v44, v35  }
0x976: {  	v55 =	vmul.f32 v21, v33;
	v21 =	vld.idx.msk [tilespmem:v40+s21+$0x0], $0xffff;
	v25 =	vmax.f32 v29, v25;
	v29 =	vmul.f32 $2.000000030e-01, v26  }
0x977: {  	v33 =	vld [tilespmem:$0xE720]  }
0x978: {  	v17 =	vadd.f32 v62, v17;
	v41 =	vld [tilespmem:$0x1FDA0];
	v26 =	vmax.f32 v26, v29;
	v29 =	vmul.f32 $2.000000030e-01, v35  }
0x979: {  	v23 =	vld.idx.msk [tilespmem:v39+s20+$0x0], $0xffff  }
0x97a: {  	v17 =	vadd.f32 v49, v17;
	v60 =	vmul.f32 v24, v37;
	v37 =	vld [tilespmem:$0x1FD90];
	v29 =	vmax.f32 v35, v29  }
0x97b: {  	v22 =	vadd.f32 v50, v22;
	v19 =	vadd.f32 v19, v28;
	v50 =	vmul.f32 v29, v38;
	v38 =	vld [tilespmem:$0x1FDC0]  }
0x97c: {  	v59 =	vld.idx.msk [tilespmem:v39+s21+$0x0], $0xffff;
	v17 =	vadd.f32 v53, v17  }
0x97d: {  	v24 =	vld [tilespmem:$0xE730];
	v44 =	vmul.f32 v25, v30;
	v30 =	vmul.f32 $2.000000030e-01, v19  }
0x97e: {  	v28 =	vld [tilespmem:$0xE740];
	v17 =	vadd.f32 v55, v17  }
0x97f: {  	v21 =	vadd.f32 v21, v27;
	v19 =	vmax.f32 v19, v30;
	v35 =	vld [tilespmem:$0x1FDB0]  }
0x980: {  	v17 =	vadd.f32 v58, v17;
	v30 =	vmul.f32 $2.000000030e-01, v22;
	v53 =	vmul.f32 v19, v31;
	v31 =	vld [tilespmem:$0xE760]  }
0x981: {  	v48 =	vmul.f32 v26, v42;
	v26 =	vld.idx.msk [tilespmem:v41+s20+$0x0], $0xffff  }
0x982: {  	v17 =	vadd.f32 v60, v17;
	v22 =	vmax.f32 v22, v30;
	v30 =	vmul.f32 $2.000000030e-01, v21;
	v62 =	vld.idx.msk [tilespmem:v37+s20+$0x0], $0xffff  }
0x983: {  	v58 =	vmul.f32 v22, v20;
	v20 =	vld.idx.msk [tilespmem:v38+s20+$0x0], $0xffff  }
0x984: {  	v17 =	vadd.f32 v44, v17;
	v21 =	vmax.f32 v21, v30;
	v30 =	vld.idx.msk [tilespmem:v38+s21+$0x0], $0xffff  }
0x985: {  	v23 =	vadd.f32 v59, v23;
	v59 =	vmul.f32 v21, v33;
	v33 =	vld [tilespmem:$0x1FDD0]  }
0x986: {  	v25 =	vld.idx.msk [tilespmem:v37+s21+$0x0], $0xffff;
	v17 =	vadd.f32 v48, v17  }
0x987: {  	v49 =	vld.idx.msk [tilespmem:v41+s21+$0x0], $0xffff  }
0x988: {  	v17 =	vadd.f32 v50, v17;
	v27 =	vld.idx.msk [tilespmem:v35+s20+$0x0], $0xffff  }
0x989: {  	v20 =	vadd.f32 v30, v20;
	v30 =	vld [tilespmem:$0x1FDF0]  }
0x98a: {  	v55 =	vld.idx.msk [tilespmem:v35+s21+$0x0], $0xffff;
	v17 =	vadd.f32 v53, v17  }
0x98b: {  	v29 =	vld [tilespmem:$0xE750];
	v22 =	vmul.f32 $2.000000030e-01, v23;
	v25 =	vadd.f32 v25, v62  }
0x98c: {  	v21 =	vld [tilespmem:$0xE770];
	v17 =	vadd.f32 v58, v17  }
0x98d: {  	v22 =	vmax.f32 v23, v22;
	v26 =	vadd.f32 v49, v26;
	v23 =	vmul.f32 $2.000000030e-01, v25;
	v60 =	vld.idx.msk [tilespmem:v33+s20+$0x0], $0xffff  }
0x98e: {  	v62 =	vmul.f32 v22, v24;
	v22 =	vld.idx.msk [tilespmem:v33+s21+$0x0], $0xffff;
	v17 =	vadd.f32 v59, v17  }
0x98f: {  	v24 =	vmul.f32 $2.000000030e-01, v26;
	v23 =	vmax.f32 v25, v23;
	v25 =	vld.idx.msk [tilespmem:v34+s20+$0x0], $0xffff;
	v19 =	vadd.f32 v55, v27  }
0x990: {  	v36 =	vmul.f32 v23, v28;
	v23 =	vld.idx.msk [tilespmem:v34+s21+$0x0], $0xffff;
	v17 =	vadd.f32 v62, v17  }
0x991: {  	v24 =	vmax.f32 v26, v24;
	v26 =	vmul.f32 $2.000000030e-01, v19;
	v27 =	vld.idx.msk [tilespmem:v30+s20+$0x0], $0xffff  }
0x992: {  	v42 =	vmul.f32 v24, v29;
	v17 =	vadd.f32 v36, v17;
	v24 =	vld.idx.msk [tilespmem:v30+s21+$0x0], $0xffff  }
0x993: {  	v28 =	vld [tilespmem:$0xE780];
	v19 =	vmax.f32 v19, v26;
	v26 =	vmul.f32 $2.000000030e-01, v20;
	v22 =	vadd.f32 v22, v60  }
0x994: {  	v44 =	vmul.f32 v19, v31;
	v17 =	vadd.f32 v42, v17  }
0x995: {  	v23 =	vadd.f32 v23, v25;
	v25 =	vld [tilespmem:$0xE790];
	v48 =	vmax.f32 v20, v26;
	v20 =	vmul.f32 $2.000000030e-01, v22  }
0x996: {  	v49 =	vmul.f32 v48, v21;
	v17 =	vadd.f32 v44, v17  }
0x997: {  	v50 =	vmax.f32 v22, v20;
	v20 =	vmul.f32 $2.000000030e-01, v23;
	v22 =	vld [tilespmem:$0xE7A0];
	v21 =	vadd.f32 v24, v27  }
0x998: {  	v53 =	vmul.f32 v50, v28;
	v17 =	vadd.f32 v49, v17  }
0x999: {  	v55 =	vmax.f32 v23, v20;
	v20 =	vmul.f32 $2.000000030e-01, v21  }
0x99a: {  	v58 =	vmul.f32 v55, v25;
	v17 =	vadd.f32 v53, v17  }
0x99b: {  	v59 =	vmax.f32 v21, v20  }
0x99c: {  	v17 =	vadd.f32 v58, v17;
	v60 =	vmul.f32 v59, v22;
	_ =	sdelay $0x1  }
0x99d: {  	v17 =	vadd.f32 v60, v17;
	_ =	sdelay $0x1  }
0x99e: {  	v17 =	vmul.f32 $1.442695020e+00, v17;
	_ =	sdelay $0x1  }
0x99f: {  	(erf) = vpow2.f32 v17;
	_ =	sdelay $0x8  }
0x9a0: {  	v17 =	vpop (erf)  }
0x9a1: {  	[tilespmem:$0xE5A0] =	vst v17  }
0x9a2: {  	v62 =	vld.idx.msk [tilespmem:v2+s20+$0x0], $0xffff;
	_ =	sdelay $0x4  }
0x9a3: {  	v18 =	vmul.f32 v17, v62;
	_ =	sdelay $0x1  }
0x9a4: {  	[tilespmem:v2+s23+$0x0] =	vst.idx.msk $0xffff, v18  }
0x9a5: {  	v2 =	vld.idx.msk [tilespmem:v0+s20+$0x0], $0xffff;
	_ =	sdelay $0x4  }
0x9a6: {  	v2 =	vmul.f32 v17, v2;
	_ =	sdelay $0x1  }
0x9a7: {  	[tilespmem:v0+s23+$0x0] =	vst.idx.msk $0xffff, v2  }
0x9a8: {  	v0 =	vld.idx.msk [tilespmem:v1+s20+$0x0], $0xffff;
	_ =	sdelay $0x4  }
0x9a9: {  	v0 =	vmul.f32 v0, v17;
	_ =	sdelay $0x1  }
0x9aa: {  	[tilespmem:v1+s23+$0x0] =	vst.idx.msk $0xffff, v0  }
0x9ab: {  	v0 =	vld.idx.msk [tilespmem:v3+s20+$0x0], $0xffff;
	_ =	sdelay $0x4  }
0x9ac: {  	v0 =	vmul.f32 v0, v17;
	_ =	sdelay $0x1  }
0x9ad: {  	[tilespmem:v3+s23+$0x0] =	vst.idx.msk $0xffff, v0  }
0x9ae: {  	v0 =	vld.idx.msk [tilespmem:v4+s20+$0x0], $0xffff;
	_ =	sdelay $0x4  }
0x9af: {  	v0 =	vmul.f32 v0, v17;
	_ =	sdelay $0x1  }
0x9b0: {  	[tilespmem:v4+s23+$0x0] =	vst.idx.msk $0xffff, v0  }
0x9b1: {  	v0 =	vld.idx.msk [tilespmem:v5+s20+$0x0], $0xffff;
	_ =	sdelay $0x4  }
0x9b2: {  	v0 =	vmul.f32 v0, v17;
	_ =	sdelay $0x1  }
0x9b3: {  	[tilespmem:v5+s23+$0x0] =	vst.idx.msk $0xffff, v0  }
0x9b4: {  	v0 =	vld.idx.msk [tilespmem:v6+s20+$0x0], $0xffff;
	_ =	sdelay $0x4  }
0x9b5: {  	v0 =	vmul.f32 v0, v17;
	_ =	sdelay $0x1  }
0x9b6: {  	[tilespmem:v6+s23+$0x0] =	vst.idx.msk $0xffff, v0  }
0x9b7: {  	v0 =	vld.idx.msk [tilespmem:v7+s20+$0x0], $0xffff;
	_ =	sdelay $0x4  }
0x9b8: {  	v0 =	vmul.f32 v0, v17;
	_ =	sdelay $0x1  }
0x9b9: {  	[tilespmem:v7+s23+$0x0] =	vst.idx.msk $0xffff, v0  }
0x9ba: {  	v0 =	vld.idx.msk [tilespmem:v8+s20+$0x0], $0xffff;
	_ =	sdelay $0x4  }
0x9bb: {  	v0 =	vmul.f32 v0, v17;
	_ =	sdelay $0x1  }
0x9bc: {  	[tilespmem:v8+s23+$0x0] =	vst.idx.msk $0xffff, v0  }
0x9bd: {  	v0 =	vld.idx.msk [tilespmem:v9+s20+$0x0], $0xffff;
	_ =	sdelay $0x4  }
0x9be: {  	v0 =	vmul.f32 v0, v17;
	_ =	sdelay $0x1  }
0x9bf: {  	[tilespmem:v9+s23+$0x0] =	vst.idx.msk $0xffff, v0  }
0x9c0: {  	v0 =	vld.idx.msk [tilespmem:v10+s20+$0x0], $0xffff;
	_ =	sdelay $0x4  }
0x9c1: {  	v0 =	vmul.f32 v0, v17;
	_ =	sdelay $0x1  }
0x9c2: {  	[tilespmem:v10+s23+$0x0] =	vst.idx.msk $0xffff, v0  }
0x9c3: {  	v0 =	vld.idx.msk [tilespmem:v11+s20+$0x0], $0xffff;
	_ =	sdelay $0x4  }
0x9c4: {  	v0 =	vmul.f32 v0, v17;
	_ =	sdelay $0x1  }
0x9c5: {  	[tilespmem:v11+s23+$0x0] =	vst.idx.msk $0xffff, v0  }
0x9c6: {  	v0 =	vld.idx.msk [tilespmem:v12+s20+$0x0], $0xffff;
	_ =	sdelay $0x4  }
0x9c7: {  	v0 =	vmul.f32 v0, v17;
	_ =	sdelay $0x1  }
0x9c8: {  	[tilespmem:v12+s23+$0x0] =	vst.idx.msk $0xffff, v0  }
0x9c9: {  	v0 =	vld.idx.msk [tilespmem:v13+s20+$0x0], $0xffff;
	_ =	sdelay $0x4  }
0x9ca: {  	v0 =	vmul.f32 v0, v17;
	_ =	sdelay $0x1  }
0x9cb: {  	[tilespmem:v13+s23+$0x0] =	vst.idx.msk $0xffff, v0  }
0x9cc: {  	v0 =	vld.idx.msk [tilespmem:v14+s20+$0x0], $0xffff;
	_ =	sdelay $0x4  }
0x9cd: {  	v0 =	vmul.f32 v0, v17;
	_ =	sdelay $0x1  }
0x9ce: {  	[tilespmem:v14+s23+$0x0] =	vst.idx.msk $0xffff, v0  }
0x9cf: {  	v0 =	vld.idx.msk [tilespmem:v15+s20+$0x0], $0xffff;
	_ =	sdelay $0x4  }
0x9d0: {  	v0 =	vmul.f32 v0, v17;
	_ =	sdelay $0x1  }
0x9d1: {  	[tilespmem:v15+s23+$0x0] =	vst.idx.msk $0xffff, v0  }
0x9d2: {  	v0 =	vld.idx.msk [tilespmem:v16+s20+$0x0], $0xffff;
	_ =	sdelay $0x4  }
0x9d3: {  	v0 =	vmul.f32 v0, v17;
	_ =	sdelay $0x1  }
0x9d4: {  	[tilespmem:v16+s23+$0x0] =	vst.idx.msk $0xffff, v0  }
0x9d5: {  	v0 =	vld.idx.msk [tilespmem:v52+s20+$0x0], $0xffff;
	_ =	sdelay $0x4  }
0x9d6: {  	v0 =	vmul.f32 v0, v17;
	_ =	sdelay $0x1  }
0x9d7: {  	[tilespmem:v52+s23+$0x0] =	vst.idx.msk $0xffff, v0  }
0x9d8: {  	v0 =	vld.idx.msk [tilespmem:v54+s20+$0x0], $0xffff;
	_ =	sdelay $0x4  }
0x9d9: {  	v0 =	vmul.f32 v0, v17;
	_ =	sdelay $0x1  }
0x9da: {  	[tilespmem:v54+s23+$0x0] =	vst.idx.msk $0xffff, v0  }
0x9db: {  	v0 =	vld.idx.msk [tilespmem:v45+s20+$0x0], $0xffff;
	_ =	sdelay $0x4  }
0x9dc: {  	v0 =	vmul.f32 v0, v17;
	_ =	sdelay $0x1  }
0x9dd: {  	[tilespmem:v45+s23+$0x0] =	vst.idx.msk $0xffff, v0  }
0x9de: {  	v0 =	vld.idx.msk [tilespmem:v46+s20+$0x0], $0xffff;
	_ =	sdelay $0x4  }
0x9df: {  	v0 =	vmul.f32 v0, v17;
	_ =	sdelay $0x1  }
0x9e0: {  	[tilespmem:v46+s23+$0x0] =	vst.idx.msk $0xffff, v0  }
0x9e1: {  	v0 =	vld.idx.msk [tilespmem:v47+s20+$0x0], $0xffff;
	_ =	sdelay $0x4  }
0x9e2: {  	v0 =	vmul.f32 v0, v17;
	_ =	sdelay $0x1  }
0x9e3: {  	[tilespmem:v47+s23+$0x0] =	vst.idx.msk $0xffff, v0  }
0x9e4: {  	v0 =	vld.idx.msk [tilespmem:v43+s20+$0x0], $0xffff;
	_ =	sdelay $0x4  }
0x9e5: {  	v0 =	vmul.f32 v0, v17;
	_ =	sdelay $0x1  }
0x9e6: {  	[tilespmem:v43+s23+$0x0] =	vst.idx.msk $0xffff, v0  }
0x9e7: {  	v0 =	vld.idx.msk [tilespmem:v40+s20+$0x0], $0xffff;
	_ =	sdelay $0x4  }
0x9e8: {  	v0 =	vmul.f32 v0, v17;
	_ =	sdelay $0x1  }
0x9e9: {  	[tilespmem:v40+s23+$0x0] =	vst.idx.msk $0xffff, v0  }
0x9ea: {  	v0 =	vld.idx.msk [tilespmem:v39+s20+$0x0], $0xffff;
	_ =	sdelay $0x4  }
0x9eb: {  	v0 =	vmul.f32 v0, v17;
	_ =	sdelay $0x1  }
0x9ec: {  	[tilespmem:v39+s23+$0x0] =	vst.idx.msk $0xffff, v0  }
0x9ed: {  	v0 =	vld.idx.msk [tilespmem:v37+s20+$0x0], $0xffff;
	_ =	sdelay $0x4  }
0x9ee: {  	v0 =	vmul.f32 v0, v17;
	_ =	sdelay $0x1  }
0x9ef: {  	[tilespmem:v37+s23+$0x0] =	vst.idx.msk $0xffff, v0  }
0x9f0: {  	v0 =	vld.idx.msk [tilespmem:v41+s20+$0x0], $0xffff;
	_ =	sdelay $0x4  }
0x9f1: {  	v0 =	vmul.f32 v0, v17;
	_ =	sdelay $0x1  }
0x9f2: {  	[tilespmem:v41+s23+$0x0] =	vst.idx.msk $0xffff, v0  }
0x9f3: {  	v0 =	vld.idx.msk [tilespmem:v35+s20+$0x0], $0xffff;
	_ =	sdelay $0x4  }
0x9f4: {  	v0 =	vmul.f32 v0, v17;
	_ =	sdelay $0x1  }
0x9f5: {  	[tilespmem:v35+s23+$0x0] =	vst.idx.msk $0xffff, v0  }
0x9f6: {  	v0 =	vld.idx.msk [tilespmem:v38+s20+$0x0], $0xffff;
	_ =	sdelay $0x4  }
0x9f7: {  	v0 =	vmul.f32 v0, v17;
	_ =	sdelay $0x1  }
0x9f8: {  	[tilespmem:v38+s23+$0x0] =	vst.idx.msk $0xffff, v0  }
0x9f9: {  	v0 =	vld.idx.msk [tilespmem:v33+s20+$0x0], $0xffff  }
0x9fa: {  	v32 =	vld [tilespmem:$0x1FF60]  }
0x9fb: {  	v29 =	vld [tilespmem:$0x1FE80]  }
0x9fc: {  	v36 =	vld [tilespmem:$0x1FF10]  }
0x9fd: {  	v31 =	vld [tilespmem:$0x1FF70]  }
0x9fe: {  	v26 =	vld [tilespmem:$0x1FE90];
	v0 =	vmul.f32 v0, v17  }
0x9ff: {  	v50 =	vld [tilespmem:$0x1FFC0]  }
0xa00: {  	v28 =	vld [tilespmem:$0x1FF40];
	[tilespmem:v33+s23+$0x0] =	vst.idx.msk $0xffff, v0  }
0xa01: {  	v0 =	vld.idx.msk [tilespmem:v34+s20+$0x0], $0xffff  }
0xa02: {  	v25 =	vld [tilespmem:$0x1FF90]  }
0xa03: {  	v58 =	vld [tilespmem:$0x1FFF0]  }
0xa04: {  	v22 =	vld [tilespmem:$0x1FEA0]  }
0xa05: {  	v4 =	vld [tilespmem:$0x1FEE0]  }
0xa06: {  	v5 =	vld [tilespmem:$0x1FED0];
	v0 =	vmul.f32 v0, v17  }
0xa07: {  	v6 =	vld [tilespmem:$0x1FE50]  }
0xa08: {  	v7 =	vld [tilespmem:$0x1FEB0];
	[tilespmem:v34+s23+$0x0] =	vst.idx.msk $0xffff, v0  }
0xa09: {  	v0 =	vld.idx.msk [tilespmem:v30+s20+$0x0], $0xffff  }
0xa0a: {  	v8 =	vld [tilespmem:$0x1FEF0]  }
0xa0b: {  	v15 =	vld [tilespmem:$0x1FEC0]  }
0xa0c: {  	v52 =	vld [tilespmem:$0x1FFA0]  }
0xa0d: {  	s30 =	sadd.s32 $0x1, s30;
	v43 =	vld [tilespmem:$0x1FE60]  }
0xa0e: {  	p5 =	sne.s32 s30, $0x19;
	v40 =	vld [tilespmem:$0x1FE70];
	v0 =	vmul.f32 v0, v17  }
.Ltmp3:
0xa0f: {  	v39 =	vld [tilespmem:$0x1FF80];
	(pc) =	sbr.rel @p5 .LBB2_6-.Ltmp3, $4  }
0xa10: {  	v37 =	vld [tilespmem:$0x1FF20];
	[tilespmem:v30+s23+$0x0] =	vst.idx.msk $0xffff, v0  }
0xa11: {  	v33 =	vld [tilespmem:$0x1FF30];
	[spmem:s1] =	stream.indirect.scatter.add.f32 [tilespmem:s23], [sflag:$0x2], $0x20, s31, s19, $0xb8  }
0xa12: {  	v34 =	vld [tilespmem:$0x1FF00]  }
0xa13: {  	v45 =	vlaneseq.u32;
	v30 =	vld [tilespmem:$0x1FF50];
	[spmem:s4] =	stream.indirect.scatter.add.f32 [tilespmem:s24], [sflag:$0x2], $0x1, s31, s19, $0xb8  }
0xa14: {  	_ =	swait.ge [sflag:s26], $0x3200  }
0xa15: {  	[sflag:s26] =	ssyncset.done $0x0  }
0xa16: {  	[sflag:s26] =	ssyncadd.s32 $0xFFFFCE00  }
0xa17: {  	_ =	swait.ge [sflag:s26], $0x190  }
0xa18: {  	[sflag:s26] =	ssyncset.done $0x0  }
0xa19: {  	[sflag:s26] =	ssyncadd.s32 $0xFFFFFE70  }
0xa1a: {  	s0 =	sshrl.u32 @p3 s9, $0x3;
	s3 =	simm.s32 @p3 $0x1FC3;
	[bflag:$0x0] =	sbarrier.arrive $0xFFFF  }
0xa1b: {  	[hbm:s13], [sflag:s3] =	dma.local @p3 [spmem:s0], $0x640  }
0xa1c: {  	s0 =	simm.s32 @p3 $0x3  }
0xa1d: {  	_ =	swait.ge @p3 [sflag:s0], $0x640  }
0xa1e: {  	s3 =	sshll.u32 @!p3 s2, $0x6;
	[sflag:s0] =	ssyncset.done @p3 $0x0  }
0xa1f: {  	[sflag:s0] =	ssyncadd.s32 @p3 $0xFFFFF9C0;
	s0 =	sor.u32 @!p3 $0x1C03, s3  }
0xa20: {  	[hbm:s12], [sflag:s0] =	dma.local @!p3 [spmem:s25], $0xA00  }
0xa21: {  	s0 =	simm.s32 @!p3 $0x3  }
0xa22: {  	s28 =	sadd.s32 $0x1, s28;
	_ =	swait.ge @!p3 [sflag:s0], $0xA00  }
0xa23: {  	p5 =	sne.s32 s28, s15;
	s3 =	sshll.u32 @p4 s2, $0x6;
	[sflag:s0] =	ssyncset.done @!p3 $0x0  }
0xa24: {  	[sflag:s0] =	ssyncadd.s32 @!p3 $0xFFFFF600;
	s0 =	sor.u32 @p4 $0x1C03, s3;
	s3 =	sshrl.u32 @p4 s4, $0x3  }
0xa25: {  	[hbm:s14], [sflag:s0] =	dma.local @p4 [spmem:s3], $0x4E2  }
.Ltmp4:
0xa26: {  	_ = 	snop;
	(pc) =	sbr.rel @p5 .LBB2_1-.Ltmp4, $4  }
0xa27: {  	s0 =	simm.s32 @p4 $0x3  }
0xa28: {  	_ =	swait.ge @p4 [sflag:s0], $0x4E2  }
0xa29: {  	[sflag:s0] =	ssyncset.done @p4 $0x0  }
0xa2a: {  	v19 =	vimm.f32 $0.0e+00;
	[sflag:s0] =	ssyncadd.s32 @p4 $0xFFFFFB1E  }
0xa2b: {  	_ =	sfence.sel $0x180000  }
0xa2c: {  	[bflag:$0x0] =	sbarrier.arrive $0xFFFF  }
0xa2d: {  	_ =	strace $0x90000047  }
0xa2e: {  	[bflag:$0x2] =	sbarrier.arrive $0xFFFF  }
0xa2f: {  	p0 =	sne.s32 s2, $0x0;
	s0 =	rddreg [dreg:$0x4]  }
0xa30: {  	s0 =	sadd.s32 @!p0 $0x100000, s0  }
0xa31: {  	[sflag:s0] =	ssyncadd.tile.s32 @!p0 $0x1;
	_ =	shalt  }
.Lfunc_end2:
_tile_overlayer_lowered:
.L_overlay_start_2:
0xa32: {  	(tag) =	ssettag $0x2  }
0xa33: {  	s0 =	rddreg [dreg:$0x0];
	s2 =	stileid.u32  }
0xa34: {  	s1 =	rddreg [dreg:$0x1];
	p0 =	sne.s32 s2, $0x0  }
0xa35: {  	s3 =	rddreg [dreg:$0x2];
	[bflag:$0x3] =	sbarrier.arrive $0xFFFF;
	s2 =	simm.s32 @!p0 $0x1C03  }
0xa36: {  	[timem:s3], [sflag:s2] =	dma.local @!p0 [hbm:s0], s1  }
0xa37: {  	s0 =	simm.s32 @!p0 $0x3  }
0xa38: {  	_ =	swait.ge @!p0 [sflag:s0], s1  }
0xa39: {  	s1 =	ssub.s32 @!p0 $0x0, s1;
	[sflag:s0] =	ssyncset.done @!p0 $0x0  }
0xa3a: {  	[sflag:s0] =	ssyncadd.s32 @!p0 s1  }
0xa3b: {  	[bflag:$0x3] =	sbarrier.arrive $0xFFFF  }
0xa3c: {  	_ =	shalt  }

</sc_bundles>
